<compile_context>
chip_gen: v7x
topology: tpu7x:2x2x1
jax: 0.10.2.dev20260603
libtpu: 0.0.44.dev20260713+nightly
codegen_flags: <defaults>
</compile_context>

<pallas_src>
import functools

import jax
import jax.numpy as jnp
from jax import lax
from jax.experimental import pallas as pl
from jax.experimental.pallas import tpu as pltpu
from jax.experimental.pallas import tpu_sc as plsc

N_NODES = 10000
N_TILES = 16
WIN = 64
NBUF = 4
KWH = 40
PAD_ROWS = 128
FH = 128


def _sc_agg(h2, srcb, dstb, kw, wbase, coff_stride):
    n = N_NODES
    rpt = 632
    rlast = n - 15 * rpt
    mesh = plsc.VectorSubcoreMesh(core_axis_name="c", subcore_axis_name="s")
    nst = kw // KWH

    @functools.partial(
        pl.kernel,
        mesh=mesh,
        out_type=jax.ShapeDtypeStruct((2, n, FH), jnp.float32),
        scratch_types=[
            pltpu.VMEM((KWH, WIN), jnp.int32),
            pltpu.VMEM((KWH, WIN), jnp.int32),
            pltpu.VMEM((NBUF, WIN, FH), jnp.float32),
            pltpu.VMEM_SHARED((n + PAD_ROWS, FH), jnp.float32),
            pltpu.SemaphoreType.DMA,
            pltpu.SemaphoreType.DMA,
        ],
    )
    def agg(h_hbm, src_hbm, dst_hbm, out_hbm, src_v, dst_v, rows_v, acc, sem,
            sem_s):
        c = lax.axis_index("c")
        s = lax.axis_index("s")
        r0 = s * rpt
        coff = c * coff_stride

        @pl.when(s < 15)
        def _():
            pltpu.sync_copy(h_hbm.at[pl.ds(r0, rpt), pl.ds(coff, FH)],
                            acc.at[pl.ds(r0, rpt)])

        @pl.when(s == 15)
        def _():
            pltpu.sync_copy(h_hbm.at[pl.ds(15 * rpt, rlast), pl.ds(coff, FH)],
                            acc.at[pl.ds(15 * rpt, rlast)])

        plsc.subcore_barrier()

        def winN(i, carry):
            j0 = i * NBUF
            for b in range(NBUF):
                j = j0 + b
                pltpu.make_async_copy(
                    h_hbm.at[src_v.at[j], pl.ds(coff, FH)],
                    rows_v.at[b], sem).wait()
                pltpu.async_copy(rows_v.at[b], acc.at[dst_v.at[j]], sem_s,
                                 add=True)
                nxt = j + NBUF - 1
                bn_ = (b + NBUF - 1) % NBUF

                @pl.when((nxt < KWH) & (j >= 1))
                def _():
                    pltpu.make_async_copy(
                        rows_v.at[bn_], acc.at[dst_v.at[j]], sem_s).wait()

                @pl.when(nxt < KWH)
                def _():
                    pltpu.async_copy(
                        h_hbm.at[src_v.at[nxt], pl.ds(coff, FH)],
                        rows_v.at[bn_], sem)
            return carry

        def stage_body(st, carry):
            base = pl.multiple_of(c * wbase + s * kw + st * KWH, 8)
            pltpu.sync_copy(src_hbm.at[pl.ds(base, KWH)], src_v)
            pltpu.sync_copy(dst_hbm.at[pl.ds(base, KWH)], dst_v)
            for k in range(NBUF - 1):
                pltpu.async_copy(h_hbm.at[src_v.at[k], pl.ds(coff, FH)],
                                 rows_v.at[k], sem)
            lax.fori_loop(0, KWH // NBUF, winN, 0)
            for k in range(NBUF):
                pltpu.make_async_copy(
                    rows_v.at[k], acc.at[dst_v.at[0]], sem_s).wait()
            return carry

        lax.fori_loop(0, nst, stage_body, 0)

        plsc.subcore_barrier()

        @pl.when(s < 15)
        def _():
            pltpu.sync_copy(acc.at[pl.ds(r0, rpt)],
                            out_hbm.at[c, pl.ds(r0, rpt)])

        @pl.when(s == 15)
        def _():
            pltpu.sync_copy(acc.at[pl.ds(15 * rpt, rlast)],
                            out_hbm.at[c, pl.ds(15 * rpt, rlast)])

    return agg(h2, srcb, dstb)


def _tc_mlp1(p01, x, batch3, w1, b1, w2, b2):
    n, bn = N_NODES, 1000

    def body(agg_r, x_r, bat_r, w1_r, b1_r, w2_r, b2_r, h1_r, p1_r):
        a = agg_r[0] + agg_r[1] - x_r[...]
        t = jnp.dot(a, w1_r[...], preferred_element_type=jnp.float32) + b1_r[...]
        t = jnp.maximum(t, 0.0)
        h1 = jnp.dot(t, w2_r[...], preferred_element_type=jnp.float32) + b2_r[...]
        h1 = jnp.maximum(h1, 0.0)
        h1_r[...] = h1
        gids = lax.broadcasted_iota(jnp.int32, (64, bn), 0)
        oh = (bat_r[0] == gids).astype(jnp.float32)
        part = jnp.dot(oh, h1, preferred_element_type=jnp.float32)

        @pl.when(pl.program_id(0) == 0)
        def _():
            p1_r[...] = jnp.zeros_like(p1_r)

        p1_r[...] += part

    return pl.pallas_call(
        body,
        grid=(n // bn,),
        in_specs=[
            pl.BlockSpec((2, bn, 128), lambda i: (0, i, 0)),
            pl.BlockSpec((bn, 128), lambda i: (i, 0)),
            pl.BlockSpec((1, 1, bn), lambda i: (i, 0, 0)),
            pl.BlockSpec((128, 256), lambda i: (0, 0)),
            pl.BlockSpec((1, 256), lambda i: (0, 0)),
            pl.BlockSpec((256, 256), lambda i: (0, 0)),
            pl.BlockSpec((1, 256), lambda i: (0, 0)),
        ],
        out_specs=[
            pl.BlockSpec((bn, 256), lambda i: (i, 0)),
            pl.BlockSpec((64, 256), lambda i: (0, 0)),
        ],
        out_shape=[
            jax.ShapeDtypeStruct((n, 256), jnp.float32),
            jax.ShapeDtypeStruct((64, 256), jnp.float32),
        ],
    )(p01, x, batch3, w1, b1, w2, b2)


def _tc_mlp2(agg2, batch3, w3, b3, w4, b4, p1, wl1, bl1, wl2, bl2):
    n, bn = N_NODES, 1000
    steps = n // bn

    def body(agg_r, bat_r, w3_r, b3_r, w4_r, b4_r, p1_r, wl1_r, bl1_r,
             wl2_r, bl2_r, z_r, p2_s):
        a = jnp.concatenate([agg_r[0], agg_r[1]], axis=1)
        t = jnp.dot(a, w3_r[...], preferred_element_type=jnp.float32) + b3_r[...]
        t = jnp.maximum(t, 0.0)
        h2 = jnp.dot(t, w4_r[...], preferred_element_type=jnp.float32) + b4_r[...]
        h2 = jnp.maximum(h2, 0.0)
        gids = lax.broadcasted_iota(jnp.int32, (64, bn), 0)
        oh = (bat_r[0] == gids).astype(jnp.float32)
        part = jnp.dot(oh, h2, preferred_element_type=jnp.float32)

        @pl.when(pl.program_id(0) == 0)
        def _():
            p2_s[...] = jnp.zeros_like(p2_s)

        p2_s[...] += part

        @pl.when(pl.program_id(0) == steps - 1)
        def _():
            z = (jnp.dot(p1_r[...], wl1_r[0],
                         preferred_element_type=jnp.float32)
                 + jnp.dot(p2_s[...], wl1_r[1],
                           preferred_element_type=jnp.float32)
                 + bl1_r[...])
            z = jnp.maximum(z, 0.0)
            z_r[...] = jnp.dot(z, wl2_r[...],
                               preferred_element_type=jnp.float32) + bl2_r[...]

    return pl.pallas_call(
        body,
        grid=(steps,),
        in_specs=[
            pl.BlockSpec((2, bn, 128), lambda i: (0, i, 0)),
            pl.BlockSpec((1, 1, bn), lambda i: (i, 0, 0)),
            pl.BlockSpec((256, 256), lambda i: (0, 0)),
            pl.BlockSpec((1, 256), lambda i: (0, 0)),
            pl.BlockSpec((256, 256), lambda i: (0, 0)),
            pl.BlockSpec((1, 256), lambda i: (0, 0)),
            pl.BlockSpec((64, 256), lambda i: (0, 0)),
            pl.BlockSpec((2, 256, 128), lambda i: (0, 0, 0)),
            pl.BlockSpec((1, 128), lambda i: (0, 0)),
            pl.BlockSpec((128, 10), lambda i: (0, 0)),
            pl.BlockSpec((1, 10), lambda i: (0, 0)),
        ],
        out_specs=pl.BlockSpec((64, 10), lambda i: (0, 0)),
        out_shape=jax.ShapeDtypeStruct((64, 10), jnp.float32),
        scratch_shapes=[pltpu.VMEM((64, 256), jnp.float32)],
    )(agg2, batch3, w3, b3, w4, b4, p1, wl1, bl1, wl2, bl2)


def kernel(x, edge_index, batch, W1, b1, g1, be1, W2, b2, W3, b3, g2, be2,
           W4, b4, Wl1, bl1, Wl2, bl2):
    n = x.shape[0]
    e = edge_index.shape[1]
    src = edge_index[0]
    dst = edge_index[1]

    kw1 = -(-(-(-(e // 2) // (N_TILES * WIN))) // KWH) * KWH
    kw2 = 2 * kw1
    npad = 2 * N_TILES * kw1 * WIN - e
    pad_ids = jnp.arange(npad, dtype=jnp.int32) % PAD_ROWS
    srcv = jnp.concatenate([src, pad_ids]).reshape(2 * N_TILES * kw1, WIN)
    dstv = jnp.concatenate([dst, n + pad_ids]).reshape(2 * N_TILES * kw1, WIN)

    sinv = 1.0 / jnp.sqrt(1.0 + 1e-5)
    w1s = g1 * sinv
    W1f = W1 * w1s[None, :]
    b1f = b1 * w1s + be1
    w4s = g2 * sinv
    W4f = W4 * w4s[:, None]
    b4f = b4 + be2 @ W4

    batch3 = batch.reshape(10, 1, 1000)

    agg1 = _sc_agg(x, srcv, dstv, kw1, N_TILES * kw1, 0)
    h1, p1 = _tc_mlp1(agg1, x, batch3, W1f, b1f.reshape(1, -1), W2,
                      b2.reshape(1, -1))

    agg2 = _sc_agg(h1, srcv, dstv, kw2, 0, 128)
    return _tc_mlp2(agg2, batch3, W3, b3.reshape(1, -1), W4f,
                    b4f.reshape(1, -1), p1, Wl1.reshape(2, 256, 128),
                    bl1.reshape(1, -1), Wl2, bl2.reshape(1, -1))

# --- scband reference (transcript-rebuilt; emitter-appended) ---
"""Pipeline reference for scband-gin-23390391894890 (READ-ONLY COPY).

The authoritative reference and input builder live on the scoring server;
editing this copy changes nothing except your own understanding.
"""

import jax, jax.numpy as jnp
import numpy as np

N = 10000
E = 320000
F_IN = 128
H = 256
G = 64
C = 10


def setup_inputs(seed: int = 0) -> dict:
    key = jax.random.key(seed)
    ks = [jax.random.fold_in(key, i) for i in range(24)]
    sc = 0.05
    inp = {}
    inp['x'] = jax.random.normal(ks[0], (N, F_IN), dtype=jnp.float32)
    inp['edge_index'] = jax.random.randint(ks[1], (2, E), 0, N, dtype=jnp.int32)
    inp['batch'] = jnp.sort(jax.random.randint(ks[2], (N,), 0, G, dtype=jnp.int32))
    inp['W1'] = jax.random.normal(ks[3], (F_IN, H), dtype=jnp.float32) * sc
    inp['b1'] = jnp.zeros((H,), dtype=jnp.float32)
    inp['g1'] = jnp.ones((H,), dtype=jnp.float32)
    inp['be1'] = jnp.zeros((H,), dtype=jnp.float32)
    inp['W2'] = jax.random.normal(ks[4], (H, H), dtype=jnp.float32) * sc
    inp['b2'] = jnp.zeros((H,), dtype=jnp.float32)
    inp['W3'] = jax.random.normal(ks[5], (H, H), dtype=jnp.float32) * sc
    inp['b3'] = jnp.zeros((H,), dtype=jnp.float32)
    inp['g2'] = jnp.ones((H,), dtype=jnp.float32)
    inp['be2'] = jnp.zeros((H,), dtype=jnp.float32)
    inp['W4'] = jax.random.normal(ks[6], (H, H), dtype=jnp.float32) * sc
    inp['b4'] = jnp.zeros((H,), dtype=jnp.float32)
    inp['Wl1'] = jax.random.normal(ks[7], (2 * H, H // 2), dtype=jnp.float32) * sc
    inp['bl1'] = jnp.zeros((H // 2,), dtype=jnp.float32)
    inp['Wl2'] = jax.random.normal(ks[8], (H // 2, C), dtype=jnp.float32) * sc
    inp['bl2'] = jnp.zeros((C,), dtype=jnp.float32)
    return inp


def reference(x, edge_index, batch, W1, b1, g1, be1, W2, b2, W3, b3, g2, be2, W4, b4, Wl1, bl1, Wl2, bl2):
    # eval-mode BatchNorm1d with fresh running stats (mean=0, var=1)
    def bn(h, gamma, beta):
        return (h - 0.0) / jnp.sqrt(1.0 + 1e-05) * gamma + beta

    src = edge_index[0]
    dst = edge_index[1]

    def gin_agg(h):
        # PyG GINConv, eps=0: (1+eps)*x + sum_{j in N(i)} x_j
        neigh = jnp.zeros_like(h).at[dst].add(h[src])
        return neigh + h

    # conv1: Linear -> BN -> ReLU -> Dropout(eval: identity) -> Linear -> ReLU
    h = gin_agg(x)
    h = h @ W1 + b1
    h = bn(h, g1, be1)
    h = jax.nn.relu(h)
    h = h @ W2 + b2
    h1 = jax.nn.relu(h)

    # conv2: Linear -> ReLU -> BN -> Dropout(eval: identity) -> Linear -> ReLU
    h = gin_agg(h1)
    h = h @ W3 + b3
    h = jax.nn.relu(h)
    h = bn(h, g2, be2)
    h = h @ W4 + b4
    h2 = jax.nn.relu(h)

    # global_add_pool per graph
    p1 = jax.ops.segment_sum(h1, batch, num_segments=G)
    p2 = jax.ops.segment_sum(h2, batch, num_segments=G)
    z = jnp.concatenate([p1, p2], axis=1)
    z = jax.nn.relu(z @ Wl1 + bl1)
    # dropout p=0.5 disabled in eval
    z = z @ Wl2 + bl2
    return z

if __name__ == "__main__":
    import jax
    _d = setup_inputs()
    print(jax.jit(kernel)(*tuple(_d.values())))

</pallas_src>

<mosaic_0001>
#map = affine_map<(d0, d1) -> (0, 0)>
#map1 = affine_map<(d0, d1) -> (0, 0, 0)>
module attributes {stable_mosaic.version = 14 : i64} {
  func.func @agg(%arg0: i32, %arg1: i32, %arg2: memref<10000x256xf32, #tpu.memory_space<hbm>>, %arg3: memref<5120x64xi32, #tpu.memory_space<hbm>>, %arg4: memref<5120x64xi32, #tpu.memory_space<hbm>>, %arg5: memref<2x10000x128xf32, #tpu.memory_space<hbm>>, %arg6: memref<40x64xi32, #tpu.memory_space<vmem>>, %arg7: memref<40x64xi32, #tpu.memory_space<vmem>>, %arg8: memref<4x64x128xf32, #tpu.memory_space<vmem>>, %arg9: memref<10128x128xf32, #tpu.memory_space<vmem_shared>>, %arg10: memref<!tpu.dma_semaphore, #tpu.memory_space<semaphore_mem>>, %arg11: memref<!tpu.dma_semaphore, #tpu.memory_space<semaphore_mem>>) attributes {dimension_semantics = [#tpu.dimension_semantics<core_parallel>, #tpu.dimension_semantics<subcore_parallel>], iteration_bounds = array<i64: 2, 16>, scalar_prefetch = 0 : i64, scratch_operands = 6 : i64, tpu.core_type = #tpu.core_type<sc_vector_subcore>, window_params = [{transform_indices = #map}, {transform_indices = #map}, {transform_indices = #map}, {transform_indices = #map1}]} {
    %mul3A = arith.constant 632 : i32
    %mul3A_0 = arith.muli %arg1, %mul3A : i32
    %mul3A_1 = arith.constant 128 : i32
    %mul3A_2 = arith.muli %arg0, %mul3A_1 : i32
    %lt3A = arith.constant 15 : i32
    %lt3A_3 = arith.cmpi slt, %arg1, %lt3A : i32
    %convert_element_type3A = arith.extui %lt3A_3 : i1 to i32
    %cond3A = arith.constant 0 : i32
    %cond3A_4 = arith.cmpi ne, %convert_element_type3A, %cond3A : i32
    scf.if %cond3A_4 {
      "tpu.region"() ({
        %run_scoped3A = tpu.sem_alloc : memref<!tpu.dma_semaphore, #tpu.memory_space<semaphore_mem>>
        %dma_start3A = arith.constant 0 : i32
        %dma_start3A_25 = tpu.memref_slice %arg9[%mul3A_0, %dma_start3A] : memref<10128x128xf32, #tpu.memory_space<vmem_shared>> -> memref<632x128xf32, #tpu.memory_space<vmem_shared>>
        %dma_start3A_26 = tpu.memref_slice %arg2[%mul3A_0, %mul3A_2] : memref<10000x256xf32, #tpu.memory_space<hbm>> -> memref<632x128xf32, #tpu.memory_space<hbm>>
        tpu.enqueue_dma source(%dma_start3A_26 : memref<632x128xf32, #tpu.memory_space<hbm>>) target(%dma_start3A_25 : memref<632x128xf32, #tpu.memory_space<vmem_shared>>) target_semaphore(%run_scoped3A : memref<!tpu.dma_semaphore, #tpu.memory_space<semaphore_mem>>)
        %dma_wait3A = arith.constant 0 : i32
        %dma_wait3A_27 = tpu.memref_slice %arg9[%mul3A_0, %dma_wait3A] : memref<10128x128xf32, #tpu.memory_space<vmem_shared>> -> memref<632x128xf32, #tpu.memory_space<vmem_shared>>
        %dma_wait3A_28 = tpu.memref_slice %arg2[%mul3A_0, %mul3A_2] : memref<10000x256xf32, #tpu.memory_space<hbm>> -> memref<632x128xf32, #tpu.memory_space<hbm>>
        tpu.wait_dma2 semaphore(%run_scoped3A : memref<!tpu.dma_semaphore, #tpu.memory_space<semaphore_mem>>) src(%dma_wait3A_28 : memref<632x128xf32, #tpu.memory_space<hbm>>) dst(%dma_wait3A_27 : memref<632x128xf32, #tpu.memory_space<vmem_shared>>)
        tpu.yield
      }) : () -> ()
    } else {
    }
    %eq3A = arith.constant 15 : i32
    %eq3A_5 = arith.cmpi eq, %arg1, %eq3A : i32
    %convert_element_type3A_6 = arith.extui %eq3A_5 : i1 to i32
    %cond3A_7 = arith.constant 0 : i32
    %cond3A_8 = arith.cmpi ne, %convert_element_type3A_6, %cond3A_7 : i32
    scf.if %cond3A_8 {
      "tpu.region"() ({
        %run_scoped3A = tpu.sem_alloc : memref<!tpu.dma_semaphore, #tpu.memory_space<semaphore_mem>>
        %dma_start3A = arith.constant 9480 : i32
        %dma_start3A_25 = arith.constant 0 : i32
        %dma_start3A_26 = tpu.memref_slice %arg9[%dma_start3A, %dma_start3A_25] : memref<10128x128xf32, #tpu.memory_space<vmem_shared>> -> memref<520x128xf32, #tpu.memory_space<vmem_shared>>
        %dma_start3A_27 = arith.constant 9480 : i32
        %dma_start3A_28 = tpu.memref_slice %arg2[%dma_start3A_27, %mul3A_2] : memref<10000x256xf32, #tpu.memory_space<hbm>> -> memref<520x128xf32, #tpu.memory_space<hbm>>
        tpu.enqueue_dma source(%dma_start3A_28 : memref<520x128xf32, #tpu.memory_space<hbm>>) target(%dma_start3A_26 : memref<520x128xf32, #tpu.memory_space<vmem_shared>>) target_semaphore(%run_scoped3A : memref<!tpu.dma_semaphore, #tpu.memory_space<semaphore_mem>>)
        %dma_wait3A = arith.constant 9480 : i32
        %dma_wait3A_29 = arith.constant 0 : i32
        %dma_wait3A_30 = tpu.memref_slice %arg9[%dma_wait3A, %dma_wait3A_29] : memref<10128x128xf32, #tpu.memory_space<vmem_shared>> -> memref<520x128xf32, #tpu.memory_space<vmem_shared>>
        %dma_wait3A_31 = arith.constant 9480 : i32
        %dma_wait3A_32 = tpu.memref_slice %arg2[%dma_wait3A_31, %mul3A_2] : memref<10000x256xf32, #tpu.memory_space<hbm>> -> memref<520x128xf32, #tpu.memory_space<hbm>>
        tpu.wait_dma2 semaphore(%run_scoped3A : memref<!tpu.dma_semaphore, #tpu.memory_space<semaphore_mem>>) src(%dma_wait3A_32 : memref<520x128xf32, #tpu.memory_space<hbm>>) dst(%dma_wait3A_30 : memref<520x128xf32, #tpu.memory_space<vmem_shared>>)
        tpu.yield
      }) : () -> ()
    } else {
    }
    %barrier3A = arith.constant 0 : index
    tpu.barrier barrier_id(%barrier3A)
    %scan3A = arith.constant 0 : i32
    %scan3A_9 = arith.constant 0 : i32
    %scan3A_10 = arith.constant 8 : i32
    %scan3A_11 = arith.addi %scan3A_9, %scan3A_10 : i32
    %scan3A_12 = arith.constant 1 : i32
    scf.for %scan3A_25 = %scan3A_9 to %scan3A_11 step %scan3A_12  : i32 {
      %mul3A_26 = arith.constant 0 : i32
      %mul3A_27 = arith.muli %arg0, %mul3A_26 : i32
      %mul3A_28 = arith.constant 320 : i32
      %mul3A_29 = arith.muli %arg1, %mul3A_28 : i32
      %add3A = arith.addi %mul3A_27, %mul3A_29 : i32
      %mul3A_30 = arith.constant 40 : i32
      %mul3A_31 = arith.muli %scan3A_25, %mul3A_30 : i32
      %add3A_32 = arith.addi %add3A, %mul3A_31 : i32
      %multiple_of3A = tpu.assume_multiple %add3A_32, 8 : i32
      "tpu.region"() ({
        %run_scoped3A = tpu.sem_alloc : memref<!tpu.dma_semaphore, #tpu.memory_space<semaphore_mem>>
        %dma_start3A_118 = arith.constant 0 : i32
        %dma_start3A_119 = tpu.memref_slice %arg3[%multiple_of3A, %dma_start3A_118] : memref<5120x64xi32, #tpu.memory_space<hbm>> -> memref<40x64xi32, #tpu.memory_space<hbm>>
        %dma_start3A_120 = arith.constant 0 : i32
        %dma_start3A_121 = tpu.memref_slice %arg3[%multiple_of3A, %dma_start3A_120] : memref<5120x64xi32, #tpu.memory_space<hbm>> -> memref<40x64xi32, #tpu.memory_space<hbm>>
        tpu.enqueue_dma source(%dma_start3A_121 : memref<40x64xi32, #tpu.memory_space<hbm>>) target(%arg6 : memref<40x64xi32, #tpu.memory_space<vmem>>) target_semaphore(%run_scoped3A : memref<!tpu.dma_semaphore, #tpu.memory_space<semaphore_mem>>)
        %dma_wait3A_122 = arith.constant 0 : i32
        %dma_wait3A_123 = tpu.memref_slice %arg3[%multiple_of3A, %dma_wait3A_122] : memref<5120x64xi32, #tpu.memory_space<hbm>> -> memref<40x64xi32, #tpu.memory_space<hbm>>
        %dma_wait3A_124 = arith.constant 0 : i32
        %dma_wait3A_125 = tpu.memref_slice %arg3[%multiple_of3A, %dma_wait3A_124] : memref<5120x64xi32, #tpu.memory_space<hbm>> -> memref<40x64xi32, #tpu.memory_space<hbm>>
        tpu.wait_dma2 semaphore(%run_scoped3A : memref<!tpu.dma_semaphore, #tpu.memory_space<semaphore_mem>>) src(%dma_wait3A_125 : memref<40x64xi32, #tpu.memory_space<hbm>>) dst(%arg6 : memref<40x64xi32, #tpu.memory_space<vmem>>)
        tpu.yield
      }) : () -> ()
      "tpu.region"() ({
        %run_scoped3A = tpu.sem_alloc : memref<!tpu.dma_semaphore, #tpu.memory_space<semaphore_mem>>
        %dma_start3A_118 = arith.constant 0 : i32
        %dma_start3A_119 = tpu.memref_slice %arg4[%multiple_of3A, %dma_start3A_118] : memref<5120x64xi32, #tpu.memory_space<hbm>> -> memref<40x64xi32, #tpu.memory_space<hbm>>
        %dma_start3A_120 = arith.constant 0 : i32
        %dma_start3A_121 = tpu.memref_slice %arg4[%multiple_of3A, %dma_start3A_120] : memref<5120x64xi32, #tpu.memory_space<hbm>> -> memref<40x64xi32, #tpu.memory_space<hbm>>
        tpu.enqueue_dma source(%dma_start3A_121 : memref<40x64xi32, #tpu.memory_space<hbm>>) target(%arg7 : memref<40x64xi32, #tpu.memory_space<vmem>>) target_semaphore(%run_scoped3A : memref<!tpu.dma_semaphore, #tpu.memory_space<semaphore_mem>>)
        %dma_wait3A_122 = arith.constant 0 : i32
        %dma_wait3A_123 = tpu.memref_slice %arg4[%multiple_of3A, %dma_wait3A_122] : memref<5120x64xi32, #tpu.memory_space<hbm>> -> memref<40x64xi32, #tpu.memory_space<hbm>>
        %dma_wait3A_124 = arith.constant 0 : i32
        %dma_wait3A_125 = tpu.memref_slice %arg4[%multiple_of3A, %dma_wait3A_124] : memref<5120x64xi32, #tpu.memory_space<hbm>> -> memref<40x64xi32, #tpu.memory_space<hbm>>
        tpu.wait_dma2 semaphore(%run_scoped3A : memref<!tpu.dma_semaphore, #tpu.memory_space<semaphore_mem>>) src(%dma_wait3A_125 : memref<40x64xi32, #tpu.memory_space<hbm>>) dst(%arg7 : memref<40x64xi32, #tpu.memory_space<vmem>>)
        tpu.yield
      }) : () -> ()
      %dma_start3A = arith.constant 0 : i32
      %dma_start3A_33 = arith.constant 0 : i32
      %dma_start3A_34 = arith.constant 0 : i32
      %dma_start3A_35 = arith.constant 0 : i32
      %dma_start3A_36 = tpu.memref_slice %arg8[%dma_start3A_33, %dma_start3A_34, %dma_start3A_35] : memref<4x64x128xf32, #tpu.memory_space<vmem>> -> memref<1x64x128xf32, #tpu.memory_space<vmem>>
      %dma_start3A_37 = tpu.memref_squeeze %dma_start3A_36 : memref<1x64x128xf32, #tpu.memory_space<vmem>> -> memref<64x128xf32, #tpu.memory_space<vmem>>
      %dma_start3A_38 = arith.constant 0 : i32
      %dma_start3A_39 = tpu.memref_slice %arg6[%dma_start3A, %dma_start3A_38] : memref<40x64xi32, #tpu.memory_space<vmem>> -> memref<1x64xi32, #tpu.memory_space<vmem>>
      %dma_start3A_40 = tpu.memref_squeeze %dma_start3A_39 : memref<1x64xi32, #tpu.memory_space<vmem>> -> memref<64xi32, #tpu.memory_space<vmem>>
      %dma_start3A_41 = arith.constant 0 : i32
      %dma_start3A_42 = tpu.memref_slice %arg2[%dma_start3A_41, %mul3A_2] : memref<10000x256xf32, #tpu.memory_space<hbm>> -> memref<10000x128xf32, #tpu.memory_space<hbm>>
      tpu.enqueue_indirect_dma source(%dma_start3A_42 : memref<10000x128xf32, #tpu.memory_space<hbm>>) target(%dma_start3A_37 : memref<64x128xf32, #tpu.memory_space<vmem>>) offsets(%dma_start3A_40 : memref<64xi32, #tpu.memory_space<vmem>>) semaphore(%arg10 : memref<!tpu.dma_semaphore, #tpu.memory_space<semaphore_mem>>)
      %dma_start3A_43 = arith.constant 1 : i32
      %dma_start3A_44 = arith.constant 1 : i32
      %dma_start3A_45 = arith.constant 0 : i32
      %dma_start3A_46 = arith.constant 0 : i32
      %dma_start3A_47 = tpu.memref_slice %arg8[%dma_start3A_44, %dma_start3A_45, %dma_start3A_46] : memref<4x64x128xf32, #tpu.memory_space<vmem>> -> memref<1x64x128xf32, #tpu.memory_space<vmem>>
      %dma_start3A_48 = tpu.memref_squeeze %dma_start3A_47 : memref<1x64x128xf32, #tpu.memory_space<vmem>> -> memref<64x128xf32, #tpu.memory_space<vmem>>
      %dma_start3A_49 = arith.constant 0 : i32
      %dma_start3A_50 = tpu.memref_slice %arg6[%dma_start3A_43, %dma_start3A_49] : memref<40x64xi32, #tpu.memory_space<vmem>> -> memref<1x64xi32, #tpu.memory_space<vmem>>
      %dma_start3A_51 = tpu.memref_squeeze %dma_start3A_50 : memref<1x64xi32, #tpu.memory_space<vmem>> -> memref<64xi32, #tpu.memory_space<vmem>>
      %dma_start3A_52 = arith.constant 0 : i32
      %dma_start3A_53 = tpu.memref_slice %arg2[%dma_start3A_52, %mul3A_2] : memref<10000x256xf32, #tpu.memory_space<hbm>> -> memref<10000x128xf32, #tpu.memory_space<hbm>>
      tpu.enqueue_indirect_dma source(%dma_start3A_53 : memref<10000x128xf32, #tpu.memory_space<hbm>>) target(%dma_start3A_48 : memref<64x128xf32, #tpu.memory_space<vmem>>) offsets(%dma_start3A_51 : memref<64xi32, #tpu.memory_space<vmem>>) semaphore(%arg10 : memref<!tpu.dma_semaphore, #tpu.memory_space<semaphore_mem>>)
      %dma_start3A_54 = arith.constant 2 : i32
      %dma_start3A_55 = arith.constant 2 : i32
      %dma_start3A_56 = arith.constant 0 : i32
      %dma_start3A_57 = arith.constant 0 : i32
      %dma_start3A_58 = tpu.memref_slice %arg8[%dma_start3A_55, %dma_start3A_56, %dma_start3A_57] : memref<4x64x128xf32, #tpu.memory_space<vmem>> -> memref<1x64x128xf32, #tpu.memory_space<vmem>>
      %dma_start3A_59 = tpu.memref_squeeze %dma_start3A_58 : memref<1x64x128xf32, #tpu.memory_space<vmem>> -> memref<64x128xf32, #tpu.memory_space<vmem>>
      %dma_start3A_60 = arith.constant 0 : i32
      %dma_start3A_61 = tpu.memref_slice %arg6[%dma_start3A_54, %dma_start3A_60] : memref<40x64xi32, #tpu.memory_space<vmem>> -> memref<1x64xi32, #tpu.memory_space<vmem>>
      %dma_start3A_62 = tpu.memref_squeeze %dma_start3A_61 : memref<1x64xi32, #tpu.memory_space<vmem>> -> memref<64xi32, #tpu.memory_space<vmem>>
      %dma_start3A_63 = arith.constant 0 : i32
      %dma_start3A_64 = tpu.memref_slice %arg2[%dma_start3A_63, %mul3A_2] : memref<10000x256xf32, #tpu.memory_space<hbm>> -> memref<10000x128xf32, #tpu.memory_space<hbm>>
      tpu.enqueue_indirect_dma source(%dma_start3A_64 : memref<10000x128xf32, #tpu.memory_space<hbm>>) target(%dma_start3A_59 : memref<64x128xf32, #tpu.memory_space<vmem>>) offsets(%dma_start3A_62 : memref<64xi32, #tpu.memory_space<vmem>>) semaphore(%arg10 : memref<!tpu.dma_semaphore, #tpu.memory_space<semaphore_mem>>)
      %scan3A_65 = arith.constant 0 : i32
      %scan3A_66 = arith.constant 0 : i32
      %scan3A_67 = arith.constant 10 : i32
      %scan3A_68 = arith.addi %scan3A_66, %scan3A_67 : i32
      %scan3A_69 = arith.constant 1 : i32
      scf.for %scan3A_118 = %scan3A_66 to %scan3A_68 step %scan3A_69  : i32 {
        %mul3A_119 = arith.constant 4 : i32
        %mul3A_120 = arith.muli %scan3A_118, %mul3A_119 : i32
        %add3A_121 = arith.constant 0 : i32
        %add3A_122 = arith.addi %mul3A_120, %add3A_121 : i32
        %dma_wait3A_123 = arith.constant 0 : i32
        %dma_wait3A_124 = arith.constant 0 : i32
        %dma_wait3A_125 = arith.constant 0 : i32
        %dma_wait3A_126 = tpu.memref_slice %arg8[%dma_wait3A_123, %dma_wait3A_124, %dma_wait3A_125] : memref<4x64x128xf32, #tpu.memory_space<vmem>> -> memref<1x64x128xf32, #tpu.memory_space<vmem>>
        %dma_wait3A_127 = tpu.memref_squeeze %dma_wait3A_126 : memref<1x64x128xf32, #tpu.memory_space<vmem>> -> memref<64x128xf32, #tpu.memory_space<vmem>>
        %dma_wait3A_128 = arith.constant 0 : i32
        %dma_wait3A_129 = tpu.memref_slice %arg6[%add3A_122, %dma_wait3A_128] : memref<40x64xi32, #tpu.memory_space<vmem>> -> memref<1x64xi32, #tpu.memory_space<vmem>>
        %dma_wait3A_130 = tpu.memref_squeeze %dma_wait3A_129 : memref<1x64xi32, #tpu.memory_space<vmem>> -> memref<64xi32, #tpu.memory_space<vmem>>
        %dma_wait3A_131 = arith.constant 0 : i32
        %dma_wait3A_132 = tpu.memref_slice %arg2[%dma_wait3A_131, %mul3A_2] : memref<10000x256xf32, #tpu.memory_space<hbm>> -> memref<10000x128xf32, #tpu.memory_space<hbm>>
        tpu.wait_indirect_dma semaphore(%arg10 : memref<!tpu.dma_semaphore, #tpu.memory_space<semaphore_mem>>) src(%dma_wait3A_132 : memref<10000x128xf32, #tpu.memory_space<hbm>>) dst(%dma_wait3A_127 : memref<64x128xf32, #tpu.memory_space<vmem>>)
        %dma_start3A_133 = arith.constant 0 : i32
        %dma_start3A_134 = arith.constant 0 : i32
        %dma_start3A_135 = arith.constant 0 : i32
        %dma_start3A_136 = tpu.memref_slice %arg8[%dma_start3A_133, %dma_start3A_134, %dma_start3A_135] : memref<4x64x128xf32, #tpu.memory_space<vmem>> -> memref<1x64x128xf32, #tpu.memory_space<vmem>>
        %dma_start3A_137 = tpu.memref_squeeze %dma_start3A_136 : memref<1x64x128xf32, #tpu.memory_space<vmem>> -> memref<64x128xf32, #tpu.memory_space<vmem>>
        %dma_start3A_138 = arith.constant 0 : i32
        %dma_start3A_139 = tpu.memref_slice %arg7[%add3A_122, %dma_start3A_138] : memref<40x64xi32, #tpu.memory_space<vmem>> -> memref<1x64xi32, #tpu.memory_space<vmem>>
        %dma_start3A_140 = tpu.memref_squeeze %dma_start3A_139 : memref<1x64xi32, #tpu.memory_space<vmem>> -> memref<64xi32, #tpu.memory_space<vmem>>
        %dma_start3A_141 = arith.constant 0 : i32
        %dma_start3A_142 = arith.constant 0 : i32
        %dma_start3A_143 = tpu.memref_slice %arg9[%dma_start3A_141, %dma_start3A_142] : memref<10128x128xf32, #tpu.memory_space<vmem_shared>> -> memref<10128x128xf32, #tpu.memory_space<vmem_shared>>
        tpu.enqueue_indirect_dma source(%dma_start3A_137 : memref<64x128xf32, #tpu.memory_space<vmem>>) target(%dma_start3A_143 : memref<10128x128xf32, #tpu.memory_space<vmem_shared>>) offsets(%dma_start3A_140 : memref<64xi32, #tpu.memory_space<vmem>>) semaphore(%arg11 : memref<!tpu.dma_semaphore, #tpu.memory_space<semaphore_mem>>) {add = true}
        %add3A_144 = arith.constant 4 : i32
        %add3A_145 = arith.addi %add3A_122, %add3A_144 : i32
        %sub3A = arith.constant 1 : i32
        %sub3A_146 = arith.subi %add3A_145, %sub3A : i32
        %lt3A_147 = arith.constant 40 : i32
        %lt3A_148 = arith.cmpi slt, %sub3A_146, %lt3A_147 : i32
        %ge3A = arith.constant 1 : i32
        %ge3A_149 = arith.cmpi sge, %add3A_122, %ge3A : i32
        %and3A = arith.andi %lt3A_148, %ge3A_149 : i1
        %convert_element_type3A_150 = arith.extui %and3A : i1 to i32
        %cond3A_151 = arith.constant 0 : i32
        %cond3A_152 = arith.cmpi ne, %convert_element_type3A_150, %cond3A_151 : i32
        scf.if %cond3A_152 {
          %dma_wait3A_278 = arith.constant 3 : i32
          %dma_wait3A_279 = arith.constant 0 : i32
          %dma_wait3A_280 = arith.constant 0 : i32
          %dma_wait3A_281 = tpu.memref_slice %arg8[%dma_wait3A_278, %dma_wait3A_279, %dma_wait3A_280] : memref<4x64x128xf32, #tpu.memory_space<vmem>> -> memref<1x64x128xf32, #tpu.memory_space<vmem>>
          %dma_wait3A_282 = tpu.memref_squeeze %dma_wait3A_281 : memref<1x64x128xf32, #tpu.memory_space<vmem>> -> memref<64x128xf32, #tpu.memory_space<vmem>>
          %dma_wait3A_283 = arith.constant 0 : i32
          %dma_wait3A_284 = tpu.memref_slice %arg7[%add3A_122, %dma_wait3A_283] : memref<40x64xi32, #tpu.memory_space<vmem>> -> memref<1x64xi32, #tpu.memory_space<vmem>>
          %dma_wait3A_285 = tpu.memref_squeeze %dma_wait3A_284 : memref<1x64xi32, #tpu.memory_space<vmem>> -> memref<64xi32, #tpu.memory_space<vmem>>
          %dma_wait3A_286 = arith.constant 0 : i32
          %dma_wait3A_287 = arith.constant 0 : i32
          %dma_wait3A_288 = tpu.memref_slice %arg9[%dma_wait3A_286, %dma_wait3A_287] : memref<10128x128xf32, #tpu.memory_space<vmem_shared>> -> memref<10128x128xf32, #tpu.memory_space<vmem_shared>>
          tpu.wait_indirect_dma semaphore(%arg11 : memref<!tpu.dma_semaphore, #tpu.memory_space<semaphore_mem>>) src(%dma_wait3A_282 : memref<64x128xf32, #tpu.memory_space<vmem>>) dst(%dma_wait3A_288 : memref<10128x128xf32, #tpu.memory_space<vmem_shared>>)
        } else {
        }
        %lt3A_153 = arith.constant 40 : i32
        %lt3A_154 = arith.cmpi slt, %sub3A_146, %lt3A_153 : i32
        %convert_element_type3A_155 = arith.extui %lt3A_154 : i1 to i32
        %cond3A_156 = arith.constant 0 : i32
        %cond3A_157 = arith.cmpi ne, %convert_element_type3A_155, %cond3A_156 : i32
        scf.if %cond3A_157 {
          %dma_start3A_278 = arith.constant 3 : i32
          %dma_start3A_279 = arith.constant 0 : i32
          %dma_start3A_280 = arith.constant 0 : i32
          %dma_start3A_281 = tpu.memref_slice %arg8[%dma_start3A_278, %dma_start3A_279, %dma_start3A_280] : memref<4x64x128xf32, #tpu.memory_space<vmem>> -> memref<1x64x128xf32, #tpu.memory_space<vmem>>
          %dma_start3A_282 = tpu.memref_squeeze %dma_start3A_281 : memref<1x64x128xf32, #tpu.memory_space<vmem>> -> memref<64x128xf32, #tpu.memory_space<vmem>>
          %dma_start3A_283 = arith.constant 0 : i32
          %dma_start3A_284 = tpu.memref_slice %arg6[%sub3A_146, %dma_start3A_283] : memref<40x64xi32, #tpu.memory_space<vmem>> -> memref<1x64xi32, #tpu.memory_space<vmem>>
          %dma_start3A_285 = tpu.memref_squeeze %dma_start3A_284 : memref<1x64xi32, #tpu.memory_space<vmem>> -> memref<64xi32, #tpu.memory_space<vmem>>
          %dma_start3A_286 = arith.constant 0 : i32
          %dma_start3A_287 = tpu.memref_slice %arg2[%dma_start3A_286, %mul3A_2] : memref<10000x256xf32, #tpu.memory_space<hbm>> -> memref<10000x128xf32, #tpu.memory_space<hbm>>
          tpu.enqueue_indirect_dma source(%dma_start3A_287 : memref<10000x128xf32, #tpu.memory_space<hbm>>) target(%dma_start3A_282 : memref<64x128xf32, #tpu.memory_space<vmem>>) offsets(%dma_start3A_285 : memref<64xi32, #tpu.memory_space<vmem>>) semaphore(%arg10 : memref<!tpu.dma_semaphore, #tpu.memory_space<semaphore_mem>>)
        } else {
        }
        %add3A_158 = arith.constant 1 : i32
        %add3A_159 = arith.addi %mul3A_120, %add3A_158 : i32
        %dma_wait3A_160 = arith.constant 1 : i32
        %dma_wait3A_161 = arith.constant 0 : i32
        %dma_wait3A_162 = arith.constant 0 : i32
        %dma_wait3A_163 = tpu.memref_slice %arg8[%dma_wait3A_160, %dma_wait3A_161, %dma_wait3A_162] : memref<4x64x128xf32, #tpu.memory_space<vmem>> -> memref<1x64x128xf32, #tpu.memory_space<vmem>>
        %dma_wait3A_164 = tpu.memref_squeeze %dma_wait3A_163 : memref<1x64x128xf32, #tpu.memory_space<vmem>> -> memref<64x128xf32, #tpu.memory_space<vmem>>
        %dma_wait3A_165 = arith.constant 0 : i32
        %dma_wait3A_166 = tpu.memref_slice %arg6[%add3A_159, %dma_wait3A_165] : memref<40x64xi32, #tpu.memory_space<vmem>> -> memref<1x64xi32, #tpu.memory_space<vmem>>
        %dma_wait3A_167 = tpu.memref_squeeze %dma_wait3A_166 : memref<1x64xi32, #tpu.memory_space<vmem>> -> memref<64xi32, #tpu.memory_space<vmem>>
        %dma_wait3A_168 = arith.constant 0 : i32
        %dma_wait3A_169 = tpu.memref_slice %arg2[%dma_wait3A_168, %mul3A_2] : memref<10000x256xf32, #tpu.memory_space<hbm>> -> memref<10000x128xf32, #tpu.memory_space<hbm>>
        tpu.wait_indirect_dma semaphore(%arg10 : memref<!tpu.dma_semaphore, #tpu.memory_space<semaphore_mem>>) src(%dma_wait3A_169 : memref<10000x128xf32, #tpu.memory_space<hbm>>) dst(%dma_wait3A_164 : memref<64x128xf32, #tpu.memory_space<vmem>>)
        %dma_start3A_170 = arith.constant 1 : i32
        %dma_start3A_171 = arith.constant 0 : i32
        %dma_start3A_172 = arith.constant 0 : i32
        %dma_start3A_173 = tpu.memref_slice %arg8[%dma_start3A_170, %dma_start3A_171, %dma_start3A_172] : memref<4x64x128xf32, #tpu.memory_space<vmem>> -> memref<1x64x128xf32, #tpu.memory_space<vmem>>
        %dma_start3A_174 = tpu.memref_squeeze %dma_start3A_173 : memref<1x64x128xf32, #tpu.memory_space<vmem>> -> memref<64x128xf32, #tpu.memory_space<vmem>>
        %dma_start3A_175 = arith.constant 0 : i32
        %dma_start3A_176 = tpu.memref_slice %arg7[%add3A_159, %dma_start3A_175] : memref<40x64xi32, #tpu.memory_space<vmem>> -> memref<1x64xi32, #tpu.memory_space<vmem>>
        %dma_start3A_177 = tpu.memref_squeeze %dma_start3A_176 : memref<1x64xi32, #tpu.memory_space<vmem>> -> memref<64xi32, #tpu.memory_space<vmem>>
        %dma_start3A_178 = arith.constant 0 : i32
        %dma_start3A_179 = arith.constant 0 : i32
        %dma_start3A_180 = tpu.memref_slice %arg9[%dma_start3A_178, %dma_start3A_179] : memref<10128x128xf32, #tpu.memory_space<vmem_shared>> -> memref<10128x128xf32, #tpu.memory_space<vmem_shared>>
        tpu.enqueue_indirect_dma source(%dma_start3A_174 : memref<64x128xf32, #tpu.memory_space<vmem>>) target(%dma_start3A_180 : memref<10128x128xf32, #tpu.memory_space<vmem_shared>>) offsets(%dma_start3A_177 : memref<64xi32, #tpu.memory_space<vmem>>) semaphore(%arg11 : memref<!tpu.dma_semaphore, #tpu.memory_space<semaphore_mem>>) {add = true}
        %add3A_181 = arith.constant 4 : i32
        %add3A_182 = arith.addi %add3A_159, %add3A_181 : i32
        %sub3A_183 = arith.constant 1 : i32
        %sub3A_184 = arith.subi %add3A_182, %sub3A_183 : i32
        %lt3A_185 = arith.constant 40 : i32
        %lt3A_186 = arith.cmpi slt, %sub3A_184, %lt3A_185 : i32
        %ge3A_187 = arith.constant 1 : i32
        %ge3A_188 = arith.cmpi sge, %add3A_159, %ge3A_187 : i32
        %and3A_189 = arith.andi %lt3A_186, %ge3A_188 : i1
        %convert_element_type3A_190 = arith.extui %and3A_189 : i1 to i32
        %cond3A_191 = arith.constant 0 : i32
        %cond3A_192 = arith.cmpi ne, %convert_element_type3A_190, %cond3A_191 : i32
        scf.if %cond3A_192 {
          %dma_wait3A_278 = arith.constant 0 : i32
          %dma_wait3A_279 = arith.constant 0 : i32
          %dma_wait3A_280 = arith.constant 0 : i32
          %dma_wait3A_281 = tpu.memref_slice %arg8[%dma_wait3A_278, %dma_wait3A_279, %dma_wait3A_280] : memref<4x64x128xf32, #tpu.memory_space<vmem>> -> memref<1x64x128xf32, #tpu.memory_space<vmem>>
          %dma_wait3A_282 = tpu.memref_squeeze %dma_wait3A_281 : memref<1x64x128xf32, #tpu.memory_space<vmem>> -> memref<64x128xf32, #tpu.memory_space<vmem>>
          %dma_wait3A_283 = arith.constant 0 : i32
          %dma_wait3A_284 = tpu.memref_slice %arg7[%add3A_159, %dma_wait3A_283] : memref<40x64xi32, #tpu.memory_space<vmem>> -> memref<1x64xi32, #tpu.memory_space<vmem>>
          %dma_wait3A_285 = tpu.memref_squeeze %dma_wait3A_284 : memref<1x64xi32, #tpu.memory_space<vmem>> -> memref<64xi32, #tpu.memory_space<vmem>>
          %dma_wait3A_286 = arith.constant 0 : i32
          %dma_wait3A_287 = arith.constant 0 : i32
          %dma_wait3A_288 = tpu.memref_slice %arg9[%dma_wait3A_286, %dma_wait3A_287] : memref<10128x128xf32, #tpu.memory_space<vmem_shared>> -> memref<10128x128xf32, #tpu.memory_space<vmem_shared>>
          tpu.wait_indirect_dma semaphore(%arg11 : memref<!tpu.dma_semaphore, #tpu.memory_space<semaphore_mem>>) src(%dma_wait3A_282 : memref<64x128xf32, #tpu.memory_space<vmem>>) dst(%dma_wait3A_288 : memref<10128x128xf32, #tpu.memory_space<vmem_shared>>)
        } else {
        }
        %lt3A_193 = arith.constant 40 : i32
        %lt3A_194 = arith.cmpi slt, %sub3A_184, %lt3A_193 : i32
        %convert_element_type3A_195 = arith.extui %lt3A_194 : i1 to i32
        %cond3A_196 = arith.constant 0 : i32
        %cond3A_197 = arith.cmpi ne, %convert_element_type3A_195, %cond3A_196 : i32
        scf.if %cond3A_197 {
          %dma_start3A_278 = arith.constant 0 : i32
          %dma_start3A_279 = arith.constant 0 : i32
          %dma_start3A_280 = arith.constant 0 : i32
          %dma_start3A_281 = tpu.memref_slice %arg8[%dma_start3A_278, %dma_start3A_279, %dma_start3A_280] : memref<4x64x128xf32, #tpu.memory_space<vmem>> -> memref<1x64x128xf32, #tpu.memory_space<vmem>>
          %dma_start3A_282 = tpu.memref_squeeze %dma_start3A_281 : memref<1x64x128xf32, #tpu.memory_space<vmem>> -> memref<64x128xf32, #tpu.memory_space<vmem>>
          %dma_start3A_283 = arith.constant 0 : i32
          %dma_start3A_284 = tpu.memref_slice %arg6[%sub3A_184, %dma_start3A_283] : memref<40x64xi32, #tpu.memory_space<vmem>> -> memref<1x64xi32, #tpu.memory_space<vmem>>
          %dma_start3A_285 = tpu.memref_squeeze %dma_start3A_284 : memref<1x64xi32, #tpu.memory_space<vmem>> -> memref<64xi32, #tpu.memory_space<vmem>>
          %dma_start3A_286 = arith.constant 0 : i32
          %dma_start3A_287 = tpu.memref_slice %arg2[%dma_start3A_286, %mul3A_2] : memref<10000x256xf32, #tpu.memory_space<hbm>> -> memref<10000x128xf32, #tpu.memory_space<hbm>>
          tpu.enqueue_indirect_dma source(%dma_start3A_287 : memref<10000x128xf32, #tpu.memory_space<hbm>>) target(%dma_start3A_282 : memref<64x128xf32, #tpu.memory_space<vmem>>) offsets(%dma_start3A_285 : memref<64xi32, #tpu.memory_space<vmem>>) semaphore(%arg10 : memref<!tpu.dma_semaphore, #tpu.memory_space<semaphore_mem>>)
        } else {
        }
        %add3A_198 = arith.constant 2 : i32
        %add3A_199 = arith.addi %mul3A_120, %add3A_198 : i32
        %dma_wait3A_200 = arith.constant 2 : i32
        %dma_wait3A_201 = arith.constant 0 : i32
        %dma_wait3A_202 = arith.constant 0 : i32
        %dma_wait3A_203 = tpu.memref_slice %arg8[%dma_wait3A_200, %dma_wait3A_201, %dma_wait3A_202] : memref<4x64x128xf32, #tpu.memory_space<vmem>> -> memref<1x64x128xf32, #tpu.memory_space<vmem>>
        %dma_wait3A_204 = tpu.memref_squeeze %dma_wait3A_203 : memref<1x64x128xf32, #tpu.memory_space<vmem>> -> memref<64x128xf32, #tpu.memory_space<vmem>>
        %dma_wait3A_205 = arith.constant 0 : i32
        %dma_wait3A_206 = tpu.memref_slice %arg6[%add3A_199, %dma_wait3A_205] : memref<40x64xi32, #tpu.memory_space<vmem>> -> memref<1x64xi32, #tpu.memory_space<vmem>>
        %dma_wait3A_207 = tpu.memref_squeeze %dma_wait3A_206 : memref<1x64xi32, #tpu.memory_space<vmem>> -> memref<64xi32, #tpu.memory_space<vmem>>
        %dma_wait3A_208 = arith.constant 0 : i32
        %dma_wait3A_209 = tpu.memref_slice %arg2[%dma_wait3A_208, %mul3A_2] : memref<10000x256xf32, #tpu.memory_space<hbm>> -> memref<10000x128xf32, #tpu.memory_space<hbm>>
        tpu.wait_indirect_dma semaphore(%arg10 : memref<!tpu.dma_semaphore, #tpu.memory_space<semaphore_mem>>) src(%dma_wait3A_209 : memref<10000x128xf32, #tpu.memory_space<hbm>>) dst(%dma_wait3A_204 : memref<64x128xf32, #tpu.memory_space<vmem>>)
        %dma_start3A_210 = arith.constant 2 : i32
        %dma_start3A_211 = arith.constant 0 : i32
        %dma_start3A_212 = arith.constant 0 : i32
        %dma_start3A_213 = tpu.memref_slice %arg8[%dma_start3A_210, %dma_start3A_211, %dma_start3A_212] : memref<4x64x128xf32, #tpu.memory_space<vmem>> -> memref<1x64x128xf32, #tpu.memory_space<vmem>>
        %dma_start3A_214 = tpu.memref_squeeze %dma_start3A_213 : memref<1x64x128xf32, #tpu.memory_space<vmem>> -> memref<64x128xf32, #tpu.memory_space<vmem>>
        %dma_start3A_215 = arith.constant 0 : i32
        %dma_start3A_216 = tpu.memref_slice %arg7[%add3A_199, %dma_start3A_215] : memref<40x64xi32, #tpu.memory_space<vmem>> -> memref<1x64xi32, #tpu.memory_space<vmem>>
        %dma_start3A_217 = tpu.memref_squeeze %dma_start3A_216 : memref<1x64xi32, #tpu.memory_space<vmem>> -> memref<64xi32, #tpu.memory_space<vmem>>
        %dma_start3A_218 = arith.constant 0 : i32
        %dma_start3A_219 = arith.constant 0 : i32
        %dma_start3A_220 = tpu.memref_slice %arg9[%dma_start3A_218, %dma_start3A_219] : memref<10128x128xf32, #tpu.memory_space<vmem_shared>> -> memref<10128x128xf32, #tpu.memory_space<vmem_shared>>
        tpu.enqueue_indirect_dma source(%dma_start3A_214 : memref<64x128xf32, #tpu.memory_space<vmem>>) target(%dma_start3A_220 : memref<10128x128xf32, #tpu.memory_space<vmem_shared>>) offsets(%dma_start3A_217 : memref<64xi32, #tpu.memory_space<vmem>>) semaphore(%arg11 : memref<!tpu.dma_semaphore, #tpu.memory_space<semaphore_mem>>) {add = true}
        %add3A_221 = arith.constant 4 : i32
        %add3A_222 = arith.addi %add3A_199, %add3A_221 : i32
        %sub3A_223 = arith.constant 1 : i32
        %sub3A_224 = arith.subi %add3A_222, %sub3A_223 : i32
        %lt3A_225 = arith.constant 40 : i32
        %lt3A_226 = arith.cmpi slt, %sub3A_224, %lt3A_225 : i32
        %ge3A_227 = arith.constant 1 : i32
        %ge3A_228 = arith.cmpi sge, %add3A_199, %ge3A_227 : i32
        %and3A_229 = arith.andi %lt3A_226, %ge3A_228 : i1
        %convert_element_type3A_230 = arith.extui %and3A_229 : i1 to i32
        %cond3A_231 = arith.constant 0 : i32
        %cond3A_232 = arith.cmpi ne, %convert_element_type3A_230, %cond3A_231 : i32
        scf.if %cond3A_232 {
          %dma_wait3A_278 = arith.constant 1 : i32
          %dma_wait3A_279 = arith.constant 0 : i32
          %dma_wait3A_280 = arith.constant 0 : i32
          %dma_wait3A_281 = tpu.memref_slice %arg8[%dma_wait3A_278, %dma_wait3A_279, %dma_wait3A_280] : memref<4x64x128xf32, #tpu.memory_space<vmem>> -> memref<1x64x128xf32, #tpu.memory_space<vmem>>
          %dma_wait3A_282 = tpu.memref_squeeze %dma_wait3A_281 : memref<1x64x128xf32, #tpu.memory_space<vmem>> -> memref<64x128xf32, #tpu.memory_space<vmem>>
          %dma_wait3A_283 = arith.constant 0 : i32
          %dma_wait3A_284 = tpu.memref_slice %arg7[%add3A_199, %dma_wait3A_283] : memref<40x64xi32, #tpu.memory_space<vmem>> -> memref<1x64xi32, #tpu.memory_space<vmem>>
          %dma_wait3A_285 = tpu.memref_squeeze %dma_wait3A_284 : memref<1x64xi32, #tpu.memory_space<vmem>> -> memref<64xi32, #tpu.memory_space<vmem>>
          %dma_wait3A_286 = arith.constant 0 : i32
          %dma_wait3A_287 = arith.constant 0 : i32
          %dma_wait3A_288 = tpu.memref_slice %arg9[%dma_wait3A_286, %dma_wait3A_287] : memref<10128x128xf32, #tpu.memory_space<vmem_shared>> -> memref<10128x128xf32, #tpu.memory_space<vmem_shared>>
          tpu.wait_indirect_dma semaphore(%arg11 : memref<!tpu.dma_semaphore, #tpu.memory_space<semaphore_mem>>) src(%dma_wait3A_282 : memref<64x128xf32, #tpu.memory_space<vmem>>) dst(%dma_wait3A_288 : memref<10128x128xf32, #tpu.memory_space<vmem_shared>>)
        } else {
        }
        %lt3A_233 = arith.constant 40 : i32
        %lt3A_234 = arith.cmpi slt, %sub3A_224, %lt3A_233 : i32
        %convert_element_type3A_235 = arith.extui %lt3A_234 : i1 to i32
        %cond3A_236 = arith.constant 0 : i32
        %cond3A_237 = arith.cmpi ne, %convert_element_type3A_235, %cond3A_236 : i32
        scf.if %cond3A_237 {
          %dma_start3A_278 = arith.constant 1 : i32
          %dma_start3A_279 = arith.constant 0 : i32
          %dma_start3A_280 = arith.constant 0 : i32
          %dma_start3A_281 = tpu.memref_slice %arg8[%dma_start3A_278, %dma_start3A_279, %dma_start3A_280] : memref<4x64x128xf32, #tpu.memory_space<vmem>> -> memref<1x64x128xf32, #tpu.memory_space<vmem>>
          %dma_start3A_282 = tpu.memref_squeeze %dma_start3A_281 : memref<1x64x128xf32, #tpu.memory_space<vmem>> -> memref<64x128xf32, #tpu.memory_space<vmem>>
          %dma_start3A_283 = arith.constant 0 : i32
          %dma_start3A_284 = tpu.memref_slice %arg6[%sub3A_224, %dma_start3A_283] : memref<40x64xi32, #tpu.memory_space<vmem>> -> memref<1x64xi32, #tpu.memory_space<vmem>>
          %dma_start3A_285 = tpu.memref_squeeze %dma_start3A_284 : memref<1x64xi32, #tpu.memory_space<vmem>> -> memref<64xi32, #tpu.memory_space<vmem>>
          %dma_start3A_286 = arith.constant 0 : i32
          %dma_start3A_287 = tpu.memref_slice %arg2[%dma_start3A_286, %mul3A_2] : memref<10000x256xf32, #tpu.memory_space<hbm>> -> memref<10000x128xf32, #tpu.memory_space<hbm>>
          tpu.enqueue_indirect_dma source(%dma_start3A_287 : memref<10000x128xf32, #tpu.memory_space<hbm>>) target(%dma_start3A_282 : memref<64x128xf32, #tpu.memory_space<vmem>>) offsets(%dma_start3A_285 : memref<64xi32, #tpu.memory_space<vmem>>) semaphore(%arg10 : memref<!tpu.dma_semaphore, #tpu.memory_space<semaphore_mem>>)
        } else {
        }
        %add3A_238 = arith.constant 3 : i32
        %add3A_239 = arith.addi %mul3A_120, %add3A_238 : i32
        %dma_wait3A_240 = arith.constant 3 : i32
        %dma_wait3A_241 = arith.constant 0 : i32
        %dma_wait3A_242 = arith.constant 0 : i32
        %dma_wait3A_243 = tpu.memref_slice %arg8[%dma_wait3A_240, %dma_wait3A_241, %dma_wait3A_242] : memref<4x64x128xf32, #tpu.memory_space<vmem>> -> memref<1x64x128xf32, #tpu.memory_space<vmem>>
        %dma_wait3A_244 = tpu.memref_squeeze %dma_wait3A_243 : memref<1x64x128xf32, #tpu.memory_space<vmem>> -> memref<64x128xf32, #tpu.memory_space<vmem>>
        %dma_wait3A_245 = arith.constant 0 : i32
        %dma_wait3A_246 = tpu.memref_slice %arg6[%add3A_239, %dma_wait3A_245] : memref<40x64xi32, #tpu.memory_space<vmem>> -> memref<1x64xi32, #tpu.memory_space<vmem>>
        %dma_wait3A_247 = tpu.memref_squeeze %dma_wait3A_246 : memref<1x64xi32, #tpu.memory_space<vmem>> -> memref<64xi32, #tpu.memory_space<vmem>>
        %dma_wait3A_248 = arith.constant 0 : i32
        %dma_wait3A_249 = tpu.memref_slice %arg2[%dma_wait3A_248, %mul3A_2] : memref<10000x256xf32, #tpu.memory_space<hbm>> -> memref<10000x128xf32, #tpu.memory_space<hbm>>
        tpu.wait_indirect_dma semaphore(%arg10 : memref<!tpu.dma_semaphore, #tpu.memory_space<semaphore_mem>>) src(%dma_wait3A_249 : memref<10000x128xf32, #tpu.memory_space<hbm>>) dst(%dma_wait3A_244 : memref<64x128xf32, #tpu.memory_space<vmem>>)
        %dma_start3A_250 = arith.constant 3 : i32
        %dma_start3A_251 = arith.constant 0 : i32
        %dma_start3A_252 = arith.constant 0 : i32
        %dma_start3A_253 = tpu.memref_slice %arg8[%dma_start3A_250, %dma_start3A_251, %dma_start3A_252] : memref<4x64x128xf32, #tpu.memory_space<vmem>> -> memref<1x64x128xf32, #tpu.memory_space<vmem>>
        %dma_start3A_254 = tpu.memref_squeeze %dma_start3A_253 : memref<1x64x128xf32, #tpu.memory_space<vmem>> -> memref<64x128xf32, #tpu.memory_space<vmem>>
        %dma_start3A_255 = arith.constant 0 : i32
        %dma_start3A_256 = tpu.memref_slice %arg7[%add3A_239, %dma_start3A_255] : memref<40x64xi32, #tpu.memory_space<vmem>> -> memref<1x64xi32, #tpu.memory_space<vmem>>
        %dma_start3A_257 = tpu.memref_squeeze %dma_start3A_256 : memref<1x64xi32, #tpu.memory_space<vmem>> -> memref<64xi32, #tpu.memory_space<vmem>>
        %dma_start3A_258 = arith.constant 0 : i32
        %dma_start3A_259 = arith.constant 0 : i32
        %dma_start3A_260 = tpu.memref_slice %arg9[%dma_start3A_258, %dma_start3A_259] : memref<10128x128xf32, #tpu.memory_space<vmem_shared>> -> memref<10128x128xf32, #tpu.memory_space<vmem_shared>>
        tpu.enqueue_indirect_dma source(%dma_start3A_254 : memref<64x128xf32, #tpu.memory_space<vmem>>) target(%dma_start3A_260 : memref<10128x128xf32, #tpu.memory_space<vmem_shared>>) offsets(%dma_start3A_257 : memref<64xi32, #tpu.memory_space<vmem>>) semaphore(%arg11 : memref<!tpu.dma_semaphore, #tpu.memory_space<semaphore_mem>>) {add = true}
        %add3A_261 = arith.constant 4 : i32
        %add3A_262 = arith.addi %add3A_239, %add3A_261 : i32
        %sub3A_263 = arith.constant 1 : i32
        %sub3A_264 = arith.subi %add3A_262, %sub3A_263 : i32
        %lt3A_265 = arith.constant 40 : i32
        %lt3A_266 = arith.cmpi slt, %sub3A_264, %lt3A_265 : i32
        %ge3A_267 = arith.constant 1 : i32
        %ge3A_268 = arith.cmpi sge, %add3A_239, %ge3A_267 : i32
        %and3A_269 = arith.andi %lt3A_266, %ge3A_268 : i1
        %convert_element_type3A_270 = arith.extui %and3A_269 : i1 to i32
        %cond3A_271 = arith.constant 0 : i32
        %cond3A_272 = arith.cmpi ne, %convert_element_type3A_270, %cond3A_271 : i32
        scf.if %cond3A_272 {
          %dma_wait3A_278 = arith.constant 2 : i32
          %dma_wait3A_279 = arith.constant 0 : i32
          %dma_wait3A_280 = arith.constant 0 : i32
          %dma_wait3A_281 = tpu.memref_slice %arg8[%dma_wait3A_278, %dma_wait3A_279, %dma_wait3A_280] : memref<4x64x128xf32, #tpu.memory_space<vmem>> -> memref<1x64x128xf32, #tpu.memory_space<vmem>>
          %dma_wait3A_282 = tpu.memref_squeeze %dma_wait3A_281 : memref<1x64x128xf32, #tpu.memory_space<vmem>> -> memref<64x128xf32, #tpu.memory_space<vmem>>
          %dma_wait3A_283 = arith.constant 0 : i32
          %dma_wait3A_284 = tpu.memref_slice %arg7[%add3A_239, %dma_wait3A_283] : memref<40x64xi32, #tpu.memory_space<vmem>> -> memref<1x64xi32, #tpu.memory_space<vmem>>
          %dma_wait3A_285 = tpu.memref_squeeze %dma_wait3A_284 : memref<1x64xi32, #tpu.memory_space<vmem>> -> memref<64xi32, #tpu.memory_space<vmem>>
          %dma_wait3A_286 = arith.constant 0 : i32
          %dma_wait3A_287 = arith.constant 0 : i32
          %dma_wait3A_288 = tpu.memref_slice %arg9[%dma_wait3A_286, %dma_wait3A_287] : memref<10128x128xf32, #tpu.memory_space<vmem_shared>> -> memref<10128x128xf32, #tpu.memory_space<vmem_shared>>
          tpu.wait_indirect_dma semaphore(%arg11 : memref<!tpu.dma_semaphore, #tpu.memory_space<semaphore_mem>>) src(%dma_wait3A_282 : memref<64x128xf32, #tpu.memory_space<vmem>>) dst(%dma_wait3A_288 : memref<10128x128xf32, #tpu.memory_space<vmem_shared>>)
        } else {
        }
        %lt3A_273 = arith.constant 40 : i32
        %lt3A_274 = arith.cmpi slt, %sub3A_264, %lt3A_273 : i32
        %convert_element_type3A_275 = arith.extui %lt3A_274 : i1 to i32
        %cond3A_276 = arith.constant 0 : i32
        %cond3A_277 = arith.cmpi ne, %convert_element_type3A_275, %cond3A_276 : i32
        scf.if %cond3A_277 {
          %dma_start3A_278 = arith.constant 2 : i32
          %dma_start3A_279 = arith.constant 0 : i32
          %dma_start3A_280 = arith.constant 0 : i32
          %dma_start3A_281 = tpu.memref_slice %arg8[%dma_start3A_278, %dma_start3A_279, %dma_start3A_280] : memref<4x64x128xf32, #tpu.memory_space<vmem>> -> memref<1x64x128xf32, #tpu.memory_space<vmem>>
          %dma_start3A_282 = tpu.memref_squeeze %dma_start3A_281 : memref<1x64x128xf32, #tpu.memory_space<vmem>> -> memref<64x128xf32, #tpu.memory_space<vmem>>
          %dma_start3A_283 = arith.constant 0 : i32
          %dma_start3A_284 = tpu.memref_slice %arg6[%sub3A_264, %dma_start3A_283] : memref<40x64xi32, #tpu.memory_space<vmem>> -> memref<1x64xi32, #tpu.memory_space<vmem>>
          %dma_start3A_285 = tpu.memref_squeeze %dma_start3A_284 : memref<1x64xi32, #tpu.memory_space<vmem>> -> memref<64xi32, #tpu.memory_space<vmem>>
          %dma_start3A_286 = arith.constant 0 : i32
          %dma_start3A_287 = tpu.memref_slice %arg2[%dma_start3A_286, %mul3A_2] : memref<10000x256xf32, #tpu.memory_space<hbm>> -> memref<10000x128xf32, #tpu.memory_space<hbm>>
          tpu.enqueue_indirect_dma source(%dma_start3A_287 : memref<10000x128xf32, #tpu.memory_space<hbm>>) target(%dma_start3A_282 : memref<64x128xf32, #tpu.memory_space<vmem>>) offsets(%dma_start3A_285 : memref<64xi32, #tpu.memory_space<vmem>>) semaphore(%arg10 : memref<!tpu.dma_semaphore, #tpu.memory_space<semaphore_mem>>)
        } else {
        }
      }
      %scan3A_70 = arith.constant 10 : i32
      %dma_wait3A = arith.constant 0 : i32
      %dma_wait3A_71 = arith.constant 0 : i32
      %dma_wait3A_72 = arith.constant 0 : i32
      %dma_wait3A_73 = arith.constant 0 : i32
      %dma_wait3A_74 = tpu.memref_slice %arg8[%dma_wait3A, %dma_wait3A_72, %dma_wait3A_73] : memref<4x64x128xf32, #tpu.memory_space<vmem>> -> memref<1x64x128xf32, #tpu.memory_space<vmem>>
      %dma_wait3A_75 = tpu.memref_squeeze %dma_wait3A_74 : memref<1x64x128xf32, #tpu.memory_space<vmem>> -> memref<64x128xf32, #tpu.memory_space<vmem>>
      %dma_wait3A_76 = arith.constant 0 : i32
      %dma_wait3A_77 = tpu.memref_slice %arg7[%dma_wait3A_71, %dma_wait3A_76] : memref<40x64xi32, #tpu.memory_space<vmem>> -> memref<1x64xi32, #tpu.memory_space<vmem>>
      %dma_wait3A_78 = tpu.memref_squeeze %dma_wait3A_77 : memref<1x64xi32, #tpu.memory_space<vmem>> -> memref<64xi32, #tpu.memory_space<vmem>>
      %dma_wait3A_79 = arith.constant 0 : i32
      %dma_wait3A_80 = arith.constant 0 : i32
      %dma_wait3A_81 = tpu.memref_slice %arg9[%dma_wait3A_79, %dma_wait3A_80] : memref<10128x128xf32, #tpu.memory_space<vmem_shared>> -> memref<10128x128xf32, #tpu.memory_space<vmem_shared>>
      tpu.wait_indirect_dma semaphore(%arg11 : memref<!tpu.dma_semaphore, #tpu.memory_space<semaphore_mem>>) src(%dma_wait3A_75 : memref<64x128xf32, #tpu.memory_space<vmem>>) dst(%dma_wait3A_81 : memref<10128x128xf32, #tpu.memory_space<vmem_shared>>)
      %dma_wait3A_82 = arith.constant 1 : i32
      %dma_wait3A_83 = arith.constant 0 : i32
      %dma_wait3A_84 = arith.constant 0 : i32
      %dma_wait3A_85 = arith.constant 0 : i32
      %dma_wait3A_86 = tpu.memref_slice %arg8[%dma_wait3A_82, %dma_wait3A_84, %dma_wait3A_85] : memref<4x64x128xf32, #tpu.memory_space<vmem>> -> memref<1x64x128xf32, #tpu.memory_space<vmem>>
      %dma_wait3A_87 = tpu.memref_squeeze %dma_wait3A_86 : memref<1x64x128xf32, #tpu.memory_space<vmem>> -> memref<64x128xf32, #tpu.memory_space<vmem>>
      %dma_wait3A_88 = arith.constant 0 : i32
      %dma_wait3A_89 = tpu.memref_slice %arg7[%dma_wait3A_83, %dma_wait3A_88] : memref<40x64xi32, #tpu.memory_space<vmem>> -> memref<1x64xi32, #tpu.memory_space<vmem>>
      %dma_wait3A_90 = tpu.memref_squeeze %dma_wait3A_89 : memref<1x64xi32, #tpu.memory_space<vmem>> -> memref<64xi32, #tpu.memory_space<vmem>>
      %dma_wait3A_91 = arith.constant 0 : i32
      %dma_wait3A_92 = arith.constant 0 : i32
      %dma_wait3A_93 = tpu.memref_slice %arg9[%dma_wait3A_91, %dma_wait3A_92] : memref<10128x128xf32, #tpu.memory_space<vmem_shared>> -> memref<10128x128xf32, #tpu.memory_space<vmem_shared>>
      tpu.wait_indirect_dma semaphore(%arg11 : memref<!tpu.dma_semaphore, #tpu.memory_space<semaphore_mem>>) src(%dma_wait3A_87 : memref<64x128xf32, #tpu.memory_space<vmem>>) dst(%dma_wait3A_93 : memref<10128x128xf32, #tpu.memory_space<vmem_shared>>)
      %dma_wait3A_94 = arith.constant 2 : i32
      %dma_wait3A_95 = arith.constant 0 : i32
      %dma_wait3A_96 = arith.constant 0 : i32
      %dma_wait3A_97 = arith.constant 0 : i32
      %dma_wait3A_98 = tpu.memref_slice %arg8[%dma_wait3A_94, %dma_wait3A_96, %dma_wait3A_97] : memref<4x64x128xf32, #tpu.memory_space<vmem>> -> memref<1x64x128xf32, #tpu.memory_space<vmem>>
      %dma_wait3A_99 = tpu.memref_squeeze %dma_wait3A_98 : memref<1x64x128xf32, #tpu.memory_space<vmem>> -> memref<64x128xf32, #tpu.memory_space<vmem>>
      %dma_wait3A_100 = arith.constant 0 : i32
      %dma_wait3A_101 = tpu.memref_slice %arg7[%dma_wait3A_95, %dma_wait3A_100] : memref<40x64xi32, #tpu.memory_space<vmem>> -> memref<1x64xi32, #tpu.memory_space<vmem>>
      %dma_wait3A_102 = tpu.memref_squeeze %dma_wait3A_101 : memref<1x64xi32, #tpu.memory_space<vmem>> -> memref<64xi32, #tpu.memory_space<vmem>>
      %dma_wait3A_103 = arith.constant 0 : i32
      %dma_wait3A_104 = arith.constant 0 : i32
      %dma_wait3A_105 = tpu.memref_slice %arg9[%dma_wait3A_103, %dma_wait3A_104] : memref<10128x128xf32, #tpu.memory_space<vmem_shared>> -> memref<10128x128xf32, #tpu.memory_space<vmem_shared>>
      tpu.wait_indirect_dma semaphore(%arg11 : memref<!tpu.dma_semaphore, #tpu.memory_space<semaphore_mem>>) src(%dma_wait3A_99 : memref<64x128xf32, #tpu.memory_space<vmem>>) dst(%dma_wait3A_105 : memref<10128x128xf32, #tpu.memory_space<vmem_shared>>)
      %dma_wait3A_106 = arith.constant 3 : i32
      %dma_wait3A_107 = arith.constant 0 : i32
      %dma_wait3A_108 = arith.constant 0 : i32
      %dma_wait3A_109 = arith.constant 0 : i32
      %dma_wait3A_110 = tpu.memref_slice %arg8[%dma_wait3A_106, %dma_wait3A_108, %dma_wait3A_109] : memref<4x64x128xf32, #tpu.memory_space<vmem>> -> memref<1x64x128xf32, #tpu.memory_space<vmem>>
      %dma_wait3A_111 = tpu.memref_squeeze %dma_wait3A_110 : memref<1x64x128xf32, #tpu.memory_space<vmem>> -> memref<64x128xf32, #tpu.memory_space<vmem>>
      %dma_wait3A_112 = arith.constant 0 : i32
      %dma_wait3A_113 = tpu.memref_slice %arg7[%dma_wait3A_107, %dma_wait3A_112] : memref<40x64xi32, #tpu.memory_space<vmem>> -> memref<1x64xi32, #tpu.memory_space<vmem>>
      %dma_wait3A_114 = tpu.memref_squeeze %dma_wait3A_113 : memref<1x64xi32, #tpu.memory_space<vmem>> -> memref<64xi32, #tpu.memory_space<vmem>>
      %dma_wait3A_115 = arith.constant 0 : i32
      %dma_wait3A_116 = arith.constant 0 : i32
      %dma_wait3A_117 = tpu.memref_slice %arg9[%dma_wait3A_115, %dma_wait3A_116] : memref<10128x128xf32, #tpu.memory_space<vmem_shared>> -> memref<10128x128xf32, #tpu.memory_space<vmem_shared>>
      tpu.wait_indirect_dma semaphore(%arg11 : memref<!tpu.dma_semaphore, #tpu.memory_space<semaphore_mem>>) src(%dma_wait3A_111 : memref<64x128xf32, #tpu.memory_space<vmem>>) dst(%dma_wait3A_117 : memref<10128x128xf32, #tpu.memory_space<vmem_shared>>)
    }
    %scan3A_13 = arith.constant 8 : i32
    %barrier3A_14 = arith.constant 0 : index
    tpu.barrier barrier_id(%barrier3A_14)
    %lt3A_15 = arith.constant 15 : i32
    %lt3A_16 = arith.cmpi slt, %arg1, %lt3A_15 : i32
    %convert_element_type3A_17 = arith.extui %lt3A_16 : i1 to i32
    %cond3A_18 = arith.constant 0 : i32
    %cond3A_19 = arith.cmpi ne, %convert_element_type3A_17, %cond3A_18 : i32
    scf.if %cond3A_19 {
      "tpu.region"() ({
        %run_scoped3A = tpu.sem_alloc : memref<!tpu.dma_semaphore, #tpu.memory_space<semaphore_mem>>
        %dma_start3A = arith.constant 0 : i32
        %dma_start3A_25 = tpu.memref_slice %arg5[%arg0, %mul3A_0, %dma_start3A] : memref<2x10000x128xf32, #tpu.memory_space<hbm>> -> memref<1x632x128xf32, #tpu.memory_space<hbm>>
        %dma_start3A_26 = tpu.memref_squeeze %dma_start3A_25 : memref<1x632x128xf32, #tpu.memory_space<hbm>> -> memref<632x128xf32, #tpu.memory_space<hbm>>
        %dma_start3A_27 = arith.constant 0 : i32
        %dma_start3A_28 = tpu.memref_slice %arg9[%mul3A_0, %dma_start3A_27] : memref<10128x128xf32, #tpu.memory_space<vmem_shared>> -> memref<632x128xf32, #tpu.memory_space<vmem_shared>>
        tpu.enqueue_dma source(%dma_start3A_28 : memref<632x128xf32, #tpu.memory_space<vmem_shared>>) target(%dma_start3A_26 : memref<632x128xf32, #tpu.memory_space<hbm>>) target_semaphore(%run_scoped3A : memref<!tpu.dma_semaphore, #tpu.memory_space<semaphore_mem>>)
        %dma_wait3A = arith.constant 0 : i32
        %dma_wait3A_29 = tpu.memref_slice %arg5[%arg0, %mul3A_0, %dma_wait3A] : memref<2x10000x128xf32, #tpu.memory_space<hbm>> -> memref<1x632x128xf32, #tpu.memory_space<hbm>>
        %dma_wait3A_30 = tpu.memref_squeeze %dma_wait3A_29 : memref<1x632x128xf32, #tpu.memory_space<hbm>> -> memref<632x128xf32, #tpu.memory_space<hbm>>
        %dma_wait3A_31 = arith.constant 0 : i32
        %dma_wait3A_32 = tpu.memref_slice %arg9[%mul3A_0, %dma_wait3A_31] : memref<10128x128xf32, #tpu.memory_space<vmem_shared>> -> memref<632x128xf32, #tpu.memory_space<vmem_shared>>
        tpu.wait_dma2 semaphore(%run_scoped3A : memref<!tpu.dma_semaphore, #tpu.memory_space<semaphore_mem>>) src(%dma_wait3A_32 : memref<632x128xf32, #tpu.memory_space<vmem_shared>>) dst(%dma_wait3A_30 : memref<632x128xf32, #tpu.memory_space<hbm>>)
        tpu.yield
      }) : () -> ()
    } else {
    }
    %eq3A_20 = arith.constant 15 : i32
    %eq3A_21 = arith.cmpi eq, %arg1, %eq3A_20 : i32
    %convert_element_type3A_22 = arith.extui %eq3A_21 : i1 to i32
    %cond3A_23 = arith.constant 0 : i32
    %cond3A_24 = arith.cmpi ne, %convert_element_type3A_22, %cond3A_23 : i32
    scf.if %cond3A_24 {
      "tpu.region"() ({
        %run_scoped3A = tpu.sem_alloc : memref<!tpu.dma_semaphore, #tpu.memory_space<semaphore_mem>>
        %dma_start3A = arith.constant 9480 : i32
        %dma_start3A_25 = arith.constant 0 : i32
        %dma_start3A_26 = tpu.memref_slice %arg5[%arg0, %dma_start3A, %dma_start3A_25] : memref<2x10000x128xf32, #tpu.memory_space<hbm>> -> memref<1x520x128xf32, #tpu.memory_space<hbm>>
        %dma_start3A_27 = tpu.memref_squeeze %dma_start3A_26 : memref<1x520x128xf32, #tpu.memory_space<hbm>> -> memref<520x128xf32, #tpu.memory_space<hbm>>
        %dma_start3A_28 = arith.constant 9480 : i32
        %dma_start3A_29 = arith.constant 0 : i32
        %dma_start3A_30 = tpu.memref_slice %arg9[%dma_start3A_28, %dma_start3A_29] : memref<10128x128xf32, #tpu.memory_space<vmem_shared>> -> memref<520x128xf32, #tpu.memory_space<vmem_shared>>
        tpu.enqueue_dma source(%dma_start3A_30 : memref<520x128xf32, #tpu.memory_space<vmem_shared>>) target(%dma_start3A_27 : memref<520x128xf32, #tpu.memory_space<hbm>>) target_semaphore(%run_scoped3A : memref<!tpu.dma_semaphore, #tpu.memory_space<semaphore_mem>>)
        %dma_wait3A = arith.constant 9480 : i32
        %dma_wait3A_31 = arith.constant 0 : i32
        %dma_wait3A_32 = tpu.memref_slice %arg5[%arg0, %dma_wait3A, %dma_wait3A_31] : memref<2x10000x128xf32, #tpu.memory_space<hbm>> -> memref<1x520x128xf32, #tpu.memory_space<hbm>>
        %dma_wait3A_33 = tpu.memref_squeeze %dma_wait3A_32 : memref<1x520x128xf32, #tpu.memory_space<hbm>> -> memref<520x128xf32, #tpu.memory_space<hbm>>
        %dma_wait3A_34 = arith.constant 9480 : i32
        %dma_wait3A_35 = arith.constant 0 : i32
        %dma_wait3A_36 = tpu.memref_slice %arg9[%dma_wait3A_34, %dma_wait3A_35] : memref<10128x128xf32, #tpu.memory_space<vmem_shared>> -> memref<520x128xf32, #tpu.memory_space<vmem_shared>>
        tpu.wait_dma2 semaphore(%run_scoped3A : memref<!tpu.dma_semaphore, #tpu.memory_space<semaphore_mem>>) src(%dma_wait3A_36 : memref<520x128xf32, #tpu.memory_space<vmem_shared>>) dst(%dma_wait3A_33 : memref<520x128xf32, #tpu.memory_space<hbm>>)
        tpu.yield
      }) : () -> ()
    } else {
    }
    return
  }
}

#map = affine_map<(d0, d1) -> (0, 0)>
#map1 = affine_map<(d0, d1) -> (0, 0, 0)>
module attributes {stable_mosaic.version = 14 : i64} {
  func.func @agg(%arg0: i32, %arg1: i32, %arg2: memref<10000x128xf32, #tpu.memory_space<hbm>>, %arg3: memref<5120x64xi32, #tpu.memory_space<hbm>>, %arg4: memref<5120x64xi32, #tpu.memory_space<hbm>>, %arg5: memref<2x10000x128xf32, #tpu.memory_space<hbm>>, %arg6: memref<40x64xi32, #tpu.memory_space<vmem>>, %arg7: memref<40x64xi32, #tpu.memory_space<vmem>>, %arg8: memref<4x64x128xf32, #tpu.memory_space<vmem>>, %arg9: memref<10128x128xf32, #tpu.memory_space<vmem_shared>>, %arg10: memref<!tpu.dma_semaphore, #tpu.memory_space<semaphore_mem>>, %arg11: memref<!tpu.dma_semaphore, #tpu.memory_space<semaphore_mem>>) attributes {dimension_semantics = [#tpu.dimension_semantics<core_parallel>, #tpu.dimension_semantics<subcore_parallel>], iteration_bounds = array<i64: 2, 16>, scalar_prefetch = 0 : i64, scratch_operands = 6 : i64, tpu.core_type = #tpu.core_type<sc_vector_subcore>, window_params = [{transform_indices = #map}, {transform_indices = #map}, {transform_indices = #map}, {transform_indices = #map1}]} {
    %mul3A = arith.constant 632 : i32
    %mul3A_0 = arith.muli %arg1, %mul3A : i32
    %mul3A_1 = arith.constant 0 : i32
    %mul3A_2 = arith.muli %arg0, %mul3A_1 : i32
    %lt3A = arith.constant 15 : i32
    %lt3A_3 = arith.cmpi slt, %arg1, %lt3A : i32
    %convert_element_type3A = arith.extui %lt3A_3 : i1 to i32
    %cond3A = arith.constant 0 : i32
    %cond3A_4 = arith.cmpi ne, %convert_element_type3A, %cond3A : i32
    scf.if %cond3A_4 {
      "tpu.region"() ({
        %run_scoped3A = tpu.sem_alloc : memref<!tpu.dma_semaphore, #tpu.memory_space<semaphore_mem>>
        %dma_start3A = arith.constant 0 : i32
        %dma_start3A_25 = tpu.memref_slice %arg9[%mul3A_0, %dma_start3A] : memref<10128x128xf32, #tpu.memory_space<vmem_shared>> -> memref<632x128xf32, #tpu.memory_space<vmem_shared>>
        %dma_start3A_26 = tpu.memref_slice %arg2[%mul3A_0, %mul3A_2] : memref<10000x128xf32, #tpu.memory_space<hbm>> -> memref<632x128xf32, #tpu.memory_space<hbm>>
        tpu.enqueue_dma source(%dma_start3A_26 : memref<632x128xf32, #tpu.memory_space<hbm>>) target(%dma_start3A_25 : memref<632x128xf32, #tpu.memory_space<vmem_shared>>) target_semaphore(%run_scoped3A : memref<!tpu.dma_semaphore, #tpu.memory_space<semaphore_mem>>)
        %dma_wait3A = arith.constant 0 : i32
        %dma_wait3A_27 = tpu.memref_slice %arg9[%mul3A_0, %dma_wait3A] : memref<10128x128xf32, #tpu.memory_space<vmem_shared>> -> memref<632x128xf32, #tpu.memory_space<vmem_shared>>
        %dma_wait3A_28 = tpu.memref_slice %arg2[%mul3A_0, %mul3A_2] : memref<10000x128xf32, #tpu.memory_space<hbm>> -> memref<632x128xf32, #tpu.memory_space<hbm>>
        tpu.wait_dma2 semaphore(%run_scoped3A : memref<!tpu.dma_semaphore, #tpu.memory_space<semaphore_mem>>) src(%dma_wait3A_28 : memref<632x128xf32, #tpu.memory_space<hbm>>) dst(%dma_wait3A_27 : memref<632x128xf32, #tpu.memory_space<vmem_shared>>)
        tpu.yield
      }) : () -> ()
    } else {
    }
    %eq3A = arith.constant 15 : i32
    %eq3A_5 = arith.cmpi eq, %arg1, %eq3A : i32
    %convert_element_type3A_6 = arith.extui %eq3A_5 : i1 to i32
    %cond3A_7 = arith.constant 0 : i32
    %cond3A_8 = arith.cmpi ne, %convert_element_type3A_6, %cond3A_7 : i32
    scf.if %cond3A_8 {
      "tpu.region"() ({
        %run_scoped3A = tpu.sem_alloc : memref<!tpu.dma_semaphore, #tpu.memory_space<semaphore_mem>>
        %dma_start3A = arith.constant 9480 : i32
        %dma_start3A_25 = arith.constant 0 : i32
        %dma_start3A_26 = tpu.memref_slice %arg9[%dma_start3A, %dma_start3A_25] : memref<10128x128xf32, #tpu.memory_space<vmem_shared>> -> memref<520x128xf32, #tpu.memory_space<vmem_shared>>
        %dma_start3A_27 = arith.constant 9480 : i32
        %dma_start3A_28 = tpu.memref_slice %arg2[%dma_start3A_27, %mul3A_2] : memref<10000x128xf32, #tpu.memory_space<hbm>> -> memref<520x128xf32, #tpu.memory_space<hbm>>
        tpu.enqueue_dma source(%dma_start3A_28 : memref<520x128xf32, #tpu.memory_space<hbm>>) target(%dma_start3A_26 : memref<520x128xf32, #tpu.memory_space<vmem_shared>>) target_semaphore(%run_scoped3A : memref<!tpu.dma_semaphore, #tpu.memory_space<semaphore_mem>>)
        %dma_wait3A = arith.constant 9480 : i32
        %dma_wait3A_29 = arith.constant 0 : i32
        %dma_wait3A_30 = tpu.memref_slice %arg9[%dma_wait3A, %dma_wait3A_29] : memref<10128x128xf32, #tpu.memory_space<vmem_shared>> -> memref<520x128xf32, #tpu.memory_space<vmem_shared>>
        %dma_wait3A_31 = arith.constant 9480 : i32
        %dma_wait3A_32 = tpu.memref_slice %arg2[%dma_wait3A_31, %mul3A_2] : memref<10000x128xf32, #tpu.memory_space<hbm>> -> memref<520x128xf32, #tpu.memory_space<hbm>>
        tpu.wait_dma2 semaphore(%run_scoped3A : memref<!tpu.dma_semaphore, #tpu.memory_space<semaphore_mem>>) src(%dma_wait3A_32 : memref<520x128xf32, #tpu.memory_space<hbm>>) dst(%dma_wait3A_30 : memref<520x128xf32, #tpu.memory_space<vmem_shared>>)
        tpu.yield
      }) : () -> ()
    } else {
    }
    %barrier3A = arith.constant 0 : index
    tpu.barrier barrier_id(%barrier3A)
    %scan3A = arith.constant 0 : i32
    %scan3A_9 = arith.constant 0 : i32
    %scan3A_10 = arith.constant 4 : i32
    %scan3A_11 = arith.addi %scan3A_9, %scan3A_10 : i32
    %scan3A_12 = arith.constant 1 : i32
    scf.for %scan3A_25 = %scan3A_9 to %scan3A_11 step %scan3A_12  : i32 {
      %mul3A_26 = arith.constant 2560 : i32
      %mul3A_27 = arith.muli %arg0, %mul3A_26 : i32
      %mul3A_28 = arith.constant 160 : i32
      %mul3A_29 = arith.muli %arg1, %mul3A_28 : i32
      %add3A = arith.addi %mul3A_27, %mul3A_29 : i32
      %mul3A_30 = arith.constant 40 : i32
      %mul3A_31 = arith.muli %scan3A_25, %mul3A_30 : i32
      %add3A_32 = arith.addi %add3A, %mul3A_31 : i32
      %multiple_of3A = tpu.assume_multiple %add3A_32, 8 : i32
      "tpu.region"() ({
        %run_scoped3A = tpu.sem_alloc : memref<!tpu.dma_semaphore, #tpu.memory_space<semaphore_mem>>
        %dma_start3A_118 = arith.constant 0 : i32
        %dma_start3A_119 = tpu.memref_slice %arg3[%multiple_of3A, %dma_start3A_118] : memref<5120x64xi32, #tpu.memory_space<hbm>> -> memref<40x64xi32, #tpu.memory_space<hbm>>
        %dma_start3A_120 = arith.constant 0 : i32
        %dma_start3A_121 = tpu.memref_slice %arg3[%multiple_of3A, %dma_start3A_120] : memref<5120x64xi32, #tpu.memory_space<hbm>> -> memref<40x64xi32, #tpu.memory_space<hbm>>
        tpu.enqueue_dma source(%dma_start3A_121 : memref<40x64xi32, #tpu.memory_space<hbm>>) target(%arg6 : memref<40x64xi32, #tpu.memory_space<vmem>>) target_semaphore(%run_scoped3A : memref<!tpu.dma_semaphore, #tpu.memory_space<semaphore_mem>>)
        %dma_wait3A_122 = arith.constant 0 : i32
        %dma_wait3A_123 = tpu.memref_slice %arg3[%multiple_of3A, %dma_wait3A_122] : memref<5120x64xi32, #tpu.memory_space<hbm>> -> memref<40x64xi32, #tpu.memory_space<hbm>>
        %dma_wait3A_124 = arith.constant 0 : i32
        %dma_wait3A_125 = tpu.memref_slice %arg3[%multiple_of3A, %dma_wait3A_124] : memref<5120x64xi32, #tpu.memory_space<hbm>> -> memref<40x64xi32, #tpu.memory_space<hbm>>
        tpu.wait_dma2 semaphore(%run_scoped3A : memref<!tpu.dma_semaphore, #tpu.memory_space<semaphore_mem>>) src(%dma_wait3A_125 : memref<40x64xi32, #tpu.memory_space<hbm>>) dst(%arg6 : memref<40x64xi32, #tpu.memory_space<vmem>>)
        tpu.yield
      }) : () -> ()
      "tpu.region"() ({
        %run_scoped3A = tpu.sem_alloc : memref<!tpu.dma_semaphore, #tpu.memory_space<semaphore_mem>>
        %dma_start3A_118 = arith.constant 0 : i32
        %dma_start3A_119 = tpu.memref_slice %arg4[%multiple_of3A, %dma_start3A_118] : memref<5120x64xi32, #tpu.memory_space<hbm>> -> memref<40x64xi32, #tpu.memory_space<hbm>>
        %dma_start3A_120 = arith.constant 0 : i32
        %dma_start3A_121 = tpu.memref_slice %arg4[%multiple_of3A, %dma_start3A_120] : memref<5120x64xi32, #tpu.memory_space<hbm>> -> memref<40x64xi32, #tpu.memory_space<hbm>>
        tpu.enqueue_dma source(%dma_start3A_121 : memref<40x64xi32, #tpu.memory_space<hbm>>) target(%arg7 : memref<40x64xi32, #tpu.memory_space<vmem>>) target_semaphore(%run_scoped3A : memref<!tpu.dma_semaphore, #tpu.memory_space<semaphore_mem>>)
        %dma_wait3A_122 = arith.constant 0 : i32
        %dma_wait3A_123 = tpu.memref_slice %arg4[%multiple_of3A, %dma_wait3A_122] : memref<5120x64xi32, #tpu.memory_space<hbm>> -> memref<40x64xi32, #tpu.memory_space<hbm>>
        %dma_wait3A_124 = arith.constant 0 : i32
        %dma_wait3A_125 = tpu.memref_slice %arg4[%multiple_of3A, %dma_wait3A_124] : memref<5120x64xi32, #tpu.memory_space<hbm>> -> memref<40x64xi32, #tpu.memory_space<hbm>>
        tpu.wait_dma2 semaphore(%run_scoped3A : memref<!tpu.dma_semaphore, #tpu.memory_space<semaphore_mem>>) src(%dma_wait3A_125 : memref<40x64xi32, #tpu.memory_space<hbm>>) dst(%arg7 : memref<40x64xi32, #tpu.memory_space<vmem>>)
        tpu.yield
      }) : () -> ()
      %dma_start3A = arith.constant 0 : i32
      %dma_start3A_33 = arith.constant 0 : i32
      %dma_start3A_34 = arith.constant 0 : i32
      %dma_start3A_35 = arith.constant 0 : i32
      %dma_start3A_36 = tpu.memref_slice %arg8[%dma_start3A_33, %dma_start3A_34, %dma_start3A_35] : memref<4x64x128xf32, #tpu.memory_space<vmem>> -> memref<1x64x128xf32, #tpu.memory_space<vmem>>
      %dma_start3A_37 = tpu.memref_squeeze %dma_start3A_36 : memref<1x64x128xf32, #tpu.memory_space<vmem>> -> memref<64x128xf32, #tpu.memory_space<vmem>>
      %dma_start3A_38 = arith.constant 0 : i32
      %dma_start3A_39 = tpu.memref_slice %arg6[%dma_start3A, %dma_start3A_38] : memref<40x64xi32, #tpu.memory_space<vmem>> -> memref<1x64xi32, #tpu.memory_space<vmem>>
      %dma_start3A_40 = tpu.memref_squeeze %dma_start3A_39 : memref<1x64xi32, #tpu.memory_space<vmem>> -> memref<64xi32, #tpu.memory_space<vmem>>
      %dma_start3A_41 = arith.constant 0 : i32
      %dma_start3A_42 = tpu.memref_slice %arg2[%dma_start3A_41, %mul3A_2] : memref<10000x128xf32, #tpu.memory_space<hbm>> -> memref<10000x128xf32, #tpu.memory_space<hbm>>
      tpu.enqueue_indirect_dma source(%dma_start3A_42 : memref<10000x128xf32, #tpu.memory_space<hbm>>) target(%dma_start3A_37 : memref<64x128xf32, #tpu.memory_space<vmem>>) offsets(%dma_start3A_40 : memref<64xi32, #tpu.memory_space<vmem>>) semaphore(%arg10 : memref<!tpu.dma_semaphore, #tpu.memory_space<semaphore_mem>>)
      %dma_start3A_43 = arith.constant 1 : i32
      %dma_start3A_44 = arith.constant 1 : i32
      %dma_start3A_45 = arith.constant 0 : i32
      %dma_start3A_46 = arith.constant 0 : i32
      %dma_start3A_47 = tpu.memref_slice %arg8[%dma_start3A_44, %dma_start3A_45, %dma_start3A_46] : memref<4x64x128xf32, #tpu.memory_space<vmem>> -> memref<1x64x128xf32, #tpu.memory_space<vmem>>
      %dma_start3A_48 = tpu.memref_squeeze %dma_start3A_47 : memref<1x64x128xf32, #tpu.memory_space<vmem>> -> memref<64x128xf32, #tpu.memory_space<vmem>>
      %dma_start3A_49 = arith.constant 0 : i32
      %dma_start3A_50 = tpu.memref_slice %arg6[%dma_start3A_43, %dma_start3A_49] : memref<40x64xi32, #tpu.memory_space<vmem>> -> memref<1x64xi32, #tpu.memory_space<vmem>>
      %dma_start3A_51 = tpu.memref_squeeze %dma_start3A_50 : memref<1x64xi32, #tpu.memory_space<vmem>> -> memref<64xi32, #tpu.memory_space<vmem>>
      %dma_start3A_52 = arith.constant 0 : i32
      %dma_start3A_53 = tpu.memref_slice %arg2[%dma_start3A_52, %mul3A_2] : memref<10000x128xf32, #tpu.memory_space<hbm>> -> memref<10000x128xf32, #tpu.memory_space<hbm>>
      tpu.enqueue_indirect_dma source(%dma_start3A_53 : memref<10000x128xf32, #tpu.memory_space<hbm>>) target(%dma_start3A_48 : memref<64x128xf32, #tpu.memory_space<vmem>>) offsets(%dma_start3A_51 : memref<64xi32, #tpu.memory_space<vmem>>) semaphore(%arg10 : memref<!tpu.dma_semaphore, #tpu.memory_space<semaphore_mem>>)
      %dma_start3A_54 = arith.constant 2 : i32
      %dma_start3A_55 = arith.constant 2 : i32
      %dma_start3A_56 = arith.constant 0 : i32
      %dma_start3A_57 = arith.constant 0 : i32
      %dma_start3A_58 = tpu.memref_slice %arg8[%dma_start3A_55, %dma_start3A_56, %dma_start3A_57] : memref<4x64x128xf32, #tpu.memory_space<vmem>> -> memref<1x64x128xf32, #tpu.memory_space<vmem>>
      %dma_start3A_59 = tpu.memref_squeeze %dma_start3A_58 : memref<1x64x128xf32, #tpu.memory_space<vmem>> -> memref<64x128xf32, #tpu.memory_space<vmem>>
      %dma_start3A_60 = arith.constant 0 : i32
      %dma_start3A_61 = tpu.memref_slice %arg6[%dma_start3A_54, %dma_start3A_60] : memref<40x64xi32, #tpu.memory_space<vmem>> -> memref<1x64xi32, #tpu.memory_space<vmem>>
      %dma_start3A_62 = tpu.memref_squeeze %dma_start3A_61 : memref<1x64xi32, #tpu.memory_space<vmem>> -> memref<64xi32, #tpu.memory_space<vmem>>
      %dma_start3A_63 = arith.constant 0 : i32
      %dma_start3A_64 = tpu.memref_slice %arg2[%dma_start3A_63, %mul3A_2] : memref<10000x128xf32, #tpu.memory_space<hbm>> -> memref<10000x128xf32, #tpu.memory_space<hbm>>
      tpu.enqueue_indirect_dma source(%dma_start3A_64 : memref<10000x128xf32, #tpu.memory_space<hbm>>) target(%dma_start3A_59 : memref<64x128xf32, #tpu.memory_space<vmem>>) offsets(%dma_start3A_62 : memref<64xi32, #tpu.memory_space<vmem>>) semaphore(%arg10 : memref<!tpu.dma_semaphore, #tpu.memory_space<semaphore_mem>>)
      %scan3A_65 = arith.constant 0 : i32
      %scan3A_66 = arith.constant 0 : i32
      %scan3A_67 = arith.constant 10 : i32
      %scan3A_68 = arith.addi %scan3A_66, %scan3A_67 : i32
      %scan3A_69 = arith.constant 1 : i32
      scf.for %scan3A_118 = %scan3A_66 to %scan3A_68 step %scan3A_69  : i32 {
        %mul3A_119 = arith.constant 4 : i32
        %mul3A_120 = arith.muli %scan3A_118, %mul3A_119 : i32
        %add3A_121 = arith.constant 0 : i32
        %add3A_122 = arith.addi %mul3A_120, %add3A_121 : i32
        %dma_wait3A_123 = arith.constant 0 : i32
        %dma_wait3A_124 = arith.constant 0 : i32
        %dma_wait3A_125 = arith.constant 0 : i32
        %dma_wait3A_126 = tpu.memref_slice %arg8[%dma_wait3A_123, %dma_wait3A_124, %dma_wait3A_125] : memref<4x64x128xf32, #tpu.memory_space<vmem>> -> memref<1x64x128xf32, #tpu.memory_space<vmem>>
        %dma_wait3A_127 = tpu.memref_squeeze %dma_wait3A_126 : memref<1x64x128xf32, #tpu.memory_space<vmem>> -> memref<64x128xf32, #tpu.memory_space<vmem>>
        %dma_wait3A_128 = arith.constant 0 : i32
        %dma_wait3A_129 = tpu.memref_slice %arg6[%add3A_122, %dma_wait3A_128] : memref<40x64xi32, #tpu.memory_space<vmem>> -> memref<1x64xi32, #tpu.memory_space<vmem>>
        %dma_wait3A_130 = tpu.memref_squeeze %dma_wait3A_129 : memref<1x64xi32, #tpu.memory_space<vmem>> -> memref<64xi32, #tpu.memory_space<vmem>>
        %dma_wait3A_131 = arith.constant 0 : i32
        %dma_wait3A_132 = tpu.memref_slice %arg2[%dma_wait3A_131, %mul3A_2] : memref<10000x128xf32, #tpu.memory_space<hbm>> -> memref<10000x128xf32, #tpu.memory_space<hbm>>
        tpu.wait_indirect_dma semaphore(%arg10 : memref<!tpu.dma_semaphore, #tpu.memory_space<semaphore_mem>>) src(%dma_wait3A_132 : memref<10000x128xf32, #tpu.memory_space<hbm>>) dst(%dma_wait3A_127 : memref<64x128xf32, #tpu.memory_space<vmem>>)
        %dma_start3A_133 = arith.constant 0 : i32
        %dma_start3A_134 = arith.constant 0 : i32
        %dma_start3A_135 = arith.constant 0 : i32
        %dma_start3A_136 = tpu.memref_slice %arg8[%dma_start3A_133, %dma_start3A_134, %dma_start3A_135] : memref<4x64x128xf32, #tpu.memory_space<vmem>> -> memref<1x64x128xf32, #tpu.memory_space<vmem>>
        %dma_start3A_137 = tpu.memref_squeeze %dma_start3A_136 : memref<1x64x128xf32, #tpu.memory_space<vmem>> -> memref<64x128xf32, #tpu.memory_space<vmem>>
        %dma_start3A_138 = arith.constant 0 : i32
        %dma_start3A_139 = tpu.memref_slice %arg7[%add3A_122, %dma_start3A_138] : memref<40x64xi32, #tpu.memory_space<vmem>> -> memref<1x64xi32, #tpu.memory_space<vmem>>
        %dma_start3A_140 = tpu.memref_squeeze %dma_start3A_139 : memref<1x64xi32, #tpu.memory_space<vmem>> -> memref<64xi32, #tpu.memory_space<vmem>>
        %dma_start3A_141 = arith.constant 0 : i32
        %dma_start3A_142 = arith.constant 0 : i32
        %dma_start3A_143 = tpu.memref_slice %arg9[%dma_start3A_141, %dma_start3A_142] : memref<10128x128xf32, #tpu.memory_space<vmem_shared>> -> memref<10128x128xf32, #tpu.memory_space<vmem_shared>>
        tpu.enqueue_indirect_dma source(%dma_start3A_137 : memref<64x128xf32, #tpu.memory_space<vmem>>) target(%dma_start3A_143 : memref<10128x128xf32, #tpu.memory_space<vmem_shared>>) offsets(%dma_start3A_140 : memref<64xi32, #tpu.memory_space<vmem>>) semaphore(%arg11 : memref<!tpu.dma_semaphore, #tpu.memory_space<semaphore_mem>>) {add = true}
        %add3A_144 = arith.constant 4 : i32
        %add3A_145 = arith.addi %add3A_122, %add3A_144 : i32
        %sub3A = arith.constant 1 : i32
        %sub3A_146 = arith.subi %add3A_145, %sub3A : i32
        %lt3A_147 = arith.constant 40 : i32
        %lt3A_148 = arith.cmpi slt, %sub3A_146, %lt3A_147 : i32
        %ge3A = arith.constant 1 : i32
        %ge3A_149 = arith.cmpi sge, %add3A_122, %ge3A : i32
        %and3A = arith.andi %lt3A_148, %ge3A_149 : i1
        %convert_element_type3A_150 = arith.extui %and3A : i1 to i32
        %cond3A_151 = arith.constant 0 : i32
        %cond3A_152 = arith.cmpi ne, %convert_element_type3A_150, %cond3A_151 : i32
        scf.if %cond3A_152 {
          %dma_wait3A_278 = arith.constant 3 : i32
          %dma_wait3A_279 = arith.constant 0 : i32
          %dma_wait3A_280 = arith.constant 0 : i32
          %dma_wait3A_281 = tpu.memref_slice %arg8[%dma_wait3A_278, %dma_wait3A_279, %dma_wait3A_280] : memref<4x64x128xf32, #tpu.memory_space<vmem>> -> memref<1x64x128xf32, #tpu.memory_space<vmem>>
          %dma_wait3A_282 = tpu.memref_squeeze %dma_wait3A_281 : memref<1x64x128xf32, #tpu.memory_space<vmem>> -> memref<64x128xf32, #tpu.memory_space<vmem>>
          %dma_wait3A_283 = arith.constant 0 : i32
          %dma_wait3A_284 = tpu.memref_slice %arg7[%add3A_122, %dma_wait3A_283] : memref<40x64xi32, #tpu.memory_space<vmem>> -> memref<1x64xi32, #tpu.memory_space<vmem>>
          %dma_wait3A_285 = tpu.memref_squeeze %dma_wait3A_284 : memref<1x64xi32, #tpu.memory_space<vmem>> -> memref<64xi32, #tpu.memory_space<vmem>>
          %dma_wait3A_286 = arith.constant 0 : i32
          %dma_wait3A_287 = arith.constant 0 : i32
          %dma_wait3A_288 = tpu.memref_slice %arg9[%dma_wait3A_286, %dma_wait3A_287] : memref<10128x128xf32, #tpu.memory_space<vmem_shared>> -> memref<10128x128xf32, #tpu.memory_space<vmem_shared>>
          tpu.wait_indirect_dma semaphore(%arg11 : memref<!tpu.dma_semaphore, #tpu.memory_space<semaphore_mem>>) src(%dma_wait3A_282 : memref<64x128xf32, #tpu.memory_space<vmem>>) dst(%dma_wait3A_288 : memref<10128x128xf32, #tpu.memory_space<vmem_shared>>)
        } else {
        }
        %lt3A_153 = arith.constant 40 : i32
        %lt3A_154 = arith.cmpi slt, %sub3A_146, %lt3A_153 : i32
        %convert_element_type3A_155 = arith.extui %lt3A_154 : i1 to i32
        %cond3A_156 = arith.constant 0 : i32
        %cond3A_157 = arith.cmpi ne, %convert_element_type3A_155, %cond3A_156 : i32
        scf.if %cond3A_157 {
          %dma_start3A_278 = arith.constant 3 : i32
          %dma_start3A_279 = arith.constant 0 : i32
          %dma_start3A_280 = arith.constant 0 : i32
          %dma_start3A_281 = tpu.memref_slice %arg8[%dma_start3A_278, %dma_start3A_279, %dma_start3A_280] : memref<4x64x128xf32, #tpu.memory_space<vmem>> -> memref<1x64x128xf32, #tpu.memory_space<vmem>>
          %dma_start3A_282 = tpu.memref_squeeze %dma_start3A_281 : memref<1x64x128xf32, #tpu.memory_space<vmem>> -> memref<64x128xf32, #tpu.memory_space<vmem>>
          %dma_start3A_283 = arith.constant 0 : i32
          %dma_start3A_284 = tpu.memref_slice %arg6[%sub3A_146, %dma_start3A_283] : memref<40x64xi32, #tpu.memory_space<vmem>> -> memref<1x64xi32, #tpu.memory_space<vmem>>
          %dma_start3A_285 = tpu.memref_squeeze %dma_start3A_284 : memref<1x64xi32, #tpu.memory_space<vmem>> -> memref<64xi32, #tpu.memory_space<vmem>>
          %dma_start3A_286 = arith.constant 0 : i32
          %dma_start3A_287 = tpu.memref_slice %arg2[%dma_start3A_286, %mul3A_2] : memref<10000x128xf32, #tpu.memory_space<hbm>> -> memref<10000x128xf32, #tpu.memory_space<hbm>>
          tpu.enqueue_indirect_dma source(%dma_start3A_287 : memref<10000x128xf32, #tpu.memory_space<hbm>>) target(%dma_start3A_282 : memref<64x128xf32, #tpu.memory_space<vmem>>) offsets(%dma_start3A_285 : memref<64xi32, #tpu.memory_space<vmem>>) semaphore(%arg10 : memref<!tpu.dma_semaphore, #tpu.memory_space<semaphore_mem>>)
        } else {
        }
        %add3A_158 = arith.constant 1 : i32
        %add3A_159 = arith.addi %mul3A_120, %add3A_158 : i32
        %dma_wait3A_160 = arith.constant 1 : i32
        %dma_wait3A_161 = arith.constant 0 : i32
        %dma_wait3A_162 = arith.constant 0 : i32
        %dma_wait3A_163 = tpu.memref_slice %arg8[%dma_wait3A_160, %dma_wait3A_161, %dma_wait3A_162] : memref<4x64x128xf32, #tpu.memory_space<vmem>> -> memref<1x64x128xf32, #tpu.memory_space<vmem>>
        %dma_wait3A_164 = tpu.memref_squeeze %dma_wait3A_163 : memref<1x64x128xf32, #tpu.memory_space<vmem>> -> memref<64x128xf32, #tpu.memory_space<vmem>>
        %dma_wait3A_165 = arith.constant 0 : i32
        %dma_wait3A_166 = tpu.memref_slice %arg6[%add3A_159, %dma_wait3A_165] : memref<40x64xi32, #tpu.memory_space<vmem>> -> memref<1x64xi32, #tpu.memory_space<vmem>>
        %dma_wait3A_167 = tpu.memref_squeeze %dma_wait3A_166 : memref<1x64xi32, #tpu.memory_space<vmem>> -> memref<64xi32, #tpu.memory_space<vmem>>
        %dma_wait3A_168 = arith.constant 0 : i32
        %dma_wait3A_169 = tpu.memref_slice %arg2[%dma_wait3A_168, %mul3A_2] : memref<10000x128xf32, #tpu.memory_space<hbm>> -> memref<10000x128xf32, #tpu.memory_space<hbm>>
        tpu.wait_indirect_dma semaphore(%arg10 : memref<!tpu.dma_semaphore, #tpu.memory_space<semaphore_mem>>) src(%dma_wait3A_169 : memref<10000x128xf32, #tpu.memory_space<hbm>>) dst(%dma_wait3A_164 : memref<64x128xf32, #tpu.memory_space<vmem>>)
        %dma_start3A_170 = arith.constant 1 : i32
        %dma_start3A_171 = arith.constant 0 : i32
        %dma_start3A_172 = arith.constant 0 : i32
        %dma_start3A_173 = tpu.memref_slice %arg8[%dma_start3A_170, %dma_start3A_171, %dma_start3A_172] : memref<4x64x128xf32, #tpu.memory_space<vmem>> -> memref<1x64x128xf32, #tpu.memory_space<vmem>>
        %dma_start3A_174 = tpu.memref_squeeze %dma_start3A_173 : memref<1x64x128xf32, #tpu.memory_space<vmem>> -> memref<64x128xf32, #tpu.memory_space<vmem>>
        %dma_start3A_175 = arith.constant 0 : i32
        %dma_start3A_176 = tpu.memref_slice %arg7[%add3A_159, %dma_start3A_175] : memref<40x64xi32, #tpu.memory_space<vmem>> -> memref<1x64xi32, #tpu.memory_space<vmem>>
        %dma_start3A_177 = tpu.memref_squeeze %dma_start3A_176 : memref<1x64xi32, #tpu.memory_space<vmem>> -> memref<64xi32, #tpu.memory_space<vmem>>
        %dma_start3A_178 = arith.constant 0 : i32
        %dma_start3A_179 = arith.constant 0 : i32
        %dma_start3A_180 = tpu.memref_slice %arg9[%dma_start3A_178, %dma_start3A_179] : memref<10128x128xf32, #tpu.memory_space<vmem_shared>> -> memref<10128x128xf32, #tpu.memory_space<vmem_shared>>
        tpu.enqueue_indirect_dma source(%dma_start3A_174 : memref<64x128xf32, #tpu.memory_space<vmem>>) target(%dma_start3A_180 : memref<10128x128xf32, #tpu.memory_space<vmem_shared>>) offsets(%dma_start3A_177 : memref<64xi32, #tpu.memory_space<vmem>>) semaphore(%arg11 : memref<!tpu.dma_semaphore, #tpu.memory_space<semaphore_mem>>) {add = true}
        %add3A_181 = arith.constant 4 : i32
        %add3A_182 = arith.addi %add3A_159, %add3A_181 : i32
        %sub3A_183 = arith.constant 1 : i32
        %sub3A_184 = arith.subi %add3A_182, %sub3A_183 : i32
        %lt3A_185 = arith.constant 40 : i32
        %lt3A_186 = arith.cmpi slt, %sub3A_184, %lt3A_185 : i32
        %ge3A_187 = arith.constant 1 : i32
        %ge3A_188 = arith.cmpi sge, %add3A_159, %ge3A_187 : i32
        %and3A_189 = arith.andi %lt3A_186, %ge3A_188 : i1
        %convert_element_type3A_190 = arith.extui %and3A_189 : i1 to i32
        %cond3A_191 = arith.constant 0 : i32
        %cond3A_192 = arith.cmpi ne, %convert_element_type3A_190, %cond3A_191 : i32
        scf.if %cond3A_192 {
          %dma_wait3A_278 = arith.constant 0 : i32
          %dma_wait3A_279 = arith.constant 0 : i32
          %dma_wait3A_280 = arith.constant 0 : i32
          %dma_wait3A_281 = tpu.memref_slice %arg8[%dma_wait3A_278, %dma_wait3A_279, %dma_wait3A_280] : memref<4x64x128xf32, #tpu.memory_space<vmem>> -> memref<1x64x128xf32, #tpu.memory_space<vmem>>
          %dma_wait3A_282 = tpu.memref_squeeze %dma_wait3A_281 : memref<1x64x128xf32, #tpu.memory_space<vmem>> -> memref<64x128xf32, #tpu.memory_space<vmem>>
          %dma_wait3A_283 = arith.constant 0 : i32
          %dma_wait3A_284 = tpu.memref_slice %arg7[%add3A_159, %dma_wait3A_283] : memref<40x64xi32, #tpu.memory_space<vmem>> -> memref<1x64xi32, #tpu.memory_space<vmem>>
          %dma_wait3A_285 = tpu.memref_squeeze %dma_wait3A_284 : memref<1x64xi32, #tpu.memory_space<vmem>> -> memref<64xi32, #tpu.memory_space<vmem>>
          %dma_wait3A_286 = arith.constant 0 : i32
          %dma_wait3A_287 = arith.constant 0 : i32
          %dma_wait3A_288 = tpu.memref_slice %arg9[%dma_wait3A_286, %dma_wait3A_287] : memref<10128x128xf32, #tpu.memory_space<vmem_shared>> -> memref<10128x128xf32, #tpu.memory_space<vmem_shared>>
          tpu.wait_indirect_dma semaphore(%arg11 : memref<!tpu.dma_semaphore, #tpu.memory_space<semaphore_mem>>) src(%dma_wait3A_282 : memref<64x128xf32, #tpu.memory_space<vmem>>) dst(%dma_wait3A_288 : memref<10128x128xf32, #tpu.memory_space<vmem_shared>>)
        } else {
        }
        %lt3A_193 = arith.constant 40 : i32
        %lt3A_194 = arith.cmpi slt, %sub3A_184, %lt3A_193 : i32
        %convert_element_type3A_195 = arith.extui %lt3A_194 : i1 to i32
        %cond3A_196 = arith.constant 0 : i32
        %cond3A_197 = arith.cmpi ne, %convert_element_type3A_195, %cond3A_196 : i32
        scf.if %cond3A_197 {
          %dma_start3A_278 = arith.constant 0 : i32
          %dma_start3A_279 = arith.constant 0 : i32
          %dma_start3A_280 = arith.constant 0 : i32
          %dma_start3A_281 = tpu.memref_slice %arg8[%dma_start3A_278, %dma_start3A_279, %dma_start3A_280] : memref<4x64x128xf32, #tpu.memory_space<vmem>> -> memref<1x64x128xf32, #tpu.memory_space<vmem>>
          %dma_start3A_282 = tpu.memref_squeeze %dma_start3A_281 : memref<1x64x128xf32, #tpu.memory_space<vmem>> -> memref<64x128xf32, #tpu.memory_space<vmem>>
          %dma_start3A_283 = arith.constant 0 : i32
          %dma_start3A_284 = tpu.memref_slice %arg6[%sub3A_184, %dma_start3A_283] : memref<40x64xi32, #tpu.memory_space<vmem>> -> memref<1x64xi32, #tpu.memory_space<vmem>>
          %dma_start3A_285 = tpu.memref_squeeze %dma_start3A_284 : memref<1x64xi32, #tpu.memory_space<vmem>> -> memref<64xi32, #tpu.memory_space<vmem>>
          %dma_start3A_286 = arith.constant 0 : i32
          %dma_start3A_287 = tpu.memref_slice %arg2[%dma_start3A_286, %mul3A_2] : memref<10000x128xf32, #tpu.memory_space<hbm>> -> memref<10000x128xf32, #tpu.memory_space<hbm>>
          tpu.enqueue_indirect_dma source(%dma_start3A_287 : memref<10000x128xf32, #tpu.memory_space<hbm>>) target(%dma_start3A_282 : memref<64x128xf32, #tpu.memory_space<vmem>>) offsets(%dma_start3A_285 : memref<64xi32, #tpu.memory_space<vmem>>) semaphore(%arg10 : memref<!tpu.dma_semaphore, #tpu.memory_space<semaphore_mem>>)
        } else {
        }
        %add3A_198 = arith.constant 2 : i32
        %add3A_199 = arith.addi %mul3A_120, %add3A_198 : i32
        %dma_wait3A_200 = arith.constant 2 : i32
        %dma_wait3A_201 = arith.constant 0 : i32
        %dma_wait3A_202 = arith.constant 0 : i32
        %dma_wait3A_203 = tpu.memref_slice %arg8[%dma_wait3A_200, %dma_wait3A_201, %dma_wait3A_202] : memref<4x64x128xf32, #tpu.memory_space<vmem>> -> memref<1x64x128xf32, #tpu.memory_space<vmem>>
        %dma_wait3A_204 = tpu.memref_squeeze %dma_wait3A_203 : memref<1x64x128xf32, #tpu.memory_space<vmem>> -> memref<64x128xf32, #tpu.memory_space<vmem>>
        %dma_wait3A_205 = arith.constant 0 : i32
        %dma_wait3A_206 = tpu.memref_slice %arg6[%add3A_199, %dma_wait3A_205] : memref<40x64xi32, #tpu.memory_space<vmem>> -> memref<1x64xi32, #tpu.memory_space<vmem>>
        %dma_wait3A_207 = tpu.memref_squeeze %dma_wait3A_206 : memref<1x64xi32, #tpu.memory_space<vmem>> -> memref<64xi32, #tpu.memory_space<vmem>>
        %dma_wait3A_208 = arith.constant 0 : i32
        %dma_wait3A_209 = tpu.memref_slice %arg2[%dma_wait3A_208, %mul3A_2] : memref<10000x128xf32, #tpu.memory_space<hbm>> -> memref<10000x128xf32, #tpu.memory_space<hbm>>
        tpu.wait_indirect_dma semaphore(%arg10 : memref<!tpu.dma_semaphore, #tpu.memory_space<semaphore_mem>>) src(%dma_wait3A_209 : memref<10000x128xf32, #tpu.memory_space<hbm>>) dst(%dma_wait3A_204 : memref<64x128xf32, #tpu.memory_space<vmem>>)
        %dma_start3A_210 = arith.constant 2 : i32
        %dma_start3A_211 = arith.constant 0 : i32
        %dma_start3A_212 = arith.constant 0 : i32
        %dma_start3A_213 = tpu.memref_slice %arg8[%dma_start3A_210, %dma_start3A_211, %dma_start3A_212] : memref<4x64x128xf32, #tpu.memory_space<vmem>> -> memref<1x64x128xf32, #tpu.memory_space<vmem>>
        %dma_start3A_214 = tpu.memref_squeeze %dma_start3A_213 : memref<1x64x128xf32, #tpu.memory_space<vmem>> -> memref<64x128xf32, #tpu.memory_space<vmem>>
        %dma_start3A_215 = arith.constant 0 : i32
        %dma_start3A_216 = tpu.memref_slice %arg7[%add3A_199, %dma_start3A_215] : memref<40x64xi32, #tpu.memory_space<vmem>> -> memref<1x64xi32, #tpu.memory_space<vmem>>
        %dma_start3A_217 = tpu.memref_squeeze %dma_start3A_216 : memref<1x64xi32, #tpu.memory_space<vmem>> -> memref<64xi32, #tpu.memory_space<vmem>>
        %dma_start3A_218 = arith.constant 0 : i32
        %dma_start3A_219 = arith.constant 0 : i32
        %dma_start3A_220 = tpu.memref_slice %arg9[%dma_start3A_218, %dma_start3A_219] : memref<10128x128xf32, #tpu.memory_space<vmem_shared>> -> memref<10128x128xf32, #tpu.memory_space<vmem_shared>>
        tpu.enqueue_indirect_dma source(%dma_start3A_214 : memref<64x128xf32, #tpu.memory_space<vmem>>) target(%dma_start3A_220 : memref<10128x128xf32, #tpu.memory_space<vmem_shared>>) offsets(%dma_start3A_217 : memref<64xi32, #tpu.memory_space<vmem>>) semaphore(%arg11 : memref<!tpu.dma_semaphore, #tpu.memory_space<semaphore_mem>>) {add = true}
        %add3A_221 = arith.constant 4 : i32
        %add3A_222 = arith.addi %add3A_199, %add3A_221 : i32
        %sub3A_223 = arith.constant 1 : i32
        %sub3A_224 = arith.subi %add3A_222, %sub3A_223 : i32
        %lt3A_225 = arith.constant 40 : i32
        %lt3A_226 = arith.cmpi slt, %sub3A_224, %lt3A_225 : i32
        %ge3A_227 = arith.constant 1 : i32
        %ge3A_228 = arith.cmpi sge, %add3A_199, %ge3A_227 : i32
        %and3A_229 = arith.andi %lt3A_226, %ge3A_228 : i1
        %convert_element_type3A_230 = arith.extui %and3A_229 : i1 to i32
        %cond3A_231 = arith.constant 0 : i32
        %cond3A_232 = arith.cmpi ne, %convert_element_type3A_230, %cond3A_231 : i32
        scf.if %cond3A_232 {
          %dma_wait3A_278 = arith.constant 1 : i32
          %dma_wait3A_279 = arith.constant 0 : i32
          %dma_wait3A_280 = arith.constant 0 : i32
          %dma_wait3A_281 = tpu.memref_slice %arg8[%dma_wait3A_278, %dma_wait3A_279, %dma_wait3A_280] : memref<4x64x128xf32, #tpu.memory_space<vmem>> -> memref<1x64x128xf32, #tpu.memory_space<vmem>>
          %dma_wait3A_282 = tpu.memref_squeeze %dma_wait3A_281 : memref<1x64x128xf32, #tpu.memory_space<vmem>> -> memref<64x128xf32, #tpu.memory_space<vmem>>
          %dma_wait3A_283 = arith.constant 0 : i32
          %dma_wait3A_284 = tpu.memref_slice %arg7[%add3A_199, %dma_wait3A_283] : memref<40x64xi32, #tpu.memory_space<vmem>> -> memref<1x64xi32, #tpu.memory_space<vmem>>
          %dma_wait3A_285 = tpu.memref_squeeze %dma_wait3A_284 : memref<1x64xi32, #tpu.memory_space<vmem>> -> memref<64xi32, #tpu.memory_space<vmem>>
          %dma_wait3A_286 = arith.constant 0 : i32
          %dma_wait3A_287 = arith.constant 0 : i32
          %dma_wait3A_288 = tpu.memref_slice %arg9[%dma_wait3A_286, %dma_wait3A_287] : memref<10128x128xf32, #tpu.memory_space<vmem_shared>> -> memref<10128x128xf32, #tpu.memory_space<vmem_shared>>
          tpu.wait_indirect_dma semaphore(%arg11 : memref<!tpu.dma_semaphore, #tpu.memory_space<semaphore_mem>>) src(%dma_wait3A_282 : memref<64x128xf32, #tpu.memory_space<vmem>>) dst(%dma_wait3A_288 : memref<10128x128xf32, #tpu.memory_space<vmem_shared>>)
        } else {
        }
        %lt3A_233 = arith.constant 40 : i32
        %lt3A_234 = arith.cmpi slt, %sub3A_224, %lt3A_233 : i32
        %convert_element_type3A_235 = arith.extui %lt3A_234 : i1 to i32
        %cond3A_236 = arith.constant 0 : i32
        %cond3A_237 = arith.cmpi ne, %convert_element_type3A_235, %cond3A_236 : i32
        scf.if %cond3A_237 {
          %dma_start3A_278 = arith.constant 1 : i32
          %dma_start3A_279 = arith.constant 0 : i32
          %dma_start3A_280 = arith.constant 0 : i32
          %dma_start3A_281 = tpu.memref_slice %arg8[%dma_start3A_278, %dma_start3A_279, %dma_start3A_280] : memref<4x64x128xf32, #tpu.memory_space<vmem>> -> memref<1x64x128xf32, #tpu.memory_space<vmem>>
          %dma_start3A_282 = tpu.memref_squeeze %dma_start3A_281 : memref<1x64x128xf32, #tpu.memory_space<vmem>> -> memref<64x128xf32, #tpu.memory_space<vmem>>
          %dma_start3A_283 = arith.constant 0 : i32
          %dma_start3A_284 = tpu.memref_slice %arg6[%sub3A_224, %dma_start3A_283] : memref<40x64xi32, #tpu.memory_space<vmem>> -> memref<1x64xi32, #tpu.memory_space<vmem>>
          %dma_start3A_285 = tpu.memref_squeeze %dma_start3A_284 : memref<1x64xi32, #tpu.memory_space<vmem>> -> memref<64xi32, #tpu.memory_space<vmem>>
          %dma_start3A_286 = arith.constant 0 : i32
          %dma_start3A_287 = tpu.memref_slice %arg2[%dma_start3A_286, %mul3A_2] : memref<10000x128xf32, #tpu.memory_space<hbm>> -> memref<10000x128xf32, #tpu.memory_space<hbm>>
          tpu.enqueue_indirect_dma source(%dma_start3A_287 : memref<10000x128xf32, #tpu.memory_space<hbm>>) target(%dma_start3A_282 : memref<64x128xf32, #tpu.memory_space<vmem>>) offsets(%dma_start3A_285 : memref<64xi32, #tpu.memory_space<vmem>>) semaphore(%arg10 : memref<!tpu.dma_semaphore, #tpu.memory_space<semaphore_mem>>)
        } else {
        }
        %add3A_238 = arith.constant 3 : i32
        %add3A_239 = arith.addi %mul3A_120, %add3A_238 : i32
        %dma_wait3A_240 = arith.constant 3 : i32
        %dma_wait3A_241 = arith.constant 0 : i32
        %dma_wait3A_242 = arith.constant 0 : i32
        %dma_wait3A_243 = tpu.memref_slice %arg8[%dma_wait3A_240, %dma_wait3A_241, %dma_wait3A_242] : memref<4x64x128xf32, #tpu.memory_space<vmem>> -> memref<1x64x128xf32, #tpu.memory_space<vmem>>
        %dma_wait3A_244 = tpu.memref_squeeze %dma_wait3A_243 : memref<1x64x128xf32, #tpu.memory_space<vmem>> -> memref<64x128xf32, #tpu.memory_space<vmem>>
        %dma_wait3A_245 = arith.constant 0 : i32
        %dma_wait3A_246 = tpu.memref_slice %arg6[%add3A_239, %dma_wait3A_245] : memref<40x64xi32, #tpu.memory_space<vmem>> -> memref<1x64xi32, #tpu.memory_space<vmem>>
        %dma_wait3A_247 = tpu.memref_squeeze %dma_wait3A_246 : memref<1x64xi32, #tpu.memory_space<vmem>> -> memref<64xi32, #tpu.memory_space<vmem>>
        %dma_wait3A_248 = arith.constant 0 : i32
        %dma_wait3A_249 = tpu.memref_slice %arg2[%dma_wait3A_248, %mul3A_2] : memref<10000x128xf32, #tpu.memory_space<hbm>> -> memref<10000x128xf32, #tpu.memory_space<hbm>>
        tpu.wait_indirect_dma semaphore(%arg10 : memref<!tpu.dma_semaphore, #tpu.memory_space<semaphore_mem>>) src(%dma_wait3A_249 : memref<10000x128xf32, #tpu.memory_space<hbm>>) dst(%dma_wait3A_244 : memref<64x128xf32, #tpu.memory_space<vmem>>)
        %dma_start3A_250 = arith.constant 3 : i32
        %dma_start3A_251 = arith.constant 0 : i32
        %dma_start3A_252 = arith.constant 0 : i32
        %dma_start3A_253 = tpu.memref_slice %arg8[%dma_start3A_250, %dma_start3A_251, %dma_start3A_252] : memref<4x64x128xf32, #tpu.memory_space<vmem>> -> memref<1x64x128xf32, #tpu.memory_space<vmem>>
        %dma_start3A_254 = tpu.memref_squeeze %dma_start3A_253 : memref<1x64x128xf32, #tpu.memory_space<vmem>> -> memref<64x128xf32, #tpu.memory_space<vmem>>
        %dma_start3A_255 = arith.constant 0 : i32
        %dma_start3A_256 = tpu.memref_slice %arg7[%add3A_239, %dma_start3A_255] : memref<40x64xi32, #tpu.memory_space<vmem>> -> memref<1x64xi32, #tpu.memory_space<vmem>>
        %dma_start3A_257 = tpu.memref_squeeze %dma_start3A_256 : memref<1x64xi32, #tpu.memory_space<vmem>> -> memref<64xi32, #tpu.memory_space<vmem>>
        %dma_start3A_258 = arith.constant 0 : i32
        %dma_start3A_259 = arith.constant 0 : i32
        %dma_start3A_260 = tpu.memref_slice %arg9[%dma_start3A_258, %dma_start3A_259] : memref<10128x128xf32, #tpu.memory_space<vmem_shared>> -> memref<10128x128xf32, #tpu.memory_space<vmem_shared>>
        tpu.enqueue_indirect_dma source(%dma_start3A_254 : memref<64x128xf32, #tpu.memory_space<vmem>>) target(%dma_start3A_260 : memref<10128x128xf32, #tpu.memory_space<vmem_shared>>) offsets(%dma_start3A_257 : memref<64xi32, #tpu.memory_space<vmem>>) semaphore(%arg11 : memref<!tpu.dma_semaphore, #tpu.memory_space<semaphore_mem>>) {add = true}
        %add3A_261 = arith.constant 4 : i32
        %add3A_262 = arith.addi %add3A_239, %add3A_261 : i32
        %sub3A_263 = arith.constant 1 : i32
        %sub3A_264 = arith.subi %add3A_262, %sub3A_263 : i32
        %lt3A_265 = arith.constant 40 : i32
        %lt3A_266 = arith.cmpi slt, %sub3A_264, %lt3A_265 : i32
        %ge3A_267 = arith.constant 1 : i32
        %ge3A_268 = arith.cmpi sge, %add3A_239, %ge3A_267 : i32
        %and3A_269 = arith.andi %lt3A_266, %ge3A_268 : i1
        %convert_element_type3A_270 = arith.extui %and3A_269 : i1 to i32
        %cond3A_271 = arith.constant 0 : i32
        %cond3A_272 = arith.cmpi ne, %convert_element_type3A_270, %cond3A_271 : i32
        scf.if %cond3A_272 {
          %dma_wait3A_278 = arith.constant 2 : i32
          %dma_wait3A_279 = arith.constant 0 : i32
          %dma_wait3A_280 = arith.constant 0 : i32
          %dma_wait3A_281 = tpu.memref_slice %arg8[%dma_wait3A_278, %dma_wait3A_279, %dma_wait3A_280] : memref<4x64x128xf32, #tpu.memory_space<vmem>> -> memref<1x64x128xf32, #tpu.memory_space<vmem>>
          %dma_wait3A_282 = tpu.memref_squeeze %dma_wait3A_281 : memref<1x64x128xf32, #tpu.memory_space<vmem>> -> memref<64x128xf32, #tpu.memory_space<vmem>>
          %dma_wait3A_283 = arith.constant 0 : i32
          %dma_wait3A_284 = tpu.memref_slice %arg7[%add3A_239, %dma_wait3A_283] : memref<40x64xi32, #tpu.memory_space<vmem>> -> memref<1x64xi32, #tpu.memory_space<vmem>>
          %dma_wait3A_285 = tpu.memref_squeeze %dma_wait3A_284 : memref<1x64xi32, #tpu.memory_space<vmem>> -> memref<64xi32, #tpu.memory_space<vmem>>
          %dma_wait3A_286 = arith.constant 0 : i32
          %dma_wait3A_287 = arith.constant 0 : i32
          %dma_wait3A_288 = tpu.memref_slice %arg9[%dma_wait3A_286, %dma_wait3A_287] : memref<10128x128xf32, #tpu.memory_space<vmem_shared>> -> memref<10128x128xf32, #tpu.memory_space<vmem_shared>>
          tpu.wait_indirect_dma semaphore(%arg11 : memref<!tpu.dma_semaphore, #tpu.memory_space<semaphore_mem>>) src(%dma_wait3A_282 : memref<64x128xf32, #tpu.memory_space<vmem>>) dst(%dma_wait3A_288 : memref<10128x128xf32, #tpu.memory_space<vmem_shared>>)
        } else {
        }
        %lt3A_273 = arith.constant 40 : i32
        %lt3A_274 = arith.cmpi slt, %sub3A_264, %lt3A_273 : i32
        %convert_element_type3A_275 = arith.extui %lt3A_274 : i1 to i32
        %cond3A_276 = arith.constant 0 : i32
        %cond3A_277 = arith.cmpi ne, %convert_element_type3A_275, %cond3A_276 : i32
        scf.if %cond3A_277 {
          %dma_start3A_278 = arith.constant 2 : i32
          %dma_start3A_279 = arith.constant 0 : i32
          %dma_start3A_280 = arith.constant 0 : i32
          %dma_start3A_281 = tpu.memref_slice %arg8[%dma_start3A_278, %dma_start3A_279, %dma_start3A_280] : memref<4x64x128xf32, #tpu.memory_space<vmem>> -> memref<1x64x128xf32, #tpu.memory_space<vmem>>
          %dma_start3A_282 = tpu.memref_squeeze %dma_start3A_281 : memref<1x64x128xf32, #tpu.memory_space<vmem>> -> memref<64x128xf32, #tpu.memory_space<vmem>>
          %dma_start3A_283 = arith.constant 0 : i32
          %dma_start3A_284 = tpu.memref_slice %arg6[%sub3A_264, %dma_start3A_283] : memref<40x64xi32, #tpu.memory_space<vmem>> -> memref<1x64xi32, #tpu.memory_space<vmem>>
          %dma_start3A_285 = tpu.memref_squeeze %dma_start3A_284 : memref<1x64xi32, #tpu.memory_space<vmem>> -> memref<64xi32, #tpu.memory_space<vmem>>
          %dma_start3A_286 = arith.constant 0 : i32
          %dma_start3A_287 = tpu.memref_slice %arg2[%dma_start3A_286, %mul3A_2] : memref<10000x128xf32, #tpu.memory_space<hbm>> -> memref<10000x128xf32, #tpu.memory_space<hbm>>
          tpu.enqueue_indirect_dma source(%dma_start3A_287 : memref<10000x128xf32, #tpu.memory_space<hbm>>) target(%dma_start3A_282 : memref<64x128xf32, #tpu.memory_space<vmem>>) offsets(%dma_start3A_285 : memref<64xi32, #tpu.memory_space<vmem>>) semaphore(%arg10 : memref<!tpu.dma_semaphore, #tpu.memory_space<semaphore_mem>>)
        } else {
        }
      }
      %scan3A_70 = arith.constant 10 : i32
      %dma_wait3A = arith.constant 0 : i32
      %dma_wait3A_71 = arith.constant 0 : i32
      %dma_wait3A_72 = arith.constant 0 : i32
      %dma_wait3A_73 = arith.constant 0 : i32
      %dma_wait3A_74 = tpu.memref_slice %arg8[%dma_wait3A, %dma_wait3A_72, %dma_wait3A_73] : memref<4x64x128xf32, #tpu.memory_space<vmem>> -> memref<1x64x128xf32, #tpu.memory_space<vmem>>
      %dma_wait3A_75 = tpu.memref_squeeze %dma_wait3A_74 : memref<1x64x128xf32, #tpu.memory_space<vmem>> -> memref<64x128xf32, #tpu.memory_space<vmem>>
      %dma_wait3A_76 = arith.constant 0 : i32
      %dma_wait3A_77 = tpu.memref_slice %arg7[%dma_wait3A_71, %dma_wait3A_76] : memref<40x64xi32, #tpu.memory_space<vmem>> -> memref<1x64xi32, #tpu.memory_space<vmem>>
      %dma_wait3A_78 = tpu.memref_squeeze %dma_wait3A_77 : memref<1x64xi32, #tpu.memory_space<vmem>> -> memref<64xi32, #tpu.memory_space<vmem>>
      %dma_wait3A_79 = arith.constant 0 : i32
      %dma_wait3A_80 = arith.constant 0 : i32
      %dma_wait3A_81 = tpu.memref_slice %arg9[%dma_wait3A_79, %dma_wait3A_80] : memref<10128x128xf32, #tpu.memory_space<vmem_shared>> -> memref<10128x128xf32, #tpu.memory_space<vmem_shared>>
      tpu.wait_indirect_dma semaphore(%arg11 : memref<!tpu.dma_semaphore, #tpu.memory_space<semaphore_mem>>) src(%dma_wait3A_75 : memref<64x128xf32, #tpu.memory_space<vmem>>) dst(%dma_wait3A_81 : memref<10128x128xf32, #tpu.memory_space<vmem_shared>>)
      %dma_wait3A_82 = arith.constant 1 : i32
      %dma_wait3A_83 = arith.constant 0 : i32
      %dma_wait3A_84 = arith.constant 0 : i32
      %dma_wait3A_85 = arith.constant 0 : i32
      %dma_wait3A_86 = tpu.memref_slice %arg8[%dma_wait3A_82, %dma_wait3A_84, %dma_wait3A_85] : memref<4x64x128xf32, #tpu.memory_space<vmem>> -> memref<1x64x128xf32, #tpu.memory_space<vmem>>
      %dma_wait3A_87 = tpu.memref_squeeze %dma_wait3A_86 : memref<1x64x128xf32, #tpu.memory_space<vmem>> -> memref<64x128xf32, #tpu.memory_space<vmem>>
      %dma_wait3A_88 = arith.constant 0 : i32
      %dma_wait3A_89 = tpu.memref_slice %arg7[%dma_wait3A_83, %dma_wait3A_88] : memref<40x64xi32, #tpu.memory_space<vmem>> -> memref<1x64xi32, #tpu.memory_space<vmem>>
      %dma_wait3A_90 = tpu.memref_squeeze %dma_wait3A_89 : memref<1x64xi32, #tpu.memory_space<vmem>> -> memref<64xi32, #tpu.memory_space<vmem>>
      %dma_wait3A_91 = arith.constant 0 : i32
      %dma_wait3A_92 = arith.constant 0 : i32
      %dma_wait3A_93 = tpu.memref_slice %arg9[%dma_wait3A_91, %dma_wait3A_92] : memref<10128x128xf32, #tpu.memory_space<vmem_shared>> -> memref<10128x128xf32, #tpu.memory_space<vmem_shared>>
      tpu.wait_indirect_dma semaphore(%arg11 : memref<!tpu.dma_semaphore, #tpu.memory_space<semaphore_mem>>) src(%dma_wait3A_87 : memref<64x128xf32, #tpu.memory_space<vmem>>) dst(%dma_wait3A_93 : memref<10128x128xf32, #tpu.memory_space<vmem_shared>>)
      %dma_wait3A_94 = arith.constant 2 : i32
      %dma_wait3A_95 = arith.constant 0 : i32
      %dma_wait3A_96 = arith.constant 0 : i32
      %dma_wait3A_97 = arith.constant 0 : i32
      %dma_wait3A_98 = tpu.memref_slice %arg8[%dma_wait3A_94, %dma_wait3A_96, %dma_wait3A_97] : memref<4x64x128xf32, #tpu.memory_space<vmem>> -> memref<1x64x128xf32, #tpu.memory_space<vmem>>
      %dma_wait3A_99 = tpu.memref_squeeze %dma_wait3A_98 : memref<1x64x128xf32, #tpu.memory_space<vmem>> -> memref<64x128xf32, #tpu.memory_space<vmem>>
      %dma_wait3A_100 = arith.constant 0 : i32
      %dma_wait3A_101 = tpu.memref_slice %arg7[%dma_wait3A_95, %dma_wait3A_100] : memref<40x64xi32, #tpu.memory_space<vmem>> -> memref<1x64xi32, #tpu.memory_space<vmem>>
      %dma_wait3A_102 = tpu.memref_squeeze %dma_wait3A_101 : memref<1x64xi32, #tpu.memory_space<vmem>> -> memref<64xi32, #tpu.memory_space<vmem>>
      %dma_wait3A_103 = arith.constant 0 : i32
      %dma_wait3A_104 = arith.constant 0 : i32
      %dma_wait3A_105 = tpu.memref_slice %arg9[%dma_wait3A_103, %dma_wait3A_104] : memref<10128x128xf32, #tpu.memory_space<vmem_shared>> -> memref<10128x128xf32, #tpu.memory_space<vmem_shared>>
      tpu.wait_indirect_dma semaphore(%arg11 : memref<!tpu.dma_semaphore, #tpu.memory_space<semaphore_mem>>) src(%dma_wait3A_99 : memref<64x128xf32, #tpu.memory_space<vmem>>) dst(%dma_wait3A_105 : memref<10128x128xf32, #tpu.memory_space<vmem_shared>>)
      %dma_wait3A_106 = arith.constant 3 : i32
      %dma_wait3A_107 = arith.constant 0 : i32
      %dma_wait3A_108 = arith.constant 0 : i32
      %dma_wait3A_109 = arith.constant 0 : i32
      %dma_wait3A_110 = tpu.memref_slice %arg8[%dma_wait3A_106, %dma_wait3A_108, %dma_wait3A_109] : memref<4x64x128xf32, #tpu.memory_space<vmem>> -> memref<1x64x128xf32, #tpu.memory_space<vmem>>
      %dma_wait3A_111 = tpu.memref_squeeze %dma_wait3A_110 : memref<1x64x128xf32, #tpu.memory_space<vmem>> -> memref<64x128xf32, #tpu.memory_space<vmem>>
      %dma_wait3A_112 = arith.constant 0 : i32
      %dma_wait3A_113 = tpu.memref_slice %arg7[%dma_wait3A_107, %dma_wait3A_112] : memref<40x64xi32, #tpu.memory_space<vmem>> -> memref<1x64xi32, #tpu.memory_space<vmem>>
      %dma_wait3A_114 = tpu.memref_squeeze %dma_wait3A_113 : memref<1x64xi32, #tpu.memory_space<vmem>> -> memref<64xi32, #tpu.memory_space<vmem>>
      %dma_wait3A_115 = arith.constant 0 : i32
      %dma_wait3A_116 = arith.constant 0 : i32
      %dma_wait3A_117 = tpu.memref_slice %arg9[%dma_wait3A_115, %dma_wait3A_116] : memref<10128x128xf32, #tpu.memory_space<vmem_shared>> -> memref<10128x128xf32, #tpu.memory_space<vmem_shared>>
      tpu.wait_indirect_dma semaphore(%arg11 : memref<!tpu.dma_semaphore, #tpu.memory_space<semaphore_mem>>) src(%dma_wait3A_111 : memref<64x128xf32, #tpu.memory_space<vmem>>) dst(%dma_wait3A_117 : memref<10128x128xf32, #tpu.memory_space<vmem_shared>>)
    }
    %scan3A_13 = arith.constant 4 : i32
    %barrier3A_14 = arith.constant 0 : index
    tpu.barrier barrier_id(%barrier3A_14)
    %lt3A_15 = arith.constant 15 : i32
    %lt3A_16 = arith.cmpi slt, %arg1, %lt3A_15 : i32
    %convert_element_type3A_17 = arith.extui %lt3A_16 : i1 to i32
    %cond3A_18 = arith.constant 0 : i32
    %cond3A_19 = arith.cmpi ne, %convert_element_type3A_17, %cond3A_18 : i32
    scf.if %cond3A_19 {
      "tpu.region"() ({
        %run_scoped3A = tpu.sem_alloc : memref<!tpu.dma_semaphore, #tpu.memory_space<semaphore_mem>>
        %dma_start3A = arith.constant 0 : i32
        %dma_start3A_25 = tpu.memref_slice %arg5[%arg0, %mul3A_0, %dma_start3A] : memref<2x10000x128xf32, #tpu.memory_space<hbm>> -> memref<1x632x128xf32, #tpu.memory_space<hbm>>
        %dma_start3A_26 = tpu.memref_squeeze %dma_start3A_25 : memref<1x632x128xf32, #tpu.memory_space<hbm>> -> memref<632x128xf32, #tpu.memory_space<hbm>>
        %dma_start3A_27 = arith.constant 0 : i32
        %dma_start3A_28 = tpu.memref_slice %arg9[%mul3A_0, %dma_start3A_27] : memref<10128x128xf32, #tpu.memory_space<vmem_shared>> -> memref<632x128xf32, #tpu.memory_space<vmem_shared>>
        tpu.enqueue_dma source(%dma_start3A_28 : memref<632x128xf32, #tpu.memory_space<vmem_shared>>) target(%dma_start3A_26 : memref<632x128xf32, #tpu.memory_space<hbm>>) target_semaphore(%run_scoped3A : memref<!tpu.dma_semaphore, #tpu.memory_space<semaphore_mem>>)
        %dma_wait3A = arith.constant 0 : i32
        %dma_wait3A_29 = tpu.memref_slice %arg5[%arg0, %mul3A_0, %dma_wait3A] : memref<2x10000x128xf32, #tpu.memory_space<hbm>> -> memref<1x632x128xf32, #tpu.memory_space<hbm>>
        %dma_wait3A_30 = tpu.memref_squeeze %dma_wait3A_29 : memref<1x632x128xf32, #tpu.memory_space<hbm>> -> memref<632x128xf32, #tpu.memory_space<hbm>>
        %dma_wait3A_31 = arith.constant 0 : i32
        %dma_wait3A_32 = tpu.memref_slice %arg9[%mul3A_0, %dma_wait3A_31] : memref<10128x128xf32, #tpu.memory_space<vmem_shared>> -> memref<632x128xf32, #tpu.memory_space<vmem_shared>>
        tpu.wait_dma2 semaphore(%run_scoped3A : memref<!tpu.dma_semaphore, #tpu.memory_space<semaphore_mem>>) src(%dma_wait3A_32 : memref<632x128xf32, #tpu.memory_space<vmem_shared>>) dst(%dma_wait3A_30 : memref<632x128xf32, #tpu.memory_space<hbm>>)
        tpu.yield
      }) : () -> ()
    } else {
    }
    %eq3A_20 = arith.constant 15 : i32
    %eq3A_21 = arith.cmpi eq, %arg1, %eq3A_20 : i32
    %convert_element_type3A_22 = arith.extui %eq3A_21 : i1 to i32
    %cond3A_23 = arith.constant 0 : i32
    %cond3A_24 = arith.cmpi ne, %convert_element_type3A_22, %cond3A_23 : i32
    scf.if %cond3A_24 {
      "tpu.region"() ({
        %run_scoped3A = tpu.sem_alloc : memref<!tpu.dma_semaphore, #tpu.memory_space<semaphore_mem>>
        %dma_start3A = arith.constant 9480 : i32
        %dma_start3A_25 = arith.constant 0 : i32
        %dma_start3A_26 = tpu.memref_slice %arg5[%arg0, %dma_start3A, %dma_start3A_25] : memref<2x10000x128xf32, #tpu.memory_space<hbm>> -> memref<1x520x128xf32, #tpu.memory_space<hbm>>
        %dma_start3A_27 = tpu.memref_squeeze %dma_start3A_26 : memref<1x520x128xf32, #tpu.memory_space<hbm>> -> memref<520x128xf32, #tpu.memory_space<hbm>>
        %dma_start3A_28 = arith.constant 9480 : i32
        %dma_start3A_29 = arith.constant 0 : i32
        %dma_start3A_30 = tpu.memref_slice %arg9[%dma_start3A_28, %dma_start3A_29] : memref<10128x128xf32, #tpu.memory_space<vmem_shared>> -> memref<520x128xf32, #tpu.memory_space<vmem_shared>>
        tpu.enqueue_dma source(%dma_start3A_30 : memref<520x128xf32, #tpu.memory_space<vmem_shared>>) target(%dma_start3A_27 : memref<520x128xf32, #tpu.memory_space<hbm>>) target_semaphore(%run_scoped3A : memref<!tpu.dma_semaphore, #tpu.memory_space<semaphore_mem>>)
        %dma_wait3A = arith.constant 9480 : i32
        %dma_wait3A_31 = arith.constant 0 : i32
        %dma_wait3A_32 = tpu.memref_slice %arg5[%arg0, %dma_wait3A, %dma_wait3A_31] : memref<2x10000x128xf32, #tpu.memory_space<hbm>> -> memref<1x520x128xf32, #tpu.memory_space<hbm>>
        %dma_wait3A_33 = tpu.memref_squeeze %dma_wait3A_32 : memref<1x520x128xf32, #tpu.memory_space<hbm>> -> memref<520x128xf32, #tpu.memory_space<hbm>>
        %dma_wait3A_34 = arith.constant 9480 : i32
        %dma_wait3A_35 = arith.constant 0 : i32
        %dma_wait3A_36 = tpu.memref_slice %arg9[%dma_wait3A_34, %dma_wait3A_35] : memref<10128x128xf32, #tpu.memory_space<vmem_shared>> -> memref<520x128xf32, #tpu.memory_space<vmem_shared>>
        tpu.wait_dma2 semaphore(%run_scoped3A : memref<!tpu.dma_semaphore, #tpu.memory_space<semaphore_mem>>) src(%dma_wait3A_36 : memref<520x128xf32, #tpu.memory_space<vmem_shared>>) dst(%dma_wait3A_33 : memref<520x128xf32, #tpu.memory_space<hbm>>)
        tpu.yield
      }) : () -> ()
    } else {
    }
    return
  }
}

module attributes {stable_mosaic.version = 14 : i64} {
  func.func @body(%arg0: i32, %arg1: memref<2x1000x128xf32, #tpu.memory_space<vmem>>, %arg2: memref<1000x128xf32, #tpu.memory_space<vmem>>, %arg3: memref<1x1x1000xi32, #tpu.memory_space<vmem>>, %arg4: memref<128x256xf32, #tpu.memory_space<vmem>>, %arg5: memref<1x256xf32, #tpu.memory_space<vmem>>, %arg6: memref<256x256xf32, #tpu.memory_space<vmem>>, %arg7: memref<1x256xf32, #tpu.memory_space<vmem>>, %arg8: memref<1000x256xf32, #tpu.memory_space<vmem>>, %arg9: memref<64x256xf32, #tpu.memory_space<vmem>>) attributes {dimension_semantics = [#tpu.dimension_semantics<arbitrary>], iteration_bounds = array<i64: 10>, scalar_prefetch = 0 : i64, scratch_operands = 0 : i64, tpu.core_type = #tpu.core_type<tc>, window_params = [{transform_indices = @transform_0, window_bounds = array<i64: 2, 1000, 128>}, {transform_indices = @transform_1, window_bounds = array<i64: 1000, 128>}, {transform_indices = @transform_2, window_bounds = array<i64: 1, 1, 1000>}, {pipeline_mode = #tpu.pipeline_mode<synchronous>, transform_indices = @transform_3, window_bounds = array<i64: 128, 256>}, {pipeline_mode = #tpu.pipeline_mode<synchronous>, transform_indices = @transform_4, window_bounds = array<i64: 1, 256>}, {pipeline_mode = #tpu.pipeline_mode<synchronous>, transform_indices = @transform_5, window_bounds = array<i64: 256, 256>}, {pipeline_mode = #tpu.pipeline_mode<synchronous>, transform_indices = @transform_6, window_bounds = array<i64: 1, 256>}, {transform_indices = @transform_7, window_bounds = array<i64: 1000, 256>}, {pipeline_mode = #tpu.pipeline_mode<synchronous>, transform_indices = @transform_8, window_bounds = array<i64: 64, 256>}]} {
    %get3A = arith.constant 0 : index
    %get3A_0 = arith.constant 0 : index
    %get3A_1 = arith.constant 0 : index
    %get3A_2 = vector.load %arg1[%get3A, %get3A_0, %get3A_1] : memref<2x1000x128xf32, #tpu.memory_space<vmem>>, vector<1x1000x128xf32>
    %get3A_3 = vector.shape_cast %get3A_2 : vector<1x1000x128xf32> to vector<1000x128xf32>
    %get3A_4 = arith.constant 1 : index
    %get3A_5 = arith.constant 0 : index
    %get3A_6 = arith.constant 0 : index
    %get3A_7 = vector.load %arg1[%get3A_4, %get3A_5, %get3A_6] : memref<2x1000x128xf32, #tpu.memory_space<vmem>>, vector<1x1000x128xf32>
    %get3A_8 = vector.shape_cast %get3A_7 : vector<1x1000x128xf32> to vector<1000x128xf32>
    %add3A = arith.addf %get3A_3, %get3A_8 : vector<1000x128xf32>
    %get3A_9 = arith.constant 0 : index
    %get3A_10 = arith.constant 0 : index
    %get3A_11 = vector.load %arg2[%get3A_9, %get3A_10] : memref<1000x128xf32, #tpu.memory_space<vmem>>, vector<1000x128xf32>
    %sub3A = arith.subf %add3A, %get3A_11 : vector<1000x128xf32>
    %get3A_12 = arith.constant 0 : index
    %get3A_13 = arith.constant 0 : index
    %get3A_14 = vector.load %arg4[%get3A_12, %get3A_13] : memref<128x256xf32, #tpu.memory_space<vmem>>, vector<128x256xf32>
    %dot_general3A = arith.constant dense<0.000000e+00> : vector<1000x256xf32>
    %dot_general3A_15 = tpu.matmul %sub3A, %get3A_14, %dot_general3A {dimension_numbers = #tpu.dot_dimension_numbers<[1], [0], [0], [1], [0, 0, 1, 1], [], []>, transpose_lhs_hint = false} : vector<1000x128xf32>, vector<128x256xf32>, vector<1000x256xf32> -> vector<1000x256xf32>
    %get3A_16 = arith.constant 0 : index
    %get3A_17 = arith.constant 0 : index
    %get3A_18 = vector.load %arg5[%get3A_16, %get3A_17] : memref<1x256xf32, #tpu.memory_space<vmem>>, vector<1x256xf32>
    %add3A_19 = vector.broadcast %get3A_18 : vector<1x256xf32> to vector<1000x256xf32>
    %add3A_20 = arith.addf %dot_general3A_15, %add3A_19 : vector<1000x256xf32>
    %max3A = arith.constant 0.000000e+00 : f32
    %max3A_21 = vector.broadcast %max3A : f32 to vector<1000x256xf32>
    %max3A_22 = arith.maximumf %add3A_20, %max3A_21 : vector<1000x256xf32>
    %get3A_23 = arith.constant 0 : index
    %get3A_24 = arith.constant 0 : index
    %get3A_25 = vector.load %arg6[%get3A_23, %get3A_24] : memref<256x256xf32, #tpu.memory_space<vmem>>, vector<256x256xf32>
    %dot_general3A_26 = arith.constant dense<0.000000e+00> : vector<1000x256xf32>
    %dot_general3A_27 = tpu.matmul %max3A_22, %get3A_25, %dot_general3A_26 {dimension_numbers = #tpu.dot_dimension_numbers<[1], [0], [0], [1], [0, 0, 1, 1], [], []>, transpose_lhs_hint = false} : vector<1000x256xf32>, vector<256x256xf32>, vector<1000x256xf32> -> vector<1000x256xf32>
    %get3A_28 = arith.constant 0 : index
    %get3A_29 = arith.constant 0 : index
    %get3A_30 = vector.load %arg7[%get3A_28, %get3A_29] : memref<1x256xf32, #tpu.memory_space<vmem>>, vector<1x256xf32>
    %add3A_31 = vector.broadcast %get3A_30 : vector<1x256xf32> to vector<1000x256xf32>
    %add3A_32 = arith.addf %dot_general3A_27, %add3A_31 : vector<1000x256xf32>
    %max3A_33 = arith.constant 0.000000e+00 : f32
    %max3A_34 = vector.broadcast %max3A_33 : f32 to vector<1000x256xf32>
    %max3A_35 = arith.maximumf %add3A_32, %max3A_34 : vector<1000x256xf32>
    %swap3A = arith.constant 0 : index
    %swap3A_36 = arith.constant 0 : index
    %swap3A_37 = vector.load %arg8[%swap3A, %swap3A_36] : memref<1000x256xf32, #tpu.memory_space<vmem>>, vector<1000x256xf32>
    tpu.vector_store %arg8[%swap3A, %swap3A_36], %max3A_35 {strides = array<i32>} : memref<1000x256xf32, #tpu.memory_space<vmem>>, vector<1000x256xf32>,
    %iota3A = tpu.iota {dimensions = array<i32: 0>} : vector<64x1000xi32>
    %get3A_38 = arith.constant 0 : index
    %get3A_39 = arith.constant 0 : index
    %get3A_40 = arith.constant 0 : index
    %get3A_41 = vector.load %arg3[%get3A_38, %get3A_39, %get3A_40] : memref<1x1x1000xi32, #tpu.memory_space<vmem>>, vector<1x1x1000xi32>
    %get3A_42 = vector.shape_cast %get3A_41 : vector<1x1x1000xi32> to vector<1x1000xi32>
    %eq3A = vector.broadcast %get3A_42 : vector<1x1000xi32> to vector<64x1000xi32>
    %eq3A_43 = arith.cmpi eq, %eq3A, %iota3A : vector<64x1000xi32>
    %convert_element_type3A = arith.extui %eq3A_43 : vector<64x1000xi1> to vector<64x1000xi32>
    %convert_element_type3A_44 = arith.sitofp %convert_element_type3A : vector<64x1000xi32> to vector<64x1000xf32>
    %dot_general3A_45 = arith.constant dense<0.000000e+00> : vector<64x256xf32>
    %dot_general3A_46 = tpu.matmul %convert_element_type3A_44, %max3A_35, %dot_general3A_45 {dimension_numbers = #tpu.dot_dimension_numbers<[1], [0], [0], [1], [0, 0, 1, 1], [], []>, transpose_lhs_hint = false} : vector<64x1000xf32>, vector<1000x256xf32>, vector<64x256xf32> -> vector<64x256xf32>
    %eq3A_47 = arith.constant 0 : i32
    %eq3A_48 = arith.cmpi eq, %arg0, %eq3A_47 : i32
    %convert_element_type3A_49 = arith.extui %eq3A_48 : i1 to i32
    %cond3A = arith.constant 0 : i32
    %cond3A_50 = arith.cmpi ne, %convert_element_type3A_49, %cond3A : i32
    scf.if %cond3A_50 {
      %broadcast_in_dim3A = arith.constant 0.000000e+00 : f32
      %broadcast_in_dim3A_58 = vector.broadcast %broadcast_in_dim3A : f32 to vector<64x256xf32>
      %swap3A_59 = arith.constant 0 : index
      %swap3A_60 = arith.constant 0 : index
      %swap3A_61 = vector.load %arg9[%swap3A_59, %swap3A_60] : memref<64x256xf32, #tpu.memory_space<vmem>>, vector<64x256xf32>
      tpu.vector_store %arg9[%swap3A_59, %swap3A_60], %broadcast_in_dim3A_58 {strides = array<i32>} : memref<64x256xf32, #tpu.memory_space<vmem>>, vector<64x256xf32>,
    } else {
    }
    %get3A_51 = arith.constant 0 : index
    %get3A_52 = arith.constant 0 : index
    %get3A_53 = vector.load %arg9[%get3A_51, %get3A_52] : memref<64x256xf32, #tpu.memory_space<vmem>>, vector<64x256xf32>
    %add3A_54 = arith.addf %get3A_53, %dot_general3A_46 : vector<64x256xf32>
    %swap3A_55 = arith.constant 0 : index
    %swap3A_56 = arith.constant 0 : index
    %swap3A_57 = vector.load %arg9[%swap3A_55, %swap3A_56] : memref<64x256xf32, #tpu.memory_space<vmem>>, vector<64x256xf32>
    tpu.vector_store %arg9[%swap3A_55, %swap3A_56], %add3A_54 {strides = array<i32>} : memref<64x256xf32, #tpu.memory_space<vmem>>, vector<64x256xf32>,
    return
  }
  func.func @transform_0(%arg0: i32) -> (i32, i32, i32) {
    %c0_i32 = arith.constant 0 : i32
    %c0_i32_0 = arith.constant 0 : i32
    %c0_i32_1 = arith.constant 0 : i32
    return %c0_i32, %arg0, %c0_i32_0 : i32, i32, i32
  }
  func.func @transform_1(%arg0: i32) -> (i32, i32) {
    %c0_i32 = arith.constant 0 : i32
    %c0_i32_0 = arith.constant 0 : i32
    return %arg0, %c0_i32 : i32, i32
  }
  func.func @transform_2(%arg0: i32) -> (i32, i32, i32) {
    %c0_i32 = arith.constant 0 : i32
    %c0_i32_0 = arith.constant 0 : i32
    %c0_i32_1 = arith.constant 0 : i32
    return %arg0, %c0_i32, %c0_i32_0 : i32, i32, i32
  }
  func.func @transform_3(%arg0: i32) -> (i32, i32) {
    %c0_i32 = arith.constant 0 : i32
    %c0_i32_0 = arith.constant 0 : i32
    %c0_i32_1 = arith.constant 0 : i32
    return %c0_i32, %c0_i32_0 : i32, i32
  }
  func.func @transform_4(%arg0: i32) -> (i32, i32) {
    %c0_i32 = arith.constant 0 : i32
    %c0_i32_0 = arith.constant 0 : i32
    %c0_i32_1 = arith.constant 0 : i32
    return %c0_i32, %c0_i32_0 : i32, i32
  }
  func.func @transform_5(%arg0: i32) -> (i32, i32) {
    %c0_i32 = arith.constant 0 : i32
    %c0_i32_0 = arith.constant 0 : i32
    %c0_i32_1 = arith.constant 0 : i32
    return %c0_i32, %c0_i32_0 : i32, i32
  }
  func.func @transform_6(%arg0: i32) -> (i32, i32) {
    %c0_i32 = arith.constant 0 : i32
    %c0_i32_0 = arith.constant 0 : i32
    %c0_i32_1 = arith.constant 0 : i32
    return %c0_i32, %c0_i32_0 : i32, i32
  }
  func.func @transform_7(%arg0: i32) -> (i32, i32) {
    %c0_i32 = arith.constant 0 : i32
    %c0_i32_0 = arith.constant 0 : i32
    return %arg0, %c0_i32 : i32, i32
  }
  func.func @transform_8(%arg0: i32) -> (i32, i32) {
    %c0_i32 = arith.constant 0 : i32
    %c0_i32_0 = arith.constant 0 : i32
    %c0_i32_1 = arith.constant 0 : i32
    return %c0_i32, %c0_i32_0 : i32, i32
  }
}

module attributes {stable_mosaic.version = 14 : i64} {
  func.func @body(%arg0: i32, %arg1: memref<2x1000x128xf32, #tpu.memory_space<vmem>>, %arg2: memref<1x1x1000xi32, #tpu.memory_space<vmem>>, %arg3: memref<256x256xf32, #tpu.memory_space<vmem>>, %arg4: memref<1x256xf32, #tpu.memory_space<vmem>>, %arg5: memref<256x256xf32, #tpu.memory_space<vmem>>, %arg6: memref<1x256xf32, #tpu.memory_space<vmem>>, %arg7: memref<64x256xf32, #tpu.memory_space<vmem>>, %arg8: memref<2x256x128xf32, #tpu.memory_space<vmem>>, %arg9: memref<1x128xf32, #tpu.memory_space<vmem>>, %arg10: memref<128x10xf32, #tpu.memory_space<vmem>>, %arg11: memref<1x10xf32, #tpu.memory_space<vmem>>, %arg12: memref<64x10xf32, #tpu.memory_space<vmem>>, %arg13: memref<64x256xf32, #tpu.memory_space<vmem>>) attributes {dimension_semantics = [#tpu.dimension_semantics<arbitrary>], iteration_bounds = array<i64: 10>, scalar_prefetch = 0 : i64, scratch_operands = 1 : i64, tpu.core_type = #tpu.core_type<tc>, window_params = [{transform_indices = @transform_0, window_bounds = array<i64: 2, 1000, 128>}, {transform_indices = @transform_1, window_bounds = array<i64: 1, 1, 1000>}, {pipeline_mode = #tpu.pipeline_mode<synchronous>, transform_indices = @transform_2, window_bounds = array<i64: 256, 256>}, {pipeline_mode = #tpu.pipeline_mode<synchronous>, transform_indices = @transform_3, window_bounds = array<i64: 1, 256>}, {pipeline_mode = #tpu.pipeline_mode<synchronous>, transform_indices = @transform_4, window_bounds = array<i64: 256, 256>}, {pipeline_mode = #tpu.pipeline_mode<synchronous>, transform_indices = @transform_5, window_bounds = array<i64: 1, 256>}, {pipeline_mode = #tpu.pipeline_mode<synchronous>, transform_indices = @transform_6, window_bounds = array<i64: 64, 256>}, {pipeline_mode = #tpu.pipeline_mode<synchronous>, transform_indices = @transform_7, window_bounds = array<i64: 2, 256, 128>}, {pipeline_mode = #tpu.pipeline_mode<synchronous>, transform_indices = @transform_8, window_bounds = array<i64: 1, 128>}, {pipeline_mode = #tpu.pipeline_mode<synchronous>, transform_indices = @transform_9, window_bounds = array<i64: 128, 10>}, {pipeline_mode = #tpu.pipeline_mode<synchronous>, transform_indices = @transform_10, window_bounds = array<i64: 1, 10>}, {pipeline_mode = #tpu.pipeline_mode<synchronous>, transform_indices = @transform_11, window_bounds = array<i64: 64, 10>}]} {
    %get3A = arith.constant 0 : index
    %get3A_0 = arith.constant 0 : index
    %get3A_1 = arith.constant 0 : index
    %get3A_2 = vector.load %arg1[%get3A, %get3A_0, %get3A_1] : memref<2x1000x128xf32, #tpu.memory_space<vmem>>, vector<1x1000x128xf32>
    %get3A_3 = vector.shape_cast %get3A_2 : vector<1x1000x128xf32> to vector<1000x128xf32>
    %get3A_4 = arith.constant 1 : index
    %get3A_5 = arith.constant 0 : index
    %get3A_6 = arith.constant 0 : index
    %get3A_7 = vector.load %arg1[%get3A_4, %get3A_5, %get3A_6] : memref<2x1000x128xf32, #tpu.memory_space<vmem>>, vector<1x1000x128xf32>
    %get3A_8 = vector.shape_cast %get3A_7 : vector<1x1000x128xf32> to vector<1000x128xf32>
    %concatenate3A = tpu.concatenate %get3A_3, %get3A_8 in 1 : vector<1000x128xf32>, vector<1000x128xf32> -> vector<1000x256xf32>
    %get3A_9 = arith.constant 0 : index
    %get3A_10 = arith.constant 0 : index
    %get3A_11 = vector.load %arg3[%get3A_9, %get3A_10] : memref<256x256xf32, #tpu.memory_space<vmem>>, vector<256x256xf32>
    %dot_general3A = arith.constant dense<0.000000e+00> : vector<1000x256xf32>
    %dot_general3A_12 = tpu.matmul %concatenate3A, %get3A_11, %dot_general3A {dimension_numbers = #tpu.dot_dimension_numbers<[1], [0], [0], [1], [0, 0, 1, 1], [], []>, transpose_lhs_hint = false} : vector<1000x256xf32>, vector<256x256xf32>, vector<1000x256xf32> -> vector<1000x256xf32>
    %get3A_13 = arith.constant 0 : index
    %get3A_14 = arith.constant 0 : index
    %get3A_15 = vector.load %arg4[%get3A_13, %get3A_14] : memref<1x256xf32, #tpu.memory_space<vmem>>, vector<1x256xf32>
    %add3A = vector.broadcast %get3A_15 : vector<1x256xf32> to vector<1000x256xf32>
    %add3A_16 = arith.addf %dot_general3A_12, %add3A : vector<1000x256xf32>
    %max3A = arith.constant 0.000000e+00 : f32
    %max3A_17 = vector.broadcast %max3A : f32 to vector<1000x256xf32>
    %max3A_18 = arith.maximumf %add3A_16, %max3A_17 : vector<1000x256xf32>
    %get3A_19 = arith.constant 0 : index
    %get3A_20 = arith.constant 0 : index
    %get3A_21 = vector.load %arg5[%get3A_19, %get3A_20] : memref<256x256xf32, #tpu.memory_space<vmem>>, vector<256x256xf32>
    %dot_general3A_22 = arith.constant dense<0.000000e+00> : vector<1000x256xf32>
    %dot_general3A_23 = tpu.matmul %max3A_18, %get3A_21, %dot_general3A_22 {dimension_numbers = #tpu.dot_dimension_numbers<[1], [0], [0], [1], [0, 0, 1, 1], [], []>, transpose_lhs_hint = false} : vector<1000x256xf32>, vector<256x256xf32>, vector<1000x256xf32> -> vector<1000x256xf32>
    %get3A_24 = arith.constant 0 : index
    %get3A_25 = arith.constant 0 : index
    %get3A_26 = vector.load %arg6[%get3A_24, %get3A_25] : memref<1x256xf32, #tpu.memory_space<vmem>>, vector<1x256xf32>
    %add3A_27 = vector.broadcast %get3A_26 : vector<1x256xf32> to vector<1000x256xf32>
    %add3A_28 = arith.addf %dot_general3A_23, %add3A_27 : vector<1000x256xf32>
    %max3A_29 = arith.constant 0.000000e+00 : f32
    %max3A_30 = vector.broadcast %max3A_29 : f32 to vector<1000x256xf32>
    %max3A_31 = arith.maximumf %add3A_28, %max3A_30 : vector<1000x256xf32>
    %iota3A = tpu.iota {dimensions = array<i32: 0>} : vector<64x1000xi32>
    %get3A_32 = arith.constant 0 : index
    %get3A_33 = arith.constant 0 : index
    %get3A_34 = arith.constant 0 : index
    %get3A_35 = vector.load %arg2[%get3A_32, %get3A_33, %get3A_34] : memref<1x1x1000xi32, #tpu.memory_space<vmem>>, vector<1x1x1000xi32>
    %get3A_36 = vector.shape_cast %get3A_35 : vector<1x1x1000xi32> to vector<1x1000xi32>
    %eq3A = vector.broadcast %get3A_36 : vector<1x1000xi32> to vector<64x1000xi32>
    %eq3A_37 = arith.cmpi eq, %eq3A, %iota3A : vector<64x1000xi32>
    %convert_element_type3A = arith.extui %eq3A_37 : vector<64x1000xi1> to vector<64x1000xi32>
    %convert_element_type3A_38 = arith.sitofp %convert_element_type3A : vector<64x1000xi32> to vector<64x1000xf32>
    %dot_general3A_39 = arith.constant dense<0.000000e+00> : vector<64x256xf32>
    %dot_general3A_40 = tpu.matmul %convert_element_type3A_38, %max3A_31, %dot_general3A_39 {dimension_numbers = #tpu.dot_dimension_numbers<[1], [0], [0], [1], [0, 0, 1, 1], [], []>, transpose_lhs_hint = false} : vector<64x1000xf32>, vector<1000x256xf32>, vector<64x256xf32> -> vector<64x256xf32>
    %eq3A_41 = arith.constant 0 : i32
    %eq3A_42 = arith.cmpi eq, %arg0, %eq3A_41 : i32
    %convert_element_type3A_43 = arith.extui %eq3A_42 : i1 to i32
    %cond3A = arith.constant 0 : i32
    %cond3A_44 = arith.cmpi ne, %convert_element_type3A_43, %cond3A : i32
    scf.if %cond3A_44 {
      %broadcast_in_dim3A = arith.constant 0.000000e+00 : f32
      %broadcast_in_dim3A_56 = vector.broadcast %broadcast_in_dim3A : f32 to vector<64x256xf32>
      %swap3A_57 = arith.constant 0 : index
      %swap3A_58 = arith.constant 0 : index
      %swap3A_59 = vector.load %arg13[%swap3A_57, %swap3A_58] : memref<64x256xf32, #tpu.memory_space<vmem>>, vector<64x256xf32>
      tpu.vector_store %arg13[%swap3A_57, %swap3A_58], %broadcast_in_dim3A_56 {strides = array<i32>} : memref<64x256xf32, #tpu.memory_space<vmem>>, vector<64x256xf32>,
    } else {
    }
    %get3A_45 = arith.constant 0 : index
    %get3A_46 = arith.constant 0 : index
    %get3A_47 = vector.load %arg13[%get3A_45, %get3A_46] : memref<64x256xf32, #tpu.memory_space<vmem>>, vector<64x256xf32>
    %add3A_48 = arith.addf %get3A_47, %dot_general3A_40 : vector<64x256xf32>
    %swap3A = arith.constant 0 : index
    %swap3A_49 = arith.constant 0 : index
    %swap3A_50 = vector.load %arg13[%swap3A, %swap3A_49] : memref<64x256xf32, #tpu.memory_space<vmem>>, vector<64x256xf32>
    tpu.vector_store %arg13[%swap3A, %swap3A_49], %add3A_48 {strides = array<i32>} : memref<64x256xf32, #tpu.memory_space<vmem>>, vector<64x256xf32>,
    %eq3A_51 = arith.constant 9 : i32
    %eq3A_52 = arith.cmpi eq, %arg0, %eq3A_51 : i32
    %convert_element_type3A_53 = arith.extui %eq3A_52 : i1 to i32
    %cond3A_54 = arith.constant 0 : i32
    %cond3A_55 = arith.cmpi ne, %convert_element_type3A_53, %cond3A_54 : i32
    scf.if %cond3A_55 {
      %get3A_56 = arith.constant 0 : index
      %get3A_57 = arith.constant 0 : index
      %get3A_58 = vector.load %arg7[%get3A_56, %get3A_57] : memref<64x256xf32, #tpu.memory_space<vmem>>, vector<64x256xf32>
      %get3A_59 = arith.constant 0 : index
      %get3A_60 = arith.constant 0 : index
      %get3A_61 = arith.constant 0 : index
      %get3A_62 = vector.load %arg8[%get3A_59, %get3A_60, %get3A_61] : memref<2x256x128xf32, #tpu.memory_space<vmem>>, vector<1x256x128xf32>
      %get3A_63 = vector.shape_cast %get3A_62 : vector<1x256x128xf32> to vector<256x128xf32>
      %dot_general3A_64 = arith.constant dense<0.000000e+00> : vector<64x128xf32>
      %dot_general3A_65 = tpu.matmul %get3A_58, %get3A_63, %dot_general3A_64 {dimension_numbers = #tpu.dot_dimension_numbers<[1], [0], [0], [1], [0, 0, 1, 1], [], []>, transpose_lhs_hint = false} : vector<64x256xf32>, vector<256x128xf32>, vector<64x128xf32> -> vector<64x128xf32>
      %get3A_66 = arith.constant 0 : index
      %get3A_67 = arith.constant 0 : index
      %get3A_68 = vector.load %arg13[%get3A_66, %get3A_67] : memref<64x256xf32, #tpu.memory_space<vmem>>, vector<64x256xf32>
      %get3A_69 = arith.constant 1 : index
      %get3A_70 = arith.constant 0 : index
      %get3A_71 = arith.constant 0 : index
      %get3A_72 = vector.load %arg8[%get3A_69, %get3A_70, %get3A_71] : memref<2x256x128xf32, #tpu.memory_space<vmem>>, vector<1x256x128xf32>
      %get3A_73 = vector.shape_cast %get3A_72 : vector<1x256x128xf32> to vector<256x128xf32>
      %dot_general3A_74 = arith.constant dense<0.000000e+00> : vector<64x128xf32>
      %dot_general3A_75 = tpu.matmul %get3A_68, %get3A_73, %dot_general3A_74 {dimension_numbers = #tpu.dot_dimension_numbers<[1], [0], [0], [1], [0, 0, 1, 1], [], []>, transpose_lhs_hint = false} : vector<64x256xf32>, vector<256x128xf32>, vector<64x128xf32> -> vector<64x128xf32>
      %add3A_76 = arith.addf %dot_general3A_65, %dot_general3A_75 : vector<64x128xf32>
      %get3A_77 = arith.constant 0 : index
      %get3A_78 = arith.constant 0 : index
      %get3A_79 = vector.load %arg9[%get3A_77, %get3A_78] : memref<1x128xf32, #tpu.memory_space<vmem>>, vector<1x128xf32>
      %add3A_80 = vector.broadcast %get3A_79 : vector<1x128xf32> to vector<64x128xf32>
      %add3A_81 = arith.addf %add3A_76, %add3A_80 : vector<64x128xf32>
      %max3A_82 = arith.constant 0.000000e+00 : f32
      %max3A_83 = vector.broadcast %max3A_82 : f32 to vector<64x128xf32>
      %max3A_84 = arith.maximumf %add3A_81, %max3A_83 : vector<64x128xf32>
      %get3A_85 = arith.constant 0 : index
      %get3A_86 = arith.constant 0 : index
      %get3A_87 = vector.load %arg10[%get3A_85, %get3A_86] : memref<128x10xf32, #tpu.memory_space<vmem>>, vector<128x10xf32>
      %dot_general3A_88 = arith.constant dense<0.000000e+00> : vector<64x10xf32>
      %dot_general3A_89 = tpu.matmul %max3A_84, %get3A_87, %dot_general3A_88 {dimension_numbers = #tpu.dot_dimension_numbers<[1], [0], [0], [1], [0, 0, 1, 1], [], []>, transpose_lhs_hint = false} : vector<64x128xf32>, vector<128x10xf32>, vector<64x10xf32> -> vector<64x10xf32>
      %get3A_90 = arith.constant 0 : index
      %get3A_91 = arith.constant 0 : index
      %get3A_92 = vector.load %arg11[%get3A_90, %get3A_91] : memref<1x10xf32, #tpu.memory_space<vmem>>, vector<1x10xf32>
      %add3A_93 = vector.broadcast %get3A_92 : vector<1x10xf32> to vector<64x10xf32>
      %add3A_94 = arith.addf %dot_general3A_89, %add3A_93 : vector<64x10xf32>
      %swap3A_95 = arith.constant 0 : index
      %swap3A_96 = arith.constant 0 : index
      %swap3A_97 = vector.load %arg12[%swap3A_95, %swap3A_96] : memref<64x10xf32, #tpu.memory_space<vmem>>, vector<64x10xf32>
      tpu.vector_store %arg12[%swap3A_95, %swap3A_96], %add3A_94 {strides = array<i32>} : memref<64x10xf32, #tpu.memory_space<vmem>>, vector<64x10xf32>,
    } else {
    }
    return
  }
  func.func @transform_0(%arg0: i32) -> (i32, i32, i32) {
    %c0_i32 = arith.constant 0 : i32
    %c0_i32_0 = arith.constant 0 : i32
    %c0_i32_1 = arith.constant 0 : i32
    return %c0_i32, %arg0, %c0_i32_0 : i32, i32, i32
  }
  func.func @transform_1(%arg0: i32) -> (i32, i32, i32) {
    %c0_i32 = arith.constant 0 : i32
    %c0_i32_0 = arith.constant 0 : i32
    %c0_i32_1 = arith.constant 0 : i32
    return %arg0, %c0_i32, %c0_i32_0 : i32, i32, i32
  }
  func.func @transform_2(%arg0: i32) -> (i32, i32) {
    %c0_i32 = arith.constant 0 : i32
    %c0_i32_0 = arith.constant 0 : i32
    %c0_i32_1 = arith.constant 0 : i32
    return %c0_i32, %c0_i32_0 : i32, i32
  }
  func.func @transform_3(%arg0: i32) -> (i32, i32) {
    %c0_i32 = arith.constant 0 : i32
    %c0_i32_0 = arith.constant 0 : i32
    %c0_i32_1 = arith.constant 0 : i32
    return %c0_i32, %c0_i32_0 : i32, i32
  }
  func.func @transform_4(%arg0: i32) -> (i32, i32) {
    %c0_i32 = arith.constant 0 : i32
    %c0_i32_0 = arith.constant 0 : i32
    %c0_i32_1 = arith.constant 0 : i32
    return %c0_i32, %c0_i32_0 : i32, i32
  }
  func.func @transform_5(%arg0: i32) -> (i32, i32) {
    %c0_i32 = arith.constant 0 : i32
    %c0_i32_0 = arith.constant 0 : i32
    %c0_i32_1 = arith.constant 0 : i32
    return %c0_i32, %c0_i32_0 : i32, i32
  }
  func.func @transform_6(%arg0: i32) -> (i32, i32) {
    %c0_i32 = arith.constant 0 : i32
    %c0_i32_0 = arith.constant 0 : i32
    %c0_i32_1 = arith.constant 0 : i32
    return %c0_i32, %c0_i32_0 : i32, i32
  }
  func.func @transform_7(%arg0: i32) -> (i32, i32, i32) {
    %c0_i32 = arith.constant 0 : i32
    %c0_i32_0 = arith.constant 0 : i32
    %c0_i32_1 = arith.constant 0 : i32
    %c0_i32_2 = arith.constant 0 : i32
    return %c0_i32, %c0_i32_0, %c0_i32_1 : i32, i32, i32
  }
  func.func @transform_8(%arg0: i32) -> (i32, i32) {
    %c0_i32 = arith.constant 0 : i32
    %c0_i32_0 = arith.constant 0 : i32
    %c0_i32_1 = arith.constant 0 : i32
    return %c0_i32, %c0_i32_0 : i32, i32
  }
  func.func @transform_9(%arg0: i32) -> (i32, i32) {
    %c0_i32 = arith.constant 0 : i32
    %c0_i32_0 = arith.constant 0 : i32
    %c0_i32_1 = arith.constant 0 : i32
    return %c0_i32, %c0_i32_0 : i32, i32
  }
  func.func @transform_10(%arg0: i32) -> (i32, i32) {
    %c0_i32 = arith.constant 0 : i32
    %c0_i32_0 = arith.constant 0 : i32
    %c0_i32_1 = arith.constant 0 : i32
    return %c0_i32, %c0_i32_0 : i32, i32
  }
  func.func @transform_11(%arg0: i32) -> (i32, i32) {
    %c0_i32 = arith.constant 0 : i32
    %c0_i32_0 = arith.constant 0 : i32
    %c0_i32_1 = arith.constant 0 : i32
    return %c0_i32, %c0_i32_0 : i32, i32
  }
}

</mosaic_0001>

<sc_bundles>
// kernel: kernel.6.cloned.1.call-start
scs
__scs_entry_jumppad:
0x0: {  	(pc) =	sbr.rel $0x88, $3  }
0x1: {  	(tag) =	ssettag $0x0;
	lr =	simm.s32 $0x1  }
0x2: {  	[smem:$0x3F8E] =	sst lr;
	_ =	strace $0xD0000000  }
0x3: {  	_ = 	snop  }
0x4: {  	_ = 	snop  }
0x5: {  	_ = 	snop  }
0x6: {  	_ = 	snop  }
0x7: {  	_ = 	snop  }
__scs_overlays_trampoline_lowered:
0x8: {  	[smem:$0x3F9D] =	sst s0  }
0x9: {  	[smem:$0x3F9E] =	sst s1  }
0xa: {  	[smem:$0x3F9F] =	sst s2  }
0xb: {  	[smem:$0x3FA0] =	sst s3  }
0xc: {  	[smem:$0x3FA1] =	sst s4  }
0xd: {  	[smem:$0x3FA2] =	sst s5  }
0xe: {  	[smem:$0x3FA3] =	sst s6  }
0xf: {  	[smem:$0x3FA4] =	sst s7  }
0x10: {  	[smem:$0x3FA5] =	sst s8  }
0x11: {  	[smem:$0x3FA6] =	sst s9;
	s0 =	simm.s32 @!p0 $0x0  }
0x12: {  	s1 =	sld [smem:$0x3F8C];
	s0 =	simm.s32 @p0 $0x1  }
0x13: {  	[smem:$0x3FA7] =	sst s0;
	s0 =	simm.s32 @!p1 $0x0  }
0x14: {  	s2 =	sld [smem:$0x3F8B];
	s0 =	simm.s32 @p1 $0x1  }
0x15: {  	[smem:$0x3FA8] =	sst s0;
	s0 =	simm.s32 @!p2 $0x0  }
0x16: {  	s3 =	sld [smem:$0x3FDB];
	s0 =	simm.s32 @p2 $0x1  }
0x17: {  	s4 =	simm.s32 $0x1BF5;
	[smem:$0x3FAA] =	sst s0  }
0x18: {  	s0 =	sld [smem:$0x3F8D];
	_ =	swait.ge [sflag:s4], $0x0  }
0x19: {  	s7 =	sld [smem:$0x3F8E]  }
0x1a: {  	s8 =	sadd.s32 $0xFFFFE003, lr  }
0x1b: {  	s9 =	sadd.s32 $0xFFFFFEF7, lr;
	s5 =	simm.s32 $0xFFFFFFFF;
	p2 =	slt.u32 s8, $0xFFFFF086  }
0x1c: {  	p1 =	slt.u32 s9, $0xF7A;
	s5 =	simm.s32 @!p2 $0x0  }
0x1d: {  	s5 =	simm.s32 @p1 $0x1;
	p0 =	seq.s32 s7, s2  }
0x1e: {  	s7 =	smul.u32 @!p0 $0xF7A, s2;
	p2 =	seq.s32 @!p0 s5, $0x0  }
0x1f: {  	s9 =	smul.u32 $0xF7A, s1;
	s8 =	simm.s32 @!p0 $0x1BF5;
	p2 =	por !p2, p0  }
0x20: {  	[sflag:s8] =	ssyncset.s32 @!p0 $0xFFFFF086;
	s6 =	sadd.s32 @!p0 s3, s7;
	s7 =	simm.s32 @!p0 $0x108  }
0x21: {  	s3 =	sadd.s32 s3, s9;
	s6 =	sadd.s32 @!p0 $0x88, s6;
	s7 =	simm.s32 @p2 $0x1082  }
0x22: {  	[simem:s7], [sflag:s8] =	dma.local @!p0 [hbm:s6], $0xF7A  }
0x23: {  	s9 =	sor.u32 $0xD0000000, s2;
	s6 =	simm.s32 $0x108;
	_ =	swait.ge @!p0 [sflag:s8], $0x0  }
0x24: {  	s3 =	sadd.s32 $0x88, s3;
	s6 =	simm.s32 @!p1 $0x1082;
	[sflag:s4] =	ssyncset.s32 $0xFFFFF086  }
0x25: {  	[simem:s6], [sflag:s4] =	dma.local [hbm:s3], $0xF7A  }
0x26: {  	[smem:$0x3F8E] =	sst s1;
	(tag) =	ssettag s2;
	_ =	strace s9  }
0x27: {  	s1 =	sld [smem:$0x3F9E]  }
0x28: {  	s2 =	sld [smem:$0x3F9F]  }
0x29: {  	s4 =	sld [smem:$0x3FA1]  }
0x2a: {  	p0 =	seq.s32 s5, $0x0;
	s5 =	sld [smem:$0x3FA2]  }
0x2b: {  	s6 =	sld [smem:$0x3FA3]  }
0x2c: {  	s7 =	sld [smem:$0x3FA4]  }
0x2d: {  	s3 =	simm.s32 $0x108;
	s8 =	sld [smem:$0x3FA5]  }
0x2e: {  	s3 =	simm.s32 @!p0 $0x1082;
	s9 =	sld [smem:$0x3FA6]  }
0x2f: {  	lr =	sadd.s32 s0, s3;
	s0 =	sld [smem:$0x3F9D]  }
0x30: {  	s3 =	sld [smem:$0x3FA0]  }
0x31: {  	[smem:$0x3FA9] =	sst s10  }
0x32: {  	s10 =	sld [smem:$0x3FA7];
	_ =	sdelay $0x3  }
0x33: {  	p0 =	seq.s32 s10, $0x1;
	s10 =	sld [smem:$0x3FA9];
	_ =	sdelay $0x3  }
0x34: {  	[smem:$0x3FA9] =	sst s10  }
0x35: {  	s10 =	sld [smem:$0x3FA8];
	_ =	sdelay $0x3  }
0x36: {  	p1 =	seq.s32 s10, $0x1;
	s10 =	sld [smem:$0x3FA9];
	_ =	sdelay $0x3  }
0x37: {  	[smem:$0x3FA9] =	sst s10  }
0x38: {  	s10 =	sld [smem:$0x3FAA]  }
0x39: {  	_ = 	snop;
	(pc) =	sbr.ind lr, $3  }
0x3a: {  	_ = 	snop  }
0x3b: {  	_ = 	snop  }
0x3c: {  	p2 =	seq.s32 s10, $0x1;
	s10 =	sld [smem:$0x3FA9]  }
0x3d: {  	_ =	shalt  }
0x3e: {  	_ =	shalt  }
0x3f: {  	_ =	shalt  }
0x40: {  	_ =	shalt  }
0x41: {  	_ =	shalt  }
0x42: {  	_ =	shalt  }
0x43: {  	_ =	shalt  }
0x44: {  	_ =	shalt  }
0x45: {  	_ =	shalt  }
0x46: {  	_ =	shalt  }
0x47: {  	_ =	shalt  }
0x48: {  	_ =	shalt  }
0x49: {  	_ =	shalt  }
0x4a: {  	_ =	shalt  }
0x4b: {  	_ =	shalt  }
0x4c: {  	_ =	shalt  }
0x4d: {  	_ =	shalt  }
0x4e: {  	_ =	shalt  }
0x4f: {  	_ =	shalt  }
0x50: {  	_ =	shalt  }
0x51: {  	_ =	shalt  }
0x52: {  	_ =	shalt  }
0x53: {  	_ =	shalt  }
0x54: {  	_ =	shalt  }
0x55: {  	_ =	shalt  }
0x56: {  	_ =	shalt  }
0x57: {  	_ =	shalt  }
0x58: {  	_ =	shalt  }
0x59: {  	_ =	shalt  }
0x5a: {  	_ =	shalt  }
0x5b: {  	_ =	shalt  }
0x5c: {  	_ =	shalt  }
0x5d: {  	_ =	shalt  }
0x5e: {  	_ =	shalt  }
0x5f: {  	_ =	shalt  }
0x60: {  	_ =	shalt  }
0x61: {  	_ =	shalt  }
0x62: {  	_ =	shalt  }
0x63: {  	_ =	shalt  }
0x64: {  	_ =	shalt  }
0x65: {  	_ =	shalt  }
0x66: {  	_ =	shalt  }
0x67: {  	_ =	shalt  }
0x68: {  	_ =	shalt  }
0x69: {  	_ =	shalt  }
0x6a: {  	_ =	shalt  }
0x6b: {  	_ =	shalt  }
0x6c: {  	_ =	shalt  }
0x6d: {  	_ =	shalt  }
0x6e: {  	_ =	shalt  }
0x6f: {  	_ =	shalt  }
0x70: {  	_ =	shalt  }
0x71: {  	_ =	shalt  }
0x72: {  	_ =	shalt  }
0x73: {  	_ =	shalt  }
0x74: {  	_ =	shalt  }
0x75: {  	_ =	shalt  }
0x76: {  	_ =	shalt  }
0x77: {  	_ =	shalt  }
0x78: {  	_ =	shalt  }
0x79: {  	_ =	shalt  }
0x7a: {  	_ =	shalt  }
0x7b: {  	_ =	shalt  }
0x7c: {  	_ =	shalt  }
0x7d: {  	_ =	shalt  }
0x7e: {  	_ =	shalt  }
0x7f: {  	_ =	shalt  }
0x80: {  	_ =	shalt  }
0x81: {  	_ =	shalt  }
0x82: {  	_ =	shalt  }
0x83: {  	_ =	shalt  }
0x84: {  	_ =	shalt  }
0x85: {  	_ =	shalt  }
0x86: {  	_ =	shalt  }
0x87: {  	_ =	shalt  }
.Lfunc_end0:
.L_simem_size_0:
called_computation_lowered:
.L_overlay_start_0:
0x88: {  	s2 =	sld [smem:$0x3FD9]  }
0x89: {  	s3 =	sld [smem:$0x3FFE];
	_ =	sdelay $0x1  }
0x8a: {  	s1 =	srdreg.scid  }
0x8b: {  	s0 =	sand.u32 $0x1, s1  }
0x8c: {  	s17 =	sshll.u32 s0, $0xA;
	s2 =	sadd.s32 s3, s2  }
0x8d: {  	s2 =	sadd.s32 s2, s17  }
0x8e: {  	[smem:$0x3FB5] =	sst s2  }
0x8f: {  	_ = 	snop  }
0x90: {  	s2 =	sld [smem:$0x3FC9];
	(tm) =	ssettm $0x1  }
0x91: {  	s18 =	sld [smem:$0x3FFB];
	_ =	sdelay $0x3  }
0x92: {  	_ =	strace s18  }
0x93: {  	s3 =	sld [smem:$0x3FFC];
	_ =	sdelay $0x3  }
0x94: {  	_ =	strace s3  }
0x95: {  	s3 =	sld [smem:$0x3FFD];
	_ =	sdelay $0x3  }
0x96: {  	_ =	strace s3  }
0x97: {  	_ =	strace $0x8FFFFFFF  }
0x98: {  	s19 =	sld [smem:$0x3FDB];
	_ =	sdelay $0x1  }
0x99: {  	s4 =	simm.s32 $_scs_section_size  }
0x9a: {  	s5 =	simm.s32 $_size__tile_overlayer_lowered;
	s6 =	simm.s32 $_tile_overlayer_lowered  }
0x9b: {  	s22 =	simm.s32 $0x1BFF;
	s21 =	sshll.u32 s6, $0x1;
	s3 =	sadd.s32 s4, s19  }
0x9c: {  	s7 =	simm.s32 $0x0;
	s20 =	sshll.u32 s5, $0x1;
	s5 =	sadd.s32 s21, s3  }
0x9d: {  	[timem:s7], [sflag:s22] =	dma.local [hbm:s5], s20  }
0x9e: {  	_ =	swait.ge [sflag:s22], s20  }
0x9f: {  	s4 =	ssub.s32 $0x0, s20;
	[sflag:s22] =	ssyncset.done $0x0  }
0xa0: {  	[sflag:s22] =	ssyncadd.s32 s4;
	_ =	sdelay $0x1  }
0xa1: {  	s23 =	simm.s32 $0x1B8B  }
0xa2: {  	_ =	swait.ge [sflag:s23], $0x1  }
0xa3: {  	[sflag:s23] =	ssyncset.done $0x0  }
0xa4: {  	s25 =	simm.s32 $0x1B8E;
	s24 =	sld [smem:$0x3FFE];
	[sflag:s23] =	ssyncadd.s32 $0xFFFFFFFF  }
0xa5: {  	s26 =	simm.s32 $execute0_lowered;
	[smem:$0x3FD2] =	sst s25  }
0xa6: {  	s5 =	sshll.u32 s26, $0x1;
	_ =	strace $0x80000046;
	[dreg:$0x1] =	wrdreg $0xFFFFFFFF  }
0xa7: {  	s28 =	simm.s32 $_size_execute0_lowered;
	s3 =	sadd.s32 s3, s5;
	[dreg:$0x0] =	wrdreg $0x0  }
0xa8: {  	s5 =	sshll.u32 s28, $0x1;
	[dreg:$0x2] =	wrdreg s3  }
0xa9: {  	[dreg:$0x3] =	wrdreg s5  }
0xaa: {  	[dreg:$0x4] =	wrdreg $0xC0  }
0xab: {  	_ =	task [dreg:s7], $0x5FFFF  }
0xac: {  	[dreg:$0x1] =	wrdreg $0xFFFFFFFF  }
0xad: {  	[dreg:$0x0] =	wrdreg $0x60  }
0xae: {  	[dreg:$0x2] =	wrdreg s2  }
0xaf: {  	[dreg:$0x3] =	wrdreg s24  }
0xb0: {  	[dreg:$0x4] =	wrdreg $0xA8000  }
0xb1: {  	[dreg:$0x5] =	wrdreg $0x9  }
0xb2: {  	_ =	task.clear_ibuf [dreg:s7], $0x6FFFF;
	_ =	strace $0x90000046  }
0xb3: {  	s29 =	simm.s32 $0x9;
	_ =	strace $0x80000048  }
0xb4: {  	_ =	swait.ge [sflag:s29], $0x1  }
0xb5: {  	[sflag:s29] =	ssyncadd.s32 $0xFFFFFFFF  }
0xb6: {  	_ =	strace $0x90000048  }
0xb7: {  	_ =	sfence  }
0xb8: {  	s30 =	sld [smem:$0x0];
	_ =	sdelay $0x2  }
0xb9: {  	s31 =	sshll.u32 s1, $0xD;
	s1 =	sshrl.u32 s1, $0x2  }
0xba: {  	s3 =	sand.u32 $0x4000, s31;
	s1 =	sadd.s32 s1, s30  }
0xbb: {  	s0 =	sor.u32 s3, s0;
	s1 =	sshll.u32 s1, $0x11  }
0xbc: {  	s0 =	sor.u32 s1, s0  }
0xbd: {  	s0 =	sadd.s32 $0x8F2B, s0  }
0xbe: {  	[sflag:s0] =	ssyncadd.remote.s32 $0x1  }
0xbf: {  	_ =	sfence.sel $0xFFFF  }
0xc0: {  	[dreg:$0x0] =	wrdreg $0xFFFFFFFF;
	(pc) =	sbr.abs _section_cstart, $3  }
0xc1: {  	[dreg:$0x1] =	wrdreg $0xFFFFFFFF  }
0xc2: {  	_ =	task.clear_ibuf [dreg:s7], $0x2FFFF;
	_ =	strace $0x9FFFFFFF  }
0xc3: {  	(tm) =	ssettm $0x7FFFFFFF  }
tec
execute0_lowered:
.L_overlay_start_1:
0x0: {  	(tag) =	ssettag $0x1  }
0x1: {  	s1 =	rddreg [dreg:$0x0]  }
0x2: {  	s0 =	rddreg [dreg:$0x1]  }
0x3: {  	s3 =	rddreg [dreg:$0x2]  }
0x4: {  	s14 =	simm.s32 $0x0;
	s4 =	stileid.u32;
	s2 =	srdreg.scid  }
0x5: {  	s16 =	simm.s32 $0x3;
	s17 =	simm.s32 $0x1400;
	s18 =	simm.s32 $0x40  }
0x6: {  	s19 =	simm.s32 $0x2800;
	s20 =	simm.s32 $0x80;
	s21 =	simm.s32 $0x4800  }
0x7: {  	s28 =	simm.s32 $0x1480;
	s29 =	simm.s32 $0x2;
	s30 =	simm.s32 $0x200  }
0x8: {  	s31 =	simm.s32 $0x1500;
	[smem:$0x7FF] =	sst s14;
	s7 =	smul.u32 $0x4F000, s4  }
0x9: {  	s5 =	sadd.s32 $0x3400, s0;
	s2 =	sand.u32 $0x1, s2;
	s8 =	smul.u32 $0x2780, s4  }
0xa: {  	s6 =	sadd.s32 $0x17400, s0;
	s0 =	sadd.s32 $0x2B400, s0;
	s22 =	smul.u32 $0x13C00, s4  }
0xb: {  	s23 =	smul.u32 $0xA0, s4;
	s13 =	sadd.s32 $0x128400, s3;
	s12 =	sadd.s32 $0x25080, s1  }
0xc: {  	p0 =	seq.s32 s4, $0xF;
	_ =	strace $0x80000047;
	s10 =	smul.u32 $0xA00, s2  }
0xd: {  	s9 =	ssub.s32 $0x2, s2;
	s2 =	smul.u32 $0x138800, s2;
	[dreg:$0x6] =	wrdreg s12  }
0xe: {  	s11 =	sshrl.u32 s9, $0x1;
	s7 =	sshrl.u32 s7, $0x2;
	s8 =	sadd.s32 s1, s8  }
0xf: {  	s11 =	ssub.s32 s9, s11;
	s7 =	sadd.s32 s7, s3;
	[dreg:$0x5] =	wrdreg s8  }
0x10: {  	s24 =	sadd.s32 s22, s2;
	s9 =	sadd.s32 s23, s10;
	s2 =	sshrl.u32 s2, $0x3  }
0x11: {  	s10 =	sshrl.u32 @p0 s13, $0x3;
	s22 =	simm.s32 $0x100;
	s23 =	simm.s32 $0x6800  }
0x12: {  	s25 =	sshrl.u32 s24, $0x3;
	s26 =	smax.u32 s11, $0x1;
	s12 =	sshrl.u32 @!p0 s7, $0x3  }
0x13: {  	s24 =	simm.s32 $0x1;
	[dreg:$0xa] =	wrdreg s10;
	s8 =	sadd.s32 s0, s25  }
.Ltmp0:
0x14: {  	s0 =	sadd.s32 s0, s2;
	[dreg:$0x9] =	wrdreg s26;
	(pc) =	sbr.rel .LBB2_1-.Ltmp0, $4  }
0x15: {  	s7 =	simm.s32 $0x300;
	[dreg:$0xc] =	wrdreg s12;
	s0 =	sadd.s32 $0x25080, s0  }
0x16: {  	s25 =	simm.s32 $0x180;
	[dreg:$0x8] =	wrdreg s0;
	s0 =	sshll.u32 @!p0 s4, $0x6  }
0x17: {  	s26 =	simm.s32 $0x8800;
	[dreg:$0x7] =	wrdreg s8;
	s11 =	sor.u32 @!p0 $0x1C03, s0  }
0x18: {  	s2 =	simm.s32 $0x1580;
	s0 =	simm.s32 $0x280;
	[dreg:$0xb] =	wrdreg s11  }
.LBB2_6:
0x19: {  	[bflag:$0x0] =	sbarrier.arrive $0xFFFF  }
0x1a: {  	s8 =	rddreg [dreg:$0x8]  }
0x1b: {  	s4 =	simm.s32 @p0 $0x1FC3;
	s10 =	rddreg [dreg:$0xa]  }
0x1c: {  	[hbm:s8], [sflag:s4] =	dma.local @p0 [spmem:s10], $0x2080  }
0x1d: {  	s4 =	simm.s32 @p0 $0x3  }
0x1e: {  	_ =	swait.ge @p0 [sflag:s4], $0x2080  }
0x1f: {  	s11 =	rddreg [dreg:$0xb]  }
0x20: {  	[sflag:s4] =	ssyncset.done @p0 $0x0;
	s12 =	rddreg [dreg:$0xc]  }
0x21: {  	[sflag:s4] =	ssyncadd.s32 @p0 $0xFFFFDF80;
	s4 =	rddreg [dreg:$0x7]  }
0x22: {  	[hbm:s4], [sflag:s11] =	dma.local @!p0 [spmem:s12], $0x2780  }
0x23: {  	s4 =	simm.s32 @!p0 $0x3  }
0x24: {  	_ =	swait.ge @!p0 [sflag:s4], $0x2780  }
0x25: {  	s14 =	rddreg [dreg:$0x4]  }
0x26: {  	s15 =	rddreg [dreg:$0x9];
	s14 =	sadd.s32 $0x1, s14  }
0x27: {  	p1 =	sne.s32 s14, s15  }
.Ltmp1:
0x28: {  	_ = 	snop;
	(pc) =	sbr.rel @!p1 .LBB2_7-.Ltmp1, $3  }
0x29: {  	_ =	sdelay $0x1  }
0x2a: {  	[sflag:s4] =	ssyncset.done @!p0 $0x0  }
0x2b: {  	[sflag:s4] =	ssyncadd.s32 @!p0 $0xFFFFD880  }
.LBB2_1:
0x2c: {  	[dreg:$0x4] =	wrdreg s14  }
0x2d: {  	s8 =	simm.s32 @p0 $0x1FC3;
	s4 =	rddreg [dreg:$0x6]  }
0x2e: {  	[spmem:s10], [sflag:s8] =	dma.local @p0 [hbm:s4], $0x2080  }
0x2f: {  	s8 =	simm.s32 @p0 $0x3  }
0x30: {  	_ =	swait.ge @p0 [sflag:s8], $0x2080  }
0x31: {  	[sflag:s8] =	ssyncset.done @p0 $0x0  }
0x32: {  	s4 =	rddreg [dreg:$0x5];
	[sflag:s8] =	ssyncadd.s32 @p0 $0xFFFFDF80;
	s8 =	simm.s32 @!p0 $0x3  }
0x33: {  	[spmem:s12], [sflag:s11] =	dma.local @!p0 [hbm:s4], $0x2780  }
.Ltmp2:
0x34: {  	_ =	swait.ge @!p0 [sflag:s8], $0x2780;
	(pc) =	sbr.rel .LBB2_2-.Ltmp2, $4  }
0x35: {  	[sflag:s8] =	ssyncset.done @!p0 $0x0  }
0x36: {  	[sflag:s8] =	ssyncadd.s32 @!p0 $0xFFFFD880  }
0x37: {  	[bflag:$0x0] =	sbarrier.arrive $0xFFFF  }
0x38: {  	s8 =	simm.s32 $0x0  }
.LBB2_5:
0x39: {  	_ =	swait.ge [sflag:s29], $0x2000  }
0x3a: {  	[sflag:s29] =	ssyncset.done $0x0  }
0x3b: {  	s8 =	sadd.s32 $0x1, s8;
	[sflag:s29] =	ssyncadd.s32 $0xFFFFE000  }
0x3c: {  	p1 =	sne.s32 s8, $0x4;
	_ =	swait.ge [sflag:s29], $0x2000  }
.Ltmp3:
0x3d: {  	[sflag:s29] =	ssyncset.done $0x0;
	(pc) =	sbr.rel @!p1 .LBB2_6-.Ltmp3, $4  }
0x3e: {  	[sflag:s29] =	ssyncadd.s32 $0xFFFFE000  }
0x3f: {  	_ =	swait.ge [sflag:s29], $0x2000  }
0x40: {  	[sflag:s29] =	ssyncset.done $0x0  }
0x41: {  	[sflag:s29] =	ssyncadd.s32 $0xFFFFE000  }
.LBB2_2:
0x42: {  	s10 =	smul.u32 $0x28, s8;
	_ =	sdelay $0x1  }
0x43: {  	s10 =	sadd.s32 s10, s9  }
0x44: {  	s11 =	sshll.u32 s10, $0x4  }
0x45: {  	s10 =	simm.s32 $0x0;
	s12 =	sadd.s32 s5, s11  }
0x46: {  	[tilespmem:s10], [sflag:$0x3] =	stream.linear.gather [hbm4b:s12+s10], $0x1400, $0x38;
	[tilespmem:$0x1E480] =	vst v63  }
0x47: {  	_ =	swait.ge [sflag:s16], $0x1400  }
0x48: {  	[sflag:s16] =	ssyncset.done $0x0  }
0x49: {  	s11 =	sadd.s32 s6, s11;
	[sflag:s16] =	ssyncadd.s32 $0xFFFFEC00  }
0x4a: {  	[tilespmem:s17], [sflag:$0x3] =	stream.linear.gather [hbm4b:s11+s10], $0x1400, $0x38;
	[tilespmem:$0x1E480] =	vst v63  }
0x4b: {  	_ =	swait.ge [sflag:s16], $0x1400  }
0x4c: {  	[sflag:s16] =	ssyncset.done $0x0  }
0x4d: {  	[sflag:s16] =	ssyncadd.s32 $0xFFFFEC00  }
0x4e: {  	[tilespmem:s19], [sflag:$0x1] =	stream.indirect.gather [hbm4b:s1+s18], $0x80, s10, s18, $0xb8;
	[tilespmem:$0x1E480] =	vst v63  }
0x4f: {  	_ = 	snop  }
0x50: {  	[tilespmem:s21], [sflag:$0x1] =	stream.indirect.gather [hbm4b:s1+s18], $0x80, s20, s18, $0xb8;
	[tilespmem:$0x1E480] =	vst v63  }
0x51: {  	_ = 	snop  }
0x52: {  	[tilespmem:s23], [sflag:$0x1] =	stream.indirect.gather [hbm4b:s1+s18], $0x80, s22, s18, $0xb8;
	[tilespmem:$0x1E480] =	vst v63  }
0x53: {  	_ =	swait.ge [sflag:s24], $0x2000  }
0x54: {  	[sflag:s24] =	ssyncset.done $0x0  }
0x55: {  	[sflag:s24] =	ssyncadd.s32 $0xFFFFE000  }
0x56: {  	[spmem:s3] =	stream.indirect.scatter.add.f32 [tilespmem:s19], [sflag:$0x2], $0x80, s17, s18, $0xb8;
	[tilespmem:$0x1E480] =	vst v63  }
0x57: {  	_ = 	snop  }
0x58: {  	[tilespmem:s26], [sflag:$0x1] =	stream.indirect.gather [hbm4b:s1+s18], $0x80, s25, s18, $0xb8;
	[tilespmem:$0x1E480] =	vst v63  }
0x59: {  	_ =	swait.ge [sflag:s24], $0x2000  }
0x5a: {  	[sflag:s24] =	ssyncset.done $0x0  }
0x5b: {  	[sflag:s24] =	ssyncadd.s32 $0xFFFFE000  }
0x5c: {  	[spmem:s3] =	stream.indirect.scatter.add.f32 [tilespmem:s21], [sflag:$0x2], $0x80, s28, s18, $0xb8;
	[tilespmem:$0x1E480] =	vst v63  }
0x5d: {  	_ =	swait.ge [sflag:s29], $0x2000  }
0x5e: {  	[sflag:s29] =	ssyncset.done $0x0  }
0x5f: {  	[sflag:s29] =	ssyncadd.s32 $0xFFFFE000  }
0x60: {  	[tilespmem:s19], [sflag:$0x1] =	stream.indirect.gather [hbm4b:s1+s18], $0x80, s30, s18, $0xb8;
	[tilespmem:$0x1E480] =	vst v63  }
0x61: {  	_ =	swait.ge [sflag:s24], $0x2000  }
0x62: {  	[sflag:s24] =	ssyncset.done $0x0  }
0x63: {  	[sflag:s24] =	ssyncadd.s32 $0xFFFFE000  }
0x64: {  	[spmem:s3] =	stream.indirect.scatter.add.f32 [tilespmem:s23], [sflag:$0x2], $0x80, s31, s18, $0xb8;
	[tilespmem:$0x1E480] =	vst v63  }
0x65: {  	_ =	swait.ge [sflag:s29], $0x2000  }
0x66: {  	[sflag:s29] =	ssyncset.done $0x0  }
0x67: {  	[sflag:s29] =	ssyncadd.s32 $0xFFFFE000  }
0x68: {  	[tilespmem:s21], [sflag:$0x1] =	stream.indirect.gather [hbm4b:s1+s18], $0x80, s0, s18, $0xb8;
	[tilespmem:$0x1E480] =	vst v63  }
0x69: {  	_ =	swait.ge [sflag:s24], $0x2000  }
0x6a: {  	[sflag:s24] =	ssyncset.done $0x0  }
0x6b: {  	[sflag:s24] =	ssyncadd.s32 $0xFFFFE000  }
0x6c: {  	[spmem:s3] =	stream.indirect.scatter.add.f32 [tilespmem:s26], [sflag:$0x2], $0x80, s2, s18, $0xb8;
	[tilespmem:$0x1E480] =	vst v63  }
0x6d: {  	_ =	swait.ge [sflag:s29], $0x2000  }
0x6e: {  	[sflag:s29] =	ssyncset.done $0x0  }
0x6f: {  	[sflag:s29] =	ssyncadd.s32 $0xFFFFE000  }
0x70: {  	[tilespmem:s23], [sflag:$0x1] =	stream.indirect.gather [hbm4b:s1+s18], $0x80, s7, s18, $0xb8;
	[tilespmem:$0x1E480] =	vst v63  }
.LBB2_3:
0x71: {  	_ =	swait.ge [sflag:s24], $0x2000  }
0x72: {  	s11 =	sshra.s32 s10, $0x2;
	[sflag:s24] =	ssyncset.done $0x0  }
0x73: {  	s12 =	sadd.s32 $0x1600, s11;
	[sflag:s24] =	ssyncadd.s32 $0xFFFFE000  }
0x74: {  	[spmem:s3] =	stream.indirect.scatter.add.f32 [tilespmem:s19], [sflag:$0x2], $0x80, s12, s18, $0xb8;
	[tilespmem:$0x1E480] =	vst v63  }
0x75: {  	_ =	swait.ge [sflag:s29], $0x2000  }
0x76: {  	[sflag:s29] =	ssyncset.done $0x0  }
0x77: {  	s13 =	sadd.s32 $0x380, s11;
	[sflag:s29] =	ssyncadd.s32 $0xFFFFE000  }
0x78: {  	[tilespmem:s26], [sflag:$0x1] =	stream.indirect.gather [hbm4b:s1+s18], $0x80, s13, s18, $0xb8;
	[tilespmem:$0x1E480] =	vst v63  }
0x79: {  	_ =	swait.ge [sflag:s24], $0x2000  }
0x7a: {  	p1 =	seq.s32 s10, $0x4000;
	[sflag:s24] =	ssyncset.done $0x0  }
0x7b: {  	s14 =	sadd.s32 $0x1680, s11;
	s12 =	simm.s32 @p1 $0x1;
	[sflag:s24] =	ssyncadd.s32 $0xFFFFE000  }
0x7c: {  	[spmem:s3] =	stream.indirect.scatter.add.f32 [tilespmem:s21], [sflag:$0x2], $0x80, s14, s18, $0xb8;
	[tilespmem:$0x1E480] =	vst v63  }
0x7d: {  	_ =	swait.ge @p1 [sflag:s12], $0x2000  }
0x7e: {  	[sflag:s12] =	ssyncset.done @p1 $0x0  }
0x7f: {  	[sflag:s12] =	ssyncadd.s32 @p1 $0xFFFFE000;
	s12 =	sshra.s32 @p1 s10, $0x2  }
0x80: {  	s13 =	simm.s32 @p1 $0x40;
	s14 =	simm.s32 @p1 $0x6800;
	s12 =	sadd.s32 @p1 $0x1700, s12  }
0x81: {  	[spmem:s3] =	stream.indirect.scatter.add.f32 @p1 [tilespmem:s14], [sflag:$0x2], $0x80, s12, s13, $0xb8;
	[tilespmem:$0x1E480] =	vst v63  }
0x82: {  	s12 =	simm.s32 @!p1 $0x2  }
0x83: {  	_ =	swait.ge @!p1 [sflag:s12], $0x2000  }
0x84: {  	s15 =	simm.s32 @!p1 $0x40;
	s13 =	sshra.s32 @!p1 s10, $0x2;
	[sflag:s12] =	ssyncset.done @!p1 $0x0  }
0x85: {  	s4 =	simm.s32 @!p1 $0x2800;
	s14 =	sadd.s32 @!p1 $0x400, s13;
	[sflag:s12] =	ssyncadd.s32 @!p1 $0xFFFFE000  }
0x86: {  	[tilespmem:s4], [sflag:$0x1] =	stream.indirect.gather @!p1 [hbm4b:s1+s15], $0x80, s14, s15, $0xb8;
	[tilespmem:$0x1E480] =	vst v63  }
0x87: {  	s4 =	simm.s32 @!p1 $0x1  }
0x88: {  	_ =	swait.ge @!p1 [sflag:s4], $0x2000  }
0x89: {  	[sflag:s4] =	ssyncset.done @!p1 $0x0  }
0x8a: {  	s14 =	simm.s32 @!p1 $0x6800;
	[sflag:s4] =	ssyncadd.s32 @!p1 $0xFFFFE000;
	s4 =	sadd.s32 @!p1 $0x1700, s13  }
0x8b: {  	[spmem:s3] =	stream.indirect.scatter.add.f32 @!p1 [tilespmem:s14], [sflag:$0x2], $0x80, s4, s15, $0xb8;
	[tilespmem:$0x1E480] =	vst v63  }
0x8c: {  	_ =	swait.ge @!p1 [sflag:s12], $0x2000  }
0x8d: {  	[sflag:s12] =	ssyncset.done @!p1 $0x0  }
0x8e: {  	s4 =	sadd.s32 @!p1 $0x480, s13;
	[sflag:s12] =	ssyncadd.s32 @!p1 $0xFFFFE000;
	s12 =	simm.s32 @!p1 $0x4800  }
0x8f: {  	[tilespmem:s12], [sflag:$0x1] =	stream.indirect.gather @!p1 [hbm4b:s1+s15], $0x80, s4, s15, $0xb8;
	[tilespmem:$0x1E480] =	vst v63  }
0x90: {  	_ =	swait.ge [sflag:s24], $0x2000  }
0x91: {  	[sflag:s24] =	ssyncset.done $0x0  }
.Ltmp4:
0x92: {  	s15 =	sadd.s32 $0x1780, s11;
	[sflag:s24] =	ssyncadd.s32 $0xFFFFE000;
	(pc) =	sbr.rel @p1 .LBB2_5-.Ltmp4, $4  }
0x93: {  	[spmem:s3] =	stream.indirect.scatter.add.f32 [tilespmem:s26], [sflag:$0x2], $0x80, s15, s18, $0xb8;
	[tilespmem:$0x1E480] =	vst v63  }
0x94: {  	_ =	swait.ge [sflag:s29], $0x2000  }
0x95: {  	[sflag:s29] =	ssyncset.done $0x0  }
0x96: {  	[sflag:s29] =	ssyncadd.s32 $0xFFFFE000  }
.Ltmp5:
0x97: {  	(pc) =	sbr.rel .LBB2_3-.Ltmp5, $3  }
0x98: {  	_ =	sdelay $0x1  }
0x99: {  	s4 =	sadd.s32 $0x500, s11;
	s10 =	sadd.s32 $0x800, s10  }
0x9a: {  	[tilespmem:s23], [sflag:$0x1] =	stream.indirect.gather [hbm4b:s1+s18], $0x80, s4, s18, $0xb8;
	[tilespmem:$0x1E480] =	vst v63  }
.LBB2_7:
0x9b: {  	_ =	sfence.sel $0x180000  }
0x9c: {  	[bflag:$0x0] =	sbarrier.arrive $0xFFFF  }
0x9d: {  	_ =	strace $0x90000047  }
0x9e: {  	s0 =	stileid.u32;
	[bflag:$0x2] =	sbarrier.arrive $0xFFFF  }
0x9f: {  	p0 =	sne.s32 s0, $0x0;
	s0 =	rddreg [dreg:$0x3]  }
0xa0: {  	s0 =	sadd.s32 @!p0 $0x100000, s0  }
0xa1: {  	[sflag:s0] =	ssyncadd.tile.s32 @!p0 $0x1;
	_ =	shalt  }
.Lfunc_end2:
_tile_overlayer_lowered:
.L_overlay_start_2:
0xa2: {  	(tag) =	ssettag $0x2  }
0xa3: {  	s0 =	rddreg [dreg:$0x0];
	s2 =	stileid.u32  }
0xa4: {  	s1 =	rddreg [dreg:$0x1];
	p0 =	sne.s32 s2, $0x0  }
0xa5: {  	s3 =	rddreg [dreg:$0x2];
	[bflag:$0x3] =	sbarrier.arrive $0xFFFF;
	s2 =	simm.s32 @!p0 $0x1C03  }
0xa6: {  	[timem:s3], [sflag:s2] =	dma.local @!p0 [hbm:s0], s1  }
0xa7: {  	s0 =	simm.s32 @!p0 $0x3  }
0xa8: {  	_ =	swait.ge @!p0 [sflag:s0], s1  }
0xa9: {  	s1 =	ssub.s32 @!p0 $0x0, s1;
	[sflag:s0] =	ssyncset.done @!p0 $0x0  }
0xaa: {  	[sflag:s0] =	ssyncadd.s32 @!p0 s1  }
0xab: {  	[bflag:$0x3] =	sbarrier.arrive $0xFFFF  }
0xac: {  	_ =	shalt  }

// kernel: kernel.9.cloned.1.call-start
scs
__scs_entry_jumppad:
0x0: {  	(pc) =	sbr.rel $0x88, $3  }
0x1: {  	(tag) =	ssettag $0x0;
	lr =	simm.s32 $0x1  }
0x2: {  	[smem:$0x3F8E] =	sst lr;
	_ =	strace $0xD0000000  }
0x3: {  	_ = 	snop  }
0x4: {  	_ = 	snop  }
0x5: {  	_ = 	snop  }
0x6: {  	_ = 	snop  }
0x7: {  	_ = 	snop  }
__scs_overlays_trampoline_lowered:
0x8: {  	[smem:$0x3F9D] =	sst s0  }
0x9: {  	[smem:$0x3F9E] =	sst s1  }
0xa: {  	[smem:$0x3F9F] =	sst s2  }
0xb: {  	[smem:$0x3FA0] =	sst s3  }
0xc: {  	[smem:$0x3FA1] =	sst s4  }
0xd: {  	[smem:$0x3FA2] =	sst s5  }
0xe: {  	[smem:$0x3FA3] =	sst s6  }
0xf: {  	[smem:$0x3FA4] =	sst s7  }
0x10: {  	[smem:$0x3FA5] =	sst s8  }
0x11: {  	[smem:$0x3FA6] =	sst s9;
	s0 =	simm.s32 @!p0 $0x0  }
0x12: {  	s1 =	sld [smem:$0x3F8C];
	s0 =	simm.s32 @p0 $0x1  }
0x13: {  	[smem:$0x3FA7] =	sst s0;
	s0 =	simm.s32 @!p1 $0x0  }
0x14: {  	s2 =	sld [smem:$0x3F8B];
	s0 =	simm.s32 @p1 $0x1  }
0x15: {  	[smem:$0x3FA8] =	sst s0;
	s0 =	simm.s32 @!p2 $0x0  }
0x16: {  	s3 =	sld [smem:$0x3FDB];
	s0 =	simm.s32 @p2 $0x1  }
0x17: {  	s4 =	simm.s32 $0x1BF5;
	[smem:$0x3FAA] =	sst s0  }
0x18: {  	s0 =	sld [smem:$0x3F8D];
	_ =	swait.ge [sflag:s4], $0x0  }
0x19: {  	s7 =	sld [smem:$0x3F8E]  }
0x1a: {  	s8 =	sadd.s32 $0xFFFFE003, lr  }
0x1b: {  	s9 =	sadd.s32 $0xFFFFFEF7, lr;
	s5 =	simm.s32 $0xFFFFFFFF;
	p2 =	slt.u32 s8, $0xFFFFF086  }
0x1c: {  	p1 =	slt.u32 s9, $0xF7A;
	s5 =	simm.s32 @!p2 $0x0  }
0x1d: {  	s5 =	simm.s32 @p1 $0x1;
	p0 =	seq.s32 s7, s2  }
0x1e: {  	s7 =	smul.u32 @!p0 $0xF7A, s2;
	p2 =	seq.s32 @!p0 s5, $0x0  }
0x1f: {  	s9 =	smul.u32 $0xF7A, s1;
	s8 =	simm.s32 @!p0 $0x1BF5;
	p2 =	por !p2, p0  }
0x20: {  	[sflag:s8] =	ssyncset.s32 @!p0 $0xFFFFF086;
	s6 =	sadd.s32 @!p0 s3, s7;
	s7 =	simm.s32 @!p0 $0x108  }
0x21: {  	s3 =	sadd.s32 s3, s9;
	s6 =	sadd.s32 @!p0 $0x88, s6;
	s7 =	simm.s32 @p2 $0x1082  }
0x22: {  	[simem:s7], [sflag:s8] =	dma.local @!p0 [hbm:s6], $0xF7A  }
0x23: {  	s9 =	sor.u32 $0xD0000000, s2;
	s6 =	simm.s32 $0x108;
	_ =	swait.ge @!p0 [sflag:s8], $0x0  }
0x24: {  	s3 =	sadd.s32 $0x88, s3;
	s6 =	simm.s32 @!p1 $0x1082;
	[sflag:s4] =	ssyncset.s32 $0xFFFFF086  }
0x25: {  	[simem:s6], [sflag:s4] =	dma.local [hbm:s3], $0xF7A  }
0x26: {  	[smem:$0x3F8E] =	sst s1;
	(tag) =	ssettag s2;
	_ =	strace s9  }
0x27: {  	s1 =	sld [smem:$0x3F9E]  }
0x28: {  	s2 =	sld [smem:$0x3F9F]  }
0x29: {  	s4 =	sld [smem:$0x3FA1]  }
0x2a: {  	p0 =	seq.s32 s5, $0x0;
	s5 =	sld [smem:$0x3FA2]  }
0x2b: {  	s6 =	sld [smem:$0x3FA3]  }
0x2c: {  	s7 =	sld [smem:$0x3FA4]  }
0x2d: {  	s3 =	simm.s32 $0x108;
	s8 =	sld [smem:$0x3FA5]  }
0x2e: {  	s3 =	simm.s32 @!p0 $0x1082;
	s9 =	sld [smem:$0x3FA6]  }
0x2f: {  	lr =	sadd.s32 s0, s3;
	s0 =	sld [smem:$0x3F9D]  }
0x30: {  	s3 =	sld [smem:$0x3FA0]  }
0x31: {  	[smem:$0x3FA9] =	sst s10  }
0x32: {  	s10 =	sld [smem:$0x3FA7];
	_ =	sdelay $0x3  }
0x33: {  	p0 =	seq.s32 s10, $0x1;
	s10 =	sld [smem:$0x3FA9];
	_ =	sdelay $0x3  }
0x34: {  	[smem:$0x3FA9] =	sst s10  }
0x35: {  	s10 =	sld [smem:$0x3FA8];
	_ =	sdelay $0x3  }
0x36: {  	p1 =	seq.s32 s10, $0x1;
	s10 =	sld [smem:$0x3FA9];
	_ =	sdelay $0x3  }
0x37: {  	[smem:$0x3FA9] =	sst s10  }
0x38: {  	s10 =	sld [smem:$0x3FAA]  }
0x39: {  	_ = 	snop;
	(pc) =	sbr.ind lr, $3  }
0x3a: {  	_ = 	snop  }
0x3b: {  	_ = 	snop  }
0x3c: {  	p2 =	seq.s32 s10, $0x1;
	s10 =	sld [smem:$0x3FA9]  }
0x3d: {  	_ =	shalt  }
0x3e: {  	_ =	shalt  }
0x3f: {  	_ =	shalt  }
0x40: {  	_ =	shalt  }
0x41: {  	_ =	shalt  }
0x42: {  	_ =	shalt  }
0x43: {  	_ =	shalt  }
0x44: {  	_ =	shalt  }
0x45: {  	_ =	shalt  }
0x46: {  	_ =	shalt  }
0x47: {  	_ =	shalt  }
0x48: {  	_ =	shalt  }
0x49: {  	_ =	shalt  }
0x4a: {  	_ =	shalt  }
0x4b: {  	_ =	shalt  }
0x4c: {  	_ =	shalt  }
0x4d: {  	_ =	shalt  }
0x4e: {  	_ =	shalt  }
0x4f: {  	_ =	shalt  }
0x50: {  	_ =	shalt  }
0x51: {  	_ =	shalt  }
0x52: {  	_ =	shalt  }
0x53: {  	_ =	shalt  }
0x54: {  	_ =	shalt  }
0x55: {  	_ =	shalt  }
0x56: {  	_ =	shalt  }
0x57: {  	_ =	shalt  }
0x58: {  	_ =	shalt  }
0x59: {  	_ =	shalt  }
0x5a: {  	_ =	shalt  }
0x5b: {  	_ =	shalt  }
0x5c: {  	_ =	shalt  }
0x5d: {  	_ =	shalt  }
0x5e: {  	_ =	shalt  }
0x5f: {  	_ =	shalt  }
0x60: {  	_ =	shalt  }
0x61: {  	_ =	shalt  }
0x62: {  	_ =	shalt  }
0x63: {  	_ =	shalt  }
0x64: {  	_ =	shalt  }
0x65: {  	_ =	shalt  }
0x66: {  	_ =	shalt  }
0x67: {  	_ =	shalt  }
0x68: {  	_ =	shalt  }
0x69: {  	_ =	shalt  }
0x6a: {  	_ =	shalt  }
0x6b: {  	_ =	shalt  }
0x6c: {  	_ =	shalt  }
0x6d: {  	_ =	shalt  }
0x6e: {  	_ =	shalt  }
0x6f: {  	_ =	shalt  }
0x70: {  	_ =	shalt  }
0x71: {  	_ =	shalt  }
0x72: {  	_ =	shalt  }
0x73: {  	_ =	shalt  }
0x74: {  	_ =	shalt  }
0x75: {  	_ =	shalt  }
0x76: {  	_ =	shalt  }
0x77: {  	_ =	shalt  }
0x78: {  	_ =	shalt  }
0x79: {  	_ =	shalt  }
0x7a: {  	_ =	shalt  }
0x7b: {  	_ =	shalt  }
0x7c: {  	_ =	shalt  }
0x7d: {  	_ =	shalt  }
0x7e: {  	_ =	shalt  }
0x7f: {  	_ =	shalt  }
0x80: {  	_ =	shalt  }
0x81: {  	_ =	shalt  }
0x82: {  	_ =	shalt  }
0x83: {  	_ =	shalt  }
0x84: {  	_ =	shalt  }
0x85: {  	_ =	shalt  }
0x86: {  	_ =	shalt  }
0x87: {  	_ =	shalt  }
.Lfunc_end0:
.L_simem_size_0:
called_computation.1_lowered:
.L_overlay_start_0:
0x88: {  	s2 =	sld [smem:$0x3FD9]  }
0x89: {  	s3 =	sld [smem:$0x3FFE];
	_ =	sdelay $0x1  }
0x8a: {  	s1 =	srdreg.scid  }
0x8b: {  	s0 =	sand.u32 $0x1, s1  }
0x8c: {  	s16 =	sshll.u32 s0, $0xA;
	s2 =	sadd.s32 s3, s2  }
0x8d: {  	s2 =	sadd.s32 s2, s16  }
0x8e: {  	[smem:$0x3FB5] =	sst s2  }
0x8f: {  	_ = 	snop  }
0x90: {  	(tm) =	ssettm $0x1  }
0x91: {  	s17 =	sld [smem:$0x3FFB];
	_ =	sdelay $0x3  }
0x92: {  	_ =	strace s17  }
0x93: {  	s2 =	sld [smem:$0x3FFC];
	_ =	sdelay $0x3  }
0x94: {  	_ =	strace s2  }
0x95: {  	s2 =	sld [smem:$0x3FFD];
	_ =	sdelay $0x3  }
0x96: {  	_ =	strace s2  }
0x97: {  	_ =	strace $0x8FFFFFFF  }
0x98: {  	s18 =	sld [smem:$0x3FDB];
	_ =	sdelay $0x1  }
0x99: {  	s19 =	simm.s32 $_scs_section_size  }
0x9a: {  	s4 =	simm.s32 $_size__tile_overlayer_lowered;
	s5 =	simm.s32 $_tile_overlayer_lowered  }
0x9b: {  	s22 =	simm.s32 $0x1BFF;
	s21 =	sshll.u32 s5, $0x1;
	s2 =	sadd.s32 s19, s18  }
0x9c: {  	s6 =	simm.s32 $0x0;
	s20 =	sshll.u32 s4, $0x1;
	s4 =	sadd.s32 s21, s2  }
0x9d: {  	[timem:s6], [sflag:s22] =	dma.local [hbm:s4], s20  }
0x9e: {  	_ =	swait.ge [sflag:s22], s20  }
0x9f: {  	s3 =	ssub.s32 $0x0, s20;
	[sflag:s22] =	ssyncset.done $0x0  }
0xa0: {  	[sflag:s22] =	ssyncadd.s32 s3;
	_ =	sdelay $0x1  }
0xa1: {  	s23 =	simm.s32 $0x1B8B  }
0xa2: {  	_ =	swait.ge [sflag:s23], $0x1  }
0xa3: {  	[sflag:s23] =	ssyncset.done $0x0  }
0xa4: {  	s25 =	simm.s32 $0x1B8E;
	s24 =	sld [smem:$0x3FFE];
	[sflag:s23] =	ssyncadd.s32 $0xFFFFFFFF  }
0xa5: {  	s26 =	simm.s32 $execute0_lowered;
	[smem:$0x3FD2] =	sst s25  }
0xa6: {  	s4 =	sshll.u32 s26, $0x1;
	_ =	strace $0x80000049;
	[dreg:$0x1] =	wrdreg $0xFFFFFFFF  }
0xa7: {  	s28 =	simm.s32 $_size_execute0_lowered;
	s2 =	sadd.s32 s2, s4;
	[dreg:$0x0] =	wrdreg $0x0  }
0xa8: {  	s4 =	sshll.u32 s28, $0x1;
	[dreg:$0x2] =	wrdreg s2  }
0xa9: {  	[dreg:$0x3] =	wrdreg s4  }
0xaa: {  	[dreg:$0x4] =	wrdreg $0xC0  }
0xab: {  	_ =	task [dreg:s6], $0x5FFFF  }
0xac: {  	[dreg:$0x1] =	wrdreg $0xFFFFFFFF  }
0xad: {  	[dreg:$0x0] =	wrdreg $0x60  }
0xae: {  	[dreg:$0x2] =	wrdreg s24  }
0xaf: {  	[dreg:$0x3] =	wrdreg $0xA8000  }
0xb0: {  	[dreg:$0x4] =	wrdreg $0x9  }
0xb1: {  	_ =	task.clear_ibuf [dreg:s6], $0x5FFFF;
	_ =	strace $0x90000049  }
0xb2: {  	s29 =	simm.s32 $0x9;
	_ =	strace $0x8000004B  }
0xb3: {  	_ =	swait.ge [sflag:s29], $0x1  }
0xb4: {  	[sflag:s29] =	ssyncadd.s32 $0xFFFFFFFF  }
0xb5: {  	_ =	strace $0x9000004B  }
0xb6: {  	_ =	sfence  }
0xb7: {  	s30 =	sld [smem:$0x0];
	_ =	sdelay $0x2  }
0xb8: {  	s31 =	sshll.u32 s1, $0xD;
	s1 =	sshrl.u32 s1, $0x2  }
0xb9: {  	s3 =	sand.u32 $0x4000, s31;
	s1 =	sadd.s32 s1, s30  }
0xba: {  	s0 =	sor.u32 s3, s0;
	s1 =	sshll.u32 s1, $0x11  }
0xbb: {  	s0 =	sor.u32 s1, s0  }
0xbc: {  	s0 =	sadd.s32 $0x8F2B, s0  }
0xbd: {  	[sflag:s0] =	ssyncadd.remote.s32 $0x1  }
0xbe: {  	_ =	sfence.sel $0xFFFF  }
0xbf: {  	[dreg:$0x0] =	wrdreg $0xFFFFFFFF;
	(pc) =	sbr.abs _section_cstart, $3  }
0xc0: {  	[dreg:$0x1] =	wrdreg $0xFFFFFFFF  }
0xc1: {  	_ =	task.clear_ibuf [dreg:s6], $0x2FFFF;
	_ =	strace $0x9FFFFFFF  }
0xc2: {  	(tm) =	ssettm $0x7FFFFFFF  }
0xc3: {  	_ =	shalt  }
tec
execute0_lowered:
.L_overlay_start_1:
0x0: {  	(tag) =	ssettag $0x1  }
0x1: {  	s0 =	rddreg [dreg:$0x0]  }
0x2: {  	s1 =	rddreg [dreg:$0x1]  }
0x3: {  	s2 =	simm.s32 $0x0;
	s4 =	srdreg.scid;
	s11 =	stileid.u32  }
0x4: {  	s29 =	simm.s32 $0x4800;
	s15 =	simm.s32 $0x6800;
	s28 =	simm.s32 $0x1  }
0x5: {  	s30 =	simm.s32 $0x40;
	s31 =	simm.s32 $0x8800;
	s12 =	simm.s32 $0xA000  }
0x6: {  	s13 =	simm.s32 $0xA280;
	s14 =	simm.s32 $0xA200;
	s25 =	simm.s32 $0x0  }
0x7: {  	[smem:$0x7FF] =	sst s2;
	s3 =	sadd.s32 $0x2B400, s0;
	s6 =	smul.u32 $0x4F000, s11  }
0x8: {  	s5 =	sadd.s32 $0x3400, s0;
	s4 =	sand.u32 $0x1, s4;
	s8 =	smul.u32 $0x27800, s11  }
0x9: {  	s16 =	sadd.s32 $0x17400, s0;
	s0 =	sadd.s32 $0x79600, s0;
	s9 =	smul.u32 $0x13C00, s11  }
0xa: {  	s10 =	sadd.s32 $0x128400, s1;
	_ =	strace $0x8000004A;
	[dreg:$0x3] =	wrdreg s5  }
0xb: {  	s22 =	smul.u32 $0x140, s11;
	p0 =	seq.s32 s11, $0xF;
	[dreg:$0x4] =	wrdreg s16  }
0xc: {  	s17 =	ssub.s32 $0x2, s4;
	s18 =	sshll.u32 s4, $0xA;
	s19 =	smul.u32 $0x138800, s4  }
0xd: {  	s4 =	sshll.u32 s4, $0x7;
	s26 =	sshrl.u32 @p0 s10, $0x3;
	[dreg:$0xe] =	wrdreg s25  }
0xe: {  	s16 =	simm.s32 $0xA500;
	s7 =	sshrl.u32 s17, $0x1;
	[dreg:$0x7] =	wrdreg s22  }
0xf: {  	s6 =	sshrl.u32 s6, $0x2;
	s22 =	simm.s32 $0xA700;
	[dreg:$0xb] =	wrdreg s26  }
0x10: {  	s5 =	ssub.s32 s17, s7;
	s7 =	sor.u32 s18, s8;
	s6 =	sadd.s32 s6, s1  }
0x11: {  	s20 =	sadd.s32 s9, s19;
	s21 =	sshrl.u32 s19, $0x3;
	s18 =	simm.s32 $0x2800  }
0x12: {  	s17 =	simm.s32 $0xA180;
	s9 =	simm.s32 $0x9F00;
	s7 =	sshrl.u32 s7, $0x3  }
0x13: {  	s19 =	simm.s32 $0xA580;
	s24 =	smax.u32 s5, $0x1;
	s7 =	sadd.s32 s3, s7  }
0x14: {  	s5 =	simm.s32 $0xA080;
	[dreg:$0x5] =	wrdreg s7;
	s7 =	sadd.s32 s3, s4  }
0x15: {  	v0 =	vimm.s32 $0x7;
	[dreg:$0xa] =	wrdreg s24;
	s24 =	simm.s32 $0x2;
	s3 =	sadd.s32 $0x4A100, s7  }
0x16: {  	v1 =	vimm.s32 $0x1;
	v2 =	vimm.s32 $0x0;
	v3 =	vlaneseq.u32;
	s4 =	sadd.s32 s0, s21;
	[dreg:$0x6] =	wrdreg s3;
	s3 =	sshrl.u32 s20, $0x3  }
.Ltmp0:
0x17: {  	vm0 =	vmmov $0x1;
	v4 =	vimm.s32 $0x2;
	v5 =	vimm.s32 $0x3;
	s21 =	simm.s32 $0xA680;
	s0 =	sadd.s32 s0, s3;
	(pc) =	sbr.rel .LBB2_1-.Ltmp0, $4  }
0x18: {  	v6 =	vimm.s32 $0x4;
	v7 =	vimm.s32 $0x5;
	v8 =	vimm.s32 $0x6;
	s23 =	sadd.s32 $0x25080, s4;
	[dreg:$0x8] =	wrdreg s0;
	s0 =	sshll.u32 @!p0 s11, $0x6  }
0x19: {  	v9 =	vimm.s32 $0x8;
	v10 =	vimm.s32 $0x9;
	v11 =	vimm.s32 $0xA;
	s4 =	simm.s32 $0xA100;
	[dreg:$0x9] =	wrdreg s23;
	s0 =	sor.u32 @!p0 $0x1C03, s0  }
0x1a: {  	v12 =	vimm.s32 $0xB;
	v13 =	vimm.s32 $0xC;
	v14 =	vimm.s32 $0xD;
	s20 =	simm.s32 $0xA600;
	[dreg:$0xc] =	wrdreg s0;
	s0 =	sshrl.u32 @!p0 s6, $0x3  }
0x1b: {  	v15 =	vimm.s32 $0xE;
	v16 =	vimm.s32 $0xF;
	v3 =	vmul.u32 $0x8, v3;
	s23 =	simm.s32 $0xA780;
	s11 =	simm.s32 $0xA380;
	[dreg:$0xd] =	wrdreg s0  }
.LBB2_9:
0x1c: {  	[bflag:$0x0] =	sbarrier.arrive $0xFFFF  }
0x1d: {  	s25 =	rddreg [dreg:$0x9]  }
0x1e: {  	s0 =	simm.s32 @p0 $0x1FC3;
	s3 =	rddreg [dreg:$0xb]  }
0x1f: {  	[hbm:s25], [sflag:s0] =	dma.local @p0 [spmem:s3], $0x2080  }
0x20: {  	s0 =	simm.s32 @p0 $0x3  }
0x21: {  	_ =	swait.ge @p0 [sflag:s0], $0x2080  }
0x22: {  	s25 =	rddreg [dreg:$0xc]  }
0x23: {  	[sflag:s0] =	ssyncset.done @p0 $0x0;
	s3 =	rddreg [dreg:$0xd]  }
0x24: {  	[sflag:s0] =	ssyncadd.s32 @p0 $0xFFFFDF80;
	s0 =	rddreg [dreg:$0x8]  }
0x25: {  	[hbm:s0], [sflag:s25] =	dma.local @!p0 [spmem:s3], $0x2780  }
0x26: {  	s0 =	simm.s32 @!p0 $0x3  }
0x27: {  	_ =	swait.ge @!p0 [sflag:s0], $0x2780  }
0x28: {  	s25 =	rddreg [dreg:$0xe]  }
0x29: {  	s26 =	rddreg [dreg:$0xa];
	s3 =	sadd.s32 $0x1, s25  }
0x2a: {  	p1 =	sne.s32 s3, s26  }
.Ltmp1:
0x2b: {  	_ = 	snop;
	(pc) =	sbr.rel @!p1 .LBB2_10-.Ltmp1, $3  }
0x2c: {  	_ =	sdelay $0x1  }
0x2d: {  	[sflag:s0] =	ssyncset.done @!p0 $0x0;
	[dreg:$0xe] =	wrdreg s3  }
0x2e: {  	[sflag:s0] =	ssyncadd.s32 @!p0 $0xFFFFD880;
	s26 =	rddreg [dreg:$0xb]  }
.LBB2_1:
0x2f: {  	s0 =	simm.s32 @p0 $0x1FC3;
	s25 =	rddreg [dreg:$0x6];
	s8 =	smov.u32 s26  }
0x30: {  	s3 =	simm.s32 @p0 $0x8;
	s26 =	simm.s32 @p0 $0x80;
	s6 =	simm.s32 @p0 $0x100  }
0x31: {  	[spmem:s8@s26], [sflag:s0] =	dma.strided @p0 [hbm:s25@s6], $0x2080, s3, $0x10   }
0x32: {  	s0 =	simm.s32 @p0 $0x3  }
0x33: {  	_ =	swait.ge @p0 [sflag:s0], $0x2080  }
0x34: {  	s26 =	simm.s32 @!p0 $0x100;
	s8 =	rddreg [dreg:$0xc]  }
0x35: {  	s25 =	simm.s32 @!p0 $0x80;
	[sflag:s0] =	ssyncset.done @p0 $0x0;
	s10 =	rddreg [dreg:$0xd]  }
0x36: {  	s3 =	simm.s32 @!p0 $0x8;
	[sflag:s0] =	ssyncadd.s32 @p0 $0xFFFFDF80;
	s0 =	rddreg [dreg:$0x5]  }
0x37: {  	[spmem:s10@s25], [sflag:s8] =	dma.strided @!p0 [hbm:s0@s26], $0x2780, s3, $0x10   }
0x38: {  	s0 =	simm.s32 @!p0 $0x3  }
.Ltmp2:
0x39: {  	_ =	swait.ge @!p0 [sflag:s0], $0x2780;
	(pc) =	sbr.rel .LBB2_2-.Ltmp2, $4  }
0x3a: {  	[sflag:s0] =	ssyncset.done @!p0 $0x0  }
0x3b: {  	[sflag:s0] =	ssyncadd.s32 @!p0 $0xFFFFD880  }
0x3c: {  	s6 =	simm.s32 $0xA480;
	[bflag:$0x0] =	sbarrier.arrive $0xFFFF  }
0x3d: {  	s10 =	simm.s32 $0xA300;
	s8 =	simm.s32 $0xA400;
	s0 =	simm.s32 $0x0  }
.LBB2_8:
0x3e: {  	_ =	swait.ge [sflag:s24], $0x2000  }
0x3f: {  	[sflag:s24] =	ssyncset.done $0x0  }
0x40: {  	[sflag:s24] =	ssyncadd.s32 $0xFFFFE000  }
0x41: {  	_ =	swait.ge [sflag:s24], $0x2000  }
0x42: {  	[sflag:s24] =	ssyncset.done $0x0  }
0x43: {  	[sflag:s24] =	ssyncadd.s32 $0xFFFFE000  }
0x44: {  	_ =	swait.ge [sflag:s24], $0x2000  }
0x45: {  	s0 =	rddreg [dreg:$0xf]  }
0x46: {  	s0 =	sadd.s32 $0x1, s0  }
0x47: {  	p1 =	sne.s32 s0, $0x8  }
.Ltmp3:
0x48: {  	_ = 	snop;
	(pc) =	sbr.rel @!p1 .LBB2_9-.Ltmp3, $3  }
0x49: {  	_ =	sdelay $0x1  }
0x4a: {  	[sflag:s24] =	ssyncset.done $0x0  }
0x4b: {  	[sflag:s24] =	ssyncadd.s32 $0xFFFFE000  }
.LBB2_2:
0x4c: {  	s26 =	smul.u32 $0x28, s0  }
0x4d: {  	s25 =	rddreg [dreg:$0x7]  }
0x4e: {  	[dreg:$0xf] =	wrdreg s0;
	s0 =	sadd.s32 s25, s26  }
0x4f: {  	s3 =	rddreg [dreg:$0x3];
	s0 =	sshll.u32 s0, $0x4  }
0x50: {  	s25 =	simm.s32 $0x0;
	s26 =	sadd.s32 s3, s0;
	s3 =	simm.s32 $0x3  }
0x51: {  	[tilespmem:s25], [sflag:$0x3] =	stream.linear.gather [hbm4b:s26+s25], $0x1400, $0x38;
	[tilespmem:$0x1E480] =	vst v63  }
0x52: {  	_ =	swait.ge [sflag:s3], $0x1400  }
0x53: {  	[sflag:s3] =	ssyncset.done $0x0;
	s26 =	rddreg [dreg:$0x4]  }
0x54: {  	[sflag:s3] =	ssyncadd.s32 $0xFFFFEC00;
	s0 =	sadd.s32 s26, s0;
	s26 =	simm.s32 $0x1400  }
0x55: {  	[tilespmem:s26], [sflag:$0x3] =	stream.linear.gather [hbm4b:s0+s25], $0x1400, $0x38;
	[tilespmem:$0x1E480] =	vst v63  }
0x56: {  	_ =	swait.ge [sflag:s3], $0x1400  }
0x57: {  	[sflag:s3] =	ssyncset.done $0x0  }
0x58: {  	[sflag:s3] =	ssyncadd.s32 $0xFFFFEC00  }
0x59: {  	v17 =	vld [tilespmem:$0x0];
	_ =	sdelay $0x4  }
0x5a: {  	v18 =	vshll.u32 v17, $0x1  }
0x5b: {  	v17 =	vand.u32 $0x7, v17;
	v18 =	vand.u32 $0xFFFFFFF0, v18  }
0x5c: {  	v17 =	vor.u32 v17, v18  }
0x5d: {  	v18 =	vperm.xlane v17, v2;
	_ =	sdelay $0x1  }
0x5e: {  	v19 =	vperm.xlane v17, v1;
	v18 =	vadd.s32 v3, v18;
	_ =	sdelay $0x1  }
0x5f: {  	v20 =	vperm.xlane v17, v4;
	v19 =	vadd.s32 v3, v19;
	_ =	sdelay $0x1  }
0x60: {  	v21 =	vperm.xlane v17, v5;
	v20 =	vadd.s32 v3, v20  }
0x61: {  	[tilespmem:s18], [sflag:$0x1] =	stream.indirect_vreg.gather [hbm4b:s7+s25], $0x80, v18, vm0, $0xb8;
	[tilespmem:$0x1E480] =	vst v63  }
0x62: {  	s26 =	simm.s32 $0x2880;
	v62 =	vperm.xlane v17, v6;
	v18 =	vadd.s32 v3, v21  }
0x63: {  	[tilespmem:s26], [sflag:$0x1] =	stream.indirect_vreg.gather [hbm4b:s7+s25], $0x80, v19, vm0, $0xb8;
	[tilespmem:$0x1E480] =	vst v63  }
0x64: {  	s3 =	simm.s32 $0x2900;
	v63 =	vperm.xlane v17, v7;
	v19 =	vadd.s32 v3, v62  }
0x65: {  	[tilespmem:s3], [sflag:$0x1] =	stream.indirect_vreg.gather [hbm4b:s7+s25], $0x80, v20, vm0, $0xb8;
	[tilespmem:$0x1E480] =	vst v63  }
0x66: {  	v25 =	vperm.xlane v17, v8;
	v24 =	vadd.s32 v3, v63;
	s26 =	simm.s32 $0x2980  }
0x67: {  	[tilespmem:s26], [sflag:$0x1] =	stream.indirect_vreg.gather [hbm4b:s7+s25], $0x80, v18, vm0, $0xb8;
	[tilespmem:$0x1E480] =	vst v63  }
0x68: {  	v26 =	vperm.xlane v17, v0;
	s3 =	simm.s32 $0x2A00;
	v18 =	vadd.s32 v3, v25  }
0x69: {  	[tilespmem:s3], [sflag:$0x1] =	stream.indirect_vreg.gather [hbm4b:s7+s25], $0x80, v19, vm0, $0xb8;
	[tilespmem:$0x1E480] =	vst v63  }
0x6a: {  	v27 =	vperm.xlane v17, v9;
	s26 =	simm.s32 $0x2A80;
	v19 =	vadd.s32 v3, v26  }
0x6b: {  	[tilespmem:s26], [sflag:$0x1] =	stream.indirect_vreg.gather [hbm4b:s7+s25], $0x80, v24, vm0, $0xb8;
	[tilespmem:$0x1E480] =	vst v63  }
0x6c: {  	v29 =	vperm.xlane v17, v10;
	v28 =	vadd.s32 v3, v27;
	s3 =	simm.s32 $0x2B00  }
0x6d: {  	[tilespmem:s3], [sflag:$0x1] =	stream.indirect_vreg.gather [hbm4b:s7+s25], $0x80, v18, vm0, $0xb8;
	[tilespmem:$0x1E480] =	vst v63  }
0x6e: {  	v30 =	vperm.xlane v17, v11;
	s26 =	simm.s32 $0x2B80;
	v18 =	vadd.s32 v3, v29  }
0x6f: {  	[tilespmem:s26], [sflag:$0x1] =	stream.indirect_vreg.gather [hbm4b:s7+s25], $0x80, v19, vm0, $0xb8;
	[tilespmem:$0x1E480] =	vst v63  }
0x70: {  	v31 =	vperm.xlane v17, v12;
	s3 =	simm.s32 $0x2C00;
	v19 =	vadd.s32 v3, v30  }
0x71: {  	[tilespmem:s3], [sflag:$0x1] =	stream.indirect_vreg.gather [hbm4b:s7+s25], $0x80, v28, vm0, $0xb8;
	[tilespmem:$0x1E480] =	vst v63  }
0x72: {  	v33 =	vperm.xlane v17, v13;
	v32 =	vadd.s32 v3, v31;
	s26 =	simm.s32 $0x2C80  }
0x73: {  	[tilespmem:s26], [sflag:$0x1] =	stream.indirect_vreg.gather [hbm4b:s7+s25], $0x80, v18, vm0, $0xb8;
	[tilespmem:$0x1E480] =	vst v63  }
0x74: {  	v34 =	vperm.xlane v17, v14;
	s3 =	simm.s32 $0x2D00;
	v18 =	vadd.s32 v3, v33  }
0x75: {  	[tilespmem:s3], [sflag:$0x1] =	stream.indirect_vreg.gather [hbm4b:s7+s25], $0x80, v19, vm0, $0xb8;
	[tilespmem:$0x1E480] =	vst v63  }
0x76: {  	v35 =	vperm.xlane v17, v15;
	s26 =	simm.s32 $0x2D80;
	v19 =	vadd.s32 v3, v34  }
0x77: {  	[tilespmem:s26], [sflag:$0x1] =	stream.indirect_vreg.gather [hbm4b:s7+s25], $0x80, v32, vm0, $0xb8;
	[tilespmem:$0x1E480] =	vst v63  }
0x78: {  	v17 =	vperm.xlane v17, v16;
	v36 =	vadd.s32 v3, v35;
	s3 =	simm.s32 $0x2E00  }
0x79: {  	[tilespmem:s3], [sflag:$0x1] =	stream.indirect_vreg.gather [hbm4b:s7+s25], $0x80, v18, vm0, $0xb8;
	[tilespmem:$0x1E480] =	vst v63  }
0x7a: {  	v17 =	vadd.s32 v3, v17;
	s26 =	simm.s32 $0x2E80  }
0x7b: {  	[tilespmem:s26], [sflag:$0x1] =	stream.indirect_vreg.gather [hbm4b:s7+s25], $0x80, v19, vm0, $0xb8;
	[tilespmem:$0x1E480] =	vst v63  }
0x7c: {  	s3 =	simm.s32 $0x2F00  }
0x7d: {  	[tilespmem:s3], [sflag:$0x1] =	stream.indirect_vreg.gather [hbm4b:s7+s25], $0x80, v36, vm0, $0xb8;
	[tilespmem:$0x1E480] =	vst v63  }
0x7e: {  	s26 =	simm.s32 $0x2F80  }
0x7f: {  	[tilespmem:s26], [sflag:$0x1] =	stream.indirect_vreg.gather [hbm4b:s7+s25], $0x80, v17, vm0, $0xb8;
	[tilespmem:$0x1E480] =	vst v63  }
0x80: {  	v17 =	vld [tilespmem:$0x10];
	_ =	sdelay $0x4  }
0x81: {  	v18 =	vshll.u32 v17, $0x1  }
0x82: {  	v17 =	vand.u32 $0x7, v17;
	v18 =	vand.u32 $0xFFFFFFF0, v18  }
0x83: {  	v17 =	vor.u32 v17, v18  }
0x84: {  	v18 =	vperm.xlane v17, v2;
	_ =	sdelay $0x1  }
0x85: {  	v19 =	vperm.xlane v17, v1;
	v18 =	vadd.s32 v3, v18;
	_ =	sdelay $0x1  }
0x86: {  	v37 =	vperm.xlane v17, v4;
	v19 =	vadd.s32 v3, v19;
	_ =	sdelay $0x1  }
0x87: {  	s3 =	simm.s32 $0x3000;
	v38 =	vperm.xlane v17, v5;
	v20 =	vadd.s32 v3, v37  }
0x88: {  	[tilespmem:s3], [sflag:$0x1] =	stream.indirect_vreg.gather [hbm4b:s7+s25], $0x80, v18, vm0, $0xb8;
	[tilespmem:$0x1E480] =	vst v63  }
0x89: {  	s26 =	simm.s32 $0x3080;
	v39 =	vperm.xlane v17, v6;
	v18 =	vadd.s32 v3, v38  }
0x8a: {  	[tilespmem:s26], [sflag:$0x1] =	stream.indirect_vreg.gather [hbm4b:s7+s25], $0x80, v19, vm0, $0xb8;
	[tilespmem:$0x1E480] =	vst v63  }
0x8b: {  	v40 =	vperm.xlane v17, v7;
	s3 =	simm.s32 $0x3100;
	v19 =	vadd.s32 v3, v39  }
0x8c: {  	[tilespmem:s3], [sflag:$0x1] =	stream.indirect_vreg.gather [hbm4b:s7+s25], $0x80, v20, vm0, $0xb8;
	[tilespmem:$0x1E480] =	vst v63  }
0x8d: {  	v42 =	vperm.xlane v17, v8;
	v41 =	vadd.s32 v3, v40;
	s26 =	simm.s32 $0x3180  }
0x8e: {  	[tilespmem:s26], [sflag:$0x1] =	stream.indirect_vreg.gather [hbm4b:s7+s25], $0x80, v18, vm0, $0xb8;
	[tilespmem:$0x1E480] =	vst v63  }
0x8f: {  	v43 =	vperm.xlane v17, v0;
	s3 =	simm.s32 $0x3200;
	v18 =	vadd.s32 v3, v42  }
0x90: {  	[tilespmem:s3], [sflag:$0x1] =	stream.indirect_vreg.gather [hbm4b:s7+s25], $0x80, v19, vm0, $0xb8;
	[tilespmem:$0x1E480] =	vst v63  }
0x91: {  	v44 =	vperm.xlane v17, v9;
	s26 =	simm.s32 $0x3280;
	v19 =	vadd.s32 v3, v43  }
0x92: {  	[tilespmem:s26], [sflag:$0x1] =	stream.indirect_vreg.gather [hbm4b:s7+s25], $0x80, v41, vm0, $0xb8;
	[tilespmem:$0x1E480] =	vst v63  }
0x93: {  	v46 =	vperm.xlane v17, v10;
	v45 =	vadd.s32 v3, v44;
	s3 =	simm.s32 $0x3300  }
0x94: {  	[tilespmem:s3], [sflag:$0x1] =	stream.indirect_vreg.gather [hbm4b:s7+s25], $0x80, v18, vm0, $0xb8;
	[tilespmem:$0x1E480] =	vst v63  }
0x95: {  	v47 =	vperm.xlane v17, v11;
	s26 =	simm.s32 $0x3380;
	v18 =	vadd.s32 v3, v46  }
0x96: {  	[tilespmem:s26], [sflag:$0x1] =	stream.indirect_vreg.gather [hbm4b:s7+s25], $0x80, v19, vm0, $0xb8;
	[tilespmem:$0x1E480] =	vst v63  }
0x97: {  	v48 =	vperm.xlane v17, v12;
	s3 =	simm.s32 $0x3400;
	v19 =	vadd.s32 v3, v47  }
0x98: {  	[tilespmem:s3], [sflag:$0x1] =	stream.indirect_vreg.gather [hbm4b:s7+s25], $0x80, v45, vm0, $0xb8;
	[tilespmem:$0x1E480] =	vst v63  }
0x99: {  	v50 =	vperm.xlane v17, v13;
	v49 =	vadd.s32 v3, v48;
	s26 =	simm.s32 $0x3480  }
0x9a: {  	[tilespmem:s26], [sflag:$0x1] =	stream.indirect_vreg.gather [hbm4b:s7+s25], $0x80, v18, vm0, $0xb8;
	[tilespmem:$0x1E480] =	vst v63  }
0x9b: {  	v51 =	vperm.xlane v17, v14;
	s3 =	simm.s32 $0x3500;
	v18 =	vadd.s32 v3, v50  }
0x9c: {  	[tilespmem:s3], [sflag:$0x1] =	stream.indirect_vreg.gather [hbm4b:s7+s25], $0x80, v19, vm0, $0xb8;
	[tilespmem:$0x1E480] =	vst v63  }
0x9d: {  	v52 =	vperm.xlane v17, v15;
	s26 =	simm.s32 $0x3580;
	v19 =	vadd.s32 v3, v51  }
0x9e: {  	[tilespmem:s26], [sflag:$0x1] =	stream.indirect_vreg.gather [hbm4b:s7+s25], $0x80, v49, vm0, $0xb8;
	[tilespmem:$0x1E480] =	vst v63  }
0x9f: {  	v17 =	vperm.xlane v17, v16;
	v53 =	vadd.s32 v3, v52;
	s3 =	simm.s32 $0x3600  }
0xa0: {  	[tilespmem:s3], [sflag:$0x1] =	stream.indirect_vreg.gather [hbm4b:s7+s25], $0x80, v18, vm0, $0xb8;
	[tilespmem:$0x1E480] =	vst v63  }
0xa1: {  	v17 =	vadd.s32 v3, v17;
	s26 =	simm.s32 $0x3680  }
0xa2: {  	[tilespmem:s26], [sflag:$0x1] =	stream.indirect_vreg.gather [hbm4b:s7+s25], $0x80, v19, vm0, $0xb8;
	[tilespmem:$0x1E480] =	vst v63  }
0xa3: {  	s3 =	simm.s32 $0x3700  }
0xa4: {  	[tilespmem:s3], [sflag:$0x1] =	stream.indirect_vreg.gather [hbm4b:s7+s25], $0x80, v53, vm0, $0xb8;
	[tilespmem:$0x1E480] =	vst v63  }
0xa5: {  	s26 =	simm.s32 $0x3780  }
0xa6: {  	[tilespmem:s26], [sflag:$0x1] =	stream.indirect_vreg.gather [hbm4b:s7+s25], $0x80, v17, vm0, $0xb8;
	[tilespmem:$0x1E480] =	vst v63  }
0xa7: {  	v17 =	vld [tilespmem:$0x20];
	_ =	sdelay $0x4  }
0xa8: {  	v18 =	vshll.u32 v17, $0x1  }
0xa9: {  	v17 =	vand.u32 $0x7, v17;
	v18 =	vand.u32 $0xFFFFFFF0, v18  }
0xaa: {  	v17 =	vor.u32 v17, v18  }
0xab: {  	v18 =	vperm.xlane v17, v2;
	_ =	sdelay $0x1  }
0xac: {  	v19 =	vperm.xlane v17, v1;
	v18 =	vadd.s32 v3, v18;
	_ =	sdelay $0x1  }
0xad: {  	v54 =	vperm.xlane v17, v4;
	v19 =	vadd.s32 v3, v19;
	_ =	sdelay $0x1  }
0xae: {  	s3 =	simm.s32 $0x3800;
	v55 =	vperm.xlane v17, v5;
	v20 =	vadd.s32 v3, v54  }
0xaf: {  	[tilespmem:s3], [sflag:$0x1] =	stream.indirect_vreg.gather [hbm4b:s7+s25], $0x80, v18, vm0, $0xb8;
	[tilespmem:$0x1E480] =	vst v63  }
0xb0: {  	s26 =	simm.s32 $0x3880;
	v56 =	vperm.xlane v17, v6;
	v18 =	vadd.s32 v3, v55  }
0xb1: {  	[tilespmem:s26], [sflag:$0x1] =	stream.indirect_vreg.gather [hbm4b:s7+s25], $0x80, v19, vm0, $0xb8;
	[tilespmem:$0x1E480] =	vst v63  }
0xb2: {  	v57 =	vperm.xlane v17, v7;
	s3 =	simm.s32 $0x3900;
	v19 =	vadd.s32 v3, v56  }
0xb3: {  	[tilespmem:s3], [sflag:$0x1] =	stream.indirect_vreg.gather [hbm4b:s7+s25], $0x80, v20, vm0, $0xb8;
	[tilespmem:$0x1E480] =	vst v63  }
0xb4: {  	v59 =	vperm.xlane v17, v8;
	v58 =	vadd.s32 v3, v57;
	s26 =	simm.s32 $0x3980  }
0xb5: {  	[tilespmem:s26], [sflag:$0x1] =	stream.indirect_vreg.gather [hbm4b:s7+s25], $0x80, v18, vm0, $0xb8;
	[tilespmem:$0x1E480] =	vst v63  }
0xb6: {  	v60 =	vperm.xlane v17, v0;
	s3 =	simm.s32 $0x3A00;
	v18 =	vadd.s32 v3, v59  }
0xb7: {  	[tilespmem:s3], [sflag:$0x1] =	stream.indirect_vreg.gather [hbm4b:s7+s25], $0x80, v19, vm0, $0xb8;
	[tilespmem:$0x1E480] =	vst v63  }
0xb8: {  	v61 =	vperm.xlane v17, v9;
	s26 =	simm.s32 $0x3A80;
	v19 =	vadd.s32 v3, v60  }
0xb9: {  	[tilespmem:s26], [sflag:$0x1] =	stream.indirect_vreg.gather [hbm4b:s7+s25], $0x80, v58, vm0, $0xb8;
	[tilespmem:$0x1E480] =	vst v63  }
0xba: {  	v63 =	vperm.xlane v17, v10;
	v62 =	vadd.s32 v3, v61;
	s3 =	simm.s32 $0x3B00  }
0xbb: {  	[tilespmem:s3], [sflag:$0x1] =	stream.indirect_vreg.gather [hbm4b:s7+s25], $0x80, v18, vm0, $0xb8;
	[tilespmem:$0x1E480] =	vst v63  }
0xbc: {  	v24 =	vperm.xlane v17, v11;
	s26 =	simm.s32 $0x3B80;
	v18 =	vadd.s32 v3, v63  }
0xbd: {  	[tilespmem:s26], [sflag:$0x1] =	stream.indirect_vreg.gather [hbm4b:s7+s25], $0x80, v19, vm0, $0xb8;
	[tilespmem:$0x1E480] =	vst v63  }
0xbe: {  	v25 =	vperm.xlane v17, v12;
	s3 =	simm.s32 $0x3C00;
	v19 =	vadd.s32 v3, v24  }
0xbf: {  	[tilespmem:s3], [sflag:$0x1] =	stream.indirect_vreg.gather [hbm4b:s7+s25], $0x80, v62, vm0, $0xb8;
	[tilespmem:$0x1E480] =	vst v63  }
0xc0: {  	v27 =	vperm.xlane v17, v13;
	v26 =	vadd.s32 v3, v25;
	s26 =	simm.s32 $0x3C80  }
0xc1: {  	[tilespmem:s26], [sflag:$0x1] =	stream.indirect_vreg.gather [hbm4b:s7+s25], $0x80, v18, vm0, $0xb8;
	[tilespmem:$0x1E480] =	vst v63  }
0xc2: {  	v28 =	vperm.xlane v17, v14;
	s3 =	simm.s32 $0x3D00;
	v18 =	vadd.s32 v3, v27  }
0xc3: {  	[tilespmem:s3], [sflag:$0x1] =	stream.indirect_vreg.gather [hbm4b:s7+s25], $0x80, v19, vm0, $0xb8;
	[tilespmem:$0x1E480] =	vst v63  }
0xc4: {  	v29 =	vperm.xlane v17, v15;
	s26 =	simm.s32 $0x3D80;
	v19 =	vadd.s32 v3, v28  }
0xc5: {  	[tilespmem:s26], [sflag:$0x1] =	stream.indirect_vreg.gather [hbm4b:s7+s25], $0x80, v26, vm0, $0xb8;
	[tilespmem:$0x1E480] =	vst v63  }
0xc6: {  	v17 =	vperm.xlane v17, v16;
	v30 =	vadd.s32 v3, v29;
	s3 =	simm.s32 $0x3E00  }
0xc7: {  	[tilespmem:s3], [sflag:$0x1] =	stream.indirect_vreg.gather [hbm4b:s7+s25], $0x80, v18, vm0, $0xb8;
	[tilespmem:$0x1E480] =	vst v63  }
0xc8: {  	v17 =	vadd.s32 v3, v17;
	s26 =	simm.s32 $0x3E80  }
0xc9: {  	[tilespmem:s26], [sflag:$0x1] =	stream.indirect_vreg.gather [hbm4b:s7+s25], $0x80, v19, vm0, $0xb8;
	[tilespmem:$0x1E480] =	vst v63  }
0xca: {  	s3 =	simm.s32 $0x3F00  }
0xcb: {  	[tilespmem:s3], [sflag:$0x1] =	stream.indirect_vreg.gather [hbm4b:s7+s25], $0x80, v30, vm0, $0xb8;
	[tilespmem:$0x1E480] =	vst v63  }
0xcc: {  	s26 =	simm.s32 $0x3F80  }
0xcd: {  	[tilespmem:s26], [sflag:$0x1] =	stream.indirect_vreg.gather [hbm4b:s7+s25], $0x80, v17, vm0, $0xb8;
	[tilespmem:$0x1E480] =	vst v63  }
0xce: {  	v17 =	vld [tilespmem:$0x30];
	_ =	sdelay $0x4  }
0xcf: {  	v18 =	vshll.u32 v17, $0x1  }
0xd0: {  	v17 =	vand.u32 $0x7, v17;
	v18 =	vand.u32 $0xFFFFFFF0, v18  }
0xd1: {  	v17 =	vor.u32 v17, v18  }
0xd2: {  	v18 =	vperm.xlane v17, v2;
	_ =	sdelay $0x1  }
0xd3: {  	v19 =	vperm.xlane v17, v1;
	v18 =	vadd.s32 v3, v18;
	_ =	sdelay $0x1  }
0xd4: {  	v31 =	vperm.xlane v17, v4;
	v19 =	vadd.s32 v3, v19;
	_ =	sdelay $0x1  }
0xd5: {  	s3 =	simm.s32 $0x4000;
	v32 =	vperm.xlane v17, v5;
	v20 =	vadd.s32 v3, v31  }
0xd6: {  	[tilespmem:s3], [sflag:$0x1] =	stream.indirect_vreg.gather [hbm4b:s7+s25], $0x80, v18, vm0, $0xb8;
	[tilespmem:$0x1E480] =	vst v63  }
0xd7: {  	s26 =	simm.s32 $0x4080;
	v33 =	vperm.xlane v17, v6;
	v18 =	vadd.s32 v3, v32  }
0xd8: {  	[tilespmem:s26], [sflag:$0x1] =	stream.indirect_vreg.gather [hbm4b:s7+s25], $0x80, v19, vm0, $0xb8;
	[tilespmem:$0x1E480] =	vst v63  }
0xd9: {  	v34 =	vperm.xlane v17, v7;
	s3 =	simm.s32 $0x4100;
	v19 =	vadd.s32 v3, v33  }
0xda: {  	[tilespmem:s3], [sflag:$0x1] =	stream.indirect_vreg.gather [hbm4b:s7+s25], $0x80, v20, vm0, $0xb8;
	[tilespmem:$0x1E480] =	vst v63  }
0xdb: {  	v36 =	vperm.xlane v17, v8;
	v35 =	vadd.s32 v3, v34;
	s26 =	simm.s32 $0x4180  }
0xdc: {  	[tilespmem:s26], [sflag:$0x1] =	stream.indirect_vreg.gather [hbm4b:s7+s25], $0x80, v18, vm0, $0xb8;
	[tilespmem:$0x1E480] =	vst v63  }
0xdd: {  	v37 =	vperm.xlane v17, v0;
	s3 =	simm.s32 $0x4200;
	v18 =	vadd.s32 v3, v36  }
0xde: {  	[tilespmem:s3], [sflag:$0x1] =	stream.indirect_vreg.gather [hbm4b:s7+s25], $0x80, v19, vm0, $0xb8;
	[tilespmem:$0x1E480] =	vst v63  }
0xdf: {  	v38 =	vperm.xlane v17, v9;
	s26 =	simm.s32 $0x4280;
	v19 =	vadd.s32 v3, v37  }
0xe0: {  	[tilespmem:s26], [sflag:$0x1] =	stream.indirect_vreg.gather [hbm4b:s7+s25], $0x80, v35, vm0, $0xb8;
	[tilespmem:$0x1E480] =	vst v63  }
0xe1: {  	v40 =	vperm.xlane v17, v10;
	v39 =	vadd.s32 v3, v38;
	s3 =	simm.s32 $0x4300  }
0xe2: {  	[tilespmem:s3], [sflag:$0x1] =	stream.indirect_vreg.gather [hbm4b:s7+s25], $0x80, v18, vm0, $0xb8;
	[tilespmem:$0x1E480] =	vst v63  }
0xe3: {  	v41 =	vperm.xlane v17, v11;
	s26 =	simm.s32 $0x4380;
	v18 =	vadd.s32 v3, v40  }
0xe4: {  	[tilespmem:s26], [sflag:$0x1] =	stream.indirect_vreg.gather [hbm4b:s7+s25], $0x80, v19, vm0, $0xb8;
	[tilespmem:$0x1E480] =	vst v63  }
0xe5: {  	v42 =	vperm.xlane v17, v12;
	s3 =	simm.s32 $0x4400;
	v19 =	vadd.s32 v3, v41  }
0xe6: {  	[tilespmem:s3], [sflag:$0x1] =	stream.indirect_vreg.gather [hbm4b:s7+s25], $0x80, v39, vm0, $0xb8;
	[tilespmem:$0x1E480] =	vst v63  }
0xe7: {  	v44 =	vperm.xlane v17, v13;
	v43 =	vadd.s32 v3, v42;
	s26 =	simm.s32 $0x4480  }
0xe8: {  	[tilespmem:s26], [sflag:$0x1] =	stream.indirect_vreg.gather [hbm4b:s7+s25], $0x80, v18, vm0, $0xb8;
	[tilespmem:$0x1E480] =	vst v63  }
0xe9: {  	v45 =	vperm.xlane v17, v14;
	s3 =	simm.s32 $0x4500;
	v18 =	vadd.s32 v3, v44  }
0xea: {  	[tilespmem:s3], [sflag:$0x1] =	stream.indirect_vreg.gather [hbm4b:s7+s25], $0x80, v19, vm0, $0xb8;
	[tilespmem:$0x1E480] =	vst v63  }
0xeb: {  	v46 =	vperm.xlane v17, v15;
	s26 =	simm.s32 $0x4580;
	v19 =	vadd.s32 v3, v45  }
0xec: {  	[tilespmem:s26], [sflag:$0x1] =	stream.indirect_vreg.gather [hbm4b:s7+s25], $0x80, v43, vm0, $0xb8;
	[tilespmem:$0x1E480] =	vst v63  }
0xed: {  	v17 =	vperm.xlane v17, v16;
	v47 =	vadd.s32 v3, v46;
	s3 =	simm.s32 $0x4600  }
0xee: {  	[tilespmem:s3], [sflag:$0x1] =	stream.indirect_vreg.gather [hbm4b:s7+s25], $0x80, v18, vm0, $0xb8;
	[tilespmem:$0x1E480] =	vst v63  }
0xef: {  	v17 =	vadd.s32 v3, v17;
	s26 =	simm.s32 $0x4680  }
0xf0: {  	[tilespmem:s26], [sflag:$0x1] =	stream.indirect_vreg.gather [hbm4b:s7+s25], $0x80, v19, vm0, $0xb8;
	[tilespmem:$0x1E480] =	vst v63  }
0xf1: {  	s3 =	simm.s32 $0x4700  }
0xf2: {  	[tilespmem:s3], [sflag:$0x1] =	stream.indirect_vreg.gather [hbm4b:s7+s25], $0x80, v47, vm0, $0xb8;
	[tilespmem:$0x1E480] =	vst v63  }
0xf3: {  	s26 =	simm.s32 $0x4780  }
0xf4: {  	[tilespmem:s26], [sflag:$0x1] =	stream.indirect_vreg.gather [hbm4b:s7+s25], $0x80, v17, vm0, $0xb8;
	[tilespmem:$0x1E480] =	vst v63  }
0xf5: {  	v17 =	vld [tilespmem:$0x80];
	_ =	sdelay $0x4  }
0xf6: {  	v18 =	vshll.u32 v17, $0x1  }
0xf7: {  	v17 =	vand.u32 $0x7, v17;
	v18 =	vand.u32 $0xFFFFFFF0, v18  }
0xf8: {  	v17 =	vor.u32 v17, v18  }
0xf9: {  	v18 =	vperm.xlane v17, v2;
	_ =	sdelay $0x1  }
0xfa: {  	v19 =	vperm.xlane v17, v1;
	v18 =	vadd.s32 v3, v18;
	_ =	sdelay $0x1  }
0xfb: {  	v48 =	vperm.xlane v17, v4;
	v19 =	vadd.s32 v3, v19;
	_ =	sdelay $0x1  }
0xfc: {  	v49 =	vperm.xlane v17, v5;
	v20 =	vadd.s32 v3, v48  }
0xfd: {  	[tilespmem:s29], [sflag:$0x1] =	stream.indirect_vreg.gather [hbm4b:s7+s25], $0x80, v18, vm0, $0xb8;
	[tilespmem:$0x1E480] =	vst v63  }
0xfe: {  	s3 =	simm.s32 $0x4880;
	v50 =	vperm.xlane v17, v6;
	v18 =	vadd.s32 v3, v49  }
0xff: {  	[tilespmem:s3], [sflag:$0x1] =	stream.indirect_vreg.gather [hbm4b:s7+s25], $0x80, v19, vm0, $0xb8;
	[tilespmem:$0x1E480] =	vst v63  }
0x100: {  	s26 =	simm.s32 $0x4900;
	v51 =	vperm.xlane v17, v7;
	v19 =	vadd.s32 v3, v50  }
0x101: {  	[tilespmem:s26], [sflag:$0x1] =	stream.indirect_vreg.gather [hbm4b:s7+s25], $0x80, v20, vm0, $0xb8;
	[tilespmem:$0x1E480] =	vst v63  }
0x102: {  	v53 =	vperm.xlane v17, v8;
	v52 =	vadd.s32 v3, v51;
	s3 =	simm.s32 $0x4980  }
0x103: {  	[tilespmem:s3], [sflag:$0x1] =	stream.indirect_vreg.gather [hbm4b:s7+s25], $0x80, v18, vm0, $0xb8;
	[tilespmem:$0x1E480] =	vst v63  }
0x104: {  	v54 =	vperm.xlane v17, v0;
	s26 =	simm.s32 $0x4A00;
	v18 =	vadd.s32 v3, v53  }
0x105: {  	[tilespmem:s26], [sflag:$0x1] =	stream.indirect_vreg.gather [hbm4b:s7+s25], $0x80, v19, vm0, $0xb8;
	[tilespmem:$0x1E480] =	vst v63  }
0x106: {  	v55 =	vperm.xlane v17, v9;
	s3 =	simm.s32 $0x4A80;
	v19 =	vadd.s32 v3, v54  }
0x107: {  	[tilespmem:s3], [sflag:$0x1] =	stream.indirect_vreg.gather [hbm4b:s7+s25], $0x80, v52, vm0, $0xb8;
	[tilespmem:$0x1E480] =	vst v63  }
0x108: {  	v57 =	vperm.xlane v17, v10;
	v56 =	vadd.s32 v3, v55;
	s26 =	simm.s32 $0x4B00  }
0x109: {  	[tilespmem:s26], [sflag:$0x1] =	stream.indirect_vreg.gather [hbm4b:s7+s25], $0x80, v18, vm0, $0xb8;
	[tilespmem:$0x1E480] =	vst v63  }
0x10a: {  	v58 =	vperm.xlane v17, v11;
	s3 =	simm.s32 $0x4B80;
	v18 =	vadd.s32 v3, v57  }
0x10b: {  	[tilespmem:s3], [sflag:$0x1] =	stream.indirect_vreg.gather [hbm4b:s7+s25], $0x80, v19, vm0, $0xb8;
	[tilespmem:$0x1E480] =	vst v63  }
0x10c: {  	v59 =	vperm.xlane v17, v12;
	s26 =	simm.s32 $0x4C00;
	v19 =	vadd.s32 v3, v58  }
0x10d: {  	[tilespmem:s26], [sflag:$0x1] =	stream.indirect_vreg.gather [hbm4b:s7+s25], $0x80, v56, vm0, $0xb8;
	[tilespmem:$0x1E480] =	vst v63  }
0x10e: {  	v61 =	vperm.xlane v17, v13;
	v60 =	vadd.s32 v3, v59;
	s3 =	simm.s32 $0x4C80  }
0x10f: {  	[tilespmem:s3], [sflag:$0x1] =	stream.indirect_vreg.gather [hbm4b:s7+s25], $0x80, v18, vm0, $0xb8;
	[tilespmem:$0x1E480] =	vst v63  }
0x110: {  	v62 =	vperm.xlane v17, v14;
	s26 =	simm.s32 $0x4D00;
	v18 =	vadd.s32 v3, v61  }
0x111: {  	[tilespmem:s26], [sflag:$0x1] =	stream.indirect_vreg.gather [hbm4b:s7+s25], $0x80, v19, vm0, $0xb8;
	[tilespmem:$0x1E480] =	vst v63  }
0x112: {  	v63 =	vperm.xlane v17, v15;
	s3 =	simm.s32 $0x4D80;
	v19 =	vadd.s32 v3, v62  }
0x113: {  	[tilespmem:s3], [sflag:$0x1] =	stream.indirect_vreg.gather [hbm4b:s7+s25], $0x80, v60, vm0, $0xb8;
	[tilespmem:$0x1E480] =	vst v63  }
0x114: {  	v17 =	vperm.xlane v17, v16;
	v24 =	vadd.s32 v3, v63;
	s26 =	simm.s32 $0x4E00  }
0x115: {  	[tilespmem:s26], [sflag:$0x1] =	stream.indirect_vreg.gather [hbm4b:s7+s25], $0x80, v18, vm0, $0xb8;
	[tilespmem:$0x1E480] =	vst v63  }
0x116: {  	v17 =	vadd.s32 v3, v17;
	s3 =	simm.s32 $0x4E80  }
0x117: {  	[tilespmem:s3], [sflag:$0x1] =	stream.indirect_vreg.gather [hbm4b:s7+s25], $0x80, v19, vm0, $0xb8;
	[tilespmem:$0x1E480] =	vst v63  }
0x118: {  	s26 =	simm.s32 $0x4F00  }
0x119: {  	[tilespmem:s26], [sflag:$0x1] =	stream.indirect_vreg.gather [hbm4b:s7+s25], $0x80, v24, vm0, $0xb8;
	[tilespmem:$0x1E480] =	vst v63  }
0x11a: {  	s3 =	simm.s32 $0x4F80  }
0x11b: {  	[tilespmem:s3], [sflag:$0x1] =	stream.indirect_vreg.gather [hbm4b:s7+s25], $0x80, v17, vm0, $0xb8;
	[tilespmem:$0x1E480] =	vst v63  }
0x11c: {  	v17 =	vld [tilespmem:$0x90];
	_ =	sdelay $0x4  }
0x11d: {  	v18 =	vshll.u32 v17, $0x1  }
0x11e: {  	v17 =	vand.u32 $0x7, v17;
	v18 =	vand.u32 $0xFFFFFFF0, v18  }
0x11f: {  	v17 =	vor.u32 v17, v18  }
0x120: {  	v18 =	vperm.xlane v17, v2;
	_ =	sdelay $0x1  }
0x121: {  	v19 =	vperm.xlane v17, v1;
	v18 =	vadd.s32 v3, v18;
	_ =	sdelay $0x1  }
0x122: {  	v25 =	vperm.xlane v17, v4;
	v19 =	vadd.s32 v3, v19;
	_ =	sdelay $0x1  }
0x123: {  	s26 =	simm.s32 $0x5000;
	v26 =	vperm.xlane v17, v5;
	v20 =	vadd.s32 v3, v25  }
0x124: {  	[tilespmem:s26], [sflag:$0x1] =	stream.indirect_vreg.gather [hbm4b:s7+s25], $0x80, v18, vm0, $0xb8;
	[tilespmem:$0x1E480] =	vst v63  }
0x125: {  	s3 =	simm.s32 $0x5080;
	v27 =	vperm.xlane v17, v6;
	v18 =	vadd.s32 v3, v26  }
0x126: {  	[tilespmem:s3], [sflag:$0x1] =	stream.indirect_vreg.gather [hbm4b:s7+s25], $0x80, v19, vm0, $0xb8;
	[tilespmem:$0x1E480] =	vst v63  }
0x127: {  	v28 =	vperm.xlane v17, v7;
	s26 =	simm.s32 $0x5100;
	v19 =	vadd.s32 v3, v27  }
0x128: {  	[tilespmem:s26], [sflag:$0x1] =	stream.indirect_vreg.gather [hbm4b:s7+s25], $0x80, v20, vm0, $0xb8;
	[tilespmem:$0x1E480] =	vst v63  }
0x129: {  	v30 =	vperm.xlane v17, v8;
	v29 =	vadd.s32 v3, v28;
	s3 =	simm.s32 $0x5180  }
0x12a: {  	[tilespmem:s3], [sflag:$0x1] =	stream.indirect_vreg.gather [hbm4b:s7+s25], $0x80, v18, vm0, $0xb8;
	[tilespmem:$0x1E480] =	vst v63  }
0x12b: {  	v31 =	vperm.xlane v17, v0;
	s26 =	simm.s32 $0x5200;
	v18 =	vadd.s32 v3, v30  }
0x12c: {  	[tilespmem:s26], [sflag:$0x1] =	stream.indirect_vreg.gather [hbm4b:s7+s25], $0x80, v19, vm0, $0xb8;
	[tilespmem:$0x1E480] =	vst v63  }
0x12d: {  	v32 =	vperm.xlane v17, v9;
	s3 =	simm.s32 $0x5280;
	v19 =	vadd.s32 v3, v31  }
0x12e: {  	[tilespmem:s3], [sflag:$0x1] =	stream.indirect_vreg.gather [hbm4b:s7+s25], $0x80, v29, vm0, $0xb8;
	[tilespmem:$0x1E480] =	vst v63  }
0x12f: {  	v34 =	vperm.xlane v17, v10;
	v33 =	vadd.s32 v3, v32;
	s26 =	simm.s32 $0x5300  }
0x130: {  	[tilespmem:s26], [sflag:$0x1] =	stream.indirect_vreg.gather [hbm4b:s7+s25], $0x80, v18, vm0, $0xb8;
	[tilespmem:$0x1E480] =	vst v63  }
0x131: {  	v35 =	vperm.xlane v17, v11;
	s3 =	simm.s32 $0x5380;
	v18 =	vadd.s32 v3, v34  }
0x132: {  	[tilespmem:s3], [sflag:$0x1] =	stream.indirect_vreg.gather [hbm4b:s7+s25], $0x80, v19, vm0, $0xb8;
	[tilespmem:$0x1E480] =	vst v63  }
0x133: {  	v36 =	vperm.xlane v17, v12;
	s26 =	simm.s32 $0x5400;
	v19 =	vadd.s32 v3, v35  }
0x134: {  	[tilespmem:s26], [sflag:$0x1] =	stream.indirect_vreg.gather [hbm4b:s7+s25], $0x80, v33, vm0, $0xb8;
	[tilespmem:$0x1E480] =	vst v63  }
0x135: {  	v38 =	vperm.xlane v17, v13;
	v37 =	vadd.s32 v3, v36;
	s3 =	simm.s32 $0x5480  }
0x136: {  	[tilespmem:s3], [sflag:$0x1] =	stream.indirect_vreg.gather [hbm4b:s7+s25], $0x80, v18, vm0, $0xb8;
	[tilespmem:$0x1E480] =	vst v63  }
0x137: {  	v39 =	vperm.xlane v17, v14;
	s26 =	simm.s32 $0x5500;
	v18 =	vadd.s32 v3, v38  }
0x138: {  	[tilespmem:s26], [sflag:$0x1] =	stream.indirect_vreg.gather [hbm4b:s7+s25], $0x80, v19, vm0, $0xb8;
	[tilespmem:$0x1E480] =	vst v63  }
0x139: {  	v40 =	vperm.xlane v17, v15;
	s3 =	simm.s32 $0x5580;
	v19 =	vadd.s32 v3, v39  }
0x13a: {  	[tilespmem:s3], [sflag:$0x1] =	stream.indirect_vreg.gather [hbm4b:s7+s25], $0x80, v37, vm0, $0xb8;
	[tilespmem:$0x1E480] =	vst v63  }
0x13b: {  	v17 =	vperm.xlane v17, v16;
	v41 =	vadd.s32 v3, v40;
	s26 =	simm.s32 $0x5600  }
0x13c: {  	[tilespmem:s26], [sflag:$0x1] =	stream.indirect_vreg.gather [hbm4b:s7+s25], $0x80, v18, vm0, $0xb8;
	[tilespmem:$0x1E480] =	vst v63  }
0x13d: {  	v17 =	vadd.s32 v3, v17;
	s3 =	simm.s32 $0x5680  }
0x13e: {  	[tilespmem:s3], [sflag:$0x1] =	stream.indirect_vreg.gather [hbm4b:s7+s25], $0x80, v19, vm0, $0xb8;
	[tilespmem:$0x1E480] =	vst v63  }
0x13f: {  	s26 =	simm.s32 $0x5700  }
0x140: {  	[tilespmem:s26], [sflag:$0x1] =	stream.indirect_vreg.gather [hbm4b:s7+s25], $0x80, v41, vm0, $0xb8;
	[tilespmem:$0x1E480] =	vst v63  }
0x141: {  	s3 =	simm.s32 $0x5780  }
0x142: {  	[tilespmem:s3], [sflag:$0x1] =	stream.indirect_vreg.gather [hbm4b:s7+s25], $0x80, v17, vm0, $0xb8;
	[tilespmem:$0x1E480] =	vst v63  }
0x143: {  	v17 =	vld [tilespmem:$0xA0];
	_ =	sdelay $0x4  }
0x144: {  	v18 =	vshll.u32 v17, $0x1  }
0x145: {  	v17 =	vand.u32 $0x7, v17;
	v18 =	vand.u32 $0xFFFFFFF0, v18  }
0x146: {  	v17 =	vor.u32 v17, v18  }
0x147: {  	v18 =	vperm.xlane v17, v2;
	_ =	sdelay $0x1  }
0x148: {  	v19 =	vperm.xlane v17, v1;
	v18 =	vadd.s32 v3, v18;
	_ =	sdelay $0x1  }
0x149: {  	v42 =	vperm.xlane v17, v4;
	v19 =	vadd.s32 v3, v19;
	_ =	sdelay $0x1  }
0x14a: {  	s26 =	simm.s32 $0x5800;
	v43 =	vperm.xlane v17, v5;
	v20 =	vadd.s32 v3, v42  }
0x14b: {  	[tilespmem:s26], [sflag:$0x1] =	stream.indirect_vreg.gather [hbm4b:s7+s25], $0x80, v18, vm0, $0xb8;
	[tilespmem:$0x1E480] =	vst v63  }
0x14c: {  	s3 =	simm.s32 $0x5880;
	v44 =	vperm.xlane v17, v6;
	v18 =	vadd.s32 v3, v43  }
0x14d: {  	[tilespmem:s3], [sflag:$0x1] =	stream.indirect_vreg.gather [hbm4b:s7+s25], $0x80, v19, vm0, $0xb8;
	[tilespmem:$0x1E480] =	vst v63  }
0x14e: {  	v45 =	vperm.xlane v17, v7;
	s26 =	simm.s32 $0x5900;
	v19 =	vadd.s32 v3, v44  }
0x14f: {  	[tilespmem:s26], [sflag:$0x1] =	stream.indirect_vreg.gather [hbm4b:s7+s25], $0x80, v20, vm0, $0xb8;
	[tilespmem:$0x1E480] =	vst v63  }
0x150: {  	v47 =	vperm.xlane v17, v8;
	v46 =	vadd.s32 v3, v45;
	s3 =	simm.s32 $0x5980  }
0x151: {  	[tilespmem:s3], [sflag:$0x1] =	stream.indirect_vreg.gather [hbm4b:s7+s25], $0x80, v18, vm0, $0xb8;
	[tilespmem:$0x1E480] =	vst v63  }
0x152: {  	v48 =	vperm.xlane v17, v0;
	s26 =	simm.s32 $0x5A00;
	v18 =	vadd.s32 v3, v47  }
0x153: {  	[tilespmem:s26], [sflag:$0x1] =	stream.indirect_vreg.gather [hbm4b:s7+s25], $0x80, v19, vm0, $0xb8;
	[tilespmem:$0x1E480] =	vst v63  }
0x154: {  	v49 =	vperm.xlane v17, v9;
	s3 =	simm.s32 $0x5A80;
	v19 =	vadd.s32 v3, v48  }
0x155: {  	[tilespmem:s3], [sflag:$0x1] =	stream.indirect_vreg.gather [hbm4b:s7+s25], $0x80, v46, vm0, $0xb8;
	[tilespmem:$0x1E480] =	vst v63  }
0x156: {  	v51 =	vperm.xlane v17, v10;
	v50 =	vadd.s32 v3, v49;
	s26 =	simm.s32 $0x5B00  }
0x157: {  	[tilespmem:s26], [sflag:$0x1] =	stream.indirect_vreg.gather [hbm4b:s7+s25], $0x80, v18, vm0, $0xb8;
	[tilespmem:$0x1E480] =	vst v63  }
0x158: {  	v52 =	vperm.xlane v17, v11;
	s3 =	simm.s32 $0x5B80;
	v18 =	vadd.s32 v3, v51  }
0x159: {  	[tilespmem:s3], [sflag:$0x1] =	stream.indirect_vreg.gather [hbm4b:s7+s25], $0x80, v19, vm0, $0xb8;
	[tilespmem:$0x1E480] =	vst v63  }
0x15a: {  	v53 =	vperm.xlane v17, v12;
	s26 =	simm.s32 $0x5C00;
	v19 =	vadd.s32 v3, v52  }
0x15b: {  	[tilespmem:s26], [sflag:$0x1] =	stream.indirect_vreg.gather [hbm4b:s7+s25], $0x80, v50, vm0, $0xb8;
	[tilespmem:$0x1E480] =	vst v63  }
0x15c: {  	v55 =	vperm.xlane v17, v13;
	v54 =	vadd.s32 v3, v53;
	s3 =	simm.s32 $0x5C80  }
0x15d: {  	[tilespmem:s3], [sflag:$0x1] =	stream.indirect_vreg.gather [hbm4b:s7+s25], $0x80, v18, vm0, $0xb8;
	[tilespmem:$0x1E480] =	vst v63  }
0x15e: {  	v56 =	vperm.xlane v17, v14;
	s26 =	simm.s32 $0x5D00;
	v18 =	vadd.s32 v3, v55  }
0x15f: {  	[tilespmem:s26], [sflag:$0x1] =	stream.indirect_vreg.gather [hbm4b:s7+s25], $0x80, v19, vm0, $0xb8;
	[tilespmem:$0x1E480] =	vst v63  }
0x160: {  	v57 =	vperm.xlane v17, v15;
	s3 =	simm.s32 $0x5D80;
	v19 =	vadd.s32 v3, v56  }
0x161: {  	[tilespmem:s3], [sflag:$0x1] =	stream.indirect_vreg.gather [hbm4b:s7+s25], $0x80, v54, vm0, $0xb8;
	[tilespmem:$0x1E480] =	vst v63  }
0x162: {  	v17 =	vperm.xlane v17, v16;
	v58 =	vadd.s32 v3, v57;
	s26 =	simm.s32 $0x5E00  }
0x163: {  	[tilespmem:s26], [sflag:$0x1] =	stream.indirect_vreg.gather [hbm4b:s7+s25], $0x80, v18, vm0, $0xb8;
	[tilespmem:$0x1E480] =	vst v63  }
0x164: {  	v17 =	vadd.s32 v3, v17;
	s3 =	simm.s32 $0x5E80  }
0x165: {  	[tilespmem:s3], [sflag:$0x1] =	stream.indirect_vreg.gather [hbm4b:s7+s25], $0x80, v19, vm0, $0xb8;
	[tilespmem:$0x1E480] =	vst v63  }
0x166: {  	s26 =	simm.s32 $0x5F00  }
0x167: {  	[tilespmem:s26], [sflag:$0x1] =	stream.indirect_vreg.gather [hbm4b:s7+s25], $0x80, v58, vm0, $0xb8;
	[tilespmem:$0x1E480] =	vst v63  }
0x168: {  	s3 =	simm.s32 $0x5F80  }
0x169: {  	[tilespmem:s3], [sflag:$0x1] =	stream.indirect_vreg.gather [hbm4b:s7+s25], $0x80, v17, vm0, $0xb8;
	[tilespmem:$0x1E480] =	vst v63  }
0x16a: {  	v17 =	vld [tilespmem:$0xB0];
	_ =	sdelay $0x4  }
0x16b: {  	v18 =	vshll.u32 v17, $0x1  }
0x16c: {  	v17 =	vand.u32 $0x7, v17;
	v18 =	vand.u32 $0xFFFFFFF0, v18  }
0x16d: {  	v17 =	vor.u32 v17, v18  }
0x16e: {  	v18 =	vperm.xlane v17, v2;
	_ =	sdelay $0x1  }
0x16f: {  	v19 =	vperm.xlane v17, v1;
	v18 =	vadd.s32 v3, v18;
	_ =	sdelay $0x1  }
0x170: {  	v59 =	vperm.xlane v17, v4;
	v19 =	vadd.s32 v3, v19;
	_ =	sdelay $0x1  }
0x171: {  	s26 =	simm.s32 $0x6000;
	v60 =	vperm.xlane v17, v5;
	v20 =	vadd.s32 v3, v59  }
0x172: {  	[tilespmem:s26], [sflag:$0x1] =	stream.indirect_vreg.gather [hbm4b:s7+s25], $0x80, v18, vm0, $0xb8;
	[tilespmem:$0x1E480] =	vst v63  }
0x173: {  	s3 =	simm.s32 $0x6080;
	v61 =	vperm.xlane v17, v6;
	v18 =	vadd.s32 v3, v60  }
0x174: {  	[tilespmem:s3], [sflag:$0x1] =	stream.indirect_vreg.gather [hbm4b:s7+s25], $0x80, v19, vm0, $0xb8;
	[tilespmem:$0x1E480] =	vst v63  }
0x175: {  	v62 =	vperm.xlane v17, v7;
	s26 =	simm.s32 $0x6100;
	v19 =	vadd.s32 v3, v61  }
0x176: {  	[tilespmem:s26], [sflag:$0x1] =	stream.indirect_vreg.gather [hbm4b:s7+s25], $0x80, v20, vm0, $0xb8;
	[tilespmem:$0x1E480] =	vst v63  }
0x177: {  	v24 =	vperm.xlane v17, v8;
	v63 =	vadd.s32 v3, v62;
	s3 =	simm.s32 $0x6180  }
0x178: {  	[tilespmem:s3], [sflag:$0x1] =	stream.indirect_vreg.gather [hbm4b:s7+s25], $0x80, v18, vm0, $0xb8;
	[tilespmem:$0x1E480] =	vst v63  }
0x179: {  	v25 =	vperm.xlane v17, v0;
	s26 =	simm.s32 $0x6200;
	v18 =	vadd.s32 v3, v24  }
0x17a: {  	[tilespmem:s26], [sflag:$0x1] =	stream.indirect_vreg.gather [hbm4b:s7+s25], $0x80, v19, vm0, $0xb8;
	[tilespmem:$0x1E480] =	vst v63  }
0x17b: {  	v26 =	vperm.xlane v17, v9;
	s3 =	simm.s32 $0x6280;
	v19 =	vadd.s32 v3, v25  }
0x17c: {  	[tilespmem:s3], [sflag:$0x1] =	stream.indirect_vreg.gather [hbm4b:s7+s25], $0x80, v63, vm0, $0xb8;
	[tilespmem:$0x1E480] =	vst v63  }
0x17d: {  	v28 =	vperm.xlane v17, v10;
	v27 =	vadd.s32 v3, v26;
	s26 =	simm.s32 $0x6300  }
0x17e: {  	[tilespmem:s26], [sflag:$0x1] =	stream.indirect_vreg.gather [hbm4b:s7+s25], $0x80, v18, vm0, $0xb8;
	[tilespmem:$0x1E480] =	vst v63  }
0x17f: {  	v29 =	vperm.xlane v17, v11;
	s3 =	simm.s32 $0x6380;
	v18 =	vadd.s32 v3, v28  }
0x180: {  	[tilespmem:s3], [sflag:$0x1] =	stream.indirect_vreg.gather [hbm4b:s7+s25], $0x80, v19, vm0, $0xb8;
	[tilespmem:$0x1E480] =	vst v63  }
0x181: {  	v30 =	vperm.xlane v17, v12;
	s26 =	simm.s32 $0x6400;
	v19 =	vadd.s32 v3, v29  }
0x182: {  	[tilespmem:s26], [sflag:$0x1] =	stream.indirect_vreg.gather [hbm4b:s7+s25], $0x80, v27, vm0, $0xb8;
	[tilespmem:$0x1E480] =	vst v63  }
0x183: {  	v32 =	vperm.xlane v17, v13;
	v31 =	vadd.s32 v3, v30;
	s3 =	simm.s32 $0x6480  }
0x184: {  	[tilespmem:s3], [sflag:$0x1] =	stream.indirect_vreg.gather [hbm4b:s7+s25], $0x80, v18, vm0, $0xb8;
	[tilespmem:$0x1E480] =	vst v63  }
0x185: {  	v33 =	vperm.xlane v17, v14;
	s26 =	simm.s32 $0x6500;
	v18 =	vadd.s32 v3, v32  }
0x186: {  	[tilespmem:s26], [sflag:$0x1] =	stream.indirect_vreg.gather [hbm4b:s7+s25], $0x80, v19, vm0, $0xb8;
	[tilespmem:$0x1E480] =	vst v63  }
0x187: {  	v34 =	vperm.xlane v17, v15;
	s3 =	simm.s32 $0x6580;
	v19 =	vadd.s32 v3, v33  }
0x188: {  	[tilespmem:s3], [sflag:$0x1] =	stream.indirect_vreg.gather [hbm4b:s7+s25], $0x80, v31, vm0, $0xb8;
	[tilespmem:$0x1E480] =	vst v63  }
0x189: {  	v17 =	vperm.xlane v17, v16;
	v35 =	vadd.s32 v3, v34;
	s26 =	simm.s32 $0x6600  }
0x18a: {  	[tilespmem:s26], [sflag:$0x1] =	stream.indirect_vreg.gather [hbm4b:s7+s25], $0x80, v18, vm0, $0xb8;
	[tilespmem:$0x1E480] =	vst v63  }
0x18b: {  	v17 =	vadd.s32 v3, v17;
	s3 =	simm.s32 $0x6680  }
0x18c: {  	[tilespmem:s3], [sflag:$0x1] =	stream.indirect_vreg.gather [hbm4b:s7+s25], $0x80, v19, vm0, $0xb8;
	[tilespmem:$0x1E480] =	vst v63  }
0x18d: {  	s26 =	simm.s32 $0x6700  }
0x18e: {  	[tilespmem:s26], [sflag:$0x1] =	stream.indirect_vreg.gather [hbm4b:s7+s25], $0x80, v35, vm0, $0xb8;
	[tilespmem:$0x1E480] =	vst v63  }
0x18f: {  	s3 =	simm.s32 $0x6780  }
0x190: {  	[tilespmem:s3], [sflag:$0x1] =	stream.indirect_vreg.gather [hbm4b:s7+s25], $0x80, v17, vm0, $0xb8;
	[tilespmem:$0x1E480] =	vst v63  }
0x191: {  	v17 =	vld [tilespmem:$0x100];
	_ =	sdelay $0x4  }
0x192: {  	v18 =	vshll.u32 v17, $0x1  }
0x193: {  	v17 =	vand.u32 $0x7, v17;
	v18 =	vand.u32 $0xFFFFFFF0, v18  }
0x194: {  	v17 =	vor.u32 v17, v18  }
0x195: {  	v18 =	vperm.xlane v17, v2;
	_ =	sdelay $0x1  }
0x196: {  	v19 =	vperm.xlane v17, v1;
	v18 =	vadd.s32 v3, v18;
	_ =	sdelay $0x1  }
0x197: {  	v36 =	vperm.xlane v17, v4;
	v19 =	vadd.s32 v3, v19;
	_ =	sdelay $0x1  }
0x198: {  	v37 =	vperm.xlane v17, v5;
	v20 =	vadd.s32 v3, v36  }
0x199: {  	[tilespmem:s15], [sflag:$0x1] =	stream.indirect_vreg.gather [hbm4b:s7+s25], $0x80, v18, vm0, $0xb8;
	[tilespmem:$0x1E480] =	vst v63  }
0x19a: {  	s26 =	simm.s32 $0x6880;
	v38 =	vperm.xlane v17, v6;
	v18 =	vadd.s32 v3, v37  }
0x19b: {  	[tilespmem:s26], [sflag:$0x1] =	stream.indirect_vreg.gather [hbm4b:s7+s25], $0x80, v19, vm0, $0xb8;
	[tilespmem:$0x1E480] =	vst v63  }
0x19c: {  	s3 =	simm.s32 $0x6900;
	v39 =	vperm.xlane v17, v7;
	v19 =	vadd.s32 v3, v38  }
0x19d: {  	[tilespmem:s3], [sflag:$0x1] =	stream.indirect_vreg.gather [hbm4b:s7+s25], $0x80, v20, vm0, $0xb8;
	[tilespmem:$0x1E480] =	vst v63  }
0x19e: {  	v41 =	vperm.xlane v17, v8;
	v40 =	vadd.s32 v3, v39;
	s26 =	simm.s32 $0x6980  }
0x19f: {  	[tilespmem:s26], [sflag:$0x1] =	stream.indirect_vreg.gather [hbm4b:s7+s25], $0x80, v18, vm0, $0xb8;
	[tilespmem:$0x1E480] =	vst v63  }
0x1a0: {  	v42 =	vperm.xlane v17, v0;
	s3 =	simm.s32 $0x6A00;
	v18 =	vadd.s32 v3, v41  }
0x1a1: {  	[tilespmem:s3], [sflag:$0x1] =	stream.indirect_vreg.gather [hbm4b:s7+s25], $0x80, v19, vm0, $0xb8;
	[tilespmem:$0x1E480] =	vst v63  }
0x1a2: {  	v43 =	vperm.xlane v17, v9;
	s26 =	simm.s32 $0x6A80;
	v19 =	vadd.s32 v3, v42  }
0x1a3: {  	[tilespmem:s26], [sflag:$0x1] =	stream.indirect_vreg.gather [hbm4b:s7+s25], $0x80, v40, vm0, $0xb8;
	[tilespmem:$0x1E480] =	vst v63  }
0x1a4: {  	v45 =	vperm.xlane v17, v10;
	v44 =	vadd.s32 v3, v43;
	s3 =	simm.s32 $0x6B00  }
0x1a5: {  	[tilespmem:s3], [sflag:$0x1] =	stream.indirect_vreg.gather [hbm4b:s7+s25], $0x80, v18, vm0, $0xb8;
	[tilespmem:$0x1E480] =	vst v63  }
0x1a6: {  	v46 =	vperm.xlane v17, v11;
	s26 =	simm.s32 $0x6B80;
	v18 =	vadd.s32 v3, v45  }
0x1a7: {  	[tilespmem:s26], [sflag:$0x1] =	stream.indirect_vreg.gather [hbm4b:s7+s25], $0x80, v19, vm0, $0xb8;
	[tilespmem:$0x1E480] =	vst v63  }
0x1a8: {  	v47 =	vperm.xlane v17, v12;
	s3 =	simm.s32 $0x6C00;
	v19 =	vadd.s32 v3, v46  }
0x1a9: {  	[tilespmem:s3], [sflag:$0x1] =	stream.indirect_vreg.gather [hbm4b:s7+s25], $0x80, v44, vm0, $0xb8;
	[tilespmem:$0x1E480] =	vst v63  }
0x1aa: {  	v49 =	vperm.xlane v17, v13;
	v48 =	vadd.s32 v3, v47;
	s26 =	simm.s32 $0x6C80  }
0x1ab: {  	[tilespmem:s26], [sflag:$0x1] =	stream.indirect_vreg.gather [hbm4b:s7+s25], $0x80, v18, vm0, $0xb8;
	[tilespmem:$0x1E480] =	vst v63  }
0x1ac: {  	v50 =	vperm.xlane v17, v14;
	s3 =	simm.s32 $0x6D00;
	v18 =	vadd.s32 v3, v49  }
0x1ad: {  	[tilespmem:s3], [sflag:$0x1] =	stream.indirect_vreg.gather [hbm4b:s7+s25], $0x80, v19, vm0, $0xb8;
	[tilespmem:$0x1E480] =	vst v63  }
0x1ae: {  	v51 =	vperm.xlane v17, v15;
	s26 =	simm.s32 $0x6D80;
	v19 =	vadd.s32 v3, v50  }
0x1af: {  	[tilespmem:s26], [sflag:$0x1] =	stream.indirect_vreg.gather [hbm4b:s7+s25], $0x80, v48, vm0, $0xb8;
	[tilespmem:$0x1E480] =	vst v63  }
0x1b0: {  	v17 =	vperm.xlane v17, v16;
	v52 =	vadd.s32 v3, v51;
	s3 =	simm.s32 $0x6E00  }
0x1b1: {  	[tilespmem:s3], [sflag:$0x1] =	stream.indirect_vreg.gather [hbm4b:s7+s25], $0x80, v18, vm0, $0xb8;
	[tilespmem:$0x1E480] =	vst v63  }
0x1b2: {  	v17 =	vadd.s32 v3, v17;
	s26 =	simm.s32 $0x6E80  }
0x1b3: {  	[tilespmem:s26], [sflag:$0x1] =	stream.indirect_vreg.gather [hbm4b:s7+s25], $0x80, v19, vm0, $0xb8;
	[tilespmem:$0x1E480] =	vst v63  }
0x1b4: {  	s3 =	simm.s32 $0x6F00  }
0x1b5: {  	[tilespmem:s3], [sflag:$0x1] =	stream.indirect_vreg.gather [hbm4b:s7+s25], $0x80, v52, vm0, $0xb8;
	[tilespmem:$0x1E480] =	vst v63  }
0x1b6: {  	s26 =	simm.s32 $0x6F80  }
0x1b7: {  	[tilespmem:s26], [sflag:$0x1] =	stream.indirect_vreg.gather [hbm4b:s7+s25], $0x80, v17, vm0, $0xb8;
	[tilespmem:$0x1E480] =	vst v63  }
0x1b8: {  	v17 =	vld [tilespmem:$0x110];
	_ =	sdelay $0x4  }
0x1b9: {  	v18 =	vshll.u32 v17, $0x1  }
0x1ba: {  	v17 =	vand.u32 $0x7, v17;
	v18 =	vand.u32 $0xFFFFFFF0, v18  }
0x1bb: {  	v17 =	vor.u32 v17, v18  }
0x1bc: {  	v18 =	vperm.xlane v17, v2;
	_ =	sdelay $0x1  }
0x1bd: {  	v19 =	vperm.xlane v17, v1;
	v18 =	vadd.s32 v3, v18;
	_ =	sdelay $0x1  }
0x1be: {  	v53 =	vperm.xlane v17, v4;
	v19 =	vadd.s32 v3, v19;
	_ =	sdelay $0x1  }
0x1bf: {  	s3 =	simm.s32 $0x7000;
	v54 =	vperm.xlane v17, v5;
	v20 =	vadd.s32 v3, v53  }
0x1c0: {  	[tilespmem:s3], [sflag:$0x1] =	stream.indirect_vreg.gather [hbm4b:s7+s25], $0x80, v18, vm0, $0xb8;
	[tilespmem:$0x1E480] =	vst v63  }
0x1c1: {  	s26 =	simm.s32 $0x7080;
	v55 =	vperm.xlane v17, v6;
	v18 =	vadd.s32 v3, v54  }
0x1c2: {  	[tilespmem:s26], [sflag:$0x1] =	stream.indirect_vreg.gather [hbm4b:s7+s25], $0x80, v19, vm0, $0xb8;
	[tilespmem:$0x1E480] =	vst v63  }
0x1c3: {  	v56 =	vperm.xlane v17, v7;
	s3 =	simm.s32 $0x7100;
	v19 =	vadd.s32 v3, v55  }
0x1c4: {  	[tilespmem:s3], [sflag:$0x1] =	stream.indirect_vreg.gather [hbm4b:s7+s25], $0x80, v20, vm0, $0xb8;
	[tilespmem:$0x1E480] =	vst v63  }
0x1c5: {  	v58 =	vperm.xlane v17, v8;
	v57 =	vadd.s32 v3, v56;
	s26 =	simm.s32 $0x7180  }
0x1c6: {  	[tilespmem:s26], [sflag:$0x1] =	stream.indirect_vreg.gather [hbm4b:s7+s25], $0x80, v18, vm0, $0xb8;
	[tilespmem:$0x1E480] =	vst v63  }
0x1c7: {  	v59 =	vperm.xlane v17, v0;
	s3 =	simm.s32 $0x7200;
	v18 =	vadd.s32 v3, v58  }
0x1c8: {  	[tilespmem:s3], [sflag:$0x1] =	stream.indirect_vreg.gather [hbm4b:s7+s25], $0x80, v19, vm0, $0xb8;
	[tilespmem:$0x1E480] =	vst v63  }
0x1c9: {  	v60 =	vperm.xlane v17, v9;
	s26 =	simm.s32 $0x7280;
	v19 =	vadd.s32 v3, v59  }
0x1ca: {  	[tilespmem:s26], [sflag:$0x1] =	stream.indirect_vreg.gather [hbm4b:s7+s25], $0x80, v57, vm0, $0xb8;
	[tilespmem:$0x1E480] =	vst v63  }
0x1cb: {  	v62 =	vperm.xlane v17, v10;
	v61 =	vadd.s32 v3, v60;
	s3 =	simm.s32 $0x7300  }
0x1cc: {  	[tilespmem:s3], [sflag:$0x1] =	stream.indirect_vreg.gather [hbm4b:s7+s25], $0x80, v18, vm0, $0xb8;
	[tilespmem:$0x1E480] =	vst v63  }
0x1cd: {  	v63 =	vperm.xlane v17, v11;
	s26 =	simm.s32 $0x7380;
	v18 =	vadd.s32 v3, v62  }
0x1ce: {  	[tilespmem:s26], [sflag:$0x1] =	stream.indirect_vreg.gather [hbm4b:s7+s25], $0x80, v19, vm0, $0xb8;
	[tilespmem:$0x1E480] =	vst v63  }
0x1cf: {  	v24 =	vperm.xlane v17, v12;
	s3 =	simm.s32 $0x7400;
	v19 =	vadd.s32 v3, v63  }
0x1d0: {  	[tilespmem:s3], [sflag:$0x1] =	stream.indirect_vreg.gather [hbm4b:s7+s25], $0x80, v61, vm0, $0xb8;
	[tilespmem:$0x1E480] =	vst v63  }
0x1d1: {  	v26 =	vperm.xlane v17, v13;
	v25 =	vadd.s32 v3, v24;
	s26 =	simm.s32 $0x7480  }
0x1d2: {  	[tilespmem:s26], [sflag:$0x1] =	stream.indirect_vreg.gather [hbm4b:s7+s25], $0x80, v18, vm0, $0xb8;
	[tilespmem:$0x1E480] =	vst v63  }
0x1d3: {  	v27 =	vperm.xlane v17, v14;
	s3 =	simm.s32 $0x7500;
	v18 =	vadd.s32 v3, v26  }
0x1d4: {  	[tilespmem:s3], [sflag:$0x1] =	stream.indirect_vreg.gather [hbm4b:s7+s25], $0x80, v19, vm0, $0xb8;
	[tilespmem:$0x1E480] =	vst v63  }
0x1d5: {  	v28 =	vperm.xlane v17, v15;
	s26 =	simm.s32 $0x7580;
	v19 =	vadd.s32 v3, v27  }
0x1d6: {  	[tilespmem:s26], [sflag:$0x1] =	stream.indirect_vreg.gather [hbm4b:s7+s25], $0x80, v25, vm0, $0xb8;
	[tilespmem:$0x1E480] =	vst v63  }
0x1d7: {  	v17 =	vperm.xlane v17, v16;
	v29 =	vadd.s32 v3, v28;
	s3 =	simm.s32 $0x7600  }
0x1d8: {  	[tilespmem:s3], [sflag:$0x1] =	stream.indirect_vreg.gather [hbm4b:s7+s25], $0x80, v18, vm0, $0xb8;
	[tilespmem:$0x1E480] =	vst v63  }
0x1d9: {  	v17 =	vadd.s32 v3, v17;
	s26 =	simm.s32 $0x7680  }
0x1da: {  	[tilespmem:s26], [sflag:$0x1] =	stream.indirect_vreg.gather [hbm4b:s7+s25], $0x80, v19, vm0, $0xb8;
	[tilespmem:$0x1E480] =	vst v63  }
0x1db: {  	s3 =	simm.s32 $0x7700  }
0x1dc: {  	[tilespmem:s3], [sflag:$0x1] =	stream.indirect_vreg.gather [hbm4b:s7+s25], $0x80, v29, vm0, $0xb8;
	[tilespmem:$0x1E480] =	vst v63  }
0x1dd: {  	s26 =	simm.s32 $0x7780  }
0x1de: {  	[tilespmem:s26], [sflag:$0x1] =	stream.indirect_vreg.gather [hbm4b:s7+s25], $0x80, v17, vm0, $0xb8;
	[tilespmem:$0x1E480] =	vst v63  }
0x1df: {  	v17 =	vld [tilespmem:$0x120];
	_ =	sdelay $0x4  }
0x1e0: {  	v18 =	vshll.u32 v17, $0x1  }
0x1e1: {  	v17 =	vand.u32 $0x7, v17;
	v18 =	vand.u32 $0xFFFFFFF0, v18  }
0x1e2: {  	v17 =	vor.u32 v17, v18  }
0x1e3: {  	v18 =	vperm.xlane v17, v2;
	_ =	sdelay $0x1  }
0x1e4: {  	v19 =	vperm.xlane v17, v1;
	v18 =	vadd.s32 v3, v18;
	_ =	sdelay $0x1  }
0x1e5: {  	v30 =	vperm.xlane v17, v4;
	v19 =	vadd.s32 v3, v19;
	_ =	sdelay $0x1  }
0x1e6: {  	s3 =	simm.s32 $0x7800;
	v31 =	vperm.xlane v17, v5;
	v20 =	vadd.s32 v3, v30  }
0x1e7: {  	[tilespmem:s3], [sflag:$0x1] =	stream.indirect_vreg.gather [hbm4b:s7+s25], $0x80, v18, vm0, $0xb8;
	[tilespmem:$0x1E480] =	vst v63  }
0x1e8: {  	s26 =	simm.s32 $0x7880;
	v32 =	vperm.xlane v17, v6;
	v18 =	vadd.s32 v3, v31  }
0x1e9: {  	[tilespmem:s26], [sflag:$0x1] =	stream.indirect_vreg.gather [hbm4b:s7+s25], $0x80, v19, vm0, $0xb8;
	[tilespmem:$0x1E480] =	vst v63  }
0x1ea: {  	v33 =	vperm.xlane v17, v7;
	s3 =	simm.s32 $0x7900;
	v19 =	vadd.s32 v3, v32  }
0x1eb: {  	[tilespmem:s3], [sflag:$0x1] =	stream.indirect_vreg.gather [hbm4b:s7+s25], $0x80, v20, vm0, $0xb8;
	[tilespmem:$0x1E480] =	vst v63  }
0x1ec: {  	v35 =	vperm.xlane v17, v8;
	v34 =	vadd.s32 v3, v33;
	s26 =	simm.s32 $0x7980  }
0x1ed: {  	[tilespmem:s26], [sflag:$0x1] =	stream.indirect_vreg.gather [hbm4b:s7+s25], $0x80, v18, vm0, $0xb8;
	[tilespmem:$0x1E480] =	vst v63  }
0x1ee: {  	v36 =	vperm.xlane v17, v0;
	s3 =	simm.s32 $0x7A00;
	v18 =	vadd.s32 v3, v35  }
0x1ef: {  	[tilespmem:s3], [sflag:$0x1] =	stream.indirect_vreg.gather [hbm4b:s7+s25], $0x80, v19, vm0, $0xb8;
	[tilespmem:$0x1E480] =	vst v63  }
0x1f0: {  	v37 =	vperm.xlane v17, v9;
	s26 =	simm.s32 $0x7A80;
	v19 =	vadd.s32 v3, v36  }
0x1f1: {  	[tilespmem:s26], [sflag:$0x1] =	stream.indirect_vreg.gather [hbm4b:s7+s25], $0x80, v34, vm0, $0xb8;
	[tilespmem:$0x1E480] =	vst v63  }
0x1f2: {  	v39 =	vperm.xlane v17, v10;
	v38 =	vadd.s32 v3, v37;
	s3 =	simm.s32 $0x7B00  }
0x1f3: {  	[tilespmem:s3], [sflag:$0x1] =	stream.indirect_vreg.gather [hbm4b:s7+s25], $0x80, v18, vm0, $0xb8;
	[tilespmem:$0x1E480] =	vst v63  }
0x1f4: {  	v40 =	vperm.xlane v17, v11;
	s26 =	simm.s32 $0x7B80;
	v18 =	vadd.s32 v3, v39  }
0x1f5: {  	[tilespmem:s26], [sflag:$0x1] =	stream.indirect_vreg.gather [hbm4b:s7+s25], $0x80, v19, vm0, $0xb8;
	[tilespmem:$0x1E480] =	vst v63  }
0x1f6: {  	v41 =	vperm.xlane v17, v12;
	s3 =	simm.s32 $0x7C00;
	v19 =	vadd.s32 v3, v40  }
0x1f7: {  	[tilespmem:s3], [sflag:$0x1] =	stream.indirect_vreg.gather [hbm4b:s7+s25], $0x80, v38, vm0, $0xb8;
	[tilespmem:$0x1E480] =	vst v63  }
0x1f8: {  	v43 =	vperm.xlane v17, v13;
	v42 =	vadd.s32 v3, v41;
	s26 =	simm.s32 $0x7C80  }
0x1f9: {  	[tilespmem:s26], [sflag:$0x1] =	stream.indirect_vreg.gather [hbm4b:s7+s25], $0x80, v18, vm0, $0xb8;
	[tilespmem:$0x1E480] =	vst v63  }
0x1fa: {  	v44 =	vperm.xlane v17, v14;
	s3 =	simm.s32 $0x7D00;
	v18 =	vadd.s32 v3, v43  }
0x1fb: {  	[tilespmem:s3], [sflag:$0x1] =	stream.indirect_vreg.gather [hbm4b:s7+s25], $0x80, v19, vm0, $0xb8;
	[tilespmem:$0x1E480] =	vst v63  }
0x1fc: {  	v45 =	vperm.xlane v17, v15;
	s26 =	simm.s32 $0x7D80;
	v19 =	vadd.s32 v3, v44  }
0x1fd: {  	[tilespmem:s26], [sflag:$0x1] =	stream.indirect_vreg.gather [hbm4b:s7+s25], $0x80, v42, vm0, $0xb8;
	[tilespmem:$0x1E480] =	vst v63  }
0x1fe: {  	v17 =	vperm.xlane v17, v16;
	v46 =	vadd.s32 v3, v45;
	s3 =	simm.s32 $0x7E00  }
0x1ff: {  	[tilespmem:s3], [sflag:$0x1] =	stream.indirect_vreg.gather [hbm4b:s7+s25], $0x80, v18, vm0, $0xb8;
	[tilespmem:$0x1E480] =	vst v63  }
0x200: {  	v17 =	vadd.s32 v3, v17;
	s26 =	simm.s32 $0x7E80  }
0x201: {  	[tilespmem:s26], [sflag:$0x1] =	stream.indirect_vreg.gather [hbm4b:s7+s25], $0x80, v19, vm0, $0xb8;
	[tilespmem:$0x1E480] =	vst v63  }
0x202: {  	s3 =	simm.s32 $0x7F00  }
0x203: {  	[tilespmem:s3], [sflag:$0x1] =	stream.indirect_vreg.gather [hbm4b:s7+s25], $0x80, v46, vm0, $0xb8;
	[tilespmem:$0x1E480] =	vst v63  }
0x204: {  	s26 =	simm.s32 $0x7F80  }
0x205: {  	[tilespmem:s26], [sflag:$0x1] =	stream.indirect_vreg.gather [hbm4b:s7+s25], $0x80, v17, vm0, $0xb8;
	[tilespmem:$0x1E480] =	vst v63  }
0x206: {  	v17 =	vld [tilespmem:$0x130];
	_ =	sdelay $0x4  }
0x207: {  	v18 =	vshll.u32 v17, $0x1  }
0x208: {  	v17 =	vand.u32 $0x7, v17;
	v18 =	vand.u32 $0xFFFFFFF0, v18  }
0x209: {  	v17 =	vor.u32 v17, v18  }
0x20a: {  	v18 =	vperm.xlane v17, v2;
	_ =	sdelay $0x1  }
0x20b: {  	v19 =	vperm.xlane v17, v1;
	v18 =	vadd.s32 v3, v18;
	_ =	sdelay $0x1  }
0x20c: {  	v47 =	vperm.xlane v17, v4;
	v19 =	vadd.s32 v3, v19;
	_ =	sdelay $0x1  }
0x20d: {  	s3 =	simm.s32 $0x8000;
	v48 =	vperm.xlane v17, v5;
	v20 =	vadd.s32 v3, v47  }
0x20e: {  	[tilespmem:s3], [sflag:$0x1] =	stream.indirect_vreg.gather [hbm4b:s7+s25], $0x80, v18, vm0, $0xb8;
	[tilespmem:$0x1E480] =	vst v63  }
0x20f: {  	s26 =	simm.s32 $0x8080;
	v49 =	vperm.xlane v17, v6;
	v18 =	vadd.s32 v3, v48  }
0x210: {  	[tilespmem:s26], [sflag:$0x1] =	stream.indirect_vreg.gather [hbm4b:s7+s25], $0x80, v19, vm0, $0xb8;
	[tilespmem:$0x1E480] =	vst v63  }
0x211: {  	v50 =	vperm.xlane v17, v7;
	s3 =	simm.s32 $0x8100;
	v19 =	vadd.s32 v3, v49  }
0x212: {  	[tilespmem:s3], [sflag:$0x1] =	stream.indirect_vreg.gather [hbm4b:s7+s25], $0x80, v20, vm0, $0xb8;
	[tilespmem:$0x1E480] =	vst v63  }
0x213: {  	v52 =	vperm.xlane v17, v8;
	v51 =	vadd.s32 v3, v50;
	s26 =	simm.s32 $0x8180  }
0x214: {  	[tilespmem:s26], [sflag:$0x1] =	stream.indirect_vreg.gather [hbm4b:s7+s25], $0x80, v18, vm0, $0xb8;
	[tilespmem:$0x1E480] =	vst v63  }
0x215: {  	v53 =	vperm.xlane v17, v0;
	s3 =	simm.s32 $0x8200;
	v18 =	vadd.s32 v3, v52  }
0x216: {  	[tilespmem:s3], [sflag:$0x1] =	stream.indirect_vreg.gather [hbm4b:s7+s25], $0x80, v19, vm0, $0xb8;
	[tilespmem:$0x1E480] =	vst v63  }
0x217: {  	v54 =	vperm.xlane v17, v9;
	s26 =	simm.s32 $0x8280;
	v19 =	vadd.s32 v3, v53  }
0x218: {  	[tilespmem:s26], [sflag:$0x1] =	stream.indirect_vreg.gather [hbm4b:s7+s25], $0x80, v51, vm0, $0xb8;
	[tilespmem:$0x1E480] =	vst v63  }
0x219: {  	v56 =	vperm.xlane v17, v10;
	v55 =	vadd.s32 v3, v54;
	s3 =	simm.s32 $0x8300  }
0x21a: {  	[tilespmem:s3], [sflag:$0x1] =	stream.indirect_vreg.gather [hbm4b:s7+s25], $0x80, v18, vm0, $0xb8;
	[tilespmem:$0x1E480] =	vst v63  }
0x21b: {  	v57 =	vperm.xlane v17, v11;
	s26 =	simm.s32 $0x8380;
	v18 =	vadd.s32 v3, v56  }
0x21c: {  	[tilespmem:s26], [sflag:$0x1] =	stream.indirect_vreg.gather [hbm4b:s7+s25], $0x80, v19, vm0, $0xb8;
	[tilespmem:$0x1E480] =	vst v63  }
0x21d: {  	v58 =	vperm.xlane v17, v12;
	s3 =	simm.s32 $0x8400;
	v19 =	vadd.s32 v3, v57  }
0x21e: {  	[tilespmem:s3], [sflag:$0x1] =	stream.indirect_vreg.gather [hbm4b:s7+s25], $0x80, v55, vm0, $0xb8;
	[tilespmem:$0x1E480] =	vst v63  }
0x21f: {  	v60 =	vperm.xlane v17, v13;
	v59 =	vadd.s32 v3, v58;
	s26 =	simm.s32 $0x8480  }
0x220: {  	[tilespmem:s26], [sflag:$0x1] =	stream.indirect_vreg.gather [hbm4b:s7+s25], $0x80, v18, vm0, $0xb8;
	[tilespmem:$0x1E480] =	vst v63  }
0x221: {  	v61 =	vperm.xlane v17, v14;
	s3 =	simm.s32 $0x8500;
	v18 =	vadd.s32 v3, v60  }
0x222: {  	[tilespmem:s3], [sflag:$0x1] =	stream.indirect_vreg.gather [hbm4b:s7+s25], $0x80, v19, vm0, $0xb8;
	[tilespmem:$0x1E480] =	vst v63  }
0x223: {  	v62 =	vperm.xlane v17, v15;
	s26 =	simm.s32 $0x8580;
	v19 =	vadd.s32 v3, v61  }
0x224: {  	[tilespmem:s26], [sflag:$0x1] =	stream.indirect_vreg.gather [hbm4b:s7+s25], $0x80, v59, vm0, $0xb8;
	[tilespmem:$0x1E480] =	vst v63  }
0x225: {  	v17 =	vperm.xlane v17, v16;
	v63 =	vadd.s32 v3, v62;
	s3 =	simm.s32 $0x8600  }
0x226: {  	[tilespmem:s3], [sflag:$0x1] =	stream.indirect_vreg.gather [hbm4b:s7+s25], $0x80, v18, vm0, $0xb8;
	[tilespmem:$0x1E480] =	vst v63  }
0x227: {  	v17 =	vadd.s32 v3, v17;
	s26 =	simm.s32 $0x8680  }
0x228: {  	[tilespmem:s26], [sflag:$0x1] =	stream.indirect_vreg.gather [hbm4b:s7+s25], $0x80, v19, vm0, $0xb8;
	[tilespmem:$0x1E480] =	vst v63  }
0x229: {  	s3 =	simm.s32 $0x8700  }
0x22a: {  	[tilespmem:s3], [sflag:$0x1] =	stream.indirect_vreg.gather [hbm4b:s7+s25], $0x80, v63, vm0, $0xb8;
	[tilespmem:$0x1E480] =	vst v63  }
0x22b: {  	s26 =	simm.s32 $0x8780  }
0x22c: {  	[tilespmem:s26], [sflag:$0x1] =	stream.indirect_vreg.gather [hbm4b:s7+s25], $0x80, v17, vm0, $0xb8;
	[tilespmem:$0x1E480] =	vst v63  }
.LBB2_3:
0x22d: {  	_ =	swait.ge [sflag:s28], $0x2000  }
0x22e: {  	s26 =	sshra.s32 s25, $0x2;
	[sflag:s28] =	ssyncset.done $0x0  }
0x22f: {  	p1 =	seq.s32 s25, $0x0;
	s0 =	sadd.s32 $0x1400, s26;
	[sflag:s28] =	ssyncadd.s32 $0xFFFFE000  }
0x230: {  	[spmem:s1] =	stream.indirect.scatter.add.f32 [tilespmem:s18], [sflag:$0x2], $0x80, s0, s30, $0xb8;
	[tilespmem:$0x1E480] =	vst v63  }
0x231: {  	s0 =	simm.s32 @!p1 $0x2  }
0x232: {  	_ =	swait.ge @!p1 [sflag:s0], $0x2000  }
0x233: {  	[sflag:s0] =	ssyncset.done @!p1 $0x0  }
0x234: {  	[sflag:s0] =	ssyncadd.s32 @!p1 $0xFFFFE000  }
0x235: {  	v17 =	vld [tilespmem:s26+$0x180];
	_ =	sdelay $0x4  }
0x236: {  	v18 =	vshll.u32 v17, $0x1  }
0x237: {  	v17 =	vand.u32 $0x7, v17;
	v18 =	vand.u32 $0xFFFFFFF0, v18  }
0x238: {  	v17 =	vor.u32 v17, v18  }
0x239: {  	v18 =	vperm.xlane v17, v2;
	_ =	sdelay $0x1  }
0x23a: {  	v19 =	vperm.xlane v17, v1;
	v18 =	vadd.s32 v3, v18;
	_ =	sdelay $0x1  }
0x23b: {  	v20 =	vperm.xlane v17, v4;
	v19 =	vadd.s32 v3, v19;
	_ =	sdelay $0x1  }
0x23c: {  	v21 =	vperm.xlane v17, v5;
	v20 =	vadd.s32 v3, v20  }
0x23d: {  	[tilespmem:s31], [sflag:$0x1] =	stream.indirect_vreg.gather [hbm4b:s7+s2], $0x80, v18, vm0, $0xb8;
	[tilespmem:$0x1E480] =	vst v63  }
0x23e: {  	s3 =	simm.s32 $0x8880;
	v38 =	vperm.xlane v17, v6;
	v18 =	vadd.s32 v3, v21  }
0x23f: {  	[tilespmem:s3], [sflag:$0x1] =	stream.indirect_vreg.gather [hbm4b:s7+s2], $0x80, v19, vm0, $0xb8;
	[tilespmem:$0x1E480] =	vst v63  }
0x240: {  	v39 =	vperm.xlane v17, v7;
	v19 =	vadd.s32 v3, v38;
	s3 =	simm.s32 $0x8900  }
0x241: {  	[tilespmem:s3], [sflag:$0x1] =	stream.indirect_vreg.gather [hbm4b:s7+s2], $0x80, v20, vm0, $0xb8;
	[tilespmem:$0x1E480] =	vst v63  }
0x242: {  	v41 =	vperm.xlane v17, v8;
	v40 =	vadd.s32 v3, v39;
	s3 =	simm.s32 $0x8980  }
0x243: {  	[tilespmem:s3], [sflag:$0x1] =	stream.indirect_vreg.gather [hbm4b:s7+s2], $0x80, v18, vm0, $0xb8;
	[tilespmem:$0x1E480] =	vst v63  }
0x244: {  	v42 =	vperm.xlane v17, v0;
	v18 =	vadd.s32 v3, v41;
	s3 =	simm.s32 $0x8A00  }
0x245: {  	[tilespmem:s3], [sflag:$0x1] =	stream.indirect_vreg.gather [hbm4b:s7+s2], $0x80, v19, vm0, $0xb8;
	[tilespmem:$0x1E480] =	vst v63  }
0x246: {  	v43 =	vperm.xlane v17, v9;
	v19 =	vadd.s32 v3, v42;
	s3 =	simm.s32 $0x8A80  }
0x247: {  	[tilespmem:s3], [sflag:$0x1] =	stream.indirect_vreg.gather [hbm4b:s7+s2], $0x80, v40, vm0, $0xb8;
	[tilespmem:$0x1E480] =	vst v63  }
0x248: {  	v45 =	vperm.xlane v17, v10;
	v44 =	vadd.s32 v3, v43;
	s3 =	simm.s32 $0x8B00  }
0x249: {  	[tilespmem:s3], [sflag:$0x1] =	stream.indirect_vreg.gather [hbm4b:s7+s2], $0x80, v18, vm0, $0xb8;
	[tilespmem:$0x1E480] =	vst v63  }
0x24a: {  	v46 =	vperm.xlane v17, v11;
	v18 =	vadd.s32 v3, v45;
	s3 =	simm.s32 $0x8B80  }
0x24b: {  	[tilespmem:s3], [sflag:$0x1] =	stream.indirect_vreg.gather [hbm4b:s7+s2], $0x80, v19, vm0, $0xb8;
	[tilespmem:$0x1E480] =	vst v63  }
0x24c: {  	v47 =	vperm.xlane v17, v12;
	v19 =	vadd.s32 v3, v46;
	s3 =	simm.s32 $0x8C00  }
0x24d: {  	[tilespmem:s3], [sflag:$0x1] =	stream.indirect_vreg.gather [hbm4b:s7+s2], $0x80, v44, vm0, $0xb8;
	[tilespmem:$0x1E480] =	vst v63  }
0x24e: {  	v49 =	vperm.xlane v17, v13;
	v48 =	vadd.s32 v3, v47;
	s3 =	simm.s32 $0x8C80  }
0x24f: {  	[tilespmem:s3], [sflag:$0x1] =	stream.indirect_vreg.gather [hbm4b:s7+s2], $0x80, v18, vm0, $0xb8;
	[tilespmem:$0x1E480] =	vst v63  }
0x250: {  	v50 =	vperm.xlane v17, v14;
	v18 =	vadd.s32 v3, v49;
	s3 =	simm.s32 $0x8D00  }
0x251: {  	[tilespmem:s3], [sflag:$0x1] =	stream.indirect_vreg.gather [hbm4b:s7+s2], $0x80, v19, vm0, $0xb8;
	[tilespmem:$0x1E480] =	vst v63  }
0x252: {  	v51 =	vperm.xlane v17, v15;
	v19 =	vadd.s32 v3, v50;
	s3 =	simm.s32 $0x8D80  }
0x253: {  	[tilespmem:s3], [sflag:$0x1] =	stream.indirect_vreg.gather [hbm4b:s7+s2], $0x80, v48, vm0, $0xb8;
	[tilespmem:$0x1E480] =	vst v63  }
0x254: {  	v17 =	vperm.xlane v17, v16;
	v52 =	vadd.s32 v3, v51;
	s3 =	simm.s32 $0x8E00  }
0x255: {  	[tilespmem:s3], [sflag:$0x1] =	stream.indirect_vreg.gather [hbm4b:s7+s2], $0x80, v18, vm0, $0xb8;
	[tilespmem:$0x1E480] =	vst v63  }
0x256: {  	v17 =	vadd.s32 v3, v17;
	s3 =	simm.s32 $0x8E80  }
0x257: {  	[tilespmem:s3], [sflag:$0x1] =	stream.indirect_vreg.gather [hbm4b:s7+s2], $0x80, v19, vm0, $0xb8;
	[tilespmem:$0x1E480] =	vst v63  }
0x258: {  	s3 =	simm.s32 $0x8F00  }
0x259: {  	[tilespmem:s3], [sflag:$0x1] =	stream.indirect_vreg.gather [hbm4b:s7+s2], $0x80, v52, vm0, $0xb8;
	[tilespmem:$0x1E480] =	vst v63  }
0x25a: {  	s3 =	simm.s32 $0x8F80  }
0x25b: {  	[tilespmem:s3], [sflag:$0x1] =	stream.indirect_vreg.gather [hbm4b:s7+s2], $0x80, v17, vm0, $0xb8;
	[tilespmem:$0x1E480] =	vst v63  }
0x25c: {  	v17 =	vld [tilespmem:s26+$0x190];
	_ =	sdelay $0x4  }
0x25d: {  	v18 =	vshll.u32 v17, $0x1  }
0x25e: {  	v17 =	vand.u32 $0x7, v17;
	v18 =	vand.u32 $0xFFFFFFF0, v18  }
0x25f: {  	v17 =	vor.u32 v17, v18  }
0x260: {  	v18 =	vperm.xlane v17, v2;
	_ =	sdelay $0x1  }
0x261: {  	v19 =	vperm.xlane v17, v1;
	v18 =	vadd.s32 v3, v18;
	_ =	sdelay $0x1  }
0x262: {  	v53 =	vperm.xlane v17, v4;
	v19 =	vadd.s32 v3, v19;
	_ =	sdelay $0x1  }
0x263: {  	s3 =	simm.s32 $0x9000;
	v54 =	vperm.xlane v17, v5;
	v20 =	vadd.s32 v3, v53  }
0x264: {  	[tilespmem:s3], [sflag:$0x1] =	stream.indirect_vreg.gather [hbm4b:s7+s2], $0x80, v18, vm0, $0xb8;
	[tilespmem:$0x1E480] =	vst v63  }
0x265: {  	v55 =	vperm.xlane v17, v6;
	v18 =	vadd.s32 v3, v54;
	s3 =	simm.s32 $0x9080  }
0x266: {  	[tilespmem:s3], [sflag:$0x1] =	stream.indirect_vreg.gather [hbm4b:s7+s2], $0x80, v19, vm0, $0xb8;
	[tilespmem:$0x1E480] =	vst v63  }
0x267: {  	v56 =	vperm.xlane v17, v7;
	v19 =	vadd.s32 v3, v55;
	s3 =	simm.s32 $0x9100  }
0x268: {  	[tilespmem:s3], [sflag:$0x1] =	stream.indirect_vreg.gather [hbm4b:s7+s2], $0x80, v20, vm0, $0xb8;
	[tilespmem:$0x1E480] =	vst v63  }
0x269: {  	v58 =	vperm.xlane v17, v8;
	v57 =	vadd.s32 v3, v56;
	s3 =	simm.s32 $0x9180  }
0x26a: {  	[tilespmem:s3], [sflag:$0x1] =	stream.indirect_vreg.gather [hbm4b:s7+s2], $0x80, v18, vm0, $0xb8;
	[tilespmem:$0x1E480] =	vst v63  }
0x26b: {  	v59 =	vperm.xlane v17, v0;
	v18 =	vadd.s32 v3, v58;
	s3 =	simm.s32 $0x9200  }
0x26c: {  	[tilespmem:s3], [sflag:$0x1] =	stream.indirect_vreg.gather [hbm4b:s7+s2], $0x80, v19, vm0, $0xb8;
	[tilespmem:$0x1E480] =	vst v63  }
0x26d: {  	v60 =	vperm.xlane v17, v9;
	v19 =	vadd.s32 v3, v59;
	s3 =	simm.s32 $0x9280  }
0x26e: {  	[tilespmem:s3], [sflag:$0x1] =	stream.indirect_vreg.gather [hbm4b:s7+s2], $0x80, v57, vm0, $0xb8;
	[tilespmem:$0x1E480] =	vst v63  }
0x26f: {  	v62 =	vperm.xlane v17, v10;
	v61 =	vadd.s32 v3, v60;
	s3 =	simm.s32 $0x9300  }
0x270: {  	[tilespmem:s3], [sflag:$0x1] =	stream.indirect_vreg.gather [hbm4b:s7+s2], $0x80, v18, vm0, $0xb8;
	[tilespmem:$0x1E480] =	vst v63  }
0x271: {  	v63 =	vperm.xlane v17, v11;
	v18 =	vadd.s32 v3, v62;
	s3 =	simm.s32 $0x9380  }
0x272: {  	[tilespmem:s3], [sflag:$0x1] =	stream.indirect_vreg.gather [hbm4b:s7+s2], $0x80, v19, vm0, $0xb8;
	[tilespmem:$0x1E480] =	vst v63  }
0x273: {  	v24 =	vperm.xlane v17, v12;
	v19 =	vadd.s32 v3, v63;
	s3 =	simm.s32 $0x9400  }
0x274: {  	[tilespmem:s3], [sflag:$0x1] =	stream.indirect_vreg.gather [hbm4b:s7+s2], $0x80, v61, vm0, $0xb8;
	[tilespmem:$0x1E480] =	vst v63  }
0x275: {  	v26 =	vperm.xlane v17, v13;
	v25 =	vadd.s32 v3, v24;
	s3 =	simm.s32 $0x9480  }
0x276: {  	[tilespmem:s3], [sflag:$0x1] =	stream.indirect_vreg.gather [hbm4b:s7+s2], $0x80, v18, vm0, $0xb8;
	[tilespmem:$0x1E480] =	vst v63  }
0x277: {  	v27 =	vperm.xlane v17, v14;
	v18 =	vadd.s32 v3, v26;
	s3 =	simm.s32 $0x9500  }
0x278: {  	[tilespmem:s3], [sflag:$0x1] =	stream.indirect_vreg.gather [hbm4b:s7+s2], $0x80, v19, vm0, $0xb8;
	[tilespmem:$0x1E480] =	vst v63  }
0x279: {  	v28 =	vperm.xlane v17, v15;
	v19 =	vadd.s32 v3, v27;
	s3 =	simm.s32 $0x9580  }
0x27a: {  	[tilespmem:s3], [sflag:$0x1] =	stream.indirect_vreg.gather [hbm4b:s7+s2], $0x80, v25, vm0, $0xb8;
	[tilespmem:$0x1E480] =	vst v63  }
0x27b: {  	v17 =	vperm.xlane v17, v16;
	v29 =	vadd.s32 v3, v28;
	s3 =	simm.s32 $0x9600  }
0x27c: {  	[tilespmem:s3], [sflag:$0x1] =	stream.indirect_vreg.gather [hbm4b:s7+s2], $0x80, v18, vm0, $0xb8;
	[tilespmem:$0x1E480] =	vst v63  }
0x27d: {  	v17 =	vadd.s32 v3, v17;
	s3 =	simm.s32 $0x9680  }
0x27e: {  	[tilespmem:s3], [sflag:$0x1] =	stream.indirect_vreg.gather [hbm4b:s7+s2], $0x80, v19, vm0, $0xb8;
	[tilespmem:$0x1E480] =	vst v63  }
0x27f: {  	s3 =	simm.s32 $0x9700  }
0x280: {  	[tilespmem:s3], [sflag:$0x1] =	stream.indirect_vreg.gather [hbm4b:s7+s2], $0x80, v29, vm0, $0xb8;
	[tilespmem:$0x1E480] =	vst v63  }
0x281: {  	s3 =	simm.s32 $0x9780  }
0x282: {  	[tilespmem:s3], [sflag:$0x1] =	stream.indirect_vreg.gather [hbm4b:s7+s2], $0x80, v17, vm0, $0xb8;
	[tilespmem:$0x1E480] =	vst v63  }
0x283: {  	v17 =	vld [tilespmem:s26+$0x1A0];
	_ =	sdelay $0x4  }
0x284: {  	v18 =	vshll.u32 v17, $0x1  }
0x285: {  	v17 =	vand.u32 $0x7, v17;
	v18 =	vand.u32 $0xFFFFFFF0, v18  }
0x286: {  	v17 =	vor.u32 v17, v18  }
0x287: {  	v18 =	vperm.xlane v17, v2;
	_ =	sdelay $0x1  }
0x288: {  	v19 =	vperm.xlane v17, v1;
	v18 =	vadd.s32 v3, v18;
	_ =	sdelay $0x1  }
0x289: {  	v30 =	vperm.xlane v17, v4;
	v19 =	vadd.s32 v3, v19;
	_ =	sdelay $0x1  }
0x28a: {  	s3 =	simm.s32 $0x9800;
	v31 =	vperm.xlane v17, v5;
	v20 =	vadd.s32 v3, v30  }
0x28b: {  	[tilespmem:s3], [sflag:$0x1] =	stream.indirect_vreg.gather [hbm4b:s7+s2], $0x80, v18, vm0, $0xb8;
	[tilespmem:$0x1E480] =	vst v63  }
0x28c: {  	v32 =	vperm.xlane v17, v6;
	v18 =	vadd.s32 v3, v31;
	s3 =	simm.s32 $0x9880  }
0x28d: {  	[tilespmem:s3], [sflag:$0x1] =	stream.indirect_vreg.gather [hbm4b:s7+s2], $0x80, v19, vm0, $0xb8;
	[tilespmem:$0x1E480] =	vst v63  }
0x28e: {  	v33 =	vperm.xlane v17, v7;
	v19 =	vadd.s32 v3, v32;
	s3 =	simm.s32 $0x9900  }
0x28f: {  	[tilespmem:s3], [sflag:$0x1] =	stream.indirect_vreg.gather [hbm4b:s7+s2], $0x80, v20, vm0, $0xb8;
	[tilespmem:$0x1E480] =	vst v63  }
0x290: {  	v35 =	vperm.xlane v17, v8;
	v34 =	vadd.s32 v3, v33;
	s3 =	simm.s32 $0x9980  }
0x291: {  	[tilespmem:s3], [sflag:$0x1] =	stream.indirect_vreg.gather [hbm4b:s7+s2], $0x80, v18, vm0, $0xb8;
	[tilespmem:$0x1E480] =	vst v63  }
0x292: {  	v36 =	vperm.xlane v17, v0;
	v18 =	vadd.s32 v3, v35;
	s3 =	simm.s32 $0x9A00  }
0x293: {  	[tilespmem:s3], [sflag:$0x1] =	stream.indirect_vreg.gather [hbm4b:s7+s2], $0x80, v19, vm0, $0xb8;
	[tilespmem:$0x1E480] =	vst v63  }
0x294: {  	v37 =	vperm.xlane v17, v9;
	v19 =	vadd.s32 v3, v36;
	s3 =	simm.s32 $0x9A80  }
0x295: {  	[tilespmem:s3], [sflag:$0x1] =	stream.indirect_vreg.gather [hbm4b:s7+s2], $0x80, v34, vm0, $0xb8;
	[tilespmem:$0x1E480] =	vst v63  }
0x296: {  	v39 =	vperm.xlane v17, v10;
	v38 =	vadd.s32 v3, v37;
	s3 =	simm.s32 $0x9B00  }
0x297: {  	[tilespmem:s3], [sflag:$0x1] =	stream.indirect_vreg.gather [hbm4b:s7+s2], $0x80, v18, vm0, $0xb8;
	[tilespmem:$0x1E480] =	vst v63  }
0x298: {  	v40 =	vperm.xlane v17, v11;
	v18 =	vadd.s32 v3, v39;
	s3 =	simm.s32 $0x9B80  }
0x299: {  	[tilespmem:s3], [sflag:$0x1] =	stream.indirect_vreg.gather [hbm4b:s7+s2], $0x80, v19, vm0, $0xb8;
	[tilespmem:$0x1E480] =	vst v63  }
0x29a: {  	v41 =	vperm.xlane v17, v12;
	v19 =	vadd.s32 v3, v40;
	s3 =	simm.s32 $0x9C00  }
0x29b: {  	[tilespmem:s3], [sflag:$0x1] =	stream.indirect_vreg.gather [hbm4b:s7+s2], $0x80, v38, vm0, $0xb8;
	[tilespmem:$0x1E480] =	vst v63  }
0x29c: {  	v43 =	vperm.xlane v17, v13;
	v42 =	vadd.s32 v3, v41;
	s3 =	simm.s32 $0x9C80  }
0x29d: {  	[tilespmem:s3], [sflag:$0x1] =	stream.indirect_vreg.gather [hbm4b:s7+s2], $0x80, v18, vm0, $0xb8;
	[tilespmem:$0x1E480] =	vst v63  }
0x29e: {  	v44 =	vperm.xlane v17, v14;
	v18 =	vadd.s32 v3, v43;
	s3 =	simm.s32 $0x9D00  }
0x29f: {  	[tilespmem:s3], [sflag:$0x1] =	stream.indirect_vreg.gather [hbm4b:s7+s2], $0x80, v19, vm0, $0xb8;
	[tilespmem:$0x1E480] =	vst v63  }
0x2a0: {  	v45 =	vperm.xlane v17, v15;
	v19 =	vadd.s32 v3, v44;
	s3 =	simm.s32 $0x9D80  }
0x2a1: {  	[tilespmem:s3], [sflag:$0x1] =	stream.indirect_vreg.gather [hbm4b:s7+s2], $0x80, v42, vm0, $0xb8;
	[tilespmem:$0x1E480] =	vst v63  }
0x2a2: {  	v17 =	vperm.xlane v17, v16;
	v46 =	vadd.s32 v3, v45;
	s3 =	simm.s32 $0x9E00  }
0x2a3: {  	[tilespmem:s3], [sflag:$0x1] =	stream.indirect_vreg.gather [hbm4b:s7+s2], $0x80, v18, vm0, $0xb8;
	[tilespmem:$0x1E480] =	vst v63  }
0x2a4: {  	v17 =	vadd.s32 v3, v17;
	s3 =	simm.s32 $0x9E80  }
0x2a5: {  	[tilespmem:s3], [sflag:$0x1] =	stream.indirect_vreg.gather [hbm4b:s7+s2], $0x80, v19, vm0, $0xb8;
	[tilespmem:$0x1E480] =	vst v63  }
0x2a6: {  	_ = 	snop  }
0x2a7: {  	[tilespmem:s9], [sflag:$0x1] =	stream.indirect_vreg.gather [hbm4b:s7+s2], $0x80, v46, vm0, $0xb8;
	[tilespmem:$0x1E480] =	vst v63  }
0x2a8: {  	s3 =	simm.s32 $0x9F80  }
0x2a9: {  	[tilespmem:s3], [sflag:$0x1] =	stream.indirect_vreg.gather [hbm4b:s7+s2], $0x80, v17, vm0, $0xb8;
	[tilespmem:$0x1E480] =	vst v63  }
0x2aa: {  	v17 =	vld [tilespmem:s26+$0x1B0];
	_ =	sdelay $0x4  }
0x2ab: {  	v18 =	vshll.u32 v17, $0x1  }
0x2ac: {  	v17 =	vand.u32 $0x7, v17;
	v18 =	vand.u32 $0xFFFFFFF0, v18  }
0x2ad: {  	v17 =	vor.u32 v17, v18  }
0x2ae: {  	v18 =	vperm.xlane v17, v2;
	_ =	sdelay $0x1  }
0x2af: {  	v19 =	vperm.xlane v17, v1;
	v18 =	vadd.s32 v3, v18;
	_ =	sdelay $0x1  }
0x2b0: {  	v47 =	vperm.xlane v17, v4;
	v19 =	vadd.s32 v3, v19;
	_ =	sdelay $0x1  }
0x2b1: {  	v48 =	vperm.xlane v17, v5;
	v20 =	vadd.s32 v3, v47  }
0x2b2: {  	[tilespmem:s12], [sflag:$0x1] =	stream.indirect_vreg.gather [hbm4b:s7+s2], $0x80, v18, vm0, $0xb8;
	[tilespmem:$0x1E480] =	vst v63  }
0x2b3: {  	v49 =	vperm.xlane v17, v6;
	v18 =	vadd.s32 v3, v48  }
0x2b4: {  	[tilespmem:s5], [sflag:$0x1] =	stream.indirect_vreg.gather [hbm4b:s7+s2], $0x80, v19, vm0, $0xb8;
	[tilespmem:$0x1E480] =	vst v63  }
0x2b5: {  	v50 =	vperm.xlane v17, v7;
	v19 =	vadd.s32 v3, v49  }
0x2b6: {  	[tilespmem:s4], [sflag:$0x1] =	stream.indirect_vreg.gather [hbm4b:s7+s2], $0x80, v20, vm0, $0xb8;
	[tilespmem:$0x1E480] =	vst v63  }
0x2b7: {  	v52 =	vperm.xlane v17, v8;
	v51 =	vadd.s32 v3, v50  }
0x2b8: {  	[tilespmem:s17], [sflag:$0x1] =	stream.indirect_vreg.gather [hbm4b:s7+s2], $0x80, v18, vm0, $0xb8;
	[tilespmem:$0x1E480] =	vst v63  }
0x2b9: {  	v53 =	vperm.xlane v17, v0;
	v18 =	vadd.s32 v3, v52  }
0x2ba: {  	[tilespmem:s14], [sflag:$0x1] =	stream.indirect_vreg.gather [hbm4b:s7+s2], $0x80, v19, vm0, $0xb8;
	[tilespmem:$0x1E480] =	vst v63  }
0x2bb: {  	v54 =	vperm.xlane v17, v9;
	v19 =	vadd.s32 v3, v53  }
0x2bc: {  	[tilespmem:s13], [sflag:$0x1] =	stream.indirect_vreg.gather [hbm4b:s7+s2], $0x80, v51, vm0, $0xb8;
	[tilespmem:$0x1E480] =	vst v63  }
0x2bd: {  	v56 =	vperm.xlane v17, v10;
	v55 =	vadd.s32 v3, v54  }
0x2be: {  	[tilespmem:s10], [sflag:$0x1] =	stream.indirect_vreg.gather [hbm4b:s7+s2], $0x80, v18, vm0, $0xb8;
	[tilespmem:$0x1E480] =	vst v63  }
0x2bf: {  	v57 =	vperm.xlane v17, v11;
	v18 =	vadd.s32 v3, v56  }
0x2c0: {  	[tilespmem:s11], [sflag:$0x1] =	stream.indirect_vreg.gather [hbm4b:s7+s2], $0x80, v19, vm0, $0xb8;
	[tilespmem:$0x1E480] =	vst v63  }
0x2c1: {  	v58 =	vperm.xlane v17, v12;
	v19 =	vadd.s32 v3, v57  }
0x2c2: {  	[tilespmem:s8], [sflag:$0x1] =	stream.indirect_vreg.gather [hbm4b:s7+s2], $0x80, v55, vm0, $0xb8;
	[tilespmem:$0x1E480] =	vst v63  }
0x2c3: {  	v60 =	vperm.xlane v17, v13;
	v59 =	vadd.s32 v3, v58  }
0x2c4: {  	[tilespmem:s6], [sflag:$0x1] =	stream.indirect_vreg.gather [hbm4b:s7+s2], $0x80, v18, vm0, $0xb8;
	[tilespmem:$0x1E480] =	vst v63  }
0x2c5: {  	v61 =	vperm.xlane v17, v14;
	v18 =	vadd.s32 v3, v60  }
0x2c6: {  	[tilespmem:s16], [sflag:$0x1] =	stream.indirect_vreg.gather [hbm4b:s7+s2], $0x80, v19, vm0, $0xb8;
	[tilespmem:$0x1E480] =	vst v63  }
0x2c7: {  	v62 =	vperm.xlane v17, v15;
	v19 =	vadd.s32 v3, v61  }
0x2c8: {  	[tilespmem:s19], [sflag:$0x1] =	stream.indirect_vreg.gather [hbm4b:s7+s2], $0x80, v59, vm0, $0xb8;
	[tilespmem:$0x1E480] =	vst v63  }
0x2c9: {  	v17 =	vperm.xlane v17, v16;
	v63 =	vadd.s32 v3, v62  }
0x2ca: {  	[tilespmem:s20], [sflag:$0x1] =	stream.indirect_vreg.gather [hbm4b:s7+s2], $0x80, v18, vm0, $0xb8;
	[tilespmem:$0x1E480] =	vst v63  }
0x2cb: {  	v17 =	vadd.s32 v3, v17  }
0x2cc: {  	[tilespmem:s21], [sflag:$0x1] =	stream.indirect_vreg.gather [hbm4b:s7+s2], $0x80, v19, vm0, $0xb8;
	[tilespmem:$0x1E480] =	vst v63  }
0x2cd: {  	_ = 	snop  }
0x2ce: {  	[tilespmem:s22], [sflag:$0x1] =	stream.indirect_vreg.gather [hbm4b:s7+s2], $0x80, v63, vm0, $0xb8;
	[tilespmem:$0x1E480] =	vst v63  }
0x2cf: {  	p1 =	seq.s32 s25, $0x4800  }
0x2d0: {  	[tilespmem:s23], [sflag:$0x1] =	stream.indirect_vreg.gather [hbm4b:s7+s2], $0x80, v17, vm0, $0xb8;
	[tilespmem:$0x1E480] =	vst v63  }
.Ltmp4:
0x2d1: {  	_ = 	snop;
	(pc) =	sbr.rel @!p1 .LBB2_4-.Ltmp4, $4  }
0x2d2: {  	_ =	swait.ge [sflag:s28], $0x2000  }
0x2d3: {  	[sflag:s28] =	ssyncset.done $0x0  }
0x2d4: {  	s0 =	sadd.s32 $0x1500, s26;
	s3 =	sadd.s32 $0x1480, s26;
	[sflag:s28] =	ssyncadd.s32 $0xFFFFE000  }
0x2d5: {  	[spmem:s1] =	stream.indirect.scatter.add.f32 [tilespmem:s29], [sflag:$0x2], $0x80, s3, s30, $0xb8;
	[tilespmem:$0x1E480] =	vst v63  }
.Ltmp5:
0x2d6: {  	(pc) =	sbr.rel .LBB2_6-.Ltmp5, $4  }
0x2d7: {  	_ =	swait.ge [sflag:s28], $0x2000  }
0x2d8: {  	[sflag:s28] =	ssyncset.done $0x0  }
0x2d9: {  	[sflag:s28] =	ssyncadd.s32 $0xFFFFE000  }
0x2da: {  	[spmem:s1] =	stream.indirect.scatter.add.f32 [tilespmem:s15], [sflag:$0x2], $0x80, s0, s30, $0xb8;
	[tilespmem:$0x1E480] =	vst v63  }
.LBB2_4:
0x2db: {  	_ =	swait.ge [sflag:s24], $0x2000  }
0x2dc: {  	[sflag:s24] =	ssyncset.done $0x0  }
0x2dd: {  	[sflag:s24] =	ssyncadd.s32 $0xFFFFE000  }
0x2de: {  	v17 =	vld [tilespmem:s26+$0x200];
	_ =	sdelay $0x4  }
0x2df: {  	v18 =	vshll.u32 v17, $0x1  }
0x2e0: {  	v17 =	vand.u32 $0x7, v17;
	v18 =	vand.u32 $0xFFFFFFF0, v18  }
0x2e1: {  	v17 =	vor.u32 v17, v18  }
0x2e2: {  	v18 =	vperm.xlane v17, v2;
	_ =	sdelay $0x1  }
0x2e3: {  	v19 =	vperm.xlane v17, v1;
	v18 =	vadd.s32 v3, v18;
	_ =	sdelay $0x1  }
0x2e4: {  	v20 =	vperm.xlane v17, v4;
	v19 =	vadd.s32 v3, v19;
	_ =	sdelay $0x1  }
0x2e5: {  	v21 =	vperm.xlane v17, v5;
	v20 =	vadd.s32 v3, v20  }
0x2e6: {  	[tilespmem:s18], [sflag:$0x1] =	stream.indirect_vreg.gather [hbm4b:s7+s2], $0x80, v18, vm0, $0xb8;
	[tilespmem:$0x1E480] =	vst v63  }
0x2e7: {  	s3 =	simm.s32 $0x2880;
	v50 =	vperm.xlane v17, v6;
	v18 =	vadd.s32 v3, v21  }
0x2e8: {  	[tilespmem:s3], [sflag:$0x1] =	stream.indirect_vreg.gather [hbm4b:s7+s2], $0x80, v19, vm0, $0xb8;
	[tilespmem:$0x1E480] =	vst v63  }
0x2e9: {  	v51 =	vperm.xlane v17, v7;
	v19 =	vadd.s32 v3, v50;
	s3 =	simm.s32 $0x2900  }
0x2ea: {  	[tilespmem:s3], [sflag:$0x1] =	stream.indirect_vreg.gather [hbm4b:s7+s2], $0x80, v20, vm0, $0xb8;
	[tilespmem:$0x1E480] =	vst v63  }
0x2eb: {  	v53 =	vperm.xlane v17, v8;
	v52 =	vadd.s32 v3, v51;
	s3 =	simm.s32 $0x2980  }
0x2ec: {  	[tilespmem:s3], [sflag:$0x1] =	stream.indirect_vreg.gather [hbm4b:s7+s2], $0x80, v18, vm0, $0xb8;
	[tilespmem:$0x1E480] =	vst v63  }
0x2ed: {  	v54 =	vperm.xlane v17, v0;
	v18 =	vadd.s32 v3, v53;
	s3 =	simm.s32 $0x2A00  }
0x2ee: {  	[tilespmem:s3], [sflag:$0x1] =	stream.indirect_vreg.gather [hbm4b:s7+s2], $0x80, v19, vm0, $0xb8;
	[tilespmem:$0x1E480] =	vst v63  }
0x2ef: {  	v55 =	vperm.xlane v17, v9;
	v19 =	vadd.s32 v3, v54;
	s3 =	simm.s32 $0x2A80  }
0x2f0: {  	[tilespmem:s3], [sflag:$0x1] =	stream.indirect_vreg.gather [hbm4b:s7+s2], $0x80, v52, vm0, $0xb8;
	[tilespmem:$0x1E480] =	vst v63  }
0x2f1: {  	v57 =	vperm.xlane v17, v10;
	v56 =	vadd.s32 v3, v55;
	s3 =	simm.s32 $0x2B00  }
0x2f2: {  	[tilespmem:s3], [sflag:$0x1] =	stream.indirect_vreg.gather [hbm4b:s7+s2], $0x80, v18, vm0, $0xb8;
	[tilespmem:$0x1E480] =	vst v63  }
0x2f3: {  	v58 =	vperm.xlane v17, v11;
	v18 =	vadd.s32 v3, v57;
	s3 =	simm.s32 $0x2B80  }
0x2f4: {  	[tilespmem:s3], [sflag:$0x1] =	stream.indirect_vreg.gather [hbm4b:s7+s2], $0x80, v19, vm0, $0xb8;
	[tilespmem:$0x1E480] =	vst v63  }
0x2f5: {  	v59 =	vperm.xlane v17, v12;
	v19 =	vadd.s32 v3, v58;
	s3 =	simm.s32 $0x2C00  }
0x2f6: {  	[tilespmem:s3], [sflag:$0x1] =	stream.indirect_vreg.gather [hbm4b:s7+s2], $0x80, v56, vm0, $0xb8;
	[tilespmem:$0x1E480] =	vst v63  }
0x2f7: {  	v61 =	vperm.xlane v17, v13;
	v60 =	vadd.s32 v3, v59;
	s3 =	simm.s32 $0x2C80  }
0x2f8: {  	[tilespmem:s3], [sflag:$0x1] =	stream.indirect_vreg.gather [hbm4b:s7+s2], $0x80, v18, vm0, $0xb8;
	[tilespmem:$0x1E480] =	vst v63  }
0x2f9: {  	v62 =	vperm.xlane v17, v14;
	v18 =	vadd.s32 v3, v61;
	s3 =	simm.s32 $0x2D00  }
0x2fa: {  	[tilespmem:s3], [sflag:$0x1] =	stream.indirect_vreg.gather [hbm4b:s7+s2], $0x80, v19, vm0, $0xb8;
	[tilespmem:$0x1E480] =	vst v63  }
0x2fb: {  	v63 =	vperm.xlane v17, v15;
	v19 =	vadd.s32 v3, v62;
	s3 =	simm.s32 $0x2D80  }
0x2fc: {  	[tilespmem:s3], [sflag:$0x1] =	stream.indirect_vreg.gather [hbm4b:s7+s2], $0x80, v60, vm0, $0xb8;
	[tilespmem:$0x1E480] =	vst v63  }
0x2fd: {  	v17 =	vperm.xlane v17, v16;
	v24 =	vadd.s32 v3, v63;
	s3 =	simm.s32 $0x2E00  }
0x2fe: {  	[tilespmem:s3], [sflag:$0x1] =	stream.indirect_vreg.gather [hbm4b:s7+s2], $0x80, v18, vm0, $0xb8;
	[tilespmem:$0x1E480] =	vst v63  }
0x2ff: {  	v17 =	vadd.s32 v3, v17;
	s3 =	simm.s32 $0x2E80  }
0x300: {  	[tilespmem:s3], [sflag:$0x1] =	stream.indirect_vreg.gather [hbm4b:s7+s2], $0x80, v19, vm0, $0xb8;
	[tilespmem:$0x1E480] =	vst v63  }
0x301: {  	s3 =	simm.s32 $0x2F00  }
0x302: {  	[tilespmem:s3], [sflag:$0x1] =	stream.indirect_vreg.gather [hbm4b:s7+s2], $0x80, v24, vm0, $0xb8;
	[tilespmem:$0x1E480] =	vst v63  }
0x303: {  	s3 =	simm.s32 $0x2F80  }
0x304: {  	[tilespmem:s3], [sflag:$0x1] =	stream.indirect_vreg.gather [hbm4b:s7+s2], $0x80, v17, vm0, $0xb8;
	[tilespmem:$0x1E480] =	vst v63  }
0x305: {  	v17 =	vld [tilespmem:s26+$0x210];
	_ =	sdelay $0x4  }
0x306: {  	v18 =	vshll.u32 v17, $0x1  }
0x307: {  	v17 =	vand.u32 $0x7, v17;
	v18 =	vand.u32 $0xFFFFFFF0, v18  }
0x308: {  	v17 =	vor.u32 v17, v18  }
0x309: {  	v18 =	vperm.xlane v17, v2;
	_ =	sdelay $0x1  }
0x30a: {  	v19 =	vperm.xlane v17, v1;
	v18 =	vadd.s32 v3, v18;
	_ =	sdelay $0x1  }
0x30b: {  	v25 =	vperm.xlane v17, v4;
	v19 =	vadd.s32 v3, v19;
	_ =	sdelay $0x1  }
0x30c: {  	s3 =	simm.s32 $0x3000;
	v26 =	vperm.xlane v17, v5;
	v20 =	vadd.s32 v3, v25  }
0x30d: {  	[tilespmem:s3], [sflag:$0x1] =	stream.indirect_vreg.gather [hbm4b:s7+s2], $0x80, v18, vm0, $0xb8;
	[tilespmem:$0x1E480] =	vst v63  }
0x30e: {  	v27 =	vperm.xlane v17, v6;
	v18 =	vadd.s32 v3, v26;
	s3 =	simm.s32 $0x3080  }
0x30f: {  	[tilespmem:s3], [sflag:$0x1] =	stream.indirect_vreg.gather [hbm4b:s7+s2], $0x80, v19, vm0, $0xb8;
	[tilespmem:$0x1E480] =	vst v63  }
0x310: {  	v28 =	vperm.xlane v17, v7;
	v19 =	vadd.s32 v3, v27;
	s3 =	simm.s32 $0x3100  }
0x311: {  	[tilespmem:s3], [sflag:$0x1] =	stream.indirect_vreg.gather [hbm4b:s7+s2], $0x80, v20, vm0, $0xb8;
	[tilespmem:$0x1E480] =	vst v63  }
0x312: {  	v30 =	vperm.xlane v17, v8;
	v29 =	vadd.s32 v3, v28;
	s3 =	simm.s32 $0x3180  }
0x313: {  	[tilespmem:s3], [sflag:$0x1] =	stream.indirect_vreg.gather [hbm4b:s7+s2], $0x80, v18, vm0, $0xb8;
	[tilespmem:$0x1E480] =	vst v63  }
0x314: {  	v31 =	vperm.xlane v17, v0;
	v18 =	vadd.s32 v3, v30;
	s3 =	simm.s32 $0x3200  }
0x315: {  	[tilespmem:s3], [sflag:$0x1] =	stream.indirect_vreg.gather [hbm4b:s7+s2], $0x80, v19, vm0, $0xb8;
	[tilespmem:$0x1E480] =	vst v63  }
0x316: {  	v32 =	vperm.xlane v17, v9;
	v19 =	vadd.s32 v3, v31;
	s3 =	simm.s32 $0x3280  }
0x317: {  	[tilespmem:s3], [sflag:$0x1] =	stream.indirect_vreg.gather [hbm4b:s7+s2], $0x80, v29, vm0, $0xb8;
	[tilespmem:$0x1E480] =	vst v63  }
0x318: {  	v34 =	vperm.xlane v17, v10;
	v33 =	vadd.s32 v3, v32;
	s3 =	simm.s32 $0x3300  }
0x319: {  	[tilespmem:s3], [sflag:$0x1] =	stream.indirect_vreg.gather [hbm4b:s7+s2], $0x80, v18, vm0, $0xb8;
	[tilespmem:$0x1E480] =	vst v63  }
0x31a: {  	v35 =	vperm.xlane v17, v11;
	v18 =	vadd.s32 v3, v34;
	s3 =	simm.s32 $0x3380  }
0x31b: {  	[tilespmem:s3], [sflag:$0x1] =	stream.indirect_vreg.gather [hbm4b:s7+s2], $0x80, v19, vm0, $0xb8;
	[tilespmem:$0x1E480] =	vst v63  }
0x31c: {  	v36 =	vperm.xlane v17, v12;
	v19 =	vadd.s32 v3, v35;
	s3 =	simm.s32 $0x3400  }
0x31d: {  	[tilespmem:s3], [sflag:$0x1] =	stream.indirect_vreg.gather [hbm4b:s7+s2], $0x80, v33, vm0, $0xb8;
	[tilespmem:$0x1E480] =	vst v63  }
0x31e: {  	v38 =	vperm.xlane v17, v13;
	v37 =	vadd.s32 v3, v36;
	s3 =	simm.s32 $0x3480  }
0x31f: {  	[tilespmem:s3], [sflag:$0x1] =	stream.indirect_vreg.gather [hbm4b:s7+s2], $0x80, v18, vm0, $0xb8;
	[tilespmem:$0x1E480] =	vst v63  }
0x320: {  	v39 =	vperm.xlane v17, v14;
	v18 =	vadd.s32 v3, v38;
	s3 =	simm.s32 $0x3500  }
0x321: {  	[tilespmem:s3], [sflag:$0x1] =	stream.indirect_vreg.gather [hbm4b:s7+s2], $0x80, v19, vm0, $0xb8;
	[tilespmem:$0x1E480] =	vst v63  }
0x322: {  	v40 =	vperm.xlane v17, v15;
	v19 =	vadd.s32 v3, v39;
	s3 =	simm.s32 $0x3580  }
0x323: {  	[tilespmem:s3], [sflag:$0x1] =	stream.indirect_vreg.gather [hbm4b:s7+s2], $0x80, v37, vm0, $0xb8;
	[tilespmem:$0x1E480] =	vst v63  }
0x324: {  	v17 =	vperm.xlane v17, v16;
	v41 =	vadd.s32 v3, v40;
	s3 =	simm.s32 $0x3600  }
0x325: {  	[tilespmem:s3], [sflag:$0x1] =	stream.indirect_vreg.gather [hbm4b:s7+s2], $0x80, v18, vm0, $0xb8;
	[tilespmem:$0x1E480] =	vst v63  }
0x326: {  	v17 =	vadd.s32 v3, v17;
	s3 =	simm.s32 $0x3680  }
0x327: {  	[tilespmem:s3], [sflag:$0x1] =	stream.indirect_vreg.gather [hbm4b:s7+s2], $0x80, v19, vm0, $0xb8;
	[tilespmem:$0x1E480] =	vst v63  }
0x328: {  	s3 =	simm.s32 $0x3700  }
0x329: {  	[tilespmem:s3], [sflag:$0x1] =	stream.indirect_vreg.gather [hbm4b:s7+s2], $0x80, v41, vm0, $0xb8;
	[tilespmem:$0x1E480] =	vst v63  }
0x32a: {  	s3 =	simm.s32 $0x3780  }
0x32b: {  	[tilespmem:s3], [sflag:$0x1] =	stream.indirect_vreg.gather [hbm4b:s7+s2], $0x80, v17, vm0, $0xb8;
	[tilespmem:$0x1E480] =	vst v63  }
0x32c: {  	v17 =	vld [tilespmem:s26+$0x220];
	_ =	sdelay $0x4  }
0x32d: {  	v18 =	vshll.u32 v17, $0x1  }
0x32e: {  	v17 =	vand.u32 $0x7, v17;
	v18 =	vand.u32 $0xFFFFFFF0, v18  }
0x32f: {  	v17 =	vor.u32 v17, v18  }
0x330: {  	v18 =	vperm.xlane v17, v2;
	_ =	sdelay $0x1  }
0x331: {  	v19 =	vperm.xlane v17, v1;
	v18 =	vadd.s32 v3, v18;
	_ =	sdelay $0x1  }
0x332: {  	v42 =	vperm.xlane v17, v4;
	v19 =	vadd.s32 v3, v19;
	_ =	sdelay $0x1  }
0x333: {  	s3 =	simm.s32 $0x3800;
	v43 =	vperm.xlane v17, v5;
	v20 =	vadd.s32 v3, v42  }
0x334: {  	[tilespmem:s3], [sflag:$0x1] =	stream.indirect_vreg.gather [hbm4b:s7+s2], $0x80, v18, vm0, $0xb8;
	[tilespmem:$0x1E480] =	vst v63  }
0x335: {  	v44 =	vperm.xlane v17, v6;
	v18 =	vadd.s32 v3, v43;
	s3 =	simm.s32 $0x3880  }
0x336: {  	[tilespmem:s3], [sflag:$0x1] =	stream.indirect_vreg.gather [hbm4b:s7+s2], $0x80, v19, vm0, $0xb8;
	[tilespmem:$0x1E480] =	vst v63  }
0x337: {  	v45 =	vperm.xlane v17, v7;
	v19 =	vadd.s32 v3, v44;
	s3 =	simm.s32 $0x3900  }
0x338: {  	[tilespmem:s3], [sflag:$0x1] =	stream.indirect_vreg.gather [hbm4b:s7+s2], $0x80, v20, vm0, $0xb8;
	[tilespmem:$0x1E480] =	vst v63  }
0x339: {  	v47 =	vperm.xlane v17, v8;
	v46 =	vadd.s32 v3, v45;
	s3 =	simm.s32 $0x3980  }
0x33a: {  	[tilespmem:s3], [sflag:$0x1] =	stream.indirect_vreg.gather [hbm4b:s7+s2], $0x80, v18, vm0, $0xb8;
	[tilespmem:$0x1E480] =	vst v63  }
0x33b: {  	v48 =	vperm.xlane v17, v0;
	v18 =	vadd.s32 v3, v47;
	s3 =	simm.s32 $0x3A00  }
0x33c: {  	[tilespmem:s3], [sflag:$0x1] =	stream.indirect_vreg.gather [hbm4b:s7+s2], $0x80, v19, vm0, $0xb8;
	[tilespmem:$0x1E480] =	vst v63  }
0x33d: {  	v49 =	vperm.xlane v17, v9;
	v19 =	vadd.s32 v3, v48;
	s3 =	simm.s32 $0x3A80  }
0x33e: {  	[tilespmem:s3], [sflag:$0x1] =	stream.indirect_vreg.gather [hbm4b:s7+s2], $0x80, v46, vm0, $0xb8;
	[tilespmem:$0x1E480] =	vst v63  }
0x33f: {  	v51 =	vperm.xlane v17, v10;
	v50 =	vadd.s32 v3, v49;
	s3 =	simm.s32 $0x3B00  }
0x340: {  	[tilespmem:s3], [sflag:$0x1] =	stream.indirect_vreg.gather [hbm4b:s7+s2], $0x80, v18, vm0, $0xb8;
	[tilespmem:$0x1E480] =	vst v63  }
0x341: {  	v52 =	vperm.xlane v17, v11;
	v18 =	vadd.s32 v3, v51;
	s3 =	simm.s32 $0x3B80  }
0x342: {  	[tilespmem:s3], [sflag:$0x1] =	stream.indirect_vreg.gather [hbm4b:s7+s2], $0x80, v19, vm0, $0xb8;
	[tilespmem:$0x1E480] =	vst v63  }
0x343: {  	v53 =	vperm.xlane v17, v12;
	v19 =	vadd.s32 v3, v52;
	s3 =	simm.s32 $0x3C00  }
0x344: {  	[tilespmem:s3], [sflag:$0x1] =	stream.indirect_vreg.gather [hbm4b:s7+s2], $0x80, v50, vm0, $0xb8;
	[tilespmem:$0x1E480] =	vst v63  }
0x345: {  	v55 =	vperm.xlane v17, v13;
	v54 =	vadd.s32 v3, v53;
	s3 =	simm.s32 $0x3C80  }
0x346: {  	[tilespmem:s3], [sflag:$0x1] =	stream.indirect_vreg.gather [hbm4b:s7+s2], $0x80, v18, vm0, $0xb8;
	[tilespmem:$0x1E480] =	vst v63  }
0x347: {  	v56 =	vperm.xlane v17, v14;
	v18 =	vadd.s32 v3, v55;
	s3 =	simm.s32 $0x3D00  }
0x348: {  	[tilespmem:s3], [sflag:$0x1] =	stream.indirect_vreg.gather [hbm4b:s7+s2], $0x80, v19, vm0, $0xb8;
	[tilespmem:$0x1E480] =	vst v63  }
0x349: {  	v57 =	vperm.xlane v17, v15;
	v19 =	vadd.s32 v3, v56;
	s3 =	simm.s32 $0x3D80  }
0x34a: {  	[tilespmem:s3], [sflag:$0x1] =	stream.indirect_vreg.gather [hbm4b:s7+s2], $0x80, v54, vm0, $0xb8;
	[tilespmem:$0x1E480] =	vst v63  }
0x34b: {  	v17 =	vperm.xlane v17, v16;
	v58 =	vadd.s32 v3, v57;
	s3 =	simm.s32 $0x3E00  }
0x34c: {  	[tilespmem:s3], [sflag:$0x1] =	stream.indirect_vreg.gather [hbm4b:s7+s2], $0x80, v18, vm0, $0xb8;
	[tilespmem:$0x1E480] =	vst v63  }
0x34d: {  	v17 =	vadd.s32 v3, v17;
	s3 =	simm.s32 $0x3E80  }
0x34e: {  	[tilespmem:s3], [sflag:$0x1] =	stream.indirect_vreg.gather [hbm4b:s7+s2], $0x80, v19, vm0, $0xb8;
	[tilespmem:$0x1E480] =	vst v63  }
0x34f: {  	s3 =	simm.s32 $0x3F00  }
0x350: {  	[tilespmem:s3], [sflag:$0x1] =	stream.indirect_vreg.gather [hbm4b:s7+s2], $0x80, v58, vm0, $0xb8;
	[tilespmem:$0x1E480] =	vst v63  }
0x351: {  	s3 =	simm.s32 $0x3F80  }
0x352: {  	[tilespmem:s3], [sflag:$0x1] =	stream.indirect_vreg.gather [hbm4b:s7+s2], $0x80, v17, vm0, $0xb8;
	[tilespmem:$0x1E480] =	vst v63  }
0x353: {  	v17 =	vld [tilespmem:s26+$0x230];
	_ =	sdelay $0x4  }
0x354: {  	v18 =	vshll.u32 v17, $0x1  }
0x355: {  	v17 =	vand.u32 $0x7, v17;
	v18 =	vand.u32 $0xFFFFFFF0, v18  }
0x356: {  	v17 =	vor.u32 v17, v18  }
0x357: {  	v18 =	vperm.xlane v17, v2;
	_ =	sdelay $0x1  }
0x358: {  	v19 =	vperm.xlane v17, v1;
	v18 =	vadd.s32 v3, v18;
	_ =	sdelay $0x1  }
0x359: {  	v59 =	vperm.xlane v17, v4;
	v19 =	vadd.s32 v3, v19;
	_ =	sdelay $0x1  }
0x35a: {  	s3 =	simm.s32 $0x4000;
	v60 =	vperm.xlane v17, v5;
	v20 =	vadd.s32 v3, v59  }
0x35b: {  	[tilespmem:s3], [sflag:$0x1] =	stream.indirect_vreg.gather [hbm4b:s7+s2], $0x80, v18, vm0, $0xb8;
	[tilespmem:$0x1E480] =	vst v63  }
0x35c: {  	v61 =	vperm.xlane v17, v6;
	v18 =	vadd.s32 v3, v60;
	s3 =	simm.s32 $0x4080  }
0x35d: {  	[tilespmem:s3], [sflag:$0x1] =	stream.indirect_vreg.gather [hbm4b:s7+s2], $0x80, v19, vm0, $0xb8;
	[tilespmem:$0x1E480] =	vst v63  }
0x35e: {  	v62 =	vperm.xlane v17, v7;
	v19 =	vadd.s32 v3, v61;
	s3 =	simm.s32 $0x4100  }
0x35f: {  	[tilespmem:s3], [sflag:$0x1] =	stream.indirect_vreg.gather [hbm4b:s7+s2], $0x80, v20, vm0, $0xb8;
	[tilespmem:$0x1E480] =	vst v63  }
0x360: {  	v24 =	vperm.xlane v17, v8;
	v63 =	vadd.s32 v3, v62;
	s3 =	simm.s32 $0x4180  }
0x361: {  	[tilespmem:s3], [sflag:$0x1] =	stream.indirect_vreg.gather [hbm4b:s7+s2], $0x80, v18, vm0, $0xb8;
	[tilespmem:$0x1E480] =	vst v63  }
0x362: {  	v25 =	vperm.xlane v17, v0;
	v18 =	vadd.s32 v3, v24;
	s3 =	simm.s32 $0x4200  }
0x363: {  	[tilespmem:s3], [sflag:$0x1] =	stream.indirect_vreg.gather [hbm4b:s7+s2], $0x80, v19, vm0, $0xb8;
	[tilespmem:$0x1E480] =	vst v63  }
0x364: {  	v26 =	vperm.xlane v17, v9;
	v19 =	vadd.s32 v3, v25;
	s3 =	simm.s32 $0x4280  }
0x365: {  	[tilespmem:s3], [sflag:$0x1] =	stream.indirect_vreg.gather [hbm4b:s7+s2], $0x80, v63, vm0, $0xb8;
	[tilespmem:$0x1E480] =	vst v63  }
0x366: {  	v28 =	vperm.xlane v17, v10;
	v27 =	vadd.s32 v3, v26;
	s3 =	simm.s32 $0x4300  }
0x367: {  	[tilespmem:s3], [sflag:$0x1] =	stream.indirect_vreg.gather [hbm4b:s7+s2], $0x80, v18, vm0, $0xb8;
	[tilespmem:$0x1E480] =	vst v63  }
0x368: {  	v29 =	vperm.xlane v17, v11;
	v18 =	vadd.s32 v3, v28;
	s3 =	simm.s32 $0x4380  }
0x369: {  	[tilespmem:s3], [sflag:$0x1] =	stream.indirect_vreg.gather [hbm4b:s7+s2], $0x80, v19, vm0, $0xb8;
	[tilespmem:$0x1E480] =	vst v63  }
0x36a: {  	v30 =	vperm.xlane v17, v12;
	v19 =	vadd.s32 v3, v29;
	s3 =	simm.s32 $0x4400  }
0x36b: {  	[tilespmem:s3], [sflag:$0x1] =	stream.indirect_vreg.gather [hbm4b:s7+s2], $0x80, v27, vm0, $0xb8;
	[tilespmem:$0x1E480] =	vst v63  }
0x36c: {  	v32 =	vperm.xlane v17, v13;
	v31 =	vadd.s32 v3, v30;
	s3 =	simm.s32 $0x4480  }
0x36d: {  	[tilespmem:s3], [sflag:$0x1] =	stream.indirect_vreg.gather [hbm4b:s7+s2], $0x80, v18, vm0, $0xb8;
	[tilespmem:$0x1E480] =	vst v63  }
0x36e: {  	v33 =	vperm.xlane v17, v14;
	v18 =	vadd.s32 v3, v32;
	s3 =	simm.s32 $0x4500  }
0x36f: {  	[tilespmem:s3], [sflag:$0x1] =	stream.indirect_vreg.gather [hbm4b:s7+s2], $0x80, v19, vm0, $0xb8;
	[tilespmem:$0x1E480] =	vst v63  }
0x370: {  	v34 =	vperm.xlane v17, v15;
	v19 =	vadd.s32 v3, v33;
	s3 =	simm.s32 $0x4580  }
0x371: {  	[tilespmem:s3], [sflag:$0x1] =	stream.indirect_vreg.gather [hbm4b:s7+s2], $0x80, v31, vm0, $0xb8;
	[tilespmem:$0x1E480] =	vst v63  }
0x372: {  	v17 =	vperm.xlane v17, v16;
	v35 =	vadd.s32 v3, v34;
	s3 =	simm.s32 $0x4600  }
0x373: {  	[tilespmem:s3], [sflag:$0x1] =	stream.indirect_vreg.gather [hbm4b:s7+s2], $0x80, v18, vm0, $0xb8;
	[tilespmem:$0x1E480] =	vst v63  }
0x374: {  	v17 =	vadd.s32 v3, v17;
	s3 =	simm.s32 $0x4680  }
0x375: {  	[tilespmem:s3], [sflag:$0x1] =	stream.indirect_vreg.gather [hbm4b:s7+s2], $0x80, v19, vm0, $0xb8;
	[tilespmem:$0x1E480] =	vst v63  }
0x376: {  	s3 =	simm.s32 $0x4700  }
0x377: {  	[tilespmem:s3], [sflag:$0x1] =	stream.indirect_vreg.gather [hbm4b:s7+s2], $0x80, v35, vm0, $0xb8;
	[tilespmem:$0x1E480] =	vst v63  }
0x378: {  	s3 =	simm.s32 $0x4780  }
0x379: {  	[tilespmem:s3], [sflag:$0x1] =	stream.indirect_vreg.gather [hbm4b:s7+s2], $0x80, v17, vm0, $0xb8;
	[tilespmem:$0x1E480] =	vst v63  }
0x37a: {  	_ =	swait.ge [sflag:s28], $0x2000  }
0x37b: {  	[sflag:s28] =	ssyncset.done $0x0  }
0x37c: {  	[sflag:s28] =	ssyncadd.s32 $0xFFFFE000  }
0x37d: {  	[spmem:s1] =	stream.indirect.scatter.add.f32 [tilespmem:s15], [sflag:$0x2], $0x80, s0, s30, $0xb8;
	[tilespmem:$0x1E480] =	vst v63  }
0x37e: {  	_ =	swait.ge [sflag:s24], $0x2000  }
0x37f: {  	[sflag:s24] =	ssyncset.done $0x0  }
0x380: {  	[sflag:s24] =	ssyncadd.s32 $0xFFFFE000  }
0x381: {  	v17 =	vld [tilespmem:s26+$0x280];
	_ =	sdelay $0x4  }
0x382: {  	v18 =	vshll.u32 v17, $0x1  }
0x383: {  	v17 =	vand.u32 $0x7, v17;
	v18 =	vand.u32 $0xFFFFFFF0, v18  }
0x384: {  	v17 =	vor.u32 v17, v18  }
0x385: {  	v18 =	vperm.xlane v17, v2;
	_ =	sdelay $0x1  }
0x386: {  	v19 =	vperm.xlane v17, v1;
	v18 =	vadd.s32 v3, v18;
	_ =	sdelay $0x1  }
0x387: {  	v36 =	vperm.xlane v17, v4;
	v19 =	vadd.s32 v3, v19;
	_ =	sdelay $0x1  }
0x388: {  	v37 =	vperm.xlane v17, v5;
	v20 =	vadd.s32 v3, v36  }
0x389: {  	[tilespmem:s29], [sflag:$0x1] =	stream.indirect_vreg.gather [hbm4b:s7+s2], $0x80, v18, vm0, $0xb8;
	[tilespmem:$0x1E480] =	vst v63  }
0x38a: {  	s3 =	simm.s32 $0x4880;
	v38 =	vperm.xlane v17, v6;
	v18 =	vadd.s32 v3, v37  }
0x38b: {  	[tilespmem:s3], [sflag:$0x1] =	stream.indirect_vreg.gather [hbm4b:s7+s2], $0x80, v19, vm0, $0xb8;
	[tilespmem:$0x1E480] =	vst v63  }
0x38c: {  	v39 =	vperm.xlane v17, v7;
	v19 =	vadd.s32 v3, v38;
	s3 =	simm.s32 $0x4900  }
0x38d: {  	[tilespmem:s3], [sflag:$0x1] =	stream.indirect_vreg.gather [hbm4b:s7+s2], $0x80, v20, vm0, $0xb8;
	[tilespmem:$0x1E480] =	vst v63  }
0x38e: {  	v41 =	vperm.xlane v17, v8;
	v40 =	vadd.s32 v3, v39;
	s3 =	simm.s32 $0x4980  }
0x38f: {  	[tilespmem:s3], [sflag:$0x1] =	stream.indirect_vreg.gather [hbm4b:s7+s2], $0x80, v18, vm0, $0xb8;
	[tilespmem:$0x1E480] =	vst v63  }
0x390: {  	v42 =	vperm.xlane v17, v0;
	v18 =	vadd.s32 v3, v41;
	s3 =	simm.s32 $0x4A00  }
0x391: {  	[tilespmem:s3], [sflag:$0x1] =	stream.indirect_vreg.gather [hbm4b:s7+s2], $0x80, v19, vm0, $0xb8;
	[tilespmem:$0x1E480] =	vst v63  }
0x392: {  	v43 =	vperm.xlane v17, v9;
	v19 =	vadd.s32 v3, v42;
	s3 =	simm.s32 $0x4A80  }
0x393: {  	[tilespmem:s3], [sflag:$0x1] =	stream.indirect_vreg.gather [hbm4b:s7+s2], $0x80, v40, vm0, $0xb8;
	[tilespmem:$0x1E480] =	vst v63  }
0x394: {  	v45 =	vperm.xlane v17, v10;
	v44 =	vadd.s32 v3, v43;
	s3 =	simm.s32 $0x4B00  }
0x395: {  	[tilespmem:s3], [sflag:$0x1] =	stream.indirect_vreg.gather [hbm4b:s7+s2], $0x80, v18, vm0, $0xb8;
	[tilespmem:$0x1E480] =	vst v63  }
0x396: {  	v46 =	vperm.xlane v17, v11;
	v18 =	vadd.s32 v3, v45;
	s3 =	simm.s32 $0x4B80  }
0x397: {  	[tilespmem:s3], [sflag:$0x1] =	stream.indirect_vreg.gather [hbm4b:s7+s2], $0x80, v19, vm0, $0xb8;
	[tilespmem:$0x1E480] =	vst v63  }
0x398: {  	v47 =	vperm.xlane v17, v12;
	v19 =	vadd.s32 v3, v46;
	s3 =	simm.s32 $0x4C00  }
0x399: {  	[tilespmem:s3], [sflag:$0x1] =	stream.indirect_vreg.gather [hbm4b:s7+s2], $0x80, v44, vm0, $0xb8;
	[tilespmem:$0x1E480] =	vst v63  }
0x39a: {  	v49 =	vperm.xlane v17, v13;
	v48 =	vadd.s32 v3, v47;
	s3 =	simm.s32 $0x4C80  }
0x39b: {  	[tilespmem:s3], [sflag:$0x1] =	stream.indirect_vreg.gather [hbm4b:s7+s2], $0x80, v18, vm0, $0xb8;
	[tilespmem:$0x1E480] =	vst v63  }
0x39c: {  	v50 =	vperm.xlane v17, v14;
	v18 =	vadd.s32 v3, v49;
	s3 =	simm.s32 $0x4D00  }
0x39d: {  	[tilespmem:s3], [sflag:$0x1] =	stream.indirect_vreg.gather [hbm4b:s7+s2], $0x80, v19, vm0, $0xb8;
	[tilespmem:$0x1E480] =	vst v63  }
0x39e: {  	v51 =	vperm.xlane v17, v15;
	v19 =	vadd.s32 v3, v50;
	s3 =	simm.s32 $0x4D80  }
0x39f: {  	[tilespmem:s3], [sflag:$0x1] =	stream.indirect_vreg.gather [hbm4b:s7+s2], $0x80, v48, vm0, $0xb8;
	[tilespmem:$0x1E480] =	vst v63  }
0x3a0: {  	v17 =	vperm.xlane v17, v16;
	v52 =	vadd.s32 v3, v51;
	s3 =	simm.s32 $0x4E00  }
0x3a1: {  	[tilespmem:s3], [sflag:$0x1] =	stream.indirect_vreg.gather [hbm4b:s7+s2], $0x80, v18, vm0, $0xb8;
	[tilespmem:$0x1E480] =	vst v63  }
0x3a2: {  	v17 =	vadd.s32 v3, v17;
	s3 =	simm.s32 $0x4E80  }
0x3a3: {  	[tilespmem:s3], [sflag:$0x1] =	stream.indirect_vreg.gather [hbm4b:s7+s2], $0x80, v19, vm0, $0xb8;
	[tilespmem:$0x1E480] =	vst v63  }
0x3a4: {  	s3 =	simm.s32 $0x4F00  }
0x3a5: {  	[tilespmem:s3], [sflag:$0x1] =	stream.indirect_vreg.gather [hbm4b:s7+s2], $0x80, v52, vm0, $0xb8;
	[tilespmem:$0x1E480] =	vst v63  }
0x3a6: {  	s3 =	simm.s32 $0x4F80  }
0x3a7: {  	[tilespmem:s3], [sflag:$0x1] =	stream.indirect_vreg.gather [hbm4b:s7+s2], $0x80, v17, vm0, $0xb8;
	[tilespmem:$0x1E480] =	vst v63  }
0x3a8: {  	v17 =	vld [tilespmem:s26+$0x290];
	_ =	sdelay $0x4  }
0x3a9: {  	v18 =	vshll.u32 v17, $0x1  }
0x3aa: {  	v17 =	vand.u32 $0x7, v17;
	v18 =	vand.u32 $0xFFFFFFF0, v18  }
0x3ab: {  	v17 =	vor.u32 v17, v18  }
0x3ac: {  	v18 =	vperm.xlane v17, v2;
	_ =	sdelay $0x1  }
0x3ad: {  	v19 =	vperm.xlane v17, v1;
	v18 =	vadd.s32 v3, v18;
	_ =	sdelay $0x1  }
0x3ae: {  	v53 =	vperm.xlane v17, v4;
	v19 =	vadd.s32 v3, v19;
	_ =	sdelay $0x1  }
0x3af: {  	s3 =	simm.s32 $0x5000;
	v54 =	vperm.xlane v17, v5;
	v20 =	vadd.s32 v3, v53  }
0x3b0: {  	[tilespmem:s3], [sflag:$0x1] =	stream.indirect_vreg.gather [hbm4b:s7+s2], $0x80, v18, vm0, $0xb8;
	[tilespmem:$0x1E480] =	vst v63  }
0x3b1: {  	v55 =	vperm.xlane v17, v6;
	v18 =	vadd.s32 v3, v54;
	s3 =	simm.s32 $0x5080  }
0x3b2: {  	[tilespmem:s3], [sflag:$0x1] =	stream.indirect_vreg.gather [hbm4b:s7+s2], $0x80, v19, vm0, $0xb8;
	[tilespmem:$0x1E480] =	vst v63  }
0x3b3: {  	v56 =	vperm.xlane v17, v7;
	v19 =	vadd.s32 v3, v55;
	s3 =	simm.s32 $0x5100  }
0x3b4: {  	[tilespmem:s3], [sflag:$0x1] =	stream.indirect_vreg.gather [hbm4b:s7+s2], $0x80, v20, vm0, $0xb8;
	[tilespmem:$0x1E480] =	vst v63  }
0x3b5: {  	v58 =	vperm.xlane v17, v8;
	v57 =	vadd.s32 v3, v56;
	s3 =	simm.s32 $0x5180  }
0x3b6: {  	[tilespmem:s3], [sflag:$0x1] =	stream.indirect_vreg.gather [hbm4b:s7+s2], $0x80, v18, vm0, $0xb8;
	[tilespmem:$0x1E480] =	vst v63  }
0x3b7: {  	v59 =	vperm.xlane v17, v0;
	v18 =	vadd.s32 v3, v58;
	s3 =	simm.s32 $0x5200  }
0x3b8: {  	[tilespmem:s3], [sflag:$0x1] =	stream.indirect_vreg.gather [hbm4b:s7+s2], $0x80, v19, vm0, $0xb8;
	[tilespmem:$0x1E480] =	vst v63  }
0x3b9: {  	v60 =	vperm.xlane v17, v9;
	v19 =	vadd.s32 v3, v59;
	s3 =	simm.s32 $0x5280  }
0x3ba: {  	[tilespmem:s3], [sflag:$0x1] =	stream.indirect_vreg.gather [hbm4b:s7+s2], $0x80, v57, vm0, $0xb8;
	[tilespmem:$0x1E480] =	vst v63  }
0x3bb: {  	v62 =	vperm.xlane v17, v10;
	v61 =	vadd.s32 v3, v60;
	s3 =	simm.s32 $0x5300  }
0x3bc: {  	[tilespmem:s3], [sflag:$0x1] =	stream.indirect_vreg.gather [hbm4b:s7+s2], $0x80, v18, vm0, $0xb8;
	[tilespmem:$0x1E480] =	vst v63  }
0x3bd: {  	v63 =	vperm.xlane v17, v11;
	v18 =	vadd.s32 v3, v62;
	s3 =	simm.s32 $0x5380  }
0x3be: {  	[tilespmem:s3], [sflag:$0x1] =	stream.indirect_vreg.gather [hbm4b:s7+s2], $0x80, v19, vm0, $0xb8;
	[tilespmem:$0x1E480] =	vst v63  }
0x3bf: {  	v24 =	vperm.xlane v17, v12;
	v19 =	vadd.s32 v3, v63;
	s3 =	simm.s32 $0x5400  }
0x3c0: {  	[tilespmem:s3], [sflag:$0x1] =	stream.indirect_vreg.gather [hbm4b:s7+s2], $0x80, v61, vm0, $0xb8;
	[tilespmem:$0x1E480] =	vst v63  }
0x3c1: {  	v26 =	vperm.xlane v17, v13;
	v25 =	vadd.s32 v3, v24;
	s3 =	simm.s32 $0x5480  }
0x3c2: {  	[tilespmem:s3], [sflag:$0x1] =	stream.indirect_vreg.gather [hbm4b:s7+s2], $0x80, v18, vm0, $0xb8;
	[tilespmem:$0x1E480] =	vst v63  }
0x3c3: {  	v27 =	vperm.xlane v17, v14;
	v18 =	vadd.s32 v3, v26;
	s3 =	simm.s32 $0x5500  }
0x3c4: {  	[tilespmem:s3], [sflag:$0x1] =	stream.indirect_vreg.gather [hbm4b:s7+s2], $0x80, v19, vm0, $0xb8;
	[tilespmem:$0x1E480] =	vst v63  }
0x3c5: {  	v28 =	vperm.xlane v17, v15;
	v19 =	vadd.s32 v3, v27;
	s3 =	simm.s32 $0x5580  }
0x3c6: {  	[tilespmem:s3], [sflag:$0x1] =	stream.indirect_vreg.gather [hbm4b:s7+s2], $0x80, v25, vm0, $0xb8;
	[tilespmem:$0x1E480] =	vst v63  }
0x3c7: {  	v17 =	vperm.xlane v17, v16;
	v29 =	vadd.s32 v3, v28;
	s3 =	simm.s32 $0x5600  }
0x3c8: {  	[tilespmem:s3], [sflag:$0x1] =	stream.indirect_vreg.gather [hbm4b:s7+s2], $0x80, v18, vm0, $0xb8;
	[tilespmem:$0x1E480] =	vst v63  }
0x3c9: {  	v17 =	vadd.s32 v3, v17;
	s3 =	simm.s32 $0x5680  }
0x3ca: {  	[tilespmem:s3], [sflag:$0x1] =	stream.indirect_vreg.gather [hbm4b:s7+s2], $0x80, v19, vm0, $0xb8;
	[tilespmem:$0x1E480] =	vst v63  }
0x3cb: {  	s3 =	simm.s32 $0x5700  }
0x3cc: {  	[tilespmem:s3], [sflag:$0x1] =	stream.indirect_vreg.gather [hbm4b:s7+s2], $0x80, v29, vm0, $0xb8;
	[tilespmem:$0x1E480] =	vst v63  }
0x3cd: {  	s3 =	simm.s32 $0x5780  }
0x3ce: {  	[tilespmem:s3], [sflag:$0x1] =	stream.indirect_vreg.gather [hbm4b:s7+s2], $0x80, v17, vm0, $0xb8;
	[tilespmem:$0x1E480] =	vst v63  }
0x3cf: {  	v17 =	vld [tilespmem:s26+$0x2A0];
	_ =	sdelay $0x4  }
0x3d0: {  	v18 =	vshll.u32 v17, $0x1  }
0x3d1: {  	v17 =	vand.u32 $0x7, v17;
	v18 =	vand.u32 $0xFFFFFFF0, v18  }
0x3d2: {  	v17 =	vor.u32 v17, v18  }
0x3d3: {  	v18 =	vperm.xlane v17, v2;
	_ =	sdelay $0x1  }
0x3d4: {  	v19 =	vperm.xlane v17, v1;
	v18 =	vadd.s32 v3, v18;
	_ =	sdelay $0x1  }
0x3d5: {  	v30 =	vperm.xlane v17, v4;
	v19 =	vadd.s32 v3, v19;
	_ =	sdelay $0x1  }
0x3d6: {  	s3 =	simm.s32 $0x5800;
	v31 =	vperm.xlane v17, v5;
	v20 =	vadd.s32 v3, v30  }
0x3d7: {  	[tilespmem:s3], [sflag:$0x1] =	stream.indirect_vreg.gather [hbm4b:s7+s2], $0x80, v18, vm0, $0xb8;
	[tilespmem:$0x1E480] =	vst v63  }
0x3d8: {  	v32 =	vperm.xlane v17, v6;
	v18 =	vadd.s32 v3, v31;
	s3 =	simm.s32 $0x5880  }
0x3d9: {  	[tilespmem:s3], [sflag:$0x1] =	stream.indirect_vreg.gather [hbm4b:s7+s2], $0x80, v19, vm0, $0xb8;
	[tilespmem:$0x1E480] =	vst v63  }
0x3da: {  	v33 =	vperm.xlane v17, v7;
	v19 =	vadd.s32 v3, v32;
	s3 =	simm.s32 $0x5900  }
0x3db: {  	[tilespmem:s3], [sflag:$0x1] =	stream.indirect_vreg.gather [hbm4b:s7+s2], $0x80, v20, vm0, $0xb8;
	[tilespmem:$0x1E480] =	vst v63  }
0x3dc: {  	v35 =	vperm.xlane v17, v8;
	v34 =	vadd.s32 v3, v33;
	s3 =	simm.s32 $0x5980  }
0x3dd: {  	[tilespmem:s3], [sflag:$0x1] =	stream.indirect_vreg.gather [hbm4b:s7+s2], $0x80, v18, vm0, $0xb8;
	[tilespmem:$0x1E480] =	vst v63  }
0x3de: {  	v36 =	vperm.xlane v17, v0;
	v18 =	vadd.s32 v3, v35;
	s3 =	simm.s32 $0x5A00  }
0x3df: {  	[tilespmem:s3], [sflag:$0x1] =	stream.indirect_vreg.gather [hbm4b:s7+s2], $0x80, v19, vm0, $0xb8;
	[tilespmem:$0x1E480] =	vst v63  }
0x3e0: {  	v37 =	vperm.xlane v17, v9;
	v19 =	vadd.s32 v3, v36;
	s3 =	simm.s32 $0x5A80  }
0x3e1: {  	[tilespmem:s3], [sflag:$0x1] =	stream.indirect_vreg.gather [hbm4b:s7+s2], $0x80, v34, vm0, $0xb8;
	[tilespmem:$0x1E480] =	vst v63  }
0x3e2: {  	v39 =	vperm.xlane v17, v10;
	v38 =	vadd.s32 v3, v37;
	s3 =	simm.s32 $0x5B00  }
0x3e3: {  	[tilespmem:s3], [sflag:$0x1] =	stream.indirect_vreg.gather [hbm4b:s7+s2], $0x80, v18, vm0, $0xb8;
	[tilespmem:$0x1E480] =	vst v63  }
0x3e4: {  	v40 =	vperm.xlane v17, v11;
	v18 =	vadd.s32 v3, v39;
	s3 =	simm.s32 $0x5B80  }
0x3e5: {  	[tilespmem:s3], [sflag:$0x1] =	stream.indirect_vreg.gather [hbm4b:s7+s2], $0x80, v19, vm0, $0xb8;
	[tilespmem:$0x1E480] =	vst v63  }
0x3e6: {  	v41 =	vperm.xlane v17, v12;
	v19 =	vadd.s32 v3, v40;
	s3 =	simm.s32 $0x5C00  }
0x3e7: {  	[tilespmem:s3], [sflag:$0x1] =	stream.indirect_vreg.gather [hbm4b:s7+s2], $0x80, v38, vm0, $0xb8;
	[tilespmem:$0x1E480] =	vst v63  }
0x3e8: {  	v43 =	vperm.xlane v17, v13;
	v42 =	vadd.s32 v3, v41;
	s3 =	simm.s32 $0x5C80  }
0x3e9: {  	[tilespmem:s3], [sflag:$0x1] =	stream.indirect_vreg.gather [hbm4b:s7+s2], $0x80, v18, vm0, $0xb8;
	[tilespmem:$0x1E480] =	vst v63  }
0x3ea: {  	v44 =	vperm.xlane v17, v14;
	v18 =	vadd.s32 v3, v43;
	s3 =	simm.s32 $0x5D00  }
0x3eb: {  	[tilespmem:s3], [sflag:$0x1] =	stream.indirect_vreg.gather [hbm4b:s7+s2], $0x80, v19, vm0, $0xb8;
	[tilespmem:$0x1E480] =	vst v63  }
0x3ec: {  	v45 =	vperm.xlane v17, v15;
	v19 =	vadd.s32 v3, v44;
	s3 =	simm.s32 $0x5D80  }
0x3ed: {  	[tilespmem:s3], [sflag:$0x1] =	stream.indirect_vreg.gather [hbm4b:s7+s2], $0x80, v42, vm0, $0xb8;
	[tilespmem:$0x1E480] =	vst v63  }
0x3ee: {  	v17 =	vperm.xlane v17, v16;
	v46 =	vadd.s32 v3, v45;
	s3 =	simm.s32 $0x5E00  }
0x3ef: {  	[tilespmem:s3], [sflag:$0x1] =	stream.indirect_vreg.gather [hbm4b:s7+s2], $0x80, v18, vm0, $0xb8;
	[tilespmem:$0x1E480] =	vst v63  }
0x3f0: {  	v17 =	vadd.s32 v3, v17;
	s3 =	simm.s32 $0x5E80  }
0x3f1: {  	[tilespmem:s3], [sflag:$0x1] =	stream.indirect_vreg.gather [hbm4b:s7+s2], $0x80, v19, vm0, $0xb8;
	[tilespmem:$0x1E480] =	vst v63  }
0x3f2: {  	s3 =	simm.s32 $0x5F00  }
0x3f3: {  	[tilespmem:s3], [sflag:$0x1] =	stream.indirect_vreg.gather [hbm4b:s7+s2], $0x80, v46, vm0, $0xb8;
	[tilespmem:$0x1E480] =	vst v63  }
0x3f4: {  	s3 =	simm.s32 $0x5F80  }
0x3f5: {  	[tilespmem:s3], [sflag:$0x1] =	stream.indirect_vreg.gather [hbm4b:s7+s2], $0x80, v17, vm0, $0xb8;
	[tilespmem:$0x1E480] =	vst v63  }
0x3f6: {  	v17 =	vld [tilespmem:s26+$0x2B0];
	_ =	sdelay $0x4  }
0x3f7: {  	v18 =	vshll.u32 v17, $0x1  }
0x3f8: {  	v17 =	vand.u32 $0x7, v17;
	v18 =	vand.u32 $0xFFFFFFF0, v18  }
0x3f9: {  	v17 =	vor.u32 v17, v18  }
0x3fa: {  	v18 =	vperm.xlane v17, v2;
	_ =	sdelay $0x1  }
0x3fb: {  	v19 =	vperm.xlane v17, v1;
	v18 =	vadd.s32 v3, v18;
	_ =	sdelay $0x1  }
0x3fc: {  	v47 =	vperm.xlane v17, v4;
	v19 =	vadd.s32 v3, v19;
	_ =	sdelay $0x1  }
0x3fd: {  	s3 =	simm.s32 $0x6000;
	v48 =	vperm.xlane v17, v5;
	v20 =	vadd.s32 v3, v47  }
0x3fe: {  	[tilespmem:s3], [sflag:$0x1] =	stream.indirect_vreg.gather [hbm4b:s7+s2], $0x80, v18, vm0, $0xb8;
	[tilespmem:$0x1E480] =	vst v63  }
0x3ff: {  	v49 =	vperm.xlane v17, v6;
	v18 =	vadd.s32 v3, v48;
	s3 =	simm.s32 $0x6080  }
0x400: {  	[tilespmem:s3], [sflag:$0x1] =	stream.indirect_vreg.gather [hbm4b:s7+s2], $0x80, v19, vm0, $0xb8;
	[tilespmem:$0x1E480] =	vst v63  }
0x401: {  	v50 =	vperm.xlane v17, v7;
	v19 =	vadd.s32 v3, v49;
	s3 =	simm.s32 $0x6100  }
0x402: {  	[tilespmem:s3], [sflag:$0x1] =	stream.indirect_vreg.gather [hbm4b:s7+s2], $0x80, v20, vm0, $0xb8;
	[tilespmem:$0x1E480] =	vst v63  }
0x403: {  	v52 =	vperm.xlane v17, v8;
	v51 =	vadd.s32 v3, v50;
	s3 =	simm.s32 $0x6180  }
0x404: {  	[tilespmem:s3], [sflag:$0x1] =	stream.indirect_vreg.gather [hbm4b:s7+s2], $0x80, v18, vm0, $0xb8;
	[tilespmem:$0x1E480] =	vst v63  }
0x405: {  	v53 =	vperm.xlane v17, v0;
	v18 =	vadd.s32 v3, v52;
	s3 =	simm.s32 $0x6200  }
0x406: {  	[tilespmem:s3], [sflag:$0x1] =	stream.indirect_vreg.gather [hbm4b:s7+s2], $0x80, v19, vm0, $0xb8;
	[tilespmem:$0x1E480] =	vst v63  }
0x407: {  	v54 =	vperm.xlane v17, v9;
	v19 =	vadd.s32 v3, v53;
	s3 =	simm.s32 $0x6280  }
0x408: {  	[tilespmem:s3], [sflag:$0x1] =	stream.indirect_vreg.gather [hbm4b:s7+s2], $0x80, v51, vm0, $0xb8;
	[tilespmem:$0x1E480] =	vst v63  }
0x409: {  	v56 =	vperm.xlane v17, v10;
	v55 =	vadd.s32 v3, v54;
	s3 =	simm.s32 $0x6300  }
0x40a: {  	[tilespmem:s3], [sflag:$0x1] =	stream.indirect_vreg.gather [hbm4b:s7+s2], $0x80, v18, vm0, $0xb8;
	[tilespmem:$0x1E480] =	vst v63  }
0x40b: {  	v57 =	vperm.xlane v17, v11;
	v18 =	vadd.s32 v3, v56;
	s3 =	simm.s32 $0x6380  }
0x40c: {  	[tilespmem:s3], [sflag:$0x1] =	stream.indirect_vreg.gather [hbm4b:s7+s2], $0x80, v19, vm0, $0xb8;
	[tilespmem:$0x1E480] =	vst v63  }
0x40d: {  	v58 =	vperm.xlane v17, v12;
	v19 =	vadd.s32 v3, v57;
	s3 =	simm.s32 $0x6400  }
0x40e: {  	[tilespmem:s3], [sflag:$0x1] =	stream.indirect_vreg.gather [hbm4b:s7+s2], $0x80, v55, vm0, $0xb8;
	[tilespmem:$0x1E480] =	vst v63  }
0x40f: {  	v60 =	vperm.xlane v17, v13;
	v59 =	vadd.s32 v3, v58;
	s3 =	simm.s32 $0x6480  }
0x410: {  	[tilespmem:s3], [sflag:$0x1] =	stream.indirect_vreg.gather [hbm4b:s7+s2], $0x80, v18, vm0, $0xb8;
	[tilespmem:$0x1E480] =	vst v63  }
0x411: {  	v61 =	vperm.xlane v17, v14;
	v18 =	vadd.s32 v3, v60;
	s3 =	simm.s32 $0x6500  }
0x412: {  	[tilespmem:s3], [sflag:$0x1] =	stream.indirect_vreg.gather [hbm4b:s7+s2], $0x80, v19, vm0, $0xb8;
	[tilespmem:$0x1E480] =	vst v63  }
0x413: {  	v62 =	vperm.xlane v17, v15;
	v19 =	vadd.s32 v3, v61;
	s3 =	simm.s32 $0x6580  }
0x414: {  	[tilespmem:s3], [sflag:$0x1] =	stream.indirect_vreg.gather [hbm4b:s7+s2], $0x80, v59, vm0, $0xb8;
	[tilespmem:$0x1E480] =	vst v63  }
0x415: {  	v17 =	vperm.xlane v17, v16;
	v63 =	vadd.s32 v3, v62;
	s3 =	simm.s32 $0x6600  }
0x416: {  	[tilespmem:s3], [sflag:$0x1] =	stream.indirect_vreg.gather [hbm4b:s7+s2], $0x80, v18, vm0, $0xb8;
	[tilespmem:$0x1E480] =	vst v63  }
0x417: {  	v17 =	vadd.s32 v3, v17;
	s3 =	simm.s32 $0x6680  }
0x418: {  	[tilespmem:s3], [sflag:$0x1] =	stream.indirect_vreg.gather [hbm4b:s7+s2], $0x80, v19, vm0, $0xb8;
	[tilespmem:$0x1E480] =	vst v63  }
0x419: {  	s3 =	simm.s32 $0x6700  }
0x41a: {  	[tilespmem:s3], [sflag:$0x1] =	stream.indirect_vreg.gather [hbm4b:s7+s2], $0x80, v63, vm0, $0xb8;
	[tilespmem:$0x1E480] =	vst v63  }
0x41b: {  	s3 =	simm.s32 $0x6780  }
0x41c: {  	[tilespmem:s3], [sflag:$0x1] =	stream.indirect_vreg.gather [hbm4b:s7+s2], $0x80, v17, vm0, $0xb8;
	[tilespmem:$0x1E480] =	vst v63  }
.LBB2_6:
0x41d: {  	_ =	swait.ge [sflag:s28], $0x2000  }
0x41e: {  	[sflag:s28] =	ssyncset.done $0x0  }
.Ltmp6:
0x41f: {  	s0 =	sadd.s32 $0x1580, s26;
	[sflag:s28] =	ssyncadd.s32 $0xFFFFE000;
	(pc) =	sbr.rel @p1 .LBB2_8-.Ltmp6, $4  }
0x420: {  	[spmem:s1] =	stream.indirect.scatter.add.f32 [tilespmem:s31], [sflag:$0x2], $0x80, s0, s30, $0xb8;
	[tilespmem:$0x1E480] =	vst v63  }
0x421: {  	_ =	swait.ge [sflag:s24], $0x2000  }
0x422: {  	[sflag:s24] =	ssyncset.done $0x0  }
0x423: {  	[sflag:s24] =	ssyncadd.s32 $0xFFFFE000  }
0x424: {  	v17 =	vld [tilespmem:s26+$0x300];
	_ =	sdelay $0x4  }
0x425: {  	v18 =	vshll.u32 v17, $0x1  }
0x426: {  	v17 =	vand.u32 $0x7, v17;
	v18 =	vand.u32 $0xFFFFFFF0, v18  }
0x427: {  	v17 =	vor.u32 v17, v18  }
0x428: {  	v18 =	vperm.xlane v17, v2;
	_ =	sdelay $0x1  }
0x429: {  	v19 =	vperm.xlane v17, v1;
	v18 =	vadd.s32 v3, v18;
	_ =	sdelay $0x1  }
0x42a: {  	v20 =	vperm.xlane v17, v4;
	v19 =	vadd.s32 v3, v19;
	_ =	sdelay $0x1  }
0x42b: {  	v21 =	vperm.xlane v17, v5;
	v20 =	vadd.s32 v3, v20  }
0x42c: {  	[tilespmem:s15], [sflag:$0x1] =	stream.indirect_vreg.gather [hbm4b:s7+s2], $0x80, v18, vm0, $0xb8;
	[tilespmem:$0x1E480] =	vst v63  }
0x42d: {  	s0 =	simm.s32 $0x6880;
	v38 =	vperm.xlane v17, v6;
	v18 =	vadd.s32 v3, v21  }
0x42e: {  	[tilespmem:s0], [sflag:$0x1] =	stream.indirect_vreg.gather [hbm4b:s7+s2], $0x80, v19, vm0, $0xb8;
	[tilespmem:$0x1E480] =	vst v63  }
0x42f: {  	s3 =	simm.s32 $0x6900;
	v39 =	vperm.xlane v17, v7;
	v19 =	vadd.s32 v3, v38  }
0x430: {  	[tilespmem:s3], [sflag:$0x1] =	stream.indirect_vreg.gather [hbm4b:s7+s2], $0x80, v20, vm0, $0xb8;
	[tilespmem:$0x1E480] =	vst v63  }
0x431: {  	v41 =	vperm.xlane v17, v8;
	v40 =	vadd.s32 v3, v39;
	s3 =	simm.s32 $0x6980  }
0x432: {  	[tilespmem:s3], [sflag:$0x1] =	stream.indirect_vreg.gather [hbm4b:s7+s2], $0x80, v18, vm0, $0xb8;
	[tilespmem:$0x1E480] =	vst v63  }
0x433: {  	v42 =	vperm.xlane v17, v0;
	v18 =	vadd.s32 v3, v41;
	s3 =	simm.s32 $0x6A00  }
0x434: {  	[tilespmem:s3], [sflag:$0x1] =	stream.indirect_vreg.gather [hbm4b:s7+s2], $0x80, v19, vm0, $0xb8;
	[tilespmem:$0x1E480] =	vst v63  }
0x435: {  	v43 =	vperm.xlane v17, v9;
	v19 =	vadd.s32 v3, v42;
	s3 =	simm.s32 $0x6A80  }
0x436: {  	[tilespmem:s3], [sflag:$0x1] =	stream.indirect_vreg.gather [hbm4b:s7+s2], $0x80, v40, vm0, $0xb8;
	[tilespmem:$0x1E480] =	vst v63  }
0x437: {  	v45 =	vperm.xlane v17, v10;
	v44 =	vadd.s32 v3, v43;
	s3 =	simm.s32 $0x6B00  }
0x438: {  	[tilespmem:s3], [sflag:$0x1] =	stream.indirect_vreg.gather [hbm4b:s7+s2], $0x80, v18, vm0, $0xb8;
	[tilespmem:$0x1E480] =	vst v63  }
0x439: {  	v46 =	vperm.xlane v17, v11;
	v18 =	vadd.s32 v3, v45;
	s3 =	simm.s32 $0x6B80  }
0x43a: {  	[tilespmem:s3], [sflag:$0x1] =	stream.indirect_vreg.gather [hbm4b:s7+s2], $0x80, v19, vm0, $0xb8;
	[tilespmem:$0x1E480] =	vst v63  }
0x43b: {  	v47 =	vperm.xlane v17, v12;
	v19 =	vadd.s32 v3, v46;
	s3 =	simm.s32 $0x6C00  }
0x43c: {  	[tilespmem:s3], [sflag:$0x1] =	stream.indirect_vreg.gather [hbm4b:s7+s2], $0x80, v44, vm0, $0xb8;
	[tilespmem:$0x1E480] =	vst v63  }
0x43d: {  	v49 =	vperm.xlane v17, v13;
	v48 =	vadd.s32 v3, v47;
	s3 =	simm.s32 $0x6C80  }
0x43e: {  	[tilespmem:s3], [sflag:$0x1] =	stream.indirect_vreg.gather [hbm4b:s7+s2], $0x80, v18, vm0, $0xb8;
	[tilespmem:$0x1E480] =	vst v63  }
0x43f: {  	v50 =	vperm.xlane v17, v14;
	v18 =	vadd.s32 v3, v49;
	s3 =	simm.s32 $0x6D00  }
0x440: {  	[tilespmem:s3], [sflag:$0x1] =	stream.indirect_vreg.gather [hbm4b:s7+s2], $0x80, v19, vm0, $0xb8;
	[tilespmem:$0x1E480] =	vst v63  }
0x441: {  	v51 =	vperm.xlane v17, v15;
	v19 =	vadd.s32 v3, v50;
	s3 =	simm.s32 $0x6D80  }
0x442: {  	[tilespmem:s3], [sflag:$0x1] =	stream.indirect_vreg.gather [hbm4b:s7+s2], $0x80, v48, vm0, $0xb8;
	[tilespmem:$0x1E480] =	vst v63  }
0x443: {  	v17 =	vperm.xlane v17, v16;
	v52 =	vadd.s32 v3, v51;
	s3 =	simm.s32 $0x6E00  }
0x444: {  	[tilespmem:s3], [sflag:$0x1] =	stream.indirect_vreg.gather [hbm4b:s7+s2], $0x80, v18, vm0, $0xb8;
	[tilespmem:$0x1E480] =	vst v63  }
0x445: {  	v17 =	vadd.s32 v3, v17;
	s3 =	simm.s32 $0x6E80  }
0x446: {  	[tilespmem:s3], [sflag:$0x1] =	stream.indirect_vreg.gather [hbm4b:s7+s2], $0x80, v19, vm0, $0xb8;
	[tilespmem:$0x1E480] =	vst v63  }
0x447: {  	s3 =	simm.s32 $0x6F00  }
0x448: {  	[tilespmem:s3], [sflag:$0x1] =	stream.indirect_vreg.gather [hbm4b:s7+s2], $0x80, v52, vm0, $0xb8;
	[tilespmem:$0x1E480] =	vst v63  }
0x449: {  	s3 =	simm.s32 $0x6F80  }
0x44a: {  	[tilespmem:s3], [sflag:$0x1] =	stream.indirect_vreg.gather [hbm4b:s7+s2], $0x80, v17, vm0, $0xb8;
	[tilespmem:$0x1E480] =	vst v63  }
0x44b: {  	v17 =	vld [tilespmem:s26+$0x310];
	_ =	sdelay $0x4  }
0x44c: {  	v18 =	vshll.u32 v17, $0x1  }
0x44d: {  	v17 =	vand.u32 $0x7, v17;
	v18 =	vand.u32 $0xFFFFFFF0, v18  }
0x44e: {  	v17 =	vor.u32 v17, v18  }
0x44f: {  	v18 =	vperm.xlane v17, v2;
	_ =	sdelay $0x1  }
0x450: {  	v19 =	vperm.xlane v17, v1;
	v18 =	vadd.s32 v3, v18;
	_ =	sdelay $0x1  }
0x451: {  	v53 =	vperm.xlane v17, v4;
	v19 =	vadd.s32 v3, v19;
	_ =	sdelay $0x1  }
0x452: {  	s3 =	simm.s32 $0x7000;
	v54 =	vperm.xlane v17, v5;
	v20 =	vadd.s32 v3, v53  }
0x453: {  	[tilespmem:s3], [sflag:$0x1] =	stream.indirect_vreg.gather [hbm4b:s7+s2], $0x80, v18, vm0, $0xb8;
	[tilespmem:$0x1E480] =	vst v63  }
0x454: {  	v55 =	vperm.xlane v17, v6;
	v18 =	vadd.s32 v3, v54;
	s3 =	simm.s32 $0x7080  }
0x455: {  	[tilespmem:s3], [sflag:$0x1] =	stream.indirect_vreg.gather [hbm4b:s7+s2], $0x80, v19, vm0, $0xb8;
	[tilespmem:$0x1E480] =	vst v63  }
0x456: {  	v56 =	vperm.xlane v17, v7;
	v19 =	vadd.s32 v3, v55;
	s3 =	simm.s32 $0x7100  }
0x457: {  	[tilespmem:s3], [sflag:$0x1] =	stream.indirect_vreg.gather [hbm4b:s7+s2], $0x80, v20, vm0, $0xb8;
	[tilespmem:$0x1E480] =	vst v63  }
0x458: {  	v58 =	vperm.xlane v17, v8;
	v57 =	vadd.s32 v3, v56;
	s3 =	simm.s32 $0x7180  }
0x459: {  	[tilespmem:s3], [sflag:$0x1] =	stream.indirect_vreg.gather [hbm4b:s7+s2], $0x80, v18, vm0, $0xb8;
	[tilespmem:$0x1E480] =	vst v63  }
0x45a: {  	v59 =	vperm.xlane v17, v0;
	v18 =	vadd.s32 v3, v58;
	s3 =	simm.s32 $0x7200  }
0x45b: {  	[tilespmem:s3], [sflag:$0x1] =	stream.indirect_vreg.gather [hbm4b:s7+s2], $0x80, v19, vm0, $0xb8;
	[tilespmem:$0x1E480] =	vst v63  }
0x45c: {  	v60 =	vperm.xlane v17, v9;
	v19 =	vadd.s32 v3, v59;
	s3 =	simm.s32 $0x7280  }
0x45d: {  	[tilespmem:s3], [sflag:$0x1] =	stream.indirect_vreg.gather [hbm4b:s7+s2], $0x80, v57, vm0, $0xb8;
	[tilespmem:$0x1E480] =	vst v63  }
0x45e: {  	v62 =	vperm.xlane v17, v10;
	v61 =	vadd.s32 v3, v60;
	s3 =	simm.s32 $0x7300  }
0x45f: {  	[tilespmem:s3], [sflag:$0x1] =	stream.indirect_vreg.gather [hbm4b:s7+s2], $0x80, v18, vm0, $0xb8;
	[tilespmem:$0x1E480] =	vst v63  }
0x460: {  	v63 =	vperm.xlane v17, v11;
	v18 =	vadd.s32 v3, v62;
	s3 =	simm.s32 $0x7380  }
0x461: {  	[tilespmem:s3], [sflag:$0x1] =	stream.indirect_vreg.gather [hbm4b:s7+s2], $0x80, v19, vm0, $0xb8;
	[tilespmem:$0x1E480] =	vst v63  }
0x462: {  	v24 =	vperm.xlane v17, v12;
	v19 =	vadd.s32 v3, v63;
	s3 =	simm.s32 $0x7400  }
0x463: {  	[tilespmem:s3], [sflag:$0x1] =	stream.indirect_vreg.gather [hbm4b:s7+s2], $0x80, v61, vm0, $0xb8;
	[tilespmem:$0x1E480] =	vst v63  }
0x464: {  	v26 =	vperm.xlane v17, v13;
	v25 =	vadd.s32 v3, v24;
	s3 =	simm.s32 $0x7480  }
0x465: {  	[tilespmem:s3], [sflag:$0x1] =	stream.indirect_vreg.gather [hbm4b:s7+s2], $0x80, v18, vm0, $0xb8;
	[tilespmem:$0x1E480] =	vst v63  }
0x466: {  	v27 =	vperm.xlane v17, v14;
	v18 =	vadd.s32 v3, v26;
	s3 =	simm.s32 $0x7500  }
0x467: {  	[tilespmem:s3], [sflag:$0x1] =	stream.indirect_vreg.gather [hbm4b:s7+s2], $0x80, v19, vm0, $0xb8;
	[tilespmem:$0x1E480] =	vst v63  }
0x468: {  	v28 =	vperm.xlane v17, v15;
	v19 =	vadd.s32 v3, v27;
	s3 =	simm.s32 $0x7580  }
0x469: {  	[tilespmem:s3], [sflag:$0x1] =	stream.indirect_vreg.gather [hbm4b:s7+s2], $0x80, v25, vm0, $0xb8;
	[tilespmem:$0x1E480] =	vst v63  }
0x46a: {  	v17 =	vperm.xlane v17, v16;
	v29 =	vadd.s32 v3, v28;
	s3 =	simm.s32 $0x7600  }
0x46b: {  	[tilespmem:s3], [sflag:$0x1] =	stream.indirect_vreg.gather [hbm4b:s7+s2], $0x80, v18, vm0, $0xb8;
	[tilespmem:$0x1E480] =	vst v63  }
0x46c: {  	v17 =	vadd.s32 v3, v17;
	s3 =	simm.s32 $0x7680  }
0x46d: {  	[tilespmem:s3], [sflag:$0x1] =	stream.indirect_vreg.gather [hbm4b:s7+s2], $0x80, v19, vm0, $0xb8;
	[tilespmem:$0x1E480] =	vst v63  }
0x46e: {  	s3 =	simm.s32 $0x7700  }
0x46f: {  	[tilespmem:s3], [sflag:$0x1] =	stream.indirect_vreg.gather [hbm4b:s7+s2], $0x80, v29, vm0, $0xb8;
	[tilespmem:$0x1E480] =	vst v63  }
0x470: {  	s3 =	simm.s32 $0x7780  }
0x471: {  	[tilespmem:s3], [sflag:$0x1] =	stream.indirect_vreg.gather [hbm4b:s7+s2], $0x80, v17, vm0, $0xb8;
	[tilespmem:$0x1E480] =	vst v63  }
0x472: {  	v17 =	vld [tilespmem:s26+$0x320];
	_ =	sdelay $0x4  }
0x473: {  	v18 =	vshll.u32 v17, $0x1  }
0x474: {  	v17 =	vand.u32 $0x7, v17;
	v18 =	vand.u32 $0xFFFFFFF0, v18  }
0x475: {  	v17 =	vor.u32 v17, v18  }
0x476: {  	v18 =	vperm.xlane v17, v2;
	_ =	sdelay $0x1  }
0x477: {  	v19 =	vperm.xlane v17, v1;
	v18 =	vadd.s32 v3, v18;
	_ =	sdelay $0x1  }
0x478: {  	v30 =	vperm.xlane v17, v4;
	v19 =	vadd.s32 v3, v19;
	_ =	sdelay $0x1  }
0x479: {  	s3 =	simm.s32 $0x7800;
	v31 =	vperm.xlane v17, v5;
	v20 =	vadd.s32 v3, v30  }
0x47a: {  	[tilespmem:s3], [sflag:$0x1] =	stream.indirect_vreg.gather [hbm4b:s7+s2], $0x80, v18, vm0, $0xb8;
	[tilespmem:$0x1E480] =	vst v63  }
0x47b: {  	v32 =	vperm.xlane v17, v6;
	v18 =	vadd.s32 v3, v31;
	s3 =	simm.s32 $0x7880  }
0x47c: {  	[tilespmem:s3], [sflag:$0x1] =	stream.indirect_vreg.gather [hbm4b:s7+s2], $0x80, v19, vm0, $0xb8;
	[tilespmem:$0x1E480] =	vst v63  }
0x47d: {  	v33 =	vperm.xlane v17, v7;
	v19 =	vadd.s32 v3, v32;
	s3 =	simm.s32 $0x7900  }
0x47e: {  	[tilespmem:s3], [sflag:$0x1] =	stream.indirect_vreg.gather [hbm4b:s7+s2], $0x80, v20, vm0, $0xb8;
	[tilespmem:$0x1E480] =	vst v63  }
0x47f: {  	v35 =	vperm.xlane v17, v8;
	v34 =	vadd.s32 v3, v33;
	s3 =	simm.s32 $0x7980  }
0x480: {  	[tilespmem:s3], [sflag:$0x1] =	stream.indirect_vreg.gather [hbm4b:s7+s2], $0x80, v18, vm0, $0xb8;
	[tilespmem:$0x1E480] =	vst v63  }
0x481: {  	v36 =	vperm.xlane v17, v0;
	v18 =	vadd.s32 v3, v35;
	s3 =	simm.s32 $0x7A00  }
0x482: {  	[tilespmem:s3], [sflag:$0x1] =	stream.indirect_vreg.gather [hbm4b:s7+s2], $0x80, v19, vm0, $0xb8;
	[tilespmem:$0x1E480] =	vst v63  }
0x483: {  	v37 =	vperm.xlane v17, v9;
	v19 =	vadd.s32 v3, v36;
	s3 =	simm.s32 $0x7A80  }
0x484: {  	[tilespmem:s3], [sflag:$0x1] =	stream.indirect_vreg.gather [hbm4b:s7+s2], $0x80, v34, vm0, $0xb8;
	[tilespmem:$0x1E480] =	vst v63  }
0x485: {  	v39 =	vperm.xlane v17, v10;
	v38 =	vadd.s32 v3, v37;
	s3 =	simm.s32 $0x7B00  }
0x486: {  	[tilespmem:s3], [sflag:$0x1] =	stream.indirect_vreg.gather [hbm4b:s7+s2], $0x80, v18, vm0, $0xb8;
	[tilespmem:$0x1E480] =	vst v63  }
0x487: {  	v40 =	vperm.xlane v17, v11;
	v18 =	vadd.s32 v3, v39;
	s3 =	simm.s32 $0x7B80  }
0x488: {  	[tilespmem:s3], [sflag:$0x1] =	stream.indirect_vreg.gather [hbm4b:s7+s2], $0x80, v19, vm0, $0xb8;
	[tilespmem:$0x1E480] =	vst v63  }
0x489: {  	v41 =	vperm.xlane v17, v12;
	v19 =	vadd.s32 v3, v40;
	s3 =	simm.s32 $0x7C00  }
0x48a: {  	[tilespmem:s3], [sflag:$0x1] =	stream.indirect_vreg.gather [hbm4b:s7+s2], $0x80, v38, vm0, $0xb8;
	[tilespmem:$0x1E480] =	vst v63  }
0x48b: {  	v43 =	vperm.xlane v17, v13;
	v42 =	vadd.s32 v3, v41;
	s3 =	simm.s32 $0x7C80  }
0x48c: {  	[tilespmem:s3], [sflag:$0x1] =	stream.indirect_vreg.gather [hbm4b:s7+s2], $0x80, v18, vm0, $0xb8;
	[tilespmem:$0x1E480] =	vst v63  }
0x48d: {  	v44 =	vperm.xlane v17, v14;
	v18 =	vadd.s32 v3, v43;
	s3 =	simm.s32 $0x7D00  }
0x48e: {  	[tilespmem:s3], [sflag:$0x1] =	stream.indirect_vreg.gather [hbm4b:s7+s2], $0x80, v19, vm0, $0xb8;
	[tilespmem:$0x1E480] =	vst v63  }
0x48f: {  	v45 =	vperm.xlane v17, v15;
	v19 =	vadd.s32 v3, v44;
	s3 =	simm.s32 $0x7D80  }
0x490: {  	[tilespmem:s3], [sflag:$0x1] =	stream.indirect_vreg.gather [hbm4b:s7+s2], $0x80, v42, vm0, $0xb8;
	[tilespmem:$0x1E480] =	vst v63  }
0x491: {  	v17 =	vperm.xlane v17, v16;
	v46 =	vadd.s32 v3, v45;
	s3 =	simm.s32 $0x7E00  }
0x492: {  	[tilespmem:s3], [sflag:$0x1] =	stream.indirect_vreg.gather [hbm4b:s7+s2], $0x80, v18, vm0, $0xb8;
	[tilespmem:$0x1E480] =	vst v63  }
0x493: {  	v17 =	vadd.s32 v3, v17;
	s3 =	simm.s32 $0x7E80  }
0x494: {  	[tilespmem:s3], [sflag:$0x1] =	stream.indirect_vreg.gather [hbm4b:s7+s2], $0x80, v19, vm0, $0xb8;
	[tilespmem:$0x1E480] =	vst v63  }
0x495: {  	s3 =	simm.s32 $0x7F00  }
0x496: {  	[tilespmem:s3], [sflag:$0x1] =	stream.indirect_vreg.gather [hbm4b:s7+s2], $0x80, v46, vm0, $0xb8;
	[tilespmem:$0x1E480] =	vst v63  }
0x497: {  	s3 =	simm.s32 $0x7F80  }
0x498: {  	[tilespmem:s3], [sflag:$0x1] =	stream.indirect_vreg.gather [hbm4b:s7+s2], $0x80, v17, vm0, $0xb8;
	[tilespmem:$0x1E480] =	vst v63  }
0x499: {  	v17 =	vld [tilespmem:s26+$0x330];
	_ =	sdelay $0x4  }
0x49a: {  	v18 =	vshll.u32 v17, $0x1  }
0x49b: {  	v17 =	vand.u32 $0x7, v17;
	v18 =	vand.u32 $0xFFFFFFF0, v18  }
0x49c: {  	v17 =	vor.u32 v17, v18  }
0x49d: {  	v18 =	vperm.xlane v17, v2;
	_ =	sdelay $0x1  }
0x49e: {  	v19 =	vperm.xlane v17, v1;
	v18 =	vadd.s32 v3, v18;
	_ =	sdelay $0x1  }
0x49f: {  	v47 =	vperm.xlane v17, v4;
	v19 =	vadd.s32 v3, v19;
	_ =	sdelay $0x1  }
0x4a0: {  	s3 =	simm.s32 $0x8000;
	v48 =	vperm.xlane v17, v5;
	v20 =	vadd.s32 v3, v47  }
0x4a1: {  	[tilespmem:s3], [sflag:$0x1] =	stream.indirect_vreg.gather [hbm4b:s7+s2], $0x80, v18, vm0, $0xb8;
	[tilespmem:$0x1E480] =	vst v63  }
0x4a2: {  	s26 =	simm.s32 $0x8080;
	v49 =	vperm.xlane v17, v6;
	v18 =	vadd.s32 v3, v48  }
0x4a3: {  	[tilespmem:s26], [sflag:$0x1] =	stream.indirect_vreg.gather [hbm4b:s7+s2], $0x80, v19, vm0, $0xb8;
	[tilespmem:$0x1E480] =	vst v63  }
0x4a4: {  	v50 =	vperm.xlane v17, v7;
	s3 =	simm.s32 $0x8100;
	v19 =	vadd.s32 v3, v49  }
0x4a5: {  	[tilespmem:s3], [sflag:$0x1] =	stream.indirect_vreg.gather [hbm4b:s7+s2], $0x80, v20, vm0, $0xb8;
	[tilespmem:$0x1E480] =	vst v63  }
0x4a6: {  	v52 =	vperm.xlane v17, v8;
	v51 =	vadd.s32 v3, v50;
	s26 =	simm.s32 $0x8180  }
0x4a7: {  	[tilespmem:s26], [sflag:$0x1] =	stream.indirect_vreg.gather [hbm4b:s7+s2], $0x80, v18, vm0, $0xb8;
	[tilespmem:$0x1E480] =	vst v63  }
0x4a8: {  	v53 =	vperm.xlane v17, v0;
	s3 =	simm.s32 $0x8200;
	v18 =	vadd.s32 v3, v52  }
0x4a9: {  	[tilespmem:s3], [sflag:$0x1] =	stream.indirect_vreg.gather [hbm4b:s7+s2], $0x80, v19, vm0, $0xb8;
	[tilespmem:$0x1E480] =	vst v63  }
0x4aa: {  	v54 =	vperm.xlane v17, v9;
	s26 =	simm.s32 $0x8280;
	v19 =	vadd.s32 v3, v53  }
0x4ab: {  	[tilespmem:s26], [sflag:$0x1] =	stream.indirect_vreg.gather [hbm4b:s7+s2], $0x80, v51, vm0, $0xb8;
	[tilespmem:$0x1E480] =	vst v63  }
0x4ac: {  	v56 =	vperm.xlane v17, v10;
	v55 =	vadd.s32 v3, v54;
	s3 =	simm.s32 $0x8300  }
0x4ad: {  	[tilespmem:s3], [sflag:$0x1] =	stream.indirect_vreg.gather [hbm4b:s7+s2], $0x80, v18, vm0, $0xb8;
	[tilespmem:$0x1E480] =	vst v63  }
0x4ae: {  	v57 =	vperm.xlane v17, v11;
	s26 =	simm.s32 $0x8380;
	v18 =	vadd.s32 v3, v56  }
0x4af: {  	[tilespmem:s26], [sflag:$0x1] =	stream.indirect_vreg.gather [hbm4b:s7+s2], $0x80, v19, vm0, $0xb8;
	[tilespmem:$0x1E480] =	vst v63  }
0x4b0: {  	v58 =	vperm.xlane v17, v12;
	s3 =	simm.s32 $0x8400;
	v19 =	vadd.s32 v3, v57  }
0x4b1: {  	[tilespmem:s3], [sflag:$0x1] =	stream.indirect_vreg.gather [hbm4b:s7+s2], $0x80, v55, vm0, $0xb8;
	[tilespmem:$0x1E480] =	vst v63  }
0x4b2: {  	v60 =	vperm.xlane v17, v13;
	v59 =	vadd.s32 v3, v58;
	s26 =	simm.s32 $0x8480  }
0x4b3: {  	[tilespmem:s26], [sflag:$0x1] =	stream.indirect_vreg.gather [hbm4b:s7+s2], $0x80, v18, vm0, $0xb8;
	[tilespmem:$0x1E480] =	vst v63  }
0x4b4: {  	v61 =	vperm.xlane v17, v14;
	s3 =	simm.s32 $0x8500;
	v18 =	vadd.s32 v3, v60  }
0x4b5: {  	[tilespmem:s3], [sflag:$0x1] =	stream.indirect_vreg.gather [hbm4b:s7+s2], $0x80, v19, vm0, $0xb8;
	[tilespmem:$0x1E480] =	vst v63  }
0x4b6: {  	s26 =	simm.s32 $0x8580;
	v19 =	vadd.s32 v3, v61  }
0x4b7: {  	v62 =	vperm.xlane v17, v15;
	[tilespmem:s26], [sflag:$0x1] =	stream.indirect_vreg.gather [hbm4b:s7+s2], $0x80, v59, vm0, $0xb8;
	[tilespmem:$0x1E480] =	vst v63  }
0x4b8: {  	s3 =	simm.s32 $0x8600  }
0x4b9: {  	v17 =	vperm.xlane v17, v16;
	v63 =	vadd.s32 v3, v62;
	[tilespmem:s3], [sflag:$0x1] =	stream.indirect_vreg.gather [hbm4b:s7+s2], $0x80, v18, vm0, $0xb8;
	[tilespmem:$0x1E480] =	vst v63  }
0x4ba: {  	s26 =	simm.s32 $0x8680  }
0x4bb: {  	v17 =	vadd.s32 v3, v17;
	[tilespmem:s26], [sflag:$0x1] =	stream.indirect_vreg.gather [hbm4b:s7+s2], $0x80, v19, vm0, $0xb8;
	[tilespmem:$0x1E480] =	vst v63  }
.Ltmp7:
0x4bc: {  	_ = 	snop;
	(pc) =	sbr.rel .LBB2_3-.Ltmp7, $4  }
0x4bd: {  	s3 =	simm.s32 $0x8700  }
0x4be: {  	[tilespmem:s3], [sflag:$0x1] =	stream.indirect_vreg.gather [hbm4b:s7+s2], $0x80, v63, vm0, $0xb8;
	[tilespmem:$0x1E480] =	vst v63  }
0x4bf: {  	s25 =	sadd.s32 $0x800, s25;
	s26 =	simm.s32 $0x8780  }
0x4c0: {  	[tilespmem:s26], [sflag:$0x1] =	stream.indirect_vreg.gather [hbm4b:s7+s2], $0x80, v17, vm0, $0xb8;
	[tilespmem:$0x1E480] =	vst v63  }
.LBB2_10:
0x4c1: {  	_ =	sfence.sel $0x180000  }
0x4c2: {  	[bflag:$0x0] =	sbarrier.arrive $0xFFFF  }
0x4c3: {  	_ =	strace $0x9000004A  }
0x4c4: {  	s0 =	stileid.u32;
	[bflag:$0x2] =	sbarrier.arrive $0xFFFF  }
0x4c5: {  	p0 =	sne.s32 s0, $0x0;
	s0 =	rddreg [dreg:$0x2]  }
0x4c6: {  	s0 =	sadd.s32 @!p0 $0x100000, s0  }
0x4c7: {  	[sflag:s0] =	ssyncadd.tile.s32 @!p0 $0x1;
	_ =	shalt  }
.Lfunc_end2:
_tile_overlayer_lowered:
.L_overlay_start_2:
0x4c8: {  	(tag) =	ssettag $0x2  }
0x4c9: {  	s0 =	rddreg [dreg:$0x0];
	s2 =	stileid.u32  }
0x4ca: {  	s1 =	rddreg [dreg:$0x1];
	p0 =	sne.s32 s2, $0x0  }
0x4cb: {  	s3 =	rddreg [dreg:$0x2];
	[bflag:$0x3] =	sbarrier.arrive $0xFFFF;
	s2 =	simm.s32 @!p0 $0x1C03  }
0x4cc: {  	[timem:s3], [sflag:s2] =	dma.local @!p0 [hbm:s0], s1  }
0x4cd: {  	s0 =	simm.s32 @!p0 $0x3  }
0x4ce: {  	_ =	swait.ge @!p0 [sflag:s0], s1  }
0x4cf: {  	s1 =	ssub.s32 @!p0 $0x0, s1;
	[sflag:s0] =	ssyncset.done @!p0 $0x0  }
0x4d0: {  	[sflag:s0] =	ssyncadd.s32 @!p0 s1  }
0x4d1: {  	[bflag:$0x3] =	sbarrier.arrive $0xFFFF  }
0x4d2: {  	_ =	shalt  }

</sc_bundles>
